<compile_context>
chip_gen: v7x
topology: tpu7x:2x2x1
jax: 0.10.2.dev20260603
libtpu: 0.0.44.dev20260713+nightly
codegen_flags: <defaults>
</compile_context>

<pallas_src>
import functools

import jax
import jax.numpy as jnp
from jax import lax
from jax.experimental import pallas as pl
from jax.experimental.pallas import tpu as pltpu
from jax.experimental.pallas import tpu_sc as plsc

N_NODES = 10000
N_EDGES = 320000
D = 128
N_GRAPHS = 64

NC = 2
NS = 16

EK = 200
EPT = N_EDGES // (NC * NS)
RPT = N_NODES // (NC * NS)

NRT = 624
NTAIL = N_NODES - NS * NRT


def _mesh():
    return plsc.VectorSubcoreMesh(core_axis_name="c", subcore_axis_name="s")


def _fill_rows(ref, n, value):
    w = ref.shape[1]

    def body(i, _):
        for j in range(w // 16):
            ref[i, pl.ds(j * 16, 16)] = jnp.full((16,), value, jnp.float32)
        return 0

    lax.fori_loop(0, n, body, 0)


def _chunked_copy(src_at, dst_at, buf, rows, chunk):
    full, rem = divmod(rows, chunk)
    for k in range(full):
        pltpu.sync_copy(src_at(k * chunk, chunk), buf.at[pl.ds(0, chunk)])
        pltpu.sync_copy(buf.at[pl.ds(0, chunk)], dst_at(k * chunk, chunk))
    if rem:
        pltpu.sync_copy(src_at(full * chunk, rem), buf.at[pl.ds(0, rem)])
        pltpu.sync_copy(buf.at[pl.ds(0, rem)], dst_at(full * chunk, rem))


@functools.partial(
    pl.kernel,
    mesh=_mesh(),
    out_type=[
        jax.ShapeDtypeStruct((NC, N_NODES, 16), jnp.float32),
        jax.ShapeDtypeStruct((N_GRAPHS, 16), jnp.float32),
    ],
    scratch_types=[
        pltpu.VMEM((EK, 16), jnp.float32),
        pltpu.VMEM((EK,), jnp.int32),
        pltpu.VMEM((104,), jnp.int32),
        pltpu.VMEM((16,), jnp.int32),
        pltpu.VMEM_SHARED((N_NODES, 16), jnp.float32),
        pltpu.VMEM_SHARED((N_GRAPHS, 16), jnp.float32),
    ],
)
def _deg_cnt_kernel(dst_hbm, batch_hbm, deg_out, cnt_out,
                    buf_v, idx_v, bidx_v, tidx_v, deg_sp, cnt_sp):
    c = lax.axis_index("c")
    s = lax.axis_index("s")
    r0 = s * NRT

    _fill_rows(buf_v, EK, 0.0)
    for k in range(3):
        pltpu.sync_copy(buf_v, deg_sp.at[pl.ds(r0 + k * EK, EK)])
    pltpu.sync_copy(buf_v.at[pl.ds(0, NRT - 3 * EK)],
                    deg_sp.at[pl.ds(r0 + 3 * EK, NRT - 3 * EK)])

    @pl.when(s == 0)
    def _():
        pltpu.sync_copy(buf_v.at[pl.ds(0, NTAIL)],
                        deg_sp.at[pl.ds(NS * NRT, NTAIL)])
        pltpu.sync_copy(buf_v.at[pl.ds(0, N_GRAPHS)], cnt_sp)

    _fill_rows(buf_v, EK, 1.0)
    plsc.subcore_barrier()

    base = (c * NS + s) * EPT

    def body(i, _):
        pltpu.sync_copy(dst_hbm.at[pl.ds(base + i * EK, EK)], idx_v)
        pltpu.sync_copy(buf_v, deg_sp.at[idx_v], add=True)
        return 0

    lax.fori_loop(0, EPT // EK, body, 0)

    @pl.when(c == 0)
    def _():
        def bbody(i, _):
            pltpu.sync_copy(batch_hbm.at[pl.ds(s * NRT + i * 104, 104)], bidx_v)
            pltpu.sync_copy(buf_v.at[pl.ds(0, 104)],
                            cnt_sp.at[bidx_v], add=True)
            return 0

        lax.fori_loop(0, NRT // 104, bbody, 0)

    @pl.when((c == 0) & (s == 0))
    def _():
        pltpu.sync_copy(batch_hbm.at[pl.ds(NS * NRT, NTAIL)], tidx_v)
        pltpu.sync_copy(buf_v.at[pl.ds(0, NTAIL)], cnt_sp.at[tidx_v], add=True)

    plsc.subcore_barrier()

    _chunked_copy(lambda o, n: deg_sp.at[pl.ds(r0 + o, n)],
                  lambda o, n: deg_out.at[c, pl.ds(r0 + o, n)],
                  buf_v, NRT, EK)

    @pl.when(s == 0)
    def _():
        _chunked_copy(lambda o, n: deg_sp.at[pl.ds(NS * NRT + o, n)],
                      lambda o, n: deg_out.at[c, pl.ds(NS * NRT + o, n)],
                      buf_v, NTAIL, EK)

    @pl.when((c == 0) & (s == 0))
    def _():
        _chunked_copy(lambda o, n: cnt_sp.at[pl.ds(o, n)],
                      lambda o, n: cnt_out.at[pl.ds(o, n)],
                      buf_v, N_GRAPHS, EK)


GK = 192
NGC = EPT // GK
GTAIL = EPT - NGC * GK


@functools.partial(
    pl.kernel,
    mesh=_mesh(),
    out_type=jax.ShapeDtypeStruct((NC, N_NODES, D), jnp.float32),
    scratch_types=[
        pltpu.VMEM((GK,), jnp.int32),
        pltpu.VMEM((GK,), jnp.int32),
        pltpu.VMEM((GK,), jnp.int32),
        pltpu.VMEM((GK,), jnp.int32),
        pltpu.VMEM((GTAIL,), jnp.int32),
        pltpu.VMEM((GTAIL,), jnp.int32),
        pltpu.VMEM((GK, D), jnp.float32),
        pltpu.VMEM((GK, D), jnp.float32),
        pltpu.VMEM_SHARED((N_NODES, D), jnp.float32),
        pltpu.SemaphoreType.DMA,
        pltpu.SemaphoreType.DMA,
    ],
)
def _edge_kernel(y_hbm, src_hbm, dst_hbm, acc_out,
                 sidxa, didxa, sidxb, didxb, sidxt, didxt,
                 rowsa, rowsb, acc_sp, sema, semb):
    c = lax.axis_index("c")
    s = lax.axis_index("s")
    r0 = s * NRT

    _fill_rows(rowsa, GK, 0.0)
    for k in range(3):
        pltpu.sync_copy(rowsa, acc_sp.at[pl.ds(r0 + k * GK, GK)])
    pltpu.sync_copy(rowsa.at[pl.ds(0, NRT - 3 * GK)],
                    acc_sp.at[pl.ds(r0 + 3 * GK, NRT - 3 * GK)])

    @pl.when(s == 0)
    def _():
        pltpu.sync_copy(rowsa.at[pl.ds(0, NTAIL)],
                        acc_sp.at[pl.ds(NS * NRT, NTAIL)])

    plsc.subcore_barrier()

    base = (c * NS + s) * EPT

    def load_idx(j, sb, db):
        pltpu.sync_copy(src_hbm.at[pl.ds(base + j * GK, GK)], sb)
        pltpu.sync_copy(dst_hbm.at[pl.ds(base + j * GK, GK)], db)

    load_idx(0, sidxa, didxa)
    pltpu.async_copy(y_hbm.at[sidxa], rowsa, sema)

    def pair(j, _):
        load_idx(2 * j + 1, sidxb, didxb)
        pltpu.make_async_copy(y_hbm.at[sidxa], rowsa, sema).wait()
        pltpu.async_copy(y_hbm.at[sidxb], rowsb, semb)
        pltpu.sync_copy(rowsa, acc_sp.at[didxa], add=True)

        @pl.when(j < NGC // 2 - 1)
        def _():
            load_idx(2 * j + 2, sidxa, didxa)

        pltpu.make_async_copy(y_hbm.at[sidxb], rowsb, semb).wait()

        @pl.when(j < NGC // 2 - 1)
        def _():
            pltpu.async_copy(y_hbm.at[sidxa], rowsa, sema)

        pltpu.sync_copy(rowsb, acc_sp.at[didxb], add=True)
        return 0

    lax.fori_loop(0, NGC // 2, pair, 0)

    pltpu.sync_copy(src_hbm.at[pl.ds(base + NGC * GK, GTAIL)], sidxt)
    pltpu.sync_copy(dst_hbm.at[pl.ds(base + NGC * GK, GTAIL)], didxt)
    pltpu.async_copy(y_hbm.at[sidxt], rowsa.at[pl.ds(0, GTAIL)], sema).wait()
    pltpu.sync_copy(rowsa.at[pl.ds(0, GTAIL)], acc_sp.at[didxt], add=True)

    plsc.subcore_barrier()

    _chunked_copy(lambda o, n: acc_sp.at[pl.ds(r0 + o, n)],
                  lambda o, n: acc_out.at[c, pl.ds(r0 + o, n)],
                  rowsa, NRT, GK)

    @pl.when(s == 0)
    def _():
        _chunked_copy(lambda o, n: acc_sp.at[pl.ds(NS * NRT + o, n)],
                      lambda o, n: acc_out.at[c, pl.ds(NS * NRT + o, n)],
                      rowsa, NTAIL, GK)


@functools.partial(
    pl.kernel,
    mesh=_mesh(),
    out_type=jax.ShapeDtypeStruct((NC, N_GRAPHS, D), jnp.float32),
    scratch_types=[
        pltpu.VMEM((RPT,), jnp.int32),
        pltpu.VMEM((16,), jnp.int32),
        pltpu.VMEM((RPT, D), jnp.float32),
        pltpu.VMEM_SHARED((N_GRAPHS, D), jnp.float32),
    ],
)
def _pool_kernel(h_hbm, batch_hbm, out, bidx, tidx, rows, acc_sp):
    c = lax.axis_index("c")
    s = lax.axis_index("s")

    _fill_rows(rows, N_GRAPHS, 0.0)

    @pl.when(s == 0)
    def _():
        pltpu.sync_copy(rows.at[pl.ds(0, N_GRAPHS)], acc_sp)

    plsc.subcore_barrier()

    base = (c * NS + s) * RPT
    pltpu.sync_copy(batch_hbm.at[pl.ds(base, RPT)], bidx)
    pltpu.sync_copy(h_hbm.at[pl.ds(base, RPT)], rows)
    pltpu.sync_copy(rows, acc_sp.at[bidx], add=True)

    @pl.when((c == 0) & (s == 0))
    def _():
        pltpu.sync_copy(batch_hbm.at[pl.ds(NC * NS * RPT, NTAIL)], tidx)
        pltpu.sync_copy(h_hbm.at[pl.ds(NC * NS * RPT, NTAIL)],
                        rows.at[pl.ds(0, NTAIL)])
        pltpu.sync_copy(rows.at[pl.ds(0, NTAIL)], acc_sp.at[tidx], add=True)

    plsc.subcore_barrier()

    @pl.when(s == 0)
    def _():
        pltpu.sync_copy(acc_sp, rows.at[pl.ds(0, N_GRAPHS)])
        pltpu.sync_copy(rows.at[pl.ds(0, N_GRAPHS)], out.at[c])


_RB = 1000


def _dinv_block(deg_ref):
    d = deg_ref[0, :, 0:1] + deg_ref[1, :, 0:1] + 1.0
    return lax.rsqrt(d)


def _a1_body(x_ref, w_ref, deg_ref, y_ref):
    dv = _dinv_block(deg_ref)
    y_ref[...] = dv * jnp.dot(x_ref[...], w_ref[...],
                              preferred_element_type=jnp.float32)


def _a1(x, W1, degp):
    return pl.pallas_call(
        _a1_body,
        grid=(N_NODES // _RB,),
        in_specs=[
            pl.BlockSpec((_RB, D), lambda i: (i, 0)),
            pl.BlockSpec((D, D), lambda i: (0, 0)),
            pl.BlockSpec((NC, _RB, 16), lambda i: (0, i, 0)),
        ],
        out_specs=pl.BlockSpec((_RB, D), lambda i: (i, 0)),
        out_shape=jax.ShapeDtypeStruct((N_NODES, D), jnp.float32),
    )(x, W1, degp)


def _ac_body(a0_ref, a1_ref, y_ref, deg_ref, b_ref, w_ref, o_ref):
    dv = _dinv_block(deg_ref)
    h = dv * (a0_ref[0] + a1_ref[0] + y_ref[...]) + b_ref[...]
    h = jnp.maximum(h, 0.0)
    o_ref[...] = dv * jnp.dot(h, w_ref[...], preferred_element_type=jnp.float32)


def _ac(accp, y, degp, b, W):
    return pl.pallas_call(
        _ac_body,
        grid=(N_NODES // _RB,),
        in_specs=[
            pl.BlockSpec((1, _RB, D), lambda i: (0, i, 0)),
            pl.BlockSpec((1, _RB, D), lambda i: (1, i, 0)),
            pl.BlockSpec((_RB, D), lambda i: (i, 0)),
            pl.BlockSpec((NC, _RB, 16), lambda i: (0, i, 0)),
            pl.BlockSpec((1, D), lambda i: (0, 0)),
            pl.BlockSpec((D, D), lambda i: (0, 0)),
        ],
        out_specs=pl.BlockSpec((_RB, D), lambda i: (i, 0)),
        out_shape=jax.ShapeDtypeStruct((N_NODES, D), jnp.float32),
    )(accp, accp, y, degp, b, W)


def _c4_body(a0_ref, a1_ref, y_ref, deg_ref, b_ref, o_ref):
    dv = _dinv_block(deg_ref)
    o_ref[...] = dv * (a0_ref[0] + a1_ref[0] + y_ref[...]) + b_ref[...]


def _c4(accp, y, degp, b):
    return pl.pallas_call(
        _c4_body,
        grid=(N_NODES // _RB,),
        in_specs=[
            pl.BlockSpec((1, _RB, D), lambda i: (0, i, 0)),
            pl.BlockSpec((1, _RB, D), lambda i: (1, i, 0)),
            pl.BlockSpec((_RB, D), lambda i: (i, 0)),
            pl.BlockSpec((NC, _RB, 16), lambda i: (0, i, 0)),
            pl.BlockSpec((1, D), lambda i: (0, 0)),
        ],
        out_specs=pl.BlockSpec((_RB, D), lambda i: (i, 0)),
        out_shape=jax.ShapeDtypeStruct((N_NODES, D), jnp.float32),
    )(accp, accp, y, degp, b)


def _mean_body(sums_ref, cnt_ref, o_ref):
    cnt = jnp.maximum(cnt_ref[:, 0:1], 1.0)
    o_ref[...] = (sums_ref[0] + sums_ref[1]) / cnt


def _mean(sums, cnt):
    return pl.pallas_call(
        _mean_body,
        out_shape=jax.ShapeDtypeStruct((N_GRAPHS, D), jnp.float32),
    )(sums, cnt)


def kernel(x, edge_index, batch, W1, b1, W2, b2, W3, b3):
    src = edge_index[0].astype(jnp.int32)
    dst = edge_index[1].astype(jnp.int32)
    bat = batch.astype(jnp.int32)

    degp, cnt = _deg_cnt_kernel(dst, bat)

    y1 = _a1(x, W1, degp)
    acc1 = _edge_kernel(y1, src, dst)
    y2 = _ac(acc1, y1, degp, b1.reshape(1, D), W2)
    acc2 = _edge_kernel(y2, src, dst)
    y3 = _ac(acc2, y2, degp, b2.reshape(1, D), W3)
    acc3 = _edge_kernel(y3, src, dst)
    h3 = _c4(acc3, y3, degp, b3.reshape(1, D))

    sums = _pool_kernel(h3, bat)
    return _mean(sums, cnt)

# --- scband reference (transcript-rebuilt; emitter-appended) ---
"""Pipeline reference for scband-graph-gnn-73332271612087 (READ-ONLY COPY).

The authoritative reference and input builder live on the scoring server;
editing this copy changes nothing except your own understanding.
"""

import jax, jax.numpy as jnp
import numpy as np

N_NODES = 10000
N_EDGES = 320000
D_IN = 128
D_HID = 128
D_OUT = 128
N_GRAPHS = 64


def gcn_conv(x, edge_index, W, b, num_nodes):
    # PyG-style GCNConv: linear transform, add self-loops, sym-normalize, aggregate
    x = x @ W
    src = edge_index[0]
    dst = edge_index[1]
    loop = jnp.arange(num_nodes, dtype=src.dtype)
    src_full = jnp.concatenate([src, loop])
    dst_full = jnp.concatenate([dst, loop])
    ones = jnp.ones(src_full.shape[0], dtype=x.dtype)
    deg = jax.ops.segment_sum(ones, dst_full, num_segments=num_nodes)
    dinv = jnp.where(deg > 0, 1.0 / jnp.sqrt(deg), 0.0)
    norm = dinv[src_full] * dinv[dst_full]
    msg = x[src_full] * norm[:, None]
    out = jax.ops.segment_sum(msg, dst_full, num_segments=num_nodes)
    return out + b


def global_mean_pool(x, batch, num_graphs):
    sums = jax.ops.segment_sum(x, batch, num_segments=num_graphs)
    counts = jax.ops.segment_sum(jnp.ones(x.shape[0], dtype=x.dtype), batch, num_segments=num_graphs)
    counts = jnp.maximum(counts, 1.0)
    return sums / counts[:, None]


def setup_inputs(seed: int = 0) -> dict:
    key = jax.random.key(seed)
    k1, k2, k3, k4, k5, k6 = jax.random.split(key, 6)
    x = jax.random.normal(k1, (N_NODES, D_IN), dtype=jnp.float32)
    edge_index = jax.random.randint(k2, (2, N_EDGES), 0, N_NODES, dtype=jnp.int64)
    batch = jnp.sort(jax.random.randint(k3, (N_NODES,), 0, N_GRAPHS, dtype=jnp.int64))
    s1 = 1.0 / np.sqrt(D_IN)
    s2 = 1.0 / np.sqrt(D_HID)
    W1 = jax.random.uniform(k4, (D_IN, D_HID), dtype=jnp.float32, minval=-s1, maxval=s1)
    b1 = jnp.zeros((D_HID,), dtype=jnp.float32)
    W2 = jax.random.uniform(k5, (D_HID, D_HID), dtype=jnp.float32, minval=-s2, maxval=s2)
    b2 = jnp.zeros((D_HID,), dtype=jnp.float32)
    W3 = jax.random.uniform(k6, (D_HID, D_OUT), dtype=jnp.float32, minval=-s2, maxval=s2)
    b3 = jnp.zeros((D_OUT,), dtype=jnp.float32)
    return {"x": x, "edge_index": edge_index, "batch": batch,
            "W1": W1, "b1": b1, "W2": W2, "b2": b2, "W3": W3, "b3": b3}


def reference(x, edge_index, batch, W1, b1, W2, b2, W3, b3):
    h = gcn_conv(x, edge_index, W1, b1, N_NODES)
    h = jax.nn.relu(h)
    h = gcn_conv(h, edge_index, W2, b2, N_NODES)
    h = jax.nn.relu(h)
    h = gcn_conv(h, edge_index, W3, b3, N_NODES)
    out = global_mean_pool(h, batch, N_GRAPHS)
    return out

if __name__ == "__main__":
    import jax
    _d = setup_inputs()
    print(jax.jit(kernel)(*tuple(_d.values())))

</pallas_src>

<mosaic_0001>
#map = affine_map<(d0, d1) -> (0, 0)>
#map1 = affine_map<(d0, d1) -> (0)>
#map2 = affine_map<(d0, d1) -> (0, 0, 0)>
module attributes {stable_mosaic.version = 14 : i64} {
  func.func @_edge_kernel(%arg0: i32, %arg1: i32, %arg2: memref<10000x128xf32, #tpu.memory_space<hbm>>, %arg3: memref<320000xi32, #tpu.memory_space<hbm>>, %arg4: memref<320000xi32, #tpu.memory_space<hbm>>, %arg5: memref<2x10000x128xf32, #tpu.memory_space<hbm>>, %arg6: memref<192xi32, #tpu.memory_space<vmem>>, %arg7: memref<192xi32, #tpu.memory_space<vmem>>, %arg8: memref<192xi32, #tpu.memory_space<vmem>>, %arg9: memref<192xi32, #tpu.memory_space<vmem>>, %arg10: memref<16xi32, #tpu.memory_space<vmem>>, %arg11: memref<16xi32, #tpu.memory_space<vmem>>, %arg12: memref<192x128xf32, #tpu.memory_space<vmem>>, %arg13: memref<192x128xf32, #tpu.memory_space<vmem>>, %arg14: memref<10000x128xf32, #tpu.memory_space<vmem_shared>>, %arg15: memref<!tpu.dma_semaphore, #tpu.memory_space<semaphore_mem>>, %arg16: memref<!tpu.dma_semaphore, #tpu.memory_space<semaphore_mem>>) attributes {dimension_semantics = [#tpu.dimension_semantics<core_parallel>, #tpu.dimension_semantics<subcore_parallel>], iteration_bounds = array<i64: 2, 16>, scalar_prefetch = 0 : i64, scratch_operands = 11 : i64, tpu.core_type = #tpu.core_type<sc_vector_subcore>, window_params = [{transform_indices = #map}, {transform_indices = #map1}, {transform_indices = #map1}, {transform_indices = #map2}]} {
    %mul3A = arith.constant 624 : i32
    %mul3A_0 = arith.muli %arg1, %mul3A : i32
    %scan3A = arith.constant 0 : i32
    %scan3A_1 = arith.constant 0 : i32
    %scan3A_2 = arith.constant 192 : i32
    %scan3A_3 = arith.addi %scan3A_1, %scan3A_2 : i32
    %scan3A_4 = arith.constant 1 : i32
    %scan3A_5 = scf.for %scan3A_71 = %scan3A_1 to %scan3A_3 step %scan3A_4 iter_args(%scan3A_72 = %scan3A) -> (i32)  : i32 {
      %broadcast_in_dim3A = arith.constant 0.000000e+00 : f32
      %broadcast_in_dim3A_73 = vector.broadcast %broadcast_in_dim3A : f32 to vector<16xf32>
      %swap3A = arith.index_cast %scan3A_71 : i32 to index
      %swap3A_74 = arith.constant 0 : index
      %swap3A_75 = tpu.vector_load %arg12[%swap3A, %swap3A_74] {strides = array<i32>} : memref<192x128xf32, #tpu.memory_space<vmem>>, vector<1x16xf32>,
      %swap3A_76 = vector.shape_cast %swap3A_75 : vector<1x16xf32> to vector<16xf32>
      %swap3A_77 = vector.shape_cast %broadcast_in_dim3A_73 : vector<16xf32> to vector<1x16xf32>
      tpu.vector_store %arg12[%swap3A, %swap3A_74], %swap3A_77 {strides = array<i32>} : memref<192x128xf32, #tpu.memory_space<vmem>>, vector<1x16xf32>,
      %broadcast_in_dim3A_78 = arith.constant 0.000000e+00 : f32
      %broadcast_in_dim3A_79 = vector.broadcast %broadcast_in_dim3A_78 : f32 to vector<16xf32>
      %swap3A_80 = arith.index_cast %scan3A_71 : i32 to index
      %swap3A_81 = arith.constant 16 : index
      %swap3A_82 = tpu.vector_load %arg12[%swap3A_80, %swap3A_81] {strides = array<i32>} : memref<192x128xf32, #tpu.memory_space<vmem>>, vector<1x16xf32>,
      %swap3A_83 = vector.shape_cast %swap3A_82 : vector<1x16xf32> to vector<16xf32>
      %swap3A_84 = vector.shape_cast %broadcast_in_dim3A_79 : vector<16xf32> to vector<1x16xf32>
      tpu.vector_store %arg12[%swap3A_80, %swap3A_81], %swap3A_84 {strides = array<i32>} : memref<192x128xf32, #tpu.memory_space<vmem>>, vector<1x16xf32>,
      %broadcast_in_dim3A_85 = arith.constant 0.000000e+00 : f32
      %broadcast_in_dim3A_86 = vector.broadcast %broadcast_in_dim3A_85 : f32 to vector<16xf32>
      %swap3A_87 = arith.index_cast %scan3A_71 : i32 to index
      %swap3A_88 = arith.constant 32 : index
      %swap3A_89 = tpu.vector_load %arg12[%swap3A_87, %swap3A_88] {strides = array<i32>} : memref<192x128xf32, #tpu.memory_space<vmem>>, vector<1x16xf32>,
      %swap3A_90 = vector.shape_cast %swap3A_89 : vector<1x16xf32> to vector<16xf32>
      %swap3A_91 = vector.shape_cast %broadcast_in_dim3A_86 : vector<16xf32> to vector<1x16xf32>
      tpu.vector_store %arg12[%swap3A_87, %swap3A_88], %swap3A_91 {strides = array<i32>} : memref<192x128xf32, #tpu.memory_space<vmem>>, vector<1x16xf32>,
      %broadcast_in_dim3A_92 = arith.constant 0.000000e+00 : f32
      %broadcast_in_dim3A_93 = vector.broadcast %broadcast_in_dim3A_92 : f32 to vector<16xf32>
      %swap3A_94 = arith.index_cast %scan3A_71 : i32 to index
      %swap3A_95 = arith.constant 48 : index
      %swap3A_96 = tpu.vector_load %arg12[%swap3A_94, %swap3A_95] {strides = array<i32>} : memref<192x128xf32, #tpu.memory_space<vmem>>, vector<1x16xf32>,
      %swap3A_97 = vector.shape_cast %swap3A_96 : vector<1x16xf32> to vector<16xf32>
      %swap3A_98 = vector.shape_cast %broadcast_in_dim3A_93 : vector<16xf32> to vector<1x16xf32>
      tpu.vector_store %arg12[%swap3A_94, %swap3A_95], %swap3A_98 {strides = array<i32>} : memref<192x128xf32, #tpu.memory_space<vmem>>, vector<1x16xf32>,
      %broadcast_in_dim3A_99 = arith.constant 0.000000e+00 : f32
      %broadcast_in_dim3A_100 = vector.broadcast %broadcast_in_dim3A_99 : f32 to vector<16xf32>
      %swap3A_101 = arith.index_cast %scan3A_71 : i32 to index
      %swap3A_102 = arith.constant 64 : index
      %swap3A_103 = tpu.vector_load %arg12[%swap3A_101, %swap3A_102] {strides = array<i32>} : memref<192x128xf32, #tpu.memory_space<vmem>>, vector<1x16xf32>,
      %swap3A_104 = vector.shape_cast %swap3A_103 : vector<1x16xf32> to vector<16xf32>
      %swap3A_105 = vector.shape_cast %broadcast_in_dim3A_100 : vector<16xf32> to vector<1x16xf32>
      tpu.vector_store %arg12[%swap3A_101, %swap3A_102], %swap3A_105 {strides = array<i32>} : memref<192x128xf32, #tpu.memory_space<vmem>>, vector<1x16xf32>,
      %broadcast_in_dim3A_106 = arith.constant 0.000000e+00 : f32
      %broadcast_in_dim3A_107 = vector.broadcast %broadcast_in_dim3A_106 : f32 to vector<16xf32>
      %swap3A_108 = arith.index_cast %scan3A_71 : i32 to index
      %swap3A_109 = arith.constant 80 : index
      %swap3A_110 = tpu.vector_load %arg12[%swap3A_108, %swap3A_109] {strides = array<i32>} : memref<192x128xf32, #tpu.memory_space<vmem>>, vector<1x16xf32>,
      %swap3A_111 = vector.shape_cast %swap3A_110 : vector<1x16xf32> to vector<16xf32>
      %swap3A_112 = vector.shape_cast %broadcast_in_dim3A_107 : vector<16xf32> to vector<1x16xf32>
      tpu.vector_store %arg12[%swap3A_108, %swap3A_109], %swap3A_112 {strides = array<i32>} : memref<192x128xf32, #tpu.memory_space<vmem>>, vector<1x16xf32>,
      %broadcast_in_dim3A_113 = arith.constant 0.000000e+00 : f32
      %broadcast_in_dim3A_114 = vector.broadcast %broadcast_in_dim3A_113 : f32 to vector<16xf32>
      %swap3A_115 = arith.index_cast %scan3A_71 : i32 to index
      %swap3A_116 = arith.constant 96 : index
      %swap3A_117 = tpu.vector_load %arg12[%swap3A_115, %swap3A_116] {strides = array<i32>} : memref<192x128xf32, #tpu.memory_space<vmem>>, vector<1x16xf32>,
      %swap3A_118 = vector.shape_cast %swap3A_117 : vector<1x16xf32> to vector<16xf32>
      %swap3A_119 = vector.shape_cast %broadcast_in_dim3A_114 : vector<16xf32> to vector<1x16xf32>
      tpu.vector_store %arg12[%swap3A_115, %swap3A_116], %swap3A_119 {strides = array<i32>} : memref<192x128xf32, #tpu.memory_space<vmem>>, vector<1x16xf32>,
      %broadcast_in_dim3A_120 = arith.constant 0.000000e+00 : f32
      %broadcast_in_dim3A_121 = vector.broadcast %broadcast_in_dim3A_120 : f32 to vector<16xf32>
      %swap3A_122 = arith.index_cast %scan3A_71 : i32 to index
      %swap3A_123 = arith.constant 112 : index
      %swap3A_124 = tpu.vector_load %arg12[%swap3A_122, %swap3A_123] {strides = array<i32>} : memref<192x128xf32, #tpu.memory_space<vmem>>, vector<1x16xf32>,
      %swap3A_125 = vector.shape_cast %swap3A_124 : vector<1x16xf32> to vector<16xf32>
      %swap3A_126 = vector.shape_cast %broadcast_in_dim3A_121 : vector<16xf32> to vector<1x16xf32>
      tpu.vector_store %arg12[%swap3A_122, %swap3A_123], %swap3A_126 {strides = array<i32>} : memref<192x128xf32, #tpu.memory_space<vmem>>, vector<1x16xf32>,
      %scan3A_127 = arith.constant 0 : i32
      scf.yield %scan3A_127 : i32
    }
    %scan3A_6 = arith.constant 192 : i32
    %add3A = arith.constant 0 : i32
    %add3A_7 = arith.addi %mul3A_0, %add3A : i32
    "tpu.region"() ({
      %run_scoped3A = tpu.sem_alloc : memref<!tpu.dma_semaphore, #tpu.memory_space<semaphore_mem>>
      %dma_start3A_71 = arith.constant 0 : i32
      %dma_start3A_72 = tpu.memref_slice %arg14[%add3A_7, %dma_start3A_71] : memref<10000x128xf32, #tpu.memory_space<vmem_shared>> -> memref<192x128xf32, #tpu.memory_space<vmem_shared>>
      %dma_start3A_73 = arith.constant 0 : i32
      %dma_start3A_74 = tpu.memref_slice %arg14[%add3A_7, %dma_start3A_73] : memref<10000x128xf32, #tpu.memory_space<vmem_shared>> -> memref<192x128xf32, #tpu.memory_space<vmem_shared>>
      tpu.enqueue_dma source(%arg12 : memref<192x128xf32, #tpu.memory_space<vmem>>) target(%dma_start3A_74 : memref<192x128xf32, #tpu.memory_space<vmem_shared>>) target_semaphore(%run_scoped3A : memref<!tpu.dma_semaphore, #tpu.memory_space<semaphore_mem>>)
      %dma_wait3A_75 = arith.constant 0 : i32
      %dma_wait3A_76 = tpu.memref_slice %arg14[%add3A_7, %dma_wait3A_75] : memref<10000x128xf32, #tpu.memory_space<vmem_shared>> -> memref<192x128xf32, #tpu.memory_space<vmem_shared>>
      %dma_wait3A_77 = arith.constant 0 : i32
      %dma_wait3A_78 = tpu.memref_slice %arg14[%add3A_7, %dma_wait3A_77] : memref<10000x128xf32, #tpu.memory_space<vmem_shared>> -> memref<192x128xf32, #tpu.memory_space<vmem_shared>>
      tpu.wait_dma2 semaphore(%run_scoped3A : memref<!tpu.dma_semaphore, #tpu.memory_space<semaphore_mem>>) src(%arg12 : memref<192x128xf32, #tpu.memory_space<vmem>>) dst(%dma_wait3A_78 : memref<192x128xf32, #tpu.memory_space<vmem_shared>>)
      tpu.yield
    }) : () -> ()
    %add3A_8 = arith.constant 192 : i32
    %add3A_9 = arith.addi %mul3A_0, %add3A_8 : i32
    "tpu.region"() ({
      %run_scoped3A = tpu.sem_alloc : memref<!tpu.dma_semaphore, #tpu.memory_space<semaphore_mem>>
      %dma_start3A_71 = arith.constant 0 : i32
      %dma_start3A_72 = tpu.memref_slice %arg14[%add3A_9, %dma_start3A_71] : memref<10000x128xf32, #tpu.memory_space<vmem_shared>> -> memref<192x128xf32, #tpu.memory_space<vmem_shared>>
      %dma_start3A_73 = arith.constant 0 : i32
      %dma_start3A_74 = tpu.memref_slice %arg14[%add3A_9, %dma_start3A_73] : memref<10000x128xf32, #tpu.memory_space<vmem_shared>> -> memref<192x128xf32, #tpu.memory_space<vmem_shared>>
      tpu.enqueue_dma source(%arg12 : memref<192x128xf32, #tpu.memory_space<vmem>>) target(%dma_start3A_74 : memref<192x128xf32, #tpu.memory_space<vmem_shared>>) target_semaphore(%run_scoped3A : memref<!tpu.dma_semaphore, #tpu.memory_space<semaphore_mem>>)
      %dma_wait3A_75 = arith.constant 0 : i32
      %dma_wait3A_76 = tpu.memref_slice %arg14[%add3A_9, %dma_wait3A_75] : memref<10000x128xf32, #tpu.memory_space<vmem_shared>> -> memref<192x128xf32, #tpu.memory_space<vmem_shared>>
      %dma_wait3A_77 = arith.constant 0 : i32
      %dma_wait3A_78 = tpu.memref_slice %arg14[%add3A_9, %dma_wait3A_77] : memref<10000x128xf32, #tpu.memory_space<vmem_shared>> -> memref<192x128xf32, #tpu.memory_space<vmem_shared>>
      tpu.wait_dma2 semaphore(%run_scoped3A : memref<!tpu.dma_semaphore, #tpu.memory_space<semaphore_mem>>) src(%arg12 : memref<192x128xf32, #tpu.memory_space<vmem>>) dst(%dma_wait3A_78 : memref<192x128xf32, #tpu.memory_space<vmem_shared>>)
      tpu.yield
    }) : () -> ()
    %add3A_10 = arith.constant 384 : i32
    %add3A_11 = arith.addi %mul3A_0, %add3A_10 : i32
    "tpu.region"() ({
      %run_scoped3A = tpu.sem_alloc : memref<!tpu.dma_semaphore, #tpu.memory_space<semaphore_mem>>
      %dma_start3A_71 = arith.constant 0 : i32
      %dma_start3A_72 = tpu.memref_slice %arg14[%add3A_11, %dma_start3A_71] : memref<10000x128xf32, #tpu.memory_space<vmem_shared>> -> memref<192x128xf32, #tpu.memory_space<vmem_shared>>
      %dma_start3A_73 = arith.constant 0 : i32
      %dma_start3A_74 = tpu.memref_slice %arg14[%add3A_11, %dma_start3A_73] : memref<10000x128xf32, #tpu.memory_space<vmem_shared>> -> memref<192x128xf32, #tpu.memory_space<vmem_shared>>
      tpu.enqueue_dma source(%arg12 : memref<192x128xf32, #tpu.memory_space<vmem>>) target(%dma_start3A_74 : memref<192x128xf32, #tpu.memory_space<vmem_shared>>) target_semaphore(%run_scoped3A : memref<!tpu.dma_semaphore, #tpu.memory_space<semaphore_mem>>)
      %dma_wait3A_75 = arith.constant 0 : i32
      %dma_wait3A_76 = tpu.memref_slice %arg14[%add3A_11, %dma_wait3A_75] : memref<10000x128xf32, #tpu.memory_space<vmem_shared>> -> memref<192x128xf32, #tpu.memory_space<vmem_shared>>
      %dma_wait3A_77 = arith.constant 0 : i32
      %dma_wait3A_78 = tpu.memref_slice %arg14[%add3A_11, %dma_wait3A_77] : memref<10000x128xf32, #tpu.memory_space<vmem_shared>> -> memref<192x128xf32, #tpu.memory_space<vmem_shared>>
      tpu.wait_dma2 semaphore(%run_scoped3A : memref<!tpu.dma_semaphore, #tpu.memory_space<semaphore_mem>>) src(%arg12 : memref<192x128xf32, #tpu.memory_space<vmem>>) dst(%dma_wait3A_78 : memref<192x128xf32, #tpu.memory_space<vmem_shared>>)
      tpu.yield
    }) : () -> ()
    %add3A_12 = arith.constant 576 : i32
    %add3A_13 = arith.addi %mul3A_0, %add3A_12 : i32
    "tpu.region"() ({
      %run_scoped3A = tpu.sem_alloc : memref<!tpu.dma_semaphore, #tpu.memory_space<semaphore_mem>>
      %dma_start3A_71 = arith.constant 0 : i32
      %dma_start3A_72 = arith.constant 0 : i32
      %dma_start3A_73 = tpu.memref_slice %arg12[%dma_start3A_71, %dma_start3A_72] : memref<192x128xf32, #tpu.memory_space<vmem>> -> memref<48x128xf32, #tpu.memory_space<vmem>>
      %dma_start3A_74 = arith.constant 0 : i32
      %dma_start3A_75 = tpu.memref_slice %arg14[%add3A_13, %dma_start3A_74] : memref<10000x128xf32, #tpu.memory_space<vmem_shared>> -> memref<48x128xf32, #tpu.memory_space<vmem_shared>>
      %dma_start3A_76 = arith.constant 0 : i32
      %dma_start3A_77 = tpu.memref_slice %arg14[%add3A_13, %dma_start3A_76] : memref<10000x128xf32, #tpu.memory_space<vmem_shared>> -> memref<48x128xf32, #tpu.memory_space<vmem_shared>>
      %dma_start3A_78 = arith.constant 0 : i32
      %dma_start3A_79 = arith.constant 0 : i32
      %dma_start3A_80 = tpu.memref_slice %arg12[%dma_start3A_78, %dma_start3A_79] : memref<192x128xf32, #tpu.memory_space<vmem>> -> memref<48x128xf32, #tpu.memory_space<vmem>>
      tpu.enqueue_dma source(%dma_start3A_80 : memref<48x128xf32, #tpu.memory_space<vmem>>) target(%dma_start3A_77 : memref<48x128xf32, #tpu.memory_space<vmem_shared>>) target_semaphore(%run_scoped3A : memref<!tpu.dma_semaphore, #tpu.memory_space<semaphore_mem>>)
      %dma_wait3A_81 = arith.constant 0 : i32
      %dma_wait3A_82 = arith.constant 0 : i32
      %dma_wait3A_83 = tpu.memref_slice %arg12[%dma_wait3A_81, %dma_wait3A_82] : memref<192x128xf32, #tpu.memory_space<vmem>> -> memref<48x128xf32, #tpu.memory_space<vmem>>
      %dma_wait3A_84 = arith.constant 0 : i32
      %dma_wait3A_85 = tpu.memref_slice %arg14[%add3A_13, %dma_wait3A_84] : memref<10000x128xf32, #tpu.memory_space<vmem_shared>> -> memref<48x128xf32, #tpu.memory_space<vmem_shared>>
      %dma_wait3A_86 = arith.constant 0 : i32
      %dma_wait3A_87 = tpu.memref_slice %arg14[%add3A_13, %dma_wait3A_86] : memref<10000x128xf32, #tpu.memory_space<vmem_shared>> -> memref<48x128xf32, #tpu.memory_space<vmem_shared>>
      %dma_wait3A_88 = arith.constant 0 : i32
      %dma_wait3A_89 = arith.constant 0 : i32
      %dma_wait3A_90 = tpu.memref_slice %arg12[%dma_wait3A_88, %dma_wait3A_89] : memref<192x128xf32, #tpu.memory_space<vmem>> -> memref<48x128xf32, #tpu.memory_space<vmem>>
      tpu.wait_dma2 semaphore(%run_scoped3A : memref<!tpu.dma_semaphore, #tpu.memory_space<semaphore_mem>>) src(%dma_wait3A_90 : memref<48x128xf32, #tpu.memory_space<vmem>>) dst(%dma_wait3A_87 : memref<48x128xf32, #tpu.memory_space<vmem_shared>>)
      tpu.yield
    }) : () -> ()
    %eq3A = arith.constant 0 : i32
    %eq3A_14 = arith.cmpi eq, %arg1, %eq3A : i32
    %convert_element_type3A = arith.extui %eq3A_14 : i1 to i32
    %cond3A = arith.constant 0 : i32
    %cond3A_15 = arith.cmpi ne, %convert_element_type3A, %cond3A : i32
    scf.if %cond3A_15 {
      "tpu.region"() ({
        %run_scoped3A = tpu.sem_alloc : memref<!tpu.dma_semaphore, #tpu.memory_space<semaphore_mem>>
        %dma_start3A_71 = arith.constant 0 : i32
        %dma_start3A_72 = arith.constant 0 : i32
        %dma_start3A_73 = tpu.memref_slice %arg12[%dma_start3A_71, %dma_start3A_72] : memref<192x128xf32, #tpu.memory_space<vmem>> -> memref<16x128xf32, #tpu.memory_space<vmem>>
        %dma_start3A_74 = arith.constant 9984 : i32
        %dma_start3A_75 = arith.constant 0 : i32
        %dma_start3A_76 = tpu.memref_slice %arg14[%dma_start3A_74, %dma_start3A_75] : memref<10000x128xf32, #tpu.memory_space<vmem_shared>> -> memref<16x128xf32, #tpu.memory_space<vmem_shared>>
        %dma_start3A_77 = arith.constant 9984 : i32
        %dma_start3A_78 = arith.constant 0 : i32
        %dma_start3A_79 = tpu.memref_slice %arg14[%dma_start3A_77, %dma_start3A_78] : memref<10000x128xf32, #tpu.memory_space<vmem_shared>> -> memref<16x128xf32, #tpu.memory_space<vmem_shared>>
        %dma_start3A_80 = arith.constant 0 : i32
        %dma_start3A_81 = arith.constant 0 : i32
        %dma_start3A_82 = tpu.memref_slice %arg12[%dma_start3A_80, %dma_start3A_81] : memref<192x128xf32, #tpu.memory_space<vmem>> -> memref<16x128xf32, #tpu.memory_space<vmem>>
        tpu.enqueue_dma source(%dma_start3A_82 : memref<16x128xf32, #tpu.memory_space<vmem>>) target(%dma_start3A_79 : memref<16x128xf32, #tpu.memory_space<vmem_shared>>) target_semaphore(%run_scoped3A : memref<!tpu.dma_semaphore, #tpu.memory_space<semaphore_mem>>)
        %dma_wait3A_83 = arith.constant 0 : i32
        %dma_wait3A_84 = arith.constant 0 : i32
        %dma_wait3A_85 = tpu.memref_slice %arg12[%dma_wait3A_83, %dma_wait3A_84] : memref<192x128xf32, #tpu.memory_space<vmem>> -> memref<16x128xf32, #tpu.memory_space<vmem>>
        %dma_wait3A_86 = arith.constant 9984 : i32
        %dma_wait3A_87 = arith.constant 0 : i32
        %dma_wait3A_88 = tpu.memref_slice %arg14[%dma_wait3A_86, %dma_wait3A_87] : memref<10000x128xf32, #tpu.memory_space<vmem_shared>> -> memref<16x128xf32, #tpu.memory_space<vmem_shared>>
        %dma_wait3A_89 = arith.constant 9984 : i32
        %dma_wait3A_90 = arith.constant 0 : i32
        %dma_wait3A_91 = tpu.memref_slice %arg14[%dma_wait3A_89, %dma_wait3A_90] : memref<10000x128xf32, #tpu.memory_space<vmem_shared>> -> memref<16x128xf32, #tpu.memory_space<vmem_shared>>
        %dma_wait3A_92 = arith.constant 0 : i32
        %dma_wait3A_93 = arith.constant 0 : i32
        %dma_wait3A_94 = tpu.memref_slice %arg12[%dma_wait3A_92, %dma_wait3A_93] : memref<192x128xf32, #tpu.memory_space<vmem>> -> memref<16x128xf32, #tpu.memory_space<vmem>>
        tpu.wait_dma2 semaphore(%run_scoped3A : memref<!tpu.dma_semaphore, #tpu.memory_space<semaphore_mem>>) src(%dma_wait3A_94 : memref<16x128xf32, #tpu.memory_space<vmem>>) dst(%dma_wait3A_91 : memref<16x128xf32, #tpu.memory_space<vmem_shared>>)
        tpu.yield
      }) : () -> ()
    } else {
    }
    %barrier3A = arith.constant 0 : index
    tpu.barrier barrier_id(%barrier3A)
    %mul3A_16 = arith.constant 16 : i32
    %mul3A_17 = arith.muli %arg0, %mul3A_16 : i32
    %add3A_18 = arith.addi %mul3A_17, %arg1 : i32
    %mul3A_19 = arith.constant 10000 : i32
    %mul3A_20 = arith.muli %add3A_18, %mul3A_19 : i32
    %add3A_21 = arith.constant 0 : i32
    %add3A_22 = arith.addi %mul3A_20, %add3A_21 : i32
    "tpu.region"() ({
      %run_scoped3A = tpu.sem_alloc : memref<!tpu.dma_semaphore, #tpu.memory_space<semaphore_mem>>
      %dma_start3A_71 = tpu.memref_slice %arg3[%add3A_22] : memref<320000xi32, #tpu.memory_space<hbm>> -> memref<192xi32, #tpu.memory_space<hbm>>
      %dma_start3A_72 = tpu.memref_slice %arg3[%add3A_22] : memref<320000xi32, #tpu.memory_space<hbm>> -> memref<192xi32, #tpu.memory_space<hbm>>
      tpu.enqueue_dma source(%dma_start3A_72 : memref<192xi32, #tpu.memory_space<hbm>>) target(%arg6 : memref<192xi32, #tpu.memory_space<vmem>>) target_semaphore(%run_scoped3A : memref<!tpu.dma_semaphore, #tpu.memory_space<semaphore_mem>>)
      %dma_wait3A_73 = tpu.memref_slice %arg3[%add3A_22] : memref<320000xi32, #tpu.memory_space<hbm>> -> memref<192xi32, #tpu.memory_space<hbm>>
      %dma_wait3A_74 = tpu.memref_slice %arg3[%add3A_22] : memref<320000xi32, #tpu.memory_space<hbm>> -> memref<192xi32, #tpu.memory_space<hbm>>
      tpu.wait_dma2 semaphore(%run_scoped3A : memref<!tpu.dma_semaphore, #tpu.memory_space<semaphore_mem>>) src(%dma_wait3A_74 : memref<192xi32, #tpu.memory_space<hbm>>) dst(%arg6 : memref<192xi32, #tpu.memory_space<vmem>>)
      tpu.yield
    }) : () -> ()
    %add3A_23 = arith.constant 0 : i32
    %add3A_24 = arith.addi %mul3A_20, %add3A_23 : i32
    "tpu.region"() ({
      %run_scoped3A = tpu.sem_alloc : memref<!tpu.dma_semaphore, #tpu.memory_space<semaphore_mem>>
      %dma_start3A_71 = tpu.memref_slice %arg4[%add3A_24] : memref<320000xi32, #tpu.memory_space<hbm>> -> memref<192xi32, #tpu.memory_space<hbm>>
      %dma_start3A_72 = tpu.memref_slice %arg4[%add3A_24] : memref<320000xi32, #tpu.memory_space<hbm>> -> memref<192xi32, #tpu.memory_space<hbm>>
      tpu.enqueue_dma source(%dma_start3A_72 : memref<192xi32, #tpu.memory_space<hbm>>) target(%arg7 : memref<192xi32, #tpu.memory_space<vmem>>) target_semaphore(%run_scoped3A : memref<!tpu.dma_semaphore, #tpu.memory_space<semaphore_mem>>)
      %dma_wait3A_73 = tpu.memref_slice %arg4[%add3A_24] : memref<320000xi32, #tpu.memory_space<hbm>> -> memref<192xi32, #tpu.memory_space<hbm>>
      %dma_wait3A_74 = tpu.memref_slice %arg4[%add3A_24] : memref<320000xi32, #tpu.memory_space<hbm>> -> memref<192xi32, #tpu.memory_space<hbm>>
      tpu.wait_dma2 semaphore(%run_scoped3A : memref<!tpu.dma_semaphore, #tpu.memory_space<semaphore_mem>>) src(%dma_wait3A_74 : memref<192xi32, #tpu.memory_space<hbm>>) dst(%arg7 : memref<192xi32, #tpu.memory_space<vmem>>)
      tpu.yield
    }) : () -> ()
    %dma_start3A = arith.constant 0 : i32
    %dma_start3A_25 = arith.constant 0 : i32
    %dma_start3A_26 = tpu.memref_slice %arg2[%dma_start3A, %dma_start3A_25] : memref<10000x128xf32, #tpu.memory_space<hbm>> -> memref<10000x128xf32, #tpu.memory_space<hbm>>
    tpu.enqueue_indirect_dma source(%dma_start3A_26 : memref<10000x128xf32, #tpu.memory_space<hbm>>) target(%arg12 : memref<192x128xf32, #tpu.memory_space<vmem>>) offsets(%arg6 : memref<192xi32, #tpu.memory_space<vmem>>) semaphore(%arg15 : memref<!tpu.dma_semaphore, #tpu.memory_space<semaphore_mem>>)
    %scan3A_27 = arith.constant 0 : i32
    %scan3A_28 = arith.constant 0 : i32
    %scan3A_29 = arith.constant 26 : i32
    %scan3A_30 = arith.addi %scan3A_28, %scan3A_29 : i32
    %scan3A_31 = arith.constant 1 : i32
    %scan3A_32 = scf.for %scan3A_71 = %scan3A_28 to %scan3A_30 step %scan3A_31 iter_args(%scan3A_72 = %scan3A_27) -> (i32)  : i32 {
      %mul3A_73 = arith.constant 2 : i32
      %mul3A_74 = arith.muli %mul3A_73, %scan3A_71 : i32
      %add3A_75 = arith.constant 1 : i32
      %add3A_76 = arith.addi %mul3A_74, %add3A_75 : i32
      %mul3A_77 = arith.constant 192 : i32
      %mul3A_78 = arith.muli %add3A_76, %mul3A_77 : i32
      %add3A_79 = arith.addi %mul3A_20, %mul3A_78 : i32
      "tpu.region"() ({
        %run_scoped3A = tpu.sem_alloc : memref<!tpu.dma_semaphore, #tpu.memory_space<semaphore_mem>>
        %dma_start3A_102 = tpu.memref_slice %arg3[%add3A_79] : memref<320000xi32, #tpu.memory_space<hbm>> -> memref<192xi32, #tpu.memory_space<hbm>>
        %dma_start3A_103 = tpu.memref_slice %arg3[%add3A_79] : memref<320000xi32, #tpu.memory_space<hbm>> -> memref<192xi32, #tpu.memory_space<hbm>>
        tpu.enqueue_dma source(%dma_start3A_103 : memref<192xi32, #tpu.memory_space<hbm>>) target(%arg8 : memref<192xi32, #tpu.memory_space<vmem>>) target_semaphore(%run_scoped3A : memref<!tpu.dma_semaphore, #tpu.memory_space<semaphore_mem>>)
        %dma_wait3A_104 = tpu.memref_slice %arg3[%add3A_79] : memref<320000xi32, #tpu.memory_space<hbm>> -> memref<192xi32, #tpu.memory_space<hbm>>
        %dma_wait3A_105 = tpu.memref_slice %arg3[%add3A_79] : memref<320000xi32, #tpu.memory_space<hbm>> -> memref<192xi32, #tpu.memory_space<hbm>>
        tpu.wait_dma2 semaphore(%run_scoped3A : memref<!tpu.dma_semaphore, #tpu.memory_space<semaphore_mem>>) src(%dma_wait3A_105 : memref<192xi32, #tpu.memory_space<hbm>>) dst(%arg8 : memref<192xi32, #tpu.memory_space<vmem>>)
        tpu.yield
      }) : () -> ()
      %mul3A_80 = arith.constant 192 : i32
      %mul3A_81 = arith.muli %add3A_76, %mul3A_80 : i32
      %add3A_82 = arith.addi %mul3A_20, %mul3A_81 : i32
      "tpu.region"() ({
        %run_scoped3A = tpu.sem_alloc : memref<!tpu.dma_semaphore, #tpu.memory_space<semaphore_mem>>
        %dma_start3A_102 = tpu.memref_slice %arg4[%add3A_82] : memref<320000xi32, #tpu.memory_space<hbm>> -> memref<192xi32, #tpu.memory_space<hbm>>
        %dma_start3A_103 = tpu.memref_slice %arg4[%add3A_82] : memref<320000xi32, #tpu.memory_space<hbm>> -> memref<192xi32, #tpu.memory_space<hbm>>
        tpu.enqueue_dma source(%dma_start3A_103 : memref<192xi32, #tpu.memory_space<hbm>>) target(%arg9 : memref<192xi32, #tpu.memory_space<vmem>>) target_semaphore(%run_scoped3A : memref<!tpu.dma_semaphore, #tpu.memory_space<semaphore_mem>>)
        %dma_wait3A_104 = tpu.memref_slice %arg4[%add3A_82] : memref<320000xi32, #tpu.memory_space<hbm>> -> memref<192xi32, #tpu.memory_space<hbm>>
        %dma_wait3A_105 = tpu.memref_slice %arg4[%add3A_82] : memref<320000xi32, #tpu.memory_space<hbm>> -> memref<192xi32, #tpu.memory_space<hbm>>
        tpu.wait_dma2 semaphore(%run_scoped3A : memref<!tpu.dma_semaphore, #tpu.memory_space<semaphore_mem>>) src(%dma_wait3A_105 : memref<192xi32, #tpu.memory_space<hbm>>) dst(%arg9 : memref<192xi32, #tpu.memory_space<vmem>>)
        tpu.yield
      }) : () -> ()
      %dma_wait3A_83 = arith.constant 0 : i32
      %dma_wait3A_84 = arith.constant 0 : i32
      %dma_wait3A_85 = tpu.memref_slice %arg2[%dma_wait3A_83, %dma_wait3A_84] : memref<10000x128xf32, #tpu.memory_space<hbm>> -> memref<10000x128xf32, #tpu.memory_space<hbm>>
      tpu.wait_indirect_dma semaphore(%arg15 : memref<!tpu.dma_semaphore, #tpu.memory_space<semaphore_mem>>) src(%dma_wait3A_85 : memref<10000x128xf32, #tpu.memory_space<hbm>>) dst(%arg12 : memref<192x128xf32, #tpu.memory_space<vmem>>)
      %dma_start3A_86 = arith.constant 0 : i32
      %dma_start3A_87 = arith.constant 0 : i32
      %dma_start3A_88 = tpu.memref_slice %arg2[%dma_start3A_86, %dma_start3A_87] : memref<10000x128xf32, #tpu.memory_space<hbm>> -> memref<10000x128xf32, #tpu.memory_space<hbm>>
      tpu.enqueue_indirect_dma source(%dma_start3A_88 : memref<10000x128xf32, #tpu.memory_space<hbm>>) target(%arg13 : memref<192x128xf32, #tpu.memory_space<vmem>>) offsets(%arg8 : memref<192xi32, #tpu.memory_space<vmem>>) semaphore(%arg16 : memref<!tpu.dma_semaphore, #tpu.memory_space<semaphore_mem>>)
      "tpu.region"() ({
        %run_scoped3A = tpu.sem_alloc : memref<!tpu.dma_semaphore, #tpu.memory_space<semaphore_mem>>
        %dma_start3A_102 = arith.constant 0 : i32
        %dma_start3A_103 = arith.constant 0 : i32
        %dma_start3A_104 = tpu.memref_slice %arg14[%dma_start3A_102, %dma_start3A_103] : memref<10000x128xf32, #tpu.memory_space<vmem_shared>> -> memref<10000x128xf32, #tpu.memory_space<vmem_shared>>
        tpu.enqueue_indirect_dma source(%arg12 : memref<192x128xf32, #tpu.memory_space<vmem>>) target(%dma_start3A_104 : memref<10000x128xf32, #tpu.memory_space<vmem_shared>>) offsets(%arg7 : memref<192xi32, #tpu.memory_space<vmem>>) semaphore(%run_scoped3A : memref<!tpu.dma_semaphore, #tpu.memory_space<semaphore_mem>>) {add = true}
        %dma_wait3A_105 = arith.constant 0 : i32
        %dma_wait3A_106 = arith.constant 0 : i32
        %dma_wait3A_107 = tpu.memref_slice %arg14[%dma_wait3A_105, %dma_wait3A_106] : memref<10000x128xf32, #tpu.memory_space<vmem_shared>> -> memref<10000x128xf32, #tpu.memory_space<vmem_shared>>
        tpu.wait_indirect_dma semaphore(%run_scoped3A : memref<!tpu.dma_semaphore, #tpu.memory_space<semaphore_mem>>) src(%arg12 : memref<192x128xf32, #tpu.memory_space<vmem>>) dst(%dma_wait3A_107 : memref<10000x128xf32, #tpu.memory_space<vmem_shared>>)
        tpu.yield
      }) : () -> ()
      %lt3A = arith.constant 25 : i32
      %lt3A_89 = arith.cmpi slt, %scan3A_71, %lt3A : i32
      %convert_element_type3A_90 = arith.extui %lt3A_89 : i1 to i32
      %cond3A_91 = arith.constant 0 : i32
      %cond3A_92 = arith.cmpi ne, %convert_element_type3A_90, %cond3A_91 : i32
      scf.if %cond3A_92 {
        %mul3A_102 = arith.constant 2 : i32
        %mul3A_103 = arith.muli %mul3A_102, %scan3A_71 : i32
        %add3A_104 = arith.constant 2 : i32
        %add3A_105 = arith.addi %mul3A_103, %add3A_104 : i32
        %mul3A_106 = arith.constant 192 : i32
        %mul3A_107 = arith.muli %add3A_105, %mul3A_106 : i32
        %add3A_108 = arith.addi %mul3A_20, %mul3A_107 : i32
        "tpu.region"() ({
          %run_scoped3A = tpu.sem_alloc : memref<!tpu.dma_semaphore, #tpu.memory_space<semaphore_mem>>
          %dma_start3A_112 = tpu.memref_slice %arg3[%add3A_108] : memref<320000xi32, #tpu.memory_space<hbm>> -> memref<192xi32, #tpu.memory_space<hbm>>
          %dma_start3A_113 = tpu.memref_slice %arg3[%add3A_108] : memref<320000xi32, #tpu.memory_space<hbm>> -> memref<192xi32, #tpu.memory_space<hbm>>
          tpu.enqueue_dma source(%dma_start3A_113 : memref<192xi32, #tpu.memory_space<hbm>>) target(%arg6 : memref<192xi32, #tpu.memory_space<vmem>>) target_semaphore(%run_scoped3A : memref<!tpu.dma_semaphore, #tpu.memory_space<semaphore_mem>>)
          %dma_wait3A_114 = tpu.memref_slice %arg3[%add3A_108] : memref<320000xi32, #tpu.memory_space<hbm>> -> memref<192xi32, #tpu.memory_space<hbm>>
          %dma_wait3A_115 = tpu.memref_slice %arg3[%add3A_108] : memref<320000xi32, #tpu.memory_space<hbm>> -> memref<192xi32, #tpu.memory_space<hbm>>
          tpu.wait_dma2 semaphore(%run_scoped3A : memref<!tpu.dma_semaphore, #tpu.memory_space<semaphore_mem>>) src(%dma_wait3A_115 : memref<192xi32, #tpu.memory_space<hbm>>) dst(%arg6 : memref<192xi32, #tpu.memory_space<vmem>>)
          tpu.yield
        }) : () -> ()
        %mul3A_109 = arith.constant 192 : i32
        %mul3A_110 = arith.muli %add3A_105, %mul3A_109 : i32
        %add3A_111 = arith.addi %mul3A_20, %mul3A_110 : i32
        "tpu.region"() ({
          %run_scoped3A = tpu.sem_alloc : memref<!tpu.dma_semaphore, #tpu.memory_space<semaphore_mem>>
          %dma_start3A_112 = tpu.memref_slice %arg4[%add3A_111] : memref<320000xi32, #tpu.memory_space<hbm>> -> memref<192xi32, #tpu.memory_space<hbm>>
          %dma_start3A_113 = tpu.memref_slice %arg4[%add3A_111] : memref<320000xi32, #tpu.memory_space<hbm>> -> memref<192xi32, #tpu.memory_space<hbm>>
          tpu.enqueue_dma source(%dma_start3A_113 : memref<192xi32, #tpu.memory_space<hbm>>) target(%arg7 : memref<192xi32, #tpu.memory_space<vmem>>) target_semaphore(%run_scoped3A : memref<!tpu.dma_semaphore, #tpu.memory_space<semaphore_mem>>)
          %dma_wait3A_114 = tpu.memref_slice %arg4[%add3A_111] : memref<320000xi32, #tpu.memory_space<hbm>> -> memref<192xi32, #tpu.memory_space<hbm>>
          %dma_wait3A_115 = tpu.memref_slice %arg4[%add3A_111] : memref<320000xi32, #tpu.memory_space<hbm>> -> memref<192xi32, #tpu.memory_space<hbm>>
          tpu.wait_dma2 semaphore(%run_scoped3A : memref<!tpu.dma_semaphore, #tpu.memory_space<semaphore_mem>>) src(%dma_wait3A_115 : memref<192xi32, #tpu.memory_space<hbm>>) dst(%arg7 : memref<192xi32, #tpu.memory_space<vmem>>)
          tpu.yield
        }) : () -> ()
      } else {
      }
      %dma_wait3A_93 = arith.constant 0 : i32
      %dma_wait3A_94 = arith.constant 0 : i32
      %dma_wait3A_95 = tpu.memref_slice %arg2[%dma_wait3A_93, %dma_wait3A_94] : memref<10000x128xf32, #tpu.memory_space<hbm>> -> memref<10000x128xf32, #tpu.memory_space<hbm>>
      tpu.wait_indirect_dma semaphore(%arg16 : memref<!tpu.dma_semaphore, #tpu.memory_space<semaphore_mem>>) src(%dma_wait3A_95 : memref<10000x128xf32, #tpu.memory_space<hbm>>) dst(%arg13 : memref<192x128xf32, #tpu.memory_space<vmem>>)
      %lt3A_96 = arith.constant 25 : i32
      %lt3A_97 = arith.cmpi slt, %scan3A_71, %lt3A_96 : i32
      %convert_element_type3A_98 = arith.extui %lt3A_97 : i1 to i32
      %cond3A_99 = arith.constant 0 : i32
      %cond3A_100 = arith.cmpi ne, %convert_element_type3A_98, %cond3A_99 : i32
      scf.if %cond3A_100 {
        %dma_start3A_102 = arith.constant 0 : i32
        %dma_start3A_103 = arith.constant 0 : i32
        %dma_start3A_104 = tpu.memref_slice %arg2[%dma_start3A_102, %dma_start3A_103] : memref<10000x128xf32, #tpu.memory_space<hbm>> -> memref<10000x128xf32, #tpu.memory_space<hbm>>
        tpu.enqueue_indirect_dma source(%dma_start3A_104 : memref<10000x128xf32, #tpu.memory_space<hbm>>) target(%arg12 : memref<192x128xf32, #tpu.memory_space<vmem>>) offsets(%arg6 : memref<192xi32, #tpu.memory_space<vmem>>) semaphore(%arg15 : memref<!tpu.dma_semaphore, #tpu.memory_space<semaphore_mem>>)
      } else {
      }
      "tpu.region"() ({
        %run_scoped3A = tpu.sem_alloc : memref<!tpu.dma_semaphore, #tpu.memory_space<semaphore_mem>>
        %dma_start3A_102 = arith.constant 0 : i32
        %dma_start3A_103 = arith.constant 0 : i32
        %dma_start3A_104 = tpu.memref_slice %arg14[%dma_start3A_102, %dma_start3A_103] : memref<10000x128xf32, #tpu.memory_space<vmem_shared>> -> memref<10000x128xf32, #tpu.memory_space<vmem_shared>>
        tpu.enqueue_indirect_dma source(%arg13 : memref<192x128xf32, #tpu.memory_space<vmem>>) target(%dma_start3A_104 : memref<10000x128xf32, #tpu.memory_space<vmem_shared>>) offsets(%arg9 : memref<192xi32, #tpu.memory_space<vmem>>) semaphore(%run_scoped3A : memref<!tpu.dma_semaphore, #tpu.memory_space<semaphore_mem>>) {add = true}
        %dma_wait3A_105 = arith.constant 0 : i32
        %dma_wait3A_106 = arith.constant 0 : i32
        %dma_wait3A_107 = tpu.memref_slice %arg14[%dma_wait3A_105, %dma_wait3A_106] : memref<10000x128xf32, #tpu.memory_space<vmem_shared>> -> memref<10000x128xf32, #tpu.memory_space<vmem_shared>>
        tpu.wait_indirect_dma semaphore(%run_scoped3A : memref<!tpu.dma_semaphore, #tpu.memory_space<semaphore_mem>>) src(%arg13 : memref<192x128xf32, #tpu.memory_space<vmem>>) dst(%dma_wait3A_107 : memref<10000x128xf32, #tpu.memory_space<vmem_shared>>)
        tpu.yield
      }) : () -> ()
      %scan3A_101 = arith.constant 0 : i32
      scf.yield %scan3A_101 : i32
    }
    %scan3A_33 = arith.constant 26 : i32
    %add3A_34 = arith.constant 9984 : i32
    %add3A_35 = arith.addi %mul3A_20, %add3A_34 : i32
    "tpu.region"() ({
      %run_scoped3A = tpu.sem_alloc : memref<!tpu.dma_semaphore, #tpu.memory_space<semaphore_mem>>
      %dma_start3A_71 = tpu.memref_slice %arg3[%add3A_35] : memref<320000xi32, #tpu.memory_space<hbm>> -> memref<16xi32, #tpu.memory_space<hbm>>
      %dma_start3A_72 = tpu.memref_slice %arg3[%add3A_35] : memref<320000xi32, #tpu.memory_space<hbm>> -> memref<16xi32, #tpu.memory_space<hbm>>
      tpu.enqueue_dma source(%dma_start3A_72 : memref<16xi32, #tpu.memory_space<hbm>>) target(%arg10 : memref<16xi32, #tpu.memory_space<vmem>>) target_semaphore(%run_scoped3A : memref<!tpu.dma_semaphore, #tpu.memory_space<semaphore_mem>>)
      %dma_wait3A_73 = tpu.memref_slice %arg3[%add3A_35] : memref<320000xi32, #tpu.memory_space<hbm>> -> memref<16xi32, #tpu.memory_space<hbm>>
      %dma_wait3A_74 = tpu.memref_slice %arg3[%add3A_35] : memref<320000xi32, #tpu.memory_space<hbm>> -> memref<16xi32, #tpu.memory_space<hbm>>
      tpu.wait_dma2 semaphore(%run_scoped3A : memref<!tpu.dma_semaphore, #tpu.memory_space<semaphore_mem>>) src(%dma_wait3A_74 : memref<16xi32, #tpu.memory_space<hbm>>) dst(%arg10 : memref<16xi32, #tpu.memory_space<vmem>>)
      tpu.yield
    }) : () -> ()
    %add3A_36 = arith.constant 9984 : i32
    %add3A_37 = arith.addi %mul3A_20, %add3A_36 : i32
    "tpu.region"() ({
      %run_scoped3A = tpu.sem_alloc : memref<!tpu.dma_semaphore, #tpu.memory_space<semaphore_mem>>
      %dma_start3A_71 = tpu.memref_slice %arg4[%add3A_37] : memref<320000xi32, #tpu.memory_space<hbm>> -> memref<16xi32, #tpu.memory_space<hbm>>
      %dma_start3A_72 = tpu.memref_slice %arg4[%add3A_37] : memref<320000xi32, #tpu.memory_space<hbm>> -> memref<16xi32, #tpu.memory_space<hbm>>
      tpu.enqueue_dma source(%dma_start3A_72 : memref<16xi32, #tpu.memory_space<hbm>>) target(%arg11 : memref<16xi32, #tpu.memory_space<vmem>>) target_semaphore(%run_scoped3A : memref<!tpu.dma_semaphore, #tpu.memory_space<semaphore_mem>>)
      %dma_wait3A_73 = tpu.memref_slice %arg4[%add3A_37] : memref<320000xi32, #tpu.memory_space<hbm>> -> memref<16xi32, #tpu.memory_space<hbm>>
      %dma_wait3A_74 = tpu.memref_slice %arg4[%add3A_37] : memref<320000xi32, #tpu.memory_space<hbm>> -> memref<16xi32, #tpu.memory_space<hbm>>
      tpu.wait_dma2 semaphore(%run_scoped3A : memref<!tpu.dma_semaphore, #tpu.memory_space<semaphore_mem>>) src(%dma_wait3A_74 : memref<16xi32, #tpu.memory_space<hbm>>) dst(%arg11 : memref<16xi32, #tpu.memory_space<vmem>>)
      tpu.yield
    }) : () -> ()
    %dma_start3A_38 = arith.constant 0 : i32
    %dma_start3A_39 = arith.constant 0 : i32
    %dma_start3A_40 = tpu.memref_slice %arg12[%dma_start3A_38, %dma_start3A_39] : memref<192x128xf32, #tpu.memory_space<vmem>> -> memref<16x128xf32, #tpu.memory_space<vmem>>
    %dma_start3A_41 = arith.constant 0 : i32
    %dma_start3A_42 = arith.constant 0 : i32
    %dma_start3A_43 = tpu.memref_slice %arg2[%dma_start3A_41, %dma_start3A_42] : memref<10000x128xf32, #tpu.memory_space<hbm>> -> memref<10000x128xf32, #tpu.memory_space<hbm>>
    tpu.enqueue_indirect_dma source(%dma_start3A_43 : memref<10000x128xf32, #tpu.memory_space<hbm>>) target(%dma_start3A_40 : memref<16x128xf32, #tpu.memory_space<vmem>>) offsets(%arg10 : memref<16xi32, #tpu.memory_space<vmem>>) semaphore(%arg15 : memref<!tpu.dma_semaphore, #tpu.memory_space<semaphore_mem>>)
    %dma_wait3A = arith.constant 0 : i32
    %dma_wait3A_44 = arith.constant 0 : i32
    %dma_wait3A_45 = tpu.memref_slice %arg12[%dma_wait3A, %dma_wait3A_44] : memref<192x128xf32, #tpu.memory_space<vmem>> -> memref<16x128xf32, #tpu.memory_space<vmem>>
    %dma_wait3A_46 = arith.constant 0 : i32
    %dma_wait3A_47 = arith.constant 0 : i32
    %dma_wait3A_48 = tpu.memref_slice %arg2[%dma_wait3A_46, %dma_wait3A_47] : memref<10000x128xf32, #tpu.memory_space<hbm>> -> memref<10000x128xf32, #tpu.memory_space<hbm>>
    tpu.wait_indirect_dma semaphore(%arg15 : memref<!tpu.dma_semaphore, #tpu.memory_space<semaphore_mem>>) src(%dma_wait3A_48 : memref<10000x128xf32, #tpu.memory_space<hbm>>) dst(%dma_wait3A_45 : memref<16x128xf32, #tpu.memory_space<vmem>>)
    "tpu.region"() ({
      %run_scoped3A = tpu.sem_alloc : memref<!tpu.dma_semaphore, #tpu.memory_space<semaphore_mem>>
      %dma_start3A_71 = arith.constant 0 : i32
      %dma_start3A_72 = arith.constant 0 : i32
      %dma_start3A_73 = tpu.memref_slice %arg12[%dma_start3A_71, %dma_start3A_72] : memref<192x128xf32, #tpu.memory_space<vmem>> -> memref<16x128xf32, #tpu.memory_space<vmem>>
      %dma_start3A_74 = arith.constant 0 : i32
      %dma_start3A_75 = arith.constant 0 : i32
      %dma_start3A_76 = tpu.memref_slice %arg14[%dma_start3A_74, %dma_start3A_75] : memref<10000x128xf32, #tpu.memory_space<vmem_shared>> -> memref<10000x128xf32, #tpu.memory_space<vmem_shared>>
      tpu.enqueue_indirect_dma source(%dma_start3A_73 : memref<16x128xf32, #tpu.memory_space<vmem>>) target(%dma_start3A_76 : memref<10000x128xf32, #tpu.memory_space<vmem_shared>>) offsets(%arg11 : memref<16xi32, #tpu.memory_space<vmem>>) semaphore(%run_scoped3A : memref<!tpu.dma_semaphore, #tpu.memory_space<semaphore_mem>>) {add = true}
      %dma_wait3A_77 = arith.constant 0 : i32
      %dma_wait3A_78 = arith.constant 0 : i32
      %dma_wait3A_79 = tpu.memref_slice %arg12[%dma_wait3A_77, %dma_wait3A_78] : memref<192x128xf32, #tpu.memory_space<vmem>> -> memref<16x128xf32, #tpu.memory_space<vmem>>
      %dma_wait3A_80 = arith.constant 0 : i32
      %dma_wait3A_81 = arith.constant 0 : i32
      %dma_wait3A_82 = tpu.memref_slice %arg14[%dma_wait3A_80, %dma_wait3A_81] : memref<10000x128xf32, #tpu.memory_space<vmem_shared>> -> memref<10000x128xf32, #tpu.memory_space<vmem_shared>>
      tpu.wait_indirect_dma semaphore(%run_scoped3A : memref<!tpu.dma_semaphore, #tpu.memory_space<semaphore_mem>>) src(%dma_wait3A_79 : memref<16x128xf32, #tpu.memory_space<vmem>>) dst(%dma_wait3A_82 : memref<10000x128xf32, #tpu.memory_space<vmem_shared>>)
      tpu.yield
    }) : () -> ()
    %barrier3A_49 = arith.constant 0 : index
    tpu.barrier barrier_id(%barrier3A_49)
    %add3A_50 = arith.constant 0 : i32
    %add3A_51 = arith.addi %mul3A_0, %add3A_50 : i32
    "tpu.region"() ({
      %run_scoped3A = tpu.sem_alloc : memref<!tpu.dma_semaphore, #tpu.memory_space<semaphore_mem>>
      %dma_start3A_71 = arith.constant 0 : i32
      %dma_start3A_72 = arith.constant 0 : i32
      %dma_start3A_73 = tpu.memref_slice %arg12[%dma_start3A_71, %dma_start3A_72] : memref<192x128xf32, #tpu.memory_space<vmem>> -> memref<192x128xf32, #tpu.memory_space<vmem>>
      %dma_start3A_74 = arith.constant 0 : i32
      %dma_start3A_75 = tpu.memref_slice %arg14[%add3A_51, %dma_start3A_74] : memref<10000x128xf32, #tpu.memory_space<vmem_shared>> -> memref<192x128xf32, #tpu.memory_space<vmem_shared>>
      %dma_start3A_76 = arith.constant 0 : i32
      %dma_start3A_77 = arith.constant 0 : i32
      %dma_start3A_78 = tpu.memref_slice %arg12[%dma_start3A_76, %dma_start3A_77] : memref<192x128xf32, #tpu.memory_space<vmem>> -> memref<192x128xf32, #tpu.memory_space<vmem>>
      %dma_start3A_79 = arith.constant 0 : i32
      %dma_start3A_80 = tpu.memref_slice %arg14[%add3A_51, %dma_start3A_79] : memref<10000x128xf32, #tpu.memory_space<vmem_shared>> -> memref<192x128xf32, #tpu.memory_space<vmem_shared>>
      tpu.enqueue_dma source(%dma_start3A_80 : memref<192x128xf32, #tpu.memory_space<vmem_shared>>) target(%dma_start3A_78 : memref<192x128xf32, #tpu.memory_space<vmem>>) target_semaphore(%run_scoped3A : memref<!tpu.dma_semaphore, #tpu.memory_space<semaphore_mem>>)
      %dma_wait3A_81 = arith.constant 0 : i32
      %dma_wait3A_82 = arith.constant 0 : i32
      %dma_wait3A_83 = tpu.memref_slice %arg12[%dma_wait3A_81, %dma_wait3A_82] : memref<192x128xf32, #tpu.memory_space<vmem>> -> memref<192x128xf32, #tpu.memory_space<vmem>>
      %dma_wait3A_84 = arith.constant 0 : i32
      %dma_wait3A_85 = tpu.memref_slice %arg14[%add3A_51, %dma_wait3A_84] : memref<10000x128xf32, #tpu.memory_space<vmem_shared>> -> memref<192x128xf32, #tpu.memory_space<vmem_shared>>
      %dma_wait3A_86 = arith.constant 0 : i32
      %dma_wait3A_87 = arith.constant 0 : i32
      %dma_wait3A_88 = tpu.memref_slice %arg12[%dma_wait3A_86, %dma_wait3A_87] : memref<192x128xf32, #tpu.memory_space<vmem>> -> memref<192x128xf32, #tpu.memory_space<vmem>>
      %dma_wait3A_89 = arith.constant 0 : i32
      %dma_wait3A_90 = tpu.memref_slice %arg14[%add3A_51, %dma_wait3A_89] : memref<10000x128xf32, #tpu.memory_space<vmem_shared>> -> memref<192x128xf32, #tpu.memory_space<vmem_shared>>
      tpu.wait_dma2 semaphore(%run_scoped3A : memref<!tpu.dma_semaphore, #tpu.memory_space<semaphore_mem>>) src(%dma_wait3A_90 : memref<192x128xf32, #tpu.memory_space<vmem_shared>>) dst(%dma_wait3A_88 : memref<192x128xf32, #tpu.memory_space<vmem>>)
      tpu.yield
    }) : () -> ()
    %add3A_52 = arith.constant 0 : i32
    %add3A_53 = arith.addi %mul3A_0, %add3A_52 : i32
    "tpu.region"() ({
      %run_scoped3A = tpu.sem_alloc : memref<!tpu.dma_semaphore, #tpu.memory_space<semaphore_mem>>
      %dma_start3A_71 = arith.constant 0 : i32
      %dma_start3A_72 = arith.constant 0 : i32
      %dma_start3A_73 = tpu.memref_slice %arg12[%dma_start3A_71, %dma_start3A_72] : memref<192x128xf32, #tpu.memory_space<vmem>> -> memref<192x128xf32, #tpu.memory_space<vmem>>
      %dma_start3A_74 = arith.constant 0 : i32
      %dma_start3A_75 = tpu.memref_slice %arg5[%arg0, %add3A_53, %dma_start3A_74] : memref<2x10000x128xf32, #tpu.memory_space<hbm>> -> memref<1x192x128xf32, #tpu.memory_space<hbm>>
      %dma_start3A_76 = tpu.memref_squeeze %dma_start3A_75 : memref<1x192x128xf32, #tpu.memory_space<hbm>> -> memref<192x128xf32, #tpu.memory_space<hbm>>
      %dma_start3A_77 = arith.constant 0 : i32
      %dma_start3A_78 = tpu.memref_slice %arg5[%arg0, %add3A_53, %dma_start3A_77] : memref<2x10000x128xf32, #tpu.memory_space<hbm>> -> memref<1x192x128xf32, #tpu.memory_space<hbm>>
      %dma_start3A_79 = tpu.memref_squeeze %dma_start3A_78 : memref<1x192x128xf32, #tpu.memory_space<hbm>> -> memref<192x128xf32, #tpu.memory_space<hbm>>
      %dma_start3A_80 = arith.constant 0 : i32
      %dma_start3A_81 = arith.constant 0 : i32
      %dma_start3A_82 = tpu.memref_slice %arg12[%dma_start3A_80, %dma_start3A_81] : memref<192x128xf32, #tpu.memory_space<vmem>> -> memref<192x128xf32, #tpu.memory_space<vmem>>
      tpu.enqueue_dma source(%dma_start3A_82 : memref<192x128xf32, #tpu.memory_space<vmem>>) target(%dma_start3A_79 : memref<192x128xf32, #tpu.memory_space<hbm>>) target_semaphore(%run_scoped3A : memref<!tpu.dma_semaphore, #tpu.memory_space<semaphore_mem>>)
      %dma_wait3A_83 = arith.constant 0 : i32
      %dma_wait3A_84 = arith.constant 0 : i32
      %dma_wait3A_85 = tpu.memref_slice %arg12[%dma_wait3A_83, %dma_wait3A_84] : memref<192x128xf32, #tpu.memory_space<vmem>> -> memref<192x128xf32, #tpu.memory_space<vmem>>
      %dma_wait3A_86 = arith.constant 0 : i32
      %dma_wait3A_87 = tpu.memref_slice %arg5[%arg0, %add3A_53, %dma_wait3A_86] : memref<2x10000x128xf32, #tpu.memory_space<hbm>> -> memref<1x192x128xf32, #tpu.memory_space<hbm>>
      %dma_wait3A_88 = tpu.memref_squeeze %dma_wait3A_87 : memref<1x192x128xf32, #tpu.memory_space<hbm>> -> memref<192x128xf32, #tpu.memory_space<hbm>>
      %dma_wait3A_89 = arith.constant 0 : i32
      %dma_wait3A_90 = tpu.memref_slice %arg5[%arg0, %add3A_53, %dma_wait3A_89] : memref<2x10000x128xf32, #tpu.memory_space<hbm>> -> memref<1x192x128xf32, #tpu.memory_space<hbm>>
      %dma_wait3A_91 = tpu.memref_squeeze %dma_wait3A_90 : memref<1x192x128xf32, #tpu.memory_space<hbm>> -> memref<192x128xf32, #tpu.memory_space<hbm>>
      %dma_wait3A_92 = arith.constant 0 : i32
      %dma_wait3A_93 = arith.constant 0 : i32
      %dma_wait3A_94 = tpu.memref_slice %arg12[%dma_wait3A_92, %dma_wait3A_93] : memref<192x128xf32, #tpu.memory_space<vmem>> -> memref<192x128xf32, #tpu.memory_space<vmem>>
      tpu.wait_dma2 semaphore(%run_scoped3A : memref<!tpu.dma_semaphore, #tpu.memory_space<semaphore_mem>>) src(%dma_wait3A_94 : memref<192x128xf32, #tpu.memory_space<vmem>>) dst(%dma_wait3A_91 : memref<192x128xf32, #tpu.memory_space<hbm>>)
      tpu.yield
    }) : () -> ()
    %add3A_54 = arith.constant 192 : i32
    %add3A_55 = arith.addi %mul3A_0, %add3A_54 : i32
    "tpu.region"() ({
      %run_scoped3A = tpu.sem_alloc : memref<!tpu.dma_semaphore, #tpu.memory_space<semaphore_mem>>
      %dma_start3A_71 = arith.constant 0 : i32
      %dma_start3A_72 = arith.constant 0 : i32
      %dma_start3A_73 = tpu.memref_slice %arg12[%dma_start3A_71, %dma_start3A_72] : memref<192x128xf32, #tpu.memory_space<vmem>> -> memref<192x128xf32, #tpu.memory_space<vmem>>
      %dma_start3A_74 = arith.constant 0 : i32
      %dma_start3A_75 = tpu.memref_slice %arg14[%add3A_55, %dma_start3A_74] : memref<10000x128xf32, #tpu.memory_space<vmem_shared>> -> memref<192x128xf32, #tpu.memory_space<vmem_shared>>
      %dma_start3A_76 = arith.constant 0 : i32
      %dma_start3A_77 = arith.constant 0 : i32
      %dma_start3A_78 = tpu.memref_slice %arg12[%dma_start3A_76, %dma_start3A_77] : memref<192x128xf32, #tpu.memory_space<vmem>> -> memref<192x128xf32, #tpu.memory_space<vmem>>
      %dma_start3A_79 = arith.constant 0 : i32
      %dma_start3A_80 = tpu.memref_slice %arg14[%add3A_55, %dma_start3A_79] : memref<10000x128xf32, #tpu.memory_space<vmem_shared>> -> memref<192x128xf32, #tpu.memory_space<vmem_shared>>
      tpu.enqueue_dma source(%dma_start3A_80 : memref<192x128xf32, #tpu.memory_space<vmem_shared>>) target(%dma_start3A_78 : memref<192x128xf32, #tpu.memory_space<vmem>>) target_semaphore(%run_scoped3A : memref<!tpu.dma_semaphore, #tpu.memory_space<semaphore_mem>>)
      %dma_wait3A_81 = arith.constant 0 : i32
      %dma_wait3A_82 = arith.constant 0 : i32
      %dma_wait3A_83 = tpu.memref_slice %arg12[%dma_wait3A_81, %dma_wait3A_82] : memref<192x128xf32, #tpu.memory_space<vmem>> -> memref<192x128xf32, #tpu.memory_space<vmem>>
      %dma_wait3A_84 = arith.constant 0 : i32
      %dma_wait3A_85 = tpu.memref_slice %arg14[%add3A_55, %dma_wait3A_84] : memref<10000x128xf32, #tpu.memory_space<vmem_shared>> -> memref<192x128xf32, #tpu.memory_space<vmem_shared>>
      %dma_wait3A_86 = arith.constant 0 : i32
      %dma_wait3A_87 = arith.constant 0 : i32
      %dma_wait3A_88 = tpu.memref_slice %arg12[%dma_wait3A_86, %dma_wait3A_87] : memref<192x128xf32, #tpu.memory_space<vmem>> -> memref<192x128xf32, #tpu.memory_space<vmem>>
      %dma_wait3A_89 = arith.constant 0 : i32
      %dma_wait3A_90 = tpu.memref_slice %arg14[%add3A_55, %dma_wait3A_89] : memref<10000x128xf32, #tpu.memory_space<vmem_shared>> -> memref<192x128xf32, #tpu.memory_space<vmem_shared>>
      tpu.wait_dma2 semaphore(%run_scoped3A : memref<!tpu.dma_semaphore, #tpu.memory_space<semaphore_mem>>) src(%dma_wait3A_90 : memref<192x128xf32, #tpu.memory_space<vmem_shared>>) dst(%dma_wait3A_88 : memref<192x128xf32, #tpu.memory_space<vmem>>)
      tpu.yield
    }) : () -> ()
    %add3A_56 = arith.constant 192 : i32
    %add3A_57 = arith.addi %mul3A_0, %add3A_56 : i32
    "tpu.region"() ({
      %run_scoped3A = tpu.sem_alloc : memref<!tpu.dma_semaphore, #tpu.memory_space<semaphore_mem>>
      %dma_start3A_71 = arith.constant 0 : i32
      %dma_start3A_72 = arith.constant 0 : i32
      %dma_start3A_73 = tpu.memref_slice %arg12[%dma_start3A_71, %dma_start3A_72] : memref<192x128xf32, #tpu.memory_space<vmem>> -> memref<192x128xf32, #tpu.memory_space<vmem>>
      %dma_start3A_74 = arith.constant 0 : i32
      %dma_start3A_75 = tpu.memref_slice %arg5[%arg0, %add3A_57, %dma_start3A_74] : memref<2x10000x128xf32, #tpu.memory_space<hbm>> -> memref<1x192x128xf32, #tpu.memory_space<hbm>>
      %dma_start3A_76 = tpu.memref_squeeze %dma_start3A_75 : memref<1x192x128xf32, #tpu.memory_space<hbm>> -> memref<192x128xf32, #tpu.memory_space<hbm>>
      %dma_start3A_77 = arith.constant 0 : i32
      %dma_start3A_78 = tpu.memref_slice %arg5[%arg0, %add3A_57, %dma_start3A_77] : memref<2x10000x128xf32, #tpu.memory_space<hbm>> -> memref<1x192x128xf32, #tpu.memory_space<hbm>>
      %dma_start3A_79 = tpu.memref_squeeze %dma_start3A_78 : memref<1x192x128xf32, #tpu.memory_space<hbm>> -> memref<192x128xf32, #tpu.memory_space<hbm>>
      %dma_start3A_80 = arith.constant 0 : i32
      %dma_start3A_81 = arith.constant 0 : i32
      %dma_start3A_82 = tpu.memref_slice %arg12[%dma_start3A_80, %dma_start3A_81] : memref<192x128xf32, #tpu.memory_space<vmem>> -> memref<192x128xf32, #tpu.memory_space<vmem>>
      tpu.enqueue_dma source(%dma_start3A_82 : memref<192x128xf32, #tpu.memory_space<vmem>>) target(%dma_start3A_79 : memref<192x128xf32, #tpu.memory_space<hbm>>) target_semaphore(%run_scoped3A : memref<!tpu.dma_semaphore, #tpu.memory_space<semaphore_mem>>)
      %dma_wait3A_83 = arith.constant 0 : i32
      %dma_wait3A_84 = arith.constant 0 : i32
      %dma_wait3A_85 = tpu.memref_slice %arg12[%dma_wait3A_83, %dma_wait3A_84] : memref<192x128xf32, #tpu.memory_space<vmem>> -> memref<192x128xf32, #tpu.memory_space<vmem>>
      %dma_wait3A_86 = arith.constant 0 : i32
      %dma_wait3A_87 = tpu.memref_slice %arg5[%arg0, %add3A_57, %dma_wait3A_86] : memref<2x10000x128xf32, #tpu.memory_space<hbm>> -> memref<1x192x128xf32, #tpu.memory_space<hbm>>
      %dma_wait3A_88 = tpu.memref_squeeze %dma_wait3A_87 : memref<1x192x128xf32, #tpu.memory_space<hbm>> -> memref<192x128xf32, #tpu.memory_space<hbm>>
      %dma_wait3A_89 = arith.constant 0 : i32
      %dma_wait3A_90 = tpu.memref_slice %arg5[%arg0, %add3A_57, %dma_wait3A_89] : memref<2x10000x128xf32, #tpu.memory_space<hbm>> -> memref<1x192x128xf32, #tpu.memory_space<hbm>>
      %dma_wait3A_91 = tpu.memref_squeeze %dma_wait3A_90 : memref<1x192x128xf32, #tpu.memory_space<hbm>> -> memref<192x128xf32, #tpu.memory_space<hbm>>
      %dma_wait3A_92 = arith.constant 0 : i32
      %dma_wait3A_93 = arith.constant 0 : i32
      %dma_wait3A_94 = tpu.memref_slice %arg12[%dma_wait3A_92, %dma_wait3A_93] : memref<192x128xf32, #tpu.memory_space<vmem>> -> memref<192x128xf32, #tpu.memory_space<vmem>>
      tpu.wait_dma2 semaphore(%run_scoped3A : memref<!tpu.dma_semaphore, #tpu.memory_space<semaphore_mem>>) src(%dma_wait3A_94 : memref<192x128xf32, #tpu.memory_space<vmem>>) dst(%dma_wait3A_91 : memref<192x128xf32, #tpu.memory_space<hbm>>)
      tpu.yield
    }) : () -> ()
    %add3A_58 = arith.constant 384 : i32
    %add3A_59 = arith.addi %mul3A_0, %add3A_58 : i32
    "tpu.region"() ({
      %run_scoped3A = tpu.sem_alloc : memref<!tpu.dma_semaphore, #tpu.memory_space<semaphore_mem>>
      %dma_start3A_71 = arith.constant 0 : i32
      %dma_start3A_72 = arith.constant 0 : i32
      %dma_start3A_73 = tpu.memref_slice %arg12[%dma_start3A_71, %dma_start3A_72] : memref<192x128xf32, #tpu.memory_space<vmem>> -> memref<192x128xf32, #tpu.memory_space<vmem>>
      %dma_start3A_74 = arith.constant 0 : i32
      %dma_start3A_75 = tpu.memref_slice %arg14[%add3A_59, %dma_start3A_74] : memref<10000x128xf32, #tpu.memory_space<vmem_shared>> -> memref<192x128xf32, #tpu.memory_space<vmem_shared>>
      %dma_start3A_76 = arith.constant 0 : i32
      %dma_start3A_77 = arith.constant 0 : i32
      %dma_start3A_78 = tpu.memref_slice %arg12[%dma_start3A_76, %dma_start3A_77] : memref<192x128xf32, #tpu.memory_space<vmem>> -> memref<192x128xf32, #tpu.memory_space<vmem>>
      %dma_start3A_79 = arith.constant 0 : i32
      %dma_start3A_80 = tpu.memref_slice %arg14[%add3A_59, %dma_start3A_79] : memref<10000x128xf32, #tpu.memory_space<vmem_shared>> -> memref<192x128xf32, #tpu.memory_space<vmem_shared>>
      tpu.enqueue_dma source(%dma_start3A_80 : memref<192x128xf32, #tpu.memory_space<vmem_shared>>) target(%dma_start3A_78 : memref<192x128xf32, #tpu.memory_space<vmem>>) target_semaphore(%run_scoped3A : memref<!tpu.dma_semaphore, #tpu.memory_space<semaphore_mem>>)
      %dma_wait3A_81 = arith.constant 0 : i32
      %dma_wait3A_82 = arith.constant 0 : i32
      %dma_wait3A_83 = tpu.memref_slice %arg12[%dma_wait3A_81, %dma_wait3A_82] : memref<192x128xf32, #tpu.memory_space<vmem>> -> memref<192x128xf32, #tpu.memory_space<vmem>>
      %dma_wait3A_84 = arith.constant 0 : i32
      %dma_wait3A_85 = tpu.memref_slice %arg14[%add3A_59, %dma_wait3A_84] : memref<10000x128xf32, #tpu.memory_space<vmem_shared>> -> memref<192x128xf32, #tpu.memory_space<vmem_shared>>
      %dma_wait3A_86 = arith.constant 0 : i32
      %dma_wait3A_87 = arith.constant 0 : i32
      %dma_wait3A_88 = tpu.memref_slice %arg12[%dma_wait3A_86, %dma_wait3A_87] : memref<192x128xf32, #tpu.memory_space<vmem>> -> memref<192x128xf32, #tpu.memory_space<vmem>>
      %dma_wait3A_89 = arith.constant 0 : i32
      %dma_wait3A_90 = tpu.memref_slice %arg14[%add3A_59, %dma_wait3A_89] : memref<10000x128xf32, #tpu.memory_space<vmem_shared>> -> memref<192x128xf32, #tpu.memory_space<vmem_shared>>
      tpu.wait_dma2 semaphore(%run_scoped3A : memref<!tpu.dma_semaphore, #tpu.memory_space<semaphore_mem>>) src(%dma_wait3A_90 : memref<192x128xf32, #tpu.memory_space<vmem_shared>>) dst(%dma_wait3A_88 : memref<192x128xf32, #tpu.memory_space<vmem>>)
      tpu.yield
    }) : () -> ()
    %add3A_60 = arith.constant 384 : i32
    %add3A_61 = arith.addi %mul3A_0, %add3A_60 : i32
    "tpu.region"() ({
      %run_scoped3A = tpu.sem_alloc : memref<!tpu.dma_semaphore, #tpu.memory_space<semaphore_mem>>
      %dma_start3A_71 = arith.constant 0 : i32
      %dma_start3A_72 = arith.constant 0 : i32
      %dma_start3A_73 = tpu.memref_slice %arg12[%dma_start3A_71, %dma_start3A_72] : memref<192x128xf32, #tpu.memory_space<vmem>> -> memref<192x128xf32, #tpu.memory_space<vmem>>
      %dma_start3A_74 = arith.constant 0 : i32
      %dma_start3A_75 = tpu.memref_slice %arg5[%arg0, %add3A_61, %dma_start3A_74] : memref<2x10000x128xf32, #tpu.memory_space<hbm>> -> memref<1x192x128xf32, #tpu.memory_space<hbm>>
      %dma_start3A_76 = tpu.memref_squeeze %dma_start3A_75 : memref<1x192x128xf32, #tpu.memory_space<hbm>> -> memref<192x128xf32, #tpu.memory_space<hbm>>
      %dma_start3A_77 = arith.constant 0 : i32
      %dma_start3A_78 = tpu.memref_slice %arg5[%arg0, %add3A_61, %dma_start3A_77] : memref<2x10000x128xf32, #tpu.memory_space<hbm>> -> memref<1x192x128xf32, #tpu.memory_space<hbm>>
      %dma_start3A_79 = tpu.memref_squeeze %dma_start3A_78 : memref<1x192x128xf32, #tpu.memory_space<hbm>> -> memref<192x128xf32, #tpu.memory_space<hbm>>
      %dma_start3A_80 = arith.constant 0 : i32
      %dma_start3A_81 = arith.constant 0 : i32
      %dma_start3A_82 = tpu.memref_slice %arg12[%dma_start3A_80, %dma_start3A_81] : memref<192x128xf32, #tpu.memory_space<vmem>> -> memref<192x128xf32, #tpu.memory_space<vmem>>
      tpu.enqueue_dma source(%dma_start3A_82 : memref<192x128xf32, #tpu.memory_space<vmem>>) target(%dma_start3A_79 : memref<192x128xf32, #tpu.memory_space<hbm>>) target_semaphore(%run_scoped3A : memref<!tpu.dma_semaphore, #tpu.memory_space<semaphore_mem>>)
      %dma_wait3A_83 = arith.constant 0 : i32
      %dma_wait3A_84 = arith.constant 0 : i32
      %dma_wait3A_85 = tpu.memref_slice %arg12[%dma_wait3A_83, %dma_wait3A_84] : memref<192x128xf32, #tpu.memory_space<vmem>> -> memref<192x128xf32, #tpu.memory_space<vmem>>
      %dma_wait3A_86 = arith.constant 0 : i32
      %dma_wait3A_87 = tpu.memref_slice %arg5[%arg0, %add3A_61, %dma_wait3A_86] : memref<2x10000x128xf32, #tpu.memory_space<hbm>> -> memref<1x192x128xf32, #tpu.memory_space<hbm>>
      %dma_wait3A_88 = tpu.memref_squeeze %dma_wait3A_87 : memref<1x192x128xf32, #tpu.memory_space<hbm>> -> memref<192x128xf32, #tpu.memory_space<hbm>>
      %dma_wait3A_89 = arith.constant 0 : i32
      %dma_wait3A_90 = tpu.memref_slice %arg5[%arg0, %add3A_61, %dma_wait3A_89] : memref<2x10000x128xf32, #tpu.memory_space<hbm>> -> memref<1x192x128xf32, #tpu.memory_space<hbm>>
      %dma_wait3A_91 = tpu.memref_squeeze %dma_wait3A_90 : memref<1x192x128xf32, #tpu.memory_space<hbm>> -> memref<192x128xf32, #tpu.memory_space<hbm>>
      %dma_wait3A_92 = arith.constant 0 : i32
      %dma_wait3A_93 = arith.constant 0 : i32
      %dma_wait3A_94 = tpu.memref_slice %arg12[%dma_wait3A_92, %dma_wait3A_93] : memref<192x128xf32, #tpu.memory_space<vmem>> -> memref<192x128xf32, #tpu.memory_space<vmem>>
      tpu.wait_dma2 semaphore(%run_scoped3A : memref<!tpu.dma_semaphore, #tpu.memory_space<semaphore_mem>>) src(%dma_wait3A_94 : memref<192x128xf32, #tpu.memory_space<vmem>>) dst(%dma_wait3A_91 : memref<192x128xf32, #tpu.memory_space<hbm>>)
      tpu.yield
    }) : () -> ()
    %add3A_62 = arith.constant 576 : i32
    %add3A_63 = arith.addi %mul3A_0, %add3A_62 : i32
    "tpu.region"() ({
      %run_scoped3A = tpu.sem_alloc : memref<!tpu.dma_semaphore, #tpu.memory_space<semaphore_mem>>
      %dma_start3A_71 = arith.constant 0 : i32
      %dma_start3A_72 = arith.constant 0 : i32
      %dma_start3A_73 = tpu.memref_slice %arg12[%dma_start3A_71, %dma_start3A_72] : memref<192x128xf32, #tpu.memory_space<vmem>> -> memref<48x128xf32, #tpu.memory_space<vmem>>
      %dma_start3A_74 = arith.constant 0 : i32
      %dma_start3A_75 = tpu.memref_slice %arg14[%add3A_63, %dma_start3A_74] : memref<10000x128xf32, #tpu.memory_space<vmem_shared>> -> memref<48x128xf32, #tpu.memory_space<vmem_shared>>
      %dma_start3A_76 = arith.constant 0 : i32
      %dma_start3A_77 = arith.constant 0 : i32
      %dma_start3A_78 = tpu.memref_slice %arg12[%dma_start3A_76, %dma_start3A_77] : memref<192x128xf32, #tpu.memory_space<vmem>> -> memref<48x128xf32, #tpu.memory_space<vmem>>
      %dma_start3A_79 = arith.constant 0 : i32
      %dma_start3A_80 = tpu.memref_slice %arg14[%add3A_63, %dma_start3A_79] : memref<10000x128xf32, #tpu.memory_space<vmem_shared>> -> memref<48x128xf32, #tpu.memory_space<vmem_shared>>
      tpu.enqueue_dma source(%dma_start3A_80 : memref<48x128xf32, #tpu.memory_space<vmem_shared>>) target(%dma_start3A_78 : memref<48x128xf32, #tpu.memory_space<vmem>>) target_semaphore(%run_scoped3A : memref<!tpu.dma_semaphore, #tpu.memory_space<semaphore_mem>>)
      %dma_wait3A_81 = arith.constant 0 : i32
      %dma_wait3A_82 = arith.constant 0 : i32
      %dma_wait3A_83 = tpu.memref_slice %arg12[%dma_wait3A_81, %dma_wait3A_82] : memref<192x128xf32, #tpu.memory_space<vmem>> -> memref<48x128xf32, #tpu.memory_space<vmem>>
      %dma_wait3A_84 = arith.constant 0 : i32
      %dma_wait3A_85 = tpu.memref_slice %arg14[%add3A_63, %dma_wait3A_84] : memref<10000x128xf32, #tpu.memory_space<vmem_shared>> -> memref<48x128xf32, #tpu.memory_space<vmem_shared>>
      %dma_wait3A_86 = arith.constant 0 : i32
      %dma_wait3A_87 = arith.constant 0 : i32
      %dma_wait3A_88 = tpu.memref_slice %arg12[%dma_wait3A_86, %dma_wait3A_87] : memref<192x128xf32, #tpu.memory_space<vmem>> -> memref<48x128xf32, #tpu.memory_space<vmem>>
      %dma_wait3A_89 = arith.constant 0 : i32
      %dma_wait3A_90 = tpu.memref_slice %arg14[%add3A_63, %dma_wait3A_89] : memref<10000x128xf32, #tpu.memory_space<vmem_shared>> -> memref<48x128xf32, #tpu.memory_space<vmem_shared>>
      tpu.wait_dma2 semaphore(%run_scoped3A : memref<!tpu.dma_semaphore, #tpu.memory_space<semaphore_mem>>) src(%dma_wait3A_90 : memref<48x128xf32, #tpu.memory_space<vmem_shared>>) dst(%dma_wait3A_88 : memref<48x128xf32, #tpu.memory_space<vmem>>)
      tpu.yield
    }) : () -> ()
    %add3A_64 = arith.constant 576 : i32
    %add3A_65 = arith.addi %mul3A_0, %add3A_64 : i32
    "tpu.region"() ({
      %run_scoped3A = tpu.sem_alloc : memref<!tpu.dma_semaphore, #tpu.memory_space<semaphore_mem>>
      %dma_start3A_71 = arith.constant 0 : i32
      %dma_start3A_72 = arith.constant 0 : i32
      %dma_start3A_73 = tpu.memref_slice %arg12[%dma_start3A_71, %dma_start3A_72] : memref<192x128xf32, #tpu.memory_space<vmem>> -> memref<48x128xf32, #tpu.memory_space<vmem>>
      %dma_start3A_74 = arith.constant 0 : i32
      %dma_start3A_75 = tpu.memref_slice %arg5[%arg0, %add3A_65, %dma_start3A_74] : memref<2x10000x128xf32, #tpu.memory_space<hbm>> -> memref<1x48x128xf32, #tpu.memory_space<hbm>>
      %dma_start3A_76 = tpu.memref_squeeze %dma_start3A_75 : memref<1x48x128xf32, #tpu.memory_space<hbm>> -> memref<48x128xf32, #tpu.memory_space<hbm>>
      %dma_start3A_77 = arith.constant 0 : i32
      %dma_start3A_78 = tpu.memref_slice %arg5[%arg0, %add3A_65, %dma_start3A_77] : memref<2x10000x128xf32, #tpu.memory_space<hbm>> -> memref<1x48x128xf32, #tpu.memory_space<hbm>>
      %dma_start3A_79 = tpu.memref_squeeze %dma_start3A_78 : memref<1x48x128xf32, #tpu.memory_space<hbm>> -> memref<48x128xf32, #tpu.memory_space<hbm>>
      %dma_start3A_80 = arith.constant 0 : i32
      %dma_start3A_81 = arith.constant 0 : i32
      %dma_start3A_82 = tpu.memref_slice %arg12[%dma_start3A_80, %dma_start3A_81] : memref<192x128xf32, #tpu.memory_space<vmem>> -> memref<48x128xf32, #tpu.memory_space<vmem>>
      tpu.enqueue_dma source(%dma_start3A_82 : memref<48x128xf32, #tpu.memory_space<vmem>>) target(%dma_start3A_79 : memref<48x128xf32, #tpu.memory_space<hbm>>) target_semaphore(%run_scoped3A : memref<!tpu.dma_semaphore, #tpu.memory_space<semaphore_mem>>)
      %dma_wait3A_83 = arith.constant 0 : i32
      %dma_wait3A_84 = arith.constant 0 : i32
      %dma_wait3A_85 = tpu.memref_slice %arg12[%dma_wait3A_83, %dma_wait3A_84] : memref<192x128xf32, #tpu.memory_space<vmem>> -> memref<48x128xf32, #tpu.memory_space<vmem>>
      %dma_wait3A_86 = arith.constant 0 : i32
      %dma_wait3A_87 = tpu.memref_slice %arg5[%arg0, %add3A_65, %dma_wait3A_86] : memref<2x10000x128xf32, #tpu.memory_space<hbm>> -> memref<1x48x128xf32, #tpu.memory_space<hbm>>
      %dma_wait3A_88 = tpu.memref_squeeze %dma_wait3A_87 : memref<1x48x128xf32, #tpu.memory_space<hbm>> -> memref<48x128xf32, #tpu.memory_space<hbm>>
      %dma_wait3A_89 = arith.constant 0 : i32
      %dma_wait3A_90 = tpu.memref_slice %arg5[%arg0, %add3A_65, %dma_wait3A_89] : memref<2x10000x128xf32, #tpu.memory_space<hbm>> -> memref<1x48x128xf32, #tpu.memory_space<hbm>>
      %dma_wait3A_91 = tpu.memref_squeeze %dma_wait3A_90 : memref<1x48x128xf32, #tpu.memory_space<hbm>> -> memref<48x128xf32, #tpu.memory_space<hbm>>
      %dma_wait3A_92 = arith.constant 0 : i32
      %dma_wait3A_93 = arith.constant 0 : i32
      %dma_wait3A_94 = tpu.memref_slice %arg12[%dma_wait3A_92, %dma_wait3A_93] : memref<192x128xf32, #tpu.memory_space<vmem>> -> memref<48x128xf32, #tpu.memory_space<vmem>>
      tpu.wait_dma2 semaphore(%run_scoped3A : memref<!tpu.dma_semaphore, #tpu.memory_space<semaphore_mem>>) src(%dma_wait3A_94 : memref<48x128xf32, #tpu.memory_space<vmem>>) dst(%dma_wait3A_91 : memref<48x128xf32, #tpu.memory_space<hbm>>)
      tpu.yield
    }) : () -> ()
    %eq3A_66 = arith.constant 0 : i32
    %eq3A_67 = arith.cmpi eq, %arg1, %eq3A_66 : i32
    %convert_element_type3A_68 = arith.extui %eq3A_67 : i1 to i32
    %cond3A_69 = arith.constant 0 : i32
    %cond3A_70 = arith.cmpi ne, %convert_element_type3A_68, %cond3A_69 : i32
    scf.if %cond3A_70 {
      "tpu.region"() ({
        %run_scoped3A = tpu.sem_alloc : memref<!tpu.dma_semaphore, #tpu.memory_space<semaphore_mem>>
        %dma_start3A_71 = arith.constant 0 : i32
        %dma_start3A_72 = arith.constant 0 : i32
        %dma_start3A_73 = tpu.memref_slice %arg12[%dma_start3A_71, %dma_start3A_72] : memref<192x128xf32, #tpu.memory_space<vmem>> -> memref<16x128xf32, #tpu.memory_space<vmem>>
        %dma_start3A_74 = arith.constant 9984 : i32
        %dma_start3A_75 = arith.constant 0 : i32
        %dma_start3A_76 = tpu.memref_slice %arg14[%dma_start3A_74, %dma_start3A_75] : memref<10000x128xf32, #tpu.memory_space<vmem_shared>> -> memref<16x128xf32, #tpu.memory_space<vmem_shared>>
        %dma_start3A_77 = arith.constant 0 : i32
        %dma_start3A_78 = arith.constant 0 : i32
        %dma_start3A_79 = tpu.memref_slice %arg12[%dma_start3A_77, %dma_start3A_78] : memref<192x128xf32, #tpu.memory_space<vmem>> -> memref<16x128xf32, #tpu.memory_space<vmem>>
        %dma_start3A_80 = arith.constant 9984 : i32
        %dma_start3A_81 = arith.constant 0 : i32
        %dma_start3A_82 = tpu.memref_slice %arg14[%dma_start3A_80, %dma_start3A_81] : memref<10000x128xf32, #tpu.memory_space<vmem_shared>> -> memref<16x128xf32, #tpu.memory_space<vmem_shared>>
        tpu.enqueue_dma source(%dma_start3A_82 : memref<16x128xf32, #tpu.memory_space<vmem_shared>>) target(%dma_start3A_79 : memref<16x128xf32, #tpu.memory_space<vmem>>) target_semaphore(%run_scoped3A : memref<!tpu.dma_semaphore, #tpu.memory_space<semaphore_mem>>)
        %dma_wait3A_83 = arith.constant 0 : i32
        %dma_wait3A_84 = arith.constant 0 : i32
        %dma_wait3A_85 = tpu.memref_slice %arg12[%dma_wait3A_83, %dma_wait3A_84] : memref<192x128xf32, #tpu.memory_space<vmem>> -> memref<16x128xf32, #tpu.memory_space<vmem>>
        %dma_wait3A_86 = arith.constant 9984 : i32
        %dma_wait3A_87 = arith.constant 0 : i32
        %dma_wait3A_88 = tpu.memref_slice %arg14[%dma_wait3A_86, %dma_wait3A_87] : memref<10000x128xf32, #tpu.memory_space<vmem_shared>> -> memref<16x128xf32, #tpu.memory_space<vmem_shared>>
        %dma_wait3A_89 = arith.constant 0 : i32
        %dma_wait3A_90 = arith.constant 0 : i32
        %dma_wait3A_91 = tpu.memref_slice %arg12[%dma_wait3A_89, %dma_wait3A_90] : memref<192x128xf32, #tpu.memory_space<vmem>> -> memref<16x128xf32, #tpu.memory_space<vmem>>
        %dma_wait3A_92 = arith.constant 9984 : i32
        %dma_wait3A_93 = arith.constant 0 : i32
        %dma_wait3A_94 = tpu.memref_slice %arg14[%dma_wait3A_92, %dma_wait3A_93] : memref<10000x128xf32, #tpu.memory_space<vmem_shared>> -> memref<16x128xf32, #tpu.memory_space<vmem_shared>>
        tpu.wait_dma2 semaphore(%run_scoped3A : memref<!tpu.dma_semaphore, #tpu.memory_space<semaphore_mem>>) src(%dma_wait3A_94 : memref<16x128xf32, #tpu.memory_space<vmem_shared>>) dst(%dma_wait3A_91 : memref<16x128xf32, #tpu.memory_space<vmem>>)
        tpu.yield
      }) : () -> ()
      "tpu.region"() ({
        %run_scoped3A = tpu.sem_alloc : memref<!tpu.dma_semaphore, #tpu.memory_space<semaphore_mem>>
        %dma_start3A_71 = arith.constant 0 : i32
        %dma_start3A_72 = arith.constant 0 : i32
        %dma_start3A_73 = tpu.memref_slice %arg12[%dma_start3A_71, %dma_start3A_72] : memref<192x128xf32, #tpu.memory_space<vmem>> -> memref<16x128xf32, #tpu.memory_space<vmem>>
        %dma_start3A_74 = arith.constant 9984 : i32
        %dma_start3A_75 = arith.constant 0 : i32
        %dma_start3A_76 = tpu.memref_slice %arg5[%arg0, %dma_start3A_74, %dma_start3A_75] : memref<2x10000x128xf32, #tpu.memory_space<hbm>> -> memref<1x16x128xf32, #tpu.memory_space<hbm>>
        %dma_start3A_77 = tpu.memref_squeeze %dma_start3A_76 : memref<1x16x128xf32, #tpu.memory_space<hbm>> -> memref<16x128xf32, #tpu.memory_space<hbm>>
        %dma_start3A_78 = arith.constant 9984 : i32
        %dma_start3A_79 = arith.constant 0 : i32
        %dma_start3A_80 = tpu.memref_slice %arg5[%arg0, %dma_start3A_78, %dma_start3A_79] : memref<2x10000x128xf32, #tpu.memory_space<hbm>> -> memref<1x16x128xf32, #tpu.memory_space<hbm>>
        %dma_start3A_81 = tpu.memref_squeeze %dma_start3A_80 : memref<1x16x128xf32, #tpu.memory_space<hbm>> -> memref<16x128xf32, #tpu.memory_space<hbm>>
        %dma_start3A_82 = arith.constant 0 : i32
        %dma_start3A_83 = arith.constant 0 : i32
        %dma_start3A_84 = tpu.memref_slice %arg12[%dma_start3A_82, %dma_start3A_83] : memref<192x128xf32, #tpu.memory_space<vmem>> -> memref<16x128xf32, #tpu.memory_space<vmem>>
        tpu.enqueue_dma source(%dma_start3A_84 : memref<16x128xf32, #tpu.memory_space<vmem>>) target(%dma_start3A_81 : memref<16x128xf32, #tpu.memory_space<hbm>>) target_semaphore(%run_scoped3A : memref<!tpu.dma_semaphore, #tpu.memory_space<semaphore_mem>>)
        %dma_wait3A_85 = arith.constant 0 : i32
        %dma_wait3A_86 = arith.constant 0 : i32
        %dma_wait3A_87 = tpu.memref_slice %arg12[%dma_wait3A_85, %dma_wait3A_86] : memref<192x128xf32, #tpu.memory_space<vmem>> -> memref<16x128xf32, #tpu.memory_space<vmem>>
        %dma_wait3A_88 = arith.constant 9984 : i32
        %dma_wait3A_89 = arith.constant 0 : i32
        %dma_wait3A_90 = tpu.memref_slice %arg5[%arg0, %dma_wait3A_88, %dma_wait3A_89] : memref<2x10000x128xf32, #tpu.memory_space<hbm>> -> memref<1x16x128xf32, #tpu.memory_space<hbm>>
        %dma_wait3A_91 = tpu.memref_squeeze %dma_wait3A_90 : memref<1x16x128xf32, #tpu.memory_space<hbm>> -> memref<16x128xf32, #tpu.memory_space<hbm>>
        %dma_wait3A_92 = arith.constant 9984 : i32
        %dma_wait3A_93 = arith.constant 0 : i32
        %dma_wait3A_94 = tpu.memref_slice %arg5[%arg0, %dma_wait3A_92, %dma_wait3A_93] : memref<2x10000x128xf32, #tpu.memory_space<hbm>> -> memref<1x16x128xf32, #tpu.memory_space<hbm>>
        %dma_wait3A_95 = tpu.memref_squeeze %dma_wait3A_94 : memref<1x16x128xf32, #tpu.memory_space<hbm>> -> memref<16x128xf32, #tpu.memory_space<hbm>>
        %dma_wait3A_96 = arith.constant 0 : i32
        %dma_wait3A_97 = arith.constant 0 : i32
        %dma_wait3A_98 = tpu.memref_slice %arg12[%dma_wait3A_96, %dma_wait3A_97] : memref<192x128xf32, #tpu.memory_space<vmem>> -> memref<16x128xf32, #tpu.memory_space<vmem>>
        tpu.wait_dma2 semaphore(%run_scoped3A : memref<!tpu.dma_semaphore, #tpu.memory_space<semaphore_mem>>) src(%dma_wait3A_98 : memref<16x128xf32, #tpu.memory_space<vmem>>) dst(%dma_wait3A_95 : memref<16x128xf32, #tpu.memory_space<hbm>>)
        tpu.yield
      }) : () -> ()
    } else {
    }
    return
  }
}

#map = affine_map<(d0, d1) -> (0, 0)>
#map1 = affine_map<(d0, d1) -> (0)>
#map2 = affine_map<(d0, d1) -> (0, 0, 0)>
module attributes {stable_mosaic.version = 14 : i64} {
  func.func @_edge_kernel(%arg0: i32, %arg1: i32, %arg2: memref<10000x128xf32, #tpu.memory_space<hbm>>, %arg3: memref<320000xi32, #tpu.memory_space<hbm>>, %arg4: memref<320000xi32, #tpu.memory_space<hbm>>, %arg5: memref<2x10000x128xf32, #tpu.memory_space<hbm>>, %arg6: memref<192xi32, #tpu.memory_space<vmem>>, %arg7: memref<192xi32, #tpu.memory_space<vmem>>, %arg8: memref<192xi32, #tpu.memory_space<vmem>>, %arg9: memref<192xi32, #tpu.memory_space<vmem>>, %arg10: memref<16xi32, #tpu.memory_space<vmem>>, %arg11: memref<16xi32, #tpu.memory_space<vmem>>, %arg12: memref<192x128xf32, #tpu.memory_space<vmem>>, %arg13: memref<192x128xf32, #tpu.memory_space<vmem>>, %arg14: memref<10000x128xf32, #tpu.memory_space<vmem_shared>>, %arg15: memref<!tpu.dma_semaphore, #tpu.memory_space<semaphore_mem>>, %arg16: memref<!tpu.dma_semaphore, #tpu.memory_space<semaphore_mem>>) attributes {dimension_semantics = [#tpu.dimension_semantics<core_parallel>, #tpu.dimension_semantics<subcore_parallel>], iteration_bounds = array<i64: 2, 16>, scalar_prefetch = 0 : i64, scratch_operands = 11 : i64, tpu.core_type = #tpu.core_type<sc_vector_subcore>, window_params = [{transform_indices = #map}, {transform_indices = #map1}, {transform_indices = #map1}, {transform_indices = #map2}]} {
    %mul3A = arith.constant 624 : i32
    %mul3A_0 = arith.muli %arg1, %mul3A : i32
    %scan3A = arith.constant 0 : i32
    %scan3A_1 = arith.constant 0 : i32
    %scan3A_2 = arith.constant 192 : i32
    %scan3A_3 = arith.addi %scan3A_1, %scan3A_2 : i32
    %scan3A_4 = arith.constant 1 : i32
    %scan3A_5 = scf.for %scan3A_71 = %scan3A_1 to %scan3A_3 step %scan3A_4 iter_args(%scan3A_72 = %scan3A) -> (i32)  : i32 {
      %broadcast_in_dim3A = arith.constant 0.000000e+00 : f32
      %broadcast_in_dim3A_73 = vector.broadcast %broadcast_in_dim3A : f32 to vector<16xf32>
      %swap3A = arith.index_cast %scan3A_71 : i32 to index
      %swap3A_74 = arith.constant 0 : index
      %swap3A_75 = tpu.vector_load %arg12[%swap3A, %swap3A_74] {strides = array<i32>} : memref<192x128xf32, #tpu.memory_space<vmem>>, vector<1x16xf32>,
      %swap3A_76 = vector.shape_cast %swap3A_75 : vector<1x16xf32> to vector<16xf32>
      %swap3A_77 = vector.shape_cast %broadcast_in_dim3A_73 : vector<16xf32> to vector<1x16xf32>
      tpu.vector_store %arg12[%swap3A, %swap3A_74], %swap3A_77 {strides = array<i32>} : memref<192x128xf32, #tpu.memory_space<vmem>>, vector<1x16xf32>,
      %broadcast_in_dim3A_78 = arith.constant 0.000000e+00 : f32
      %broadcast_in_dim3A_79 = vector.broadcast %broadcast_in_dim3A_78 : f32 to vector<16xf32>
      %swap3A_80 = arith.index_cast %scan3A_71 : i32 to index
      %swap3A_81 = arith.constant 16 : index
      %swap3A_82 = tpu.vector_load %arg12[%swap3A_80, %swap3A_81] {strides = array<i32>} : memref<192x128xf32, #tpu.memory_space<vmem>>, vector<1x16xf32>,
      %swap3A_83 = vector.shape_cast %swap3A_82 : vector<1x16xf32> to vector<16xf32>
      %swap3A_84 = vector.shape_cast %broadcast_in_dim3A_79 : vector<16xf32> to vector<1x16xf32>
      tpu.vector_store %arg12[%swap3A_80, %swap3A_81], %swap3A_84 {strides = array<i32>} : memref<192x128xf32, #tpu.memory_space<vmem>>, vector<1x16xf32>,
      %broadcast_in_dim3A_85 = arith.constant 0.000000e+00 : f32
      %broadcast_in_dim3A_86 = vector.broadcast %broadcast_in_dim3A_85 : f32 to vector<16xf32>
      %swap3A_87 = arith.index_cast %scan3A_71 : i32 to index
      %swap3A_88 = arith.constant 32 : index
      %swap3A_89 = tpu.vector_load %arg12[%swap3A_87, %swap3A_88] {strides = array<i32>} : memref<192x128xf32, #tpu.memory_space<vmem>>, vector<1x16xf32>,
      %swap3A_90 = vector.shape_cast %swap3A_89 : vector<1x16xf32> to vector<16xf32>
      %swap3A_91 = vector.shape_cast %broadcast_in_dim3A_86 : vector<16xf32> to vector<1x16xf32>
      tpu.vector_store %arg12[%swap3A_87, %swap3A_88], %swap3A_91 {strides = array<i32>} : memref<192x128xf32, #tpu.memory_space<vmem>>, vector<1x16xf32>,
      %broadcast_in_dim3A_92 = arith.constant 0.000000e+00 : f32
      %broadcast_in_dim3A_93 = vector.broadcast %broadcast_in_dim3A_92 : f32 to vector<16xf32>
      %swap3A_94 = arith.index_cast %scan3A_71 : i32 to index
      %swap3A_95 = arith.constant 48 : index
      %swap3A_96 = tpu.vector_load %arg12[%swap3A_94, %swap3A_95] {strides = array<i32>} : memref<192x128xf32, #tpu.memory_space<vmem>>, vector<1x16xf32>,
      %swap3A_97 = vector.shape_cast %swap3A_96 : vector<1x16xf32> to vector<16xf32>
      %swap3A_98 = vector.shape_cast %broadcast_in_dim3A_93 : vector<16xf32> to vector<1x16xf32>
      tpu.vector_store %arg12[%swap3A_94, %swap3A_95], %swap3A_98 {strides = array<i32>} : memref<192x128xf32, #tpu.memory_space<vmem>>, vector<1x16xf32>,
      %broadcast_in_dim3A_99 = arith.constant 0.000000e+00 : f32
      %broadcast_in_dim3A_100 = vector.broadcast %broadcast_in_dim3A_99 : f32 to vector<16xf32>
      %swap3A_101 = arith.index_cast %scan3A_71 : i32 to index
      %swap3A_102 = arith.constant 64 : index
      %swap3A_103 = tpu.vector_load %arg12[%swap3A_101, %swap3A_102] {strides = array<i32>} : memref<192x128xf32, #tpu.memory_space<vmem>>, vector<1x16xf32>,
      %swap3A_104 = vector.shape_cast %swap3A_103 : vector<1x16xf32> to vector<16xf32>
      %swap3A_105 = vector.shape_cast %broadcast_in_dim3A_100 : vector<16xf32> to vector<1x16xf32>
      tpu.vector_store %arg12[%swap3A_101, %swap3A_102], %swap3A_105 {strides = array<i32>} : memref<192x128xf32, #tpu.memory_space<vmem>>, vector<1x16xf32>,
      %broadcast_in_dim3A_106 = arith.constant 0.000000e+00 : f32
      %broadcast_in_dim3A_107 = vector.broadcast %broadcast_in_dim3A_106 : f32 to vector<16xf32>
      %swap3A_108 = arith.index_cast %scan3A_71 : i32 to index
      %swap3A_109 = arith.constant 80 : index
      %swap3A_110 = tpu.vector_load %arg12[%swap3A_108, %swap3A_109] {strides = array<i32>} : memref<192x128xf32, #tpu.memory_space<vmem>>, vector<1x16xf32>,
      %swap3A_111 = vector.shape_cast %swap3A_110 : vector<1x16xf32> to vector<16xf32>
      %swap3A_112 = vector.shape_cast %broadcast_in_dim3A_107 : vector<16xf32> to vector<1x16xf32>
      tpu.vector_store %arg12[%swap3A_108, %swap3A_109], %swap3A_112 {strides = array<i32>} : memref<192x128xf32, #tpu.memory_space<vmem>>, vector<1x16xf32>,
      %broadcast_in_dim3A_113 = arith.constant 0.000000e+00 : f32
      %broadcast_in_dim3A_114 = vector.broadcast %broadcast_in_dim3A_113 : f32 to vector<16xf32>
      %swap3A_115 = arith.index_cast %scan3A_71 : i32 to index
      %swap3A_116 = arith.constant 96 : index
      %swap3A_117 = tpu.vector_load %arg12[%swap3A_115, %swap3A_116] {strides = array<i32>} : memref<192x128xf32, #tpu.memory_space<vmem>>, vector<1x16xf32>,
      %swap3A_118 = vector.shape_cast %swap3A_117 : vector<1x16xf32> to vector<16xf32>
      %swap3A_119 = vector.shape_cast %broadcast_in_dim3A_114 : vector<16xf32> to vector<1x16xf32>
      tpu.vector_store %arg12[%swap3A_115, %swap3A_116], %swap3A_119 {strides = array<i32>} : memref<192x128xf32, #tpu.memory_space<vmem>>, vector<1x16xf32>,
      %broadcast_in_dim3A_120 = arith.constant 0.000000e+00 : f32
      %broadcast_in_dim3A_121 = vector.broadcast %broadcast_in_dim3A_120 : f32 to vector<16xf32>
      %swap3A_122 = arith.index_cast %scan3A_71 : i32 to index
      %swap3A_123 = arith.constant 112 : index
      %swap3A_124 = tpu.vector_load %arg12[%swap3A_122, %swap3A_123] {strides = array<i32>} : memref<192x128xf32, #tpu.memory_space<vmem>>, vector<1x16xf32>,
      %swap3A_125 = vector.shape_cast %swap3A_124 : vector<1x16xf32> to vector<16xf32>
      %swap3A_126 = vector.shape_cast %broadcast_in_dim3A_121 : vector<16xf32> to vector<1x16xf32>
      tpu.vector_store %arg12[%swap3A_122, %swap3A_123], %swap3A_126 {strides = array<i32>} : memref<192x128xf32, #tpu.memory_space<vmem>>, vector<1x16xf32>,
      %scan3A_127 = arith.constant 0 : i32
      scf.yield %scan3A_127 : i32
    }
    %scan3A_6 = arith.constant 192 : i32
    %add3A = arith.constant 0 : i32
    %add3A_7 = arith.addi %mul3A_0, %add3A : i32
    "tpu.region"() ({
      %run_scoped3A = tpu.sem_alloc : memref<!tpu.dma_semaphore, #tpu.memory_space<semaphore_mem>>
      %dma_start3A_71 = arith.constant 0 : i32
      %dma_start3A_72 = tpu.memref_slice %arg14[%add3A_7, %dma_start3A_71] : memref<10000x128xf32, #tpu.memory_space<vmem_shared>> -> memref<192x128xf32, #tpu.memory_space<vmem_shared>>
      %dma_start3A_73 = arith.constant 0 : i32
      %dma_start3A_74 = tpu.memref_slice %arg14[%add3A_7, %dma_start3A_73] : memref<10000x128xf32, #tpu.memory_space<vmem_shared>> -> memref<192x128xf32, #tpu.memory_space<vmem_shared>>
      tpu.enqueue_dma source(%arg12 : memref<192x128xf32, #tpu.memory_space<vmem>>) target(%dma_start3A_74 : memref<192x128xf32, #tpu.memory_space<vmem_shared>>) target_semaphore(%run_scoped3A : memref<!tpu.dma_semaphore, #tpu.memory_space<semaphore_mem>>)
      %dma_wait3A_75 = arith.constant 0 : i32
      %dma_wait3A_76 = tpu.memref_slice %arg14[%add3A_7, %dma_wait3A_75] : memref<10000x128xf32, #tpu.memory_space<vmem_shared>> -> memref<192x128xf32, #tpu.memory_space<vmem_shared>>
      %dma_wait3A_77 = arith.constant 0 : i32
      %dma_wait3A_78 = tpu.memref_slice %arg14[%add3A_7, %dma_wait3A_77] : memref<10000x128xf32, #tpu.memory_space<vmem_shared>> -> memref<192x128xf32, #tpu.memory_space<vmem_shared>>
      tpu.wait_dma2 semaphore(%run_scoped3A : memref<!tpu.dma_semaphore, #tpu.memory_space<semaphore_mem>>) src(%arg12 : memref<192x128xf32, #tpu.memory_space<vmem>>) dst(%dma_wait3A_78 : memref<192x128xf32, #tpu.memory_space<vmem_shared>>)
      tpu.yield
    }) : () -> ()
    %add3A_8 = arith.constant 192 : i32
    %add3A_9 = arith.addi %mul3A_0, %add3A_8 : i32
    "tpu.region"() ({
      %run_scoped3A = tpu.sem_alloc : memref<!tpu.dma_semaphore, #tpu.memory_space<semaphore_mem>>
      %dma_start3A_71 = arith.constant 0 : i32
      %dma_start3A_72 = tpu.memref_slice %arg14[%add3A_9, %dma_start3A_71] : memref<10000x128xf32, #tpu.memory_space<vmem_shared>> -> memref<192x128xf32, #tpu.memory_space<vmem_shared>>
      %dma_start3A_73 = arith.constant 0 : i32
      %dma_start3A_74 = tpu.memref_slice %arg14[%add3A_9, %dma_start3A_73] : memref<10000x128xf32, #tpu.memory_space<vmem_shared>> -> memref<192x128xf32, #tpu.memory_space<vmem_shared>>
      tpu.enqueue_dma source(%arg12 : memref<192x128xf32, #tpu.memory_space<vmem>>) target(%dma_start3A_74 : memref<192x128xf32, #tpu.memory_space<vmem_shared>>) target_semaphore(%run_scoped3A : memref<!tpu.dma_semaphore, #tpu.memory_space<semaphore_mem>>)
      %dma_wait3A_75 = arith.constant 0 : i32
      %dma_wait3A_76 = tpu.memref_slice %arg14[%add3A_9, %dma_wait3A_75] : memref<10000x128xf32, #tpu.memory_space<vmem_shared>> -> memref<192x128xf32, #tpu.memory_space<vmem_shared>>
      %dma_wait3A_77 = arith.constant 0 : i32
      %dma_wait3A_78 = tpu.memref_slice %arg14[%add3A_9, %dma_wait3A_77] : memref<10000x128xf32, #tpu.memory_space<vmem_shared>> -> memref<192x128xf32, #tpu.memory_space<vmem_shared>>
      tpu.wait_dma2 semaphore(%run_scoped3A : memref<!tpu.dma_semaphore, #tpu.memory_space<semaphore_mem>>) src(%arg12 : memref<192x128xf32, #tpu.memory_space<vmem>>) dst(%dma_wait3A_78 : memref<192x128xf32, #tpu.memory_space<vmem_shared>>)
      tpu.yield
    }) : () -> ()
    %add3A_10 = arith.constant 384 : i32
    %add3A_11 = arith.addi %mul3A_0, %add3A_10 : i32
    "tpu.region"() ({
      %run_scoped3A = tpu.sem_alloc : memref<!tpu.dma_semaphore, #tpu.memory_space<semaphore_mem>>
      %dma_start3A_71 = arith.constant 0 : i32
      %dma_start3A_72 = tpu.memref_slice %arg14[%add3A_11, %dma_start3A_71] : memref<10000x128xf32, #tpu.memory_space<vmem_shared>> -> memref<192x128xf32, #tpu.memory_space<vmem_shared>>
      %dma_start3A_73 = arith.constant 0 : i32
      %dma_start3A_74 = tpu.memref_slice %arg14[%add3A_11, %dma_start3A_73] : memref<10000x128xf32, #tpu.memory_space<vmem_shared>> -> memref<192x128xf32, #tpu.memory_space<vmem_shared>>
      tpu.enqueue_dma source(%arg12 : memref<192x128xf32, #tpu.memory_space<vmem>>) target(%dma_start3A_74 : memref<192x128xf32, #tpu.memory_space<vmem_shared>>) target_semaphore(%run_scoped3A : memref<!tpu.dma_semaphore, #tpu.memory_space<semaphore_mem>>)
      %dma_wait3A_75 = arith.constant 0 : i32
      %dma_wait3A_76 = tpu.memref_slice %arg14[%add3A_11, %dma_wait3A_75] : memref<10000x128xf32, #tpu.memory_space<vmem_shared>> -> memref<192x128xf32, #tpu.memory_space<vmem_shared>>
      %dma_wait3A_77 = arith.constant 0 : i32
      %dma_wait3A_78 = tpu.memref_slice %arg14[%add3A_11, %dma_wait3A_77] : memref<10000x128xf32, #tpu.memory_space<vmem_shared>> -> memref<192x128xf32, #tpu.memory_space<vmem_shared>>
      tpu.wait_dma2 semaphore(%run_scoped3A : memref<!tpu.dma_semaphore, #tpu.memory_space<semaphore_mem>>) src(%arg12 : memref<192x128xf32, #tpu.memory_space<vmem>>) dst(%dma_wait3A_78 : memref<192x128xf32, #tpu.memory_space<vmem_shared>>)
      tpu.yield
    }) : () -> ()
    %add3A_12 = arith.constant 576 : i32
    %add3A_13 = arith.addi %mul3A_0, %add3A_12 : i32
    "tpu.region"() ({
      %run_scoped3A = tpu.sem_alloc : memref<!tpu.dma_semaphore, #tpu.memory_space<semaphore_mem>>
      %dma_start3A_71 = arith.constant 0 : i32
      %dma_start3A_72 = arith.constant 0 : i32
      %dma_start3A_73 = tpu.memref_slice %arg12[%dma_start3A_71, %dma_start3A_72] : memref<192x128xf32, #tpu.memory_space<vmem>> -> memref<48x128xf32, #tpu.memory_space<vmem>>
      %dma_start3A_74 = arith.constant 0 : i32
      %dma_start3A_75 = tpu.memref_slice %arg14[%add3A_13, %dma_start3A_74] : memref<10000x128xf32, #tpu.memory_space<vmem_shared>> -> memref<48x128xf32, #tpu.memory_space<vmem_shared>>
      %dma_start3A_76 = arith.constant 0 : i32
      %dma_start3A_77 = tpu.memref_slice %arg14[%add3A_13, %dma_start3A_76] : memref<10000x128xf32, #tpu.memory_space<vmem_shared>> -> memref<48x128xf32, #tpu.memory_space<vmem_shared>>
      %dma_start3A_78 = arith.constant 0 : i32
      %dma_start3A_79 = arith.constant 0 : i32
      %dma_start3A_80 = tpu.memref_slice %arg12[%dma_start3A_78, %dma_start3A_79] : memref<192x128xf32, #tpu.memory_space<vmem>> -> memref<48x128xf32, #tpu.memory_space<vmem>>
      tpu.enqueue_dma source(%dma_start3A_80 : memref<48x128xf32, #tpu.memory_space<vmem>>) target(%dma_start3A_77 : memref<48x128xf32, #tpu.memory_space<vmem_shared>>) target_semaphore(%run_scoped3A : memref<!tpu.dma_semaphore, #tpu.memory_space<semaphore_mem>>)
      %dma_wait3A_81 = arith.constant 0 : i32
      %dma_wait3A_82 = arith.constant 0 : i32
      %dma_wait3A_83 = tpu.memref_slice %arg12[%dma_wait3A_81, %dma_wait3A_82] : memref<192x128xf32, #tpu.memory_space<vmem>> -> memref<48x128xf32, #tpu.memory_space<vmem>>
      %dma_wait3A_84 = arith.constant 0 : i32
      %dma_wait3A_85 = tpu.memref_slice %arg14[%add3A_13, %dma_wait3A_84] : memref<10000x128xf32, #tpu.memory_space<vmem_shared>> -> memref<48x128xf32, #tpu.memory_space<vmem_shared>>
      %dma_wait3A_86 = arith.constant 0 : i32
      %dma_wait3A_87 = tpu.memref_slice %arg14[%add3A_13, %dma_wait3A_86] : memref<10000x128xf32, #tpu.memory_space<vmem_shared>> -> memref<48x128xf32, #tpu.memory_space<vmem_shared>>
      %dma_wait3A_88 = arith.constant 0 : i32
      %dma_wait3A_89 = arith.constant 0 : i32
      %dma_wait3A_90 = tpu.memref_slice %arg12[%dma_wait3A_88, %dma_wait3A_89] : memref<192x128xf32, #tpu.memory_space<vmem>> -> memref<48x128xf32, #tpu.memory_space<vmem>>
      tpu.wait_dma2 semaphore(%run_scoped3A : memref<!tpu.dma_semaphore, #tpu.memory_space<semaphore_mem>>) src(%dma_wait3A_90 : memref<48x128xf32, #tpu.memory_space<vmem>>) dst(%dma_wait3A_87 : memref<48x128xf32, #tpu.memory_space<vmem_shared>>)
      tpu.yield
    }) : () -> ()
    %eq3A = arith.constant 0 : i32
    %eq3A_14 = arith.cmpi eq, %arg1, %eq3A : i32
    %convert_element_type3A = arith.extui %eq3A_14 : i1 to i32
    %cond3A = arith.constant 0 : i32
    %cond3A_15 = arith.cmpi ne, %convert_element_type3A, %cond3A : i32
    scf.if %cond3A_15 {
      "tpu.region"() ({
        %run_scoped3A = tpu.sem_alloc : memref<!tpu.dma_semaphore, #tpu.memory_space<semaphore_mem>>
        %dma_start3A_71 = arith.constant 0 : i32
        %dma_start3A_72 = arith.constant 0 : i32
        %dma_start3A_73 = tpu.memref_slice %arg12[%dma_start3A_71, %dma_start3A_72] : memref<192x128xf32, #tpu.memory_space<vmem>> -> memref<16x128xf32, #tpu.memory_space<vmem>>
        %dma_start3A_74 = arith.constant 9984 : i32
        %dma_start3A_75 = arith.constant 0 : i32
        %dma_start3A_76 = tpu.memref_slice %arg14[%dma_start3A_74, %dma_start3A_75] : memref<10000x128xf32, #tpu.memory_space<vmem_shared>> -> memref<16x128xf32, #tpu.memory_space<vmem_shared>>
        %dma_start3A_77 = arith.constant 9984 : i32
        %dma_start3A_78 = arith.constant 0 : i32
        %dma_start3A_79 = tpu.memref_slice %arg14[%dma_start3A_77, %dma_start3A_78] : memref<10000x128xf32, #tpu.memory_space<vmem_shared>> -> memref<16x128xf32, #tpu.memory_space<vmem_shared>>
        %dma_start3A_80 = arith.constant 0 : i32
        %dma_start3A_81 = arith.constant 0 : i32
        %dma_start3A_82 = tpu.memref_slice %arg12[%dma_start3A_80, %dma_start3A_81] : memref<192x128xf32, #tpu.memory_space<vmem>> -> memref<16x128xf32, #tpu.memory_space<vmem>>
        tpu.enqueue_dma source(%dma_start3A_82 : memref<16x128xf32, #tpu.memory_space<vmem>>) target(%dma_start3A_79 : memref<16x128xf32, #tpu.memory_space<vmem_shared>>) target_semaphore(%run_scoped3A : memref<!tpu.dma_semaphore, #tpu.memory_space<semaphore_mem>>)
        %dma_wait3A_83 = arith.constant 0 : i32
        %dma_wait3A_84 = arith.constant 0 : i32
        %dma_wait3A_85 = tpu.memref_slice %arg12[%dma_wait3A_83, %dma_wait3A_84] : memref<192x128xf32, #tpu.memory_space<vmem>> -> memref<16x128xf32, #tpu.memory_space<vmem>>
        %dma_wait3A_86 = arith.constant 9984 : i32
        %dma_wait3A_87 = arith.constant 0 : i32
        %dma_wait3A_88 = tpu.memref_slice %arg14[%dma_wait3A_86, %dma_wait3A_87] : memref<10000x128xf32, #tpu.memory_space<vmem_shared>> -> memref<16x128xf32, #tpu.memory_space<vmem_shared>>
        %dma_wait3A_89 = arith.constant 9984 : i32
        %dma_wait3A_90 = arith.constant 0 : i32
        %dma_wait3A_91 = tpu.memref_slice %arg14[%dma_wait3A_89, %dma_wait3A_90] : memref<10000x128xf32, #tpu.memory_space<vmem_shared>> -> memref<16x128xf32, #tpu.memory_space<vmem_shared>>
        %dma_wait3A_92 = arith.constant 0 : i32
        %dma_wait3A_93 = arith.constant 0 : i32
        %dma_wait3A_94 = tpu.memref_slice %arg12[%dma_wait3A_92, %dma_wait3A_93] : memref<192x128xf32, #tpu.memory_space<vmem>> -> memref<16x128xf32, #tpu.memory_space<vmem>>
        tpu.wait_dma2 semaphore(%run_scoped3A : memref<!tpu.dma_semaphore, #tpu.memory_space<semaphore_mem>>) src(%dma_wait3A_94 : memref<16x128xf32, #tpu.memory_space<vmem>>) dst(%dma_wait3A_91 : memref<16x128xf32, #tpu.memory_space<vmem_shared>>)
        tpu.yield
      }) : () -> ()
    } else {
    }
    %barrier3A = arith.constant 0 : index
    tpu.barrier barrier_id(%barrier3A)
    %mul3A_16 = arith.constant 16 : i32
    %mul3A_17 = arith.muli %arg0, %mul3A_16 : i32
    %add3A_18 = arith.addi %mul3A_17, %arg1 : i32
    %mul3A_19 = arith.constant 10000 : i32
    %mul3A_20 = arith.muli %add3A_18, %mul3A_19 : i32
    %add3A_21 = arith.constant 0 : i32
    %add3A_22 = arith.addi %mul3A_20, %add3A_21 : i32
    "tpu.region"() ({
      %run_scoped3A = tpu.sem_alloc : memref<!tpu.dma_semaphore, #tpu.memory_space<semaphore_mem>>
      %dma_start3A_71 = tpu.memref_slice %arg3[%add3A_22] : memref<320000xi32, #tpu.memory_space<hbm>> -> memref<192xi32, #tpu.memory_space<hbm>>
      %dma_start3A_72 = tpu.memref_slice %arg3[%add3A_22] : memref<320000xi32, #tpu.memory_space<hbm>> -> memref<192xi32, #tpu.memory_space<hbm>>
      tpu.enqueue_dma source(%dma_start3A_72 : memref<192xi32, #tpu.memory_space<hbm>>) target(%arg6 : memref<192xi32, #tpu.memory_space<vmem>>) target_semaphore(%run_scoped3A : memref<!tpu.dma_semaphore, #tpu.memory_space<semaphore_mem>>)
      %dma_wait3A_73 = tpu.memref_slice %arg3[%add3A_22] : memref<320000xi32, #tpu.memory_space<hbm>> -> memref<192xi32, #tpu.memory_space<hbm>>
      %dma_wait3A_74 = tpu.memref_slice %arg3[%add3A_22] : memref<320000xi32, #tpu.memory_space<hbm>> -> memref<192xi32, #tpu.memory_space<hbm>>
      tpu.wait_dma2 semaphore(%run_scoped3A : memref<!tpu.dma_semaphore, #tpu.memory_space<semaphore_mem>>) src(%dma_wait3A_74 : memref<192xi32, #tpu.memory_space<hbm>>) dst(%arg6 : memref<192xi32, #tpu.memory_space<vmem>>)
      tpu.yield
    }) : () -> ()
    %add3A_23 = arith.constant 0 : i32
    %add3A_24 = arith.addi %mul3A_20, %add3A_23 : i32
    "tpu.region"() ({
      %run_scoped3A = tpu.sem_alloc : memref<!tpu.dma_semaphore, #tpu.memory_space<semaphore_mem>>
      %dma_start3A_71 = tpu.memref_slice %arg4[%add3A_24] : memref<320000xi32, #tpu.memory_space<hbm>> -> memref<192xi32, #tpu.memory_space<hbm>>
      %dma_start3A_72 = tpu.memref_slice %arg4[%add3A_24] : memref<320000xi32, #tpu.memory_space<hbm>> -> memref<192xi32, #tpu.memory_space<hbm>>
      tpu.enqueue_dma source(%dma_start3A_72 : memref<192xi32, #tpu.memory_space<hbm>>) target(%arg7 : memref<192xi32, #tpu.memory_space<vmem>>) target_semaphore(%run_scoped3A : memref<!tpu.dma_semaphore, #tpu.memory_space<semaphore_mem>>)
      %dma_wait3A_73 = tpu.memref_slice %arg4[%add3A_24] : memref<320000xi32, #tpu.memory_space<hbm>> -> memref<192xi32, #tpu.memory_space<hbm>>
      %dma_wait3A_74 = tpu.memref_slice %arg4[%add3A_24] : memref<320000xi32, #tpu.memory_space<hbm>> -> memref<192xi32, #tpu.memory_space<hbm>>
      tpu.wait_dma2 semaphore(%run_scoped3A : memref<!tpu.dma_semaphore, #tpu.memory_space<semaphore_mem>>) src(%dma_wait3A_74 : memref<192xi32, #tpu.memory_space<hbm>>) dst(%arg7 : memref<192xi32, #tpu.memory_space<vmem>>)
      tpu.yield
    }) : () -> ()
    %dma_start3A = arith.constant 0 : i32
    %dma_start3A_25 = arith.constant 0 : i32
    %dma_start3A_26 = tpu.memref_slice %arg2[%dma_start3A, %dma_start3A_25] : memref<10000x128xf32, #tpu.memory_space<hbm>> -> memref<10000x128xf32, #tpu.memory_space<hbm>>
    tpu.enqueue_indirect_dma source(%dma_start3A_26 : memref<10000x128xf32, #tpu.memory_space<hbm>>) target(%arg12 : memref<192x128xf32, #tpu.memory_space<vmem>>) offsets(%arg6 : memref<192xi32, #tpu.memory_space<vmem>>) semaphore(%arg15 : memref<!tpu.dma_semaphore, #tpu.memory_space<semaphore_mem>>)
    %scan3A_27 = arith.constant 0 : i32
    %scan3A_28 = arith.constant 0 : i32
    %scan3A_29 = arith.constant 26 : i32
    %scan3A_30 = arith.addi %scan3A_28, %scan3A_29 : i32
    %scan3A_31 = arith.constant 1 : i32
    %scan3A_32 = scf.for %scan3A_71 = %scan3A_28 to %scan3A_30 step %scan3A_31 iter_args(%scan3A_72 = %scan3A_27) -> (i32)  : i32 {
      %mul3A_73 = arith.constant 2 : i32
      %mul3A_74 = arith.muli %mul3A_73, %scan3A_71 : i32
      %add3A_75 = arith.constant 1 : i32
      %add3A_76 = arith.addi %mul3A_74, %add3A_75 : i32
      %mul3A_77 = arith.constant 192 : i32
      %mul3A_78 = arith.muli %add3A_76, %mul3A_77 : i32
      %add3A_79 = arith.addi %mul3A_20, %mul3A_78 : i32
      "tpu.region"() ({
        %run_scoped3A = tpu.sem_alloc : memref<!tpu.dma_semaphore, #tpu.memory_space<semaphore_mem>>
        %dma_start3A_102 = tpu.memref_slice %arg3[%add3A_79] : memref<320000xi32, #tpu.memory_space<hbm>> -> memref<192xi32, #tpu.memory_space<hbm>>
        %dma_start3A_103 = tpu.memref_slice %arg3[%add3A_79] : memref<320000xi32, #tpu.memory_space<hbm>> -> memref<192xi32, #tpu.memory_space<hbm>>
        tpu.enqueue_dma source(%dma_start3A_103 : memref<192xi32, #tpu.memory_space<hbm>>) target(%arg8 : memref<192xi32, #tpu.memory_space<vmem>>) target_semaphore(%run_scoped3A : memref<!tpu.dma_semaphore, #tpu.memory_space<semaphore_mem>>)
        %dma_wait3A_104 = tpu.memref_slice %arg3[%add3A_79] : memref<320000xi32, #tpu.memory_space<hbm>> -> memref<192xi32, #tpu.memory_space<hbm>>
        %dma_wait3A_105 = tpu.memref_slice %arg3[%add3A_79] : memref<320000xi32, #tpu.memory_space<hbm>> -> memref<192xi32, #tpu.memory_space<hbm>>
        tpu.wait_dma2 semaphore(%run_scoped3A : memref<!tpu.dma_semaphore, #tpu.memory_space<semaphore_mem>>) src(%dma_wait3A_105 : memref<192xi32, #tpu.memory_space<hbm>>) dst(%arg8 : memref<192xi32, #tpu.memory_space<vmem>>)
        tpu.yield
      }) : () -> ()
      %mul3A_80 = arith.constant 192 : i32
      %mul3A_81 = arith.muli %add3A_76, %mul3A_80 : i32
      %add3A_82 = arith.addi %mul3A_20, %mul3A_81 : i32
      "tpu.region"() ({
        %run_scoped3A = tpu.sem_alloc : memref<!tpu.dma_semaphore, #tpu.memory_space<semaphore_mem>>
        %dma_start3A_102 = tpu.memref_slice %arg4[%add3A_82] : memref<320000xi32, #tpu.memory_space<hbm>> -> memref<192xi32, #tpu.memory_space<hbm>>
        %dma_start3A_103 = tpu.memref_slice %arg4[%add3A_82] : memref<320000xi32, #tpu.memory_space<hbm>> -> memref<192xi32, #tpu.memory_space<hbm>>
        tpu.enqueue_dma source(%dma_start3A_103 : memref<192xi32, #tpu.memory_space<hbm>>) target(%arg9 : memref<192xi32, #tpu.memory_space<vmem>>) target_semaphore(%run_scoped3A : memref<!tpu.dma_semaphore, #tpu.memory_space<semaphore_mem>>)
        %dma_wait3A_104 = tpu.memref_slice %arg4[%add3A_82] : memref<320000xi32, #tpu.memory_space<hbm>> -> memref<192xi32, #tpu.memory_space<hbm>>
        %dma_wait3A_105 = tpu.memref_slice %arg4[%add3A_82] : memref<320000xi32, #tpu.memory_space<hbm>> -> memref<192xi32, #tpu.memory_space<hbm>>
        tpu.wait_dma2 semaphore(%run_scoped3A : memref<!tpu.dma_semaphore, #tpu.memory_space<semaphore_mem>>) src(%dma_wait3A_105 : memref<192xi32, #tpu.memory_space<hbm>>) dst(%arg9 : memref<192xi32, #tpu.memory_space<vmem>>)
        tpu.yield
      }) : () -> ()
      %dma_wait3A_83 = arith.constant 0 : i32
      %dma_wait3A_84 = arith.constant 0 : i32
      %dma_wait3A_85 = tpu.memref_slice %arg2[%dma_wait3A_83, %dma_wait3A_84] : memref<10000x128xf32, #tpu.memory_space<hbm>> -> memref<10000x128xf32, #tpu.memory_space<hbm>>
      tpu.wait_indirect_dma semaphore(%arg15 : memref<!tpu.dma_semaphore, #tpu.memory_space<semaphore_mem>>) src(%dma_wait3A_85 : memref<10000x128xf32, #tpu.memory_space<hbm>>) dst(%arg12 : memref<192x128xf32, #tpu.memory_space<vmem>>)
      %dma_start3A_86 = arith.constant 0 : i32
      %dma_start3A_87 = arith.constant 0 : i32
      %dma_start3A_88 = tpu.memref_slice %arg2[%dma_start3A_86, %dma_start3A_87] : memref<10000x128xf32, #tpu.memory_space<hbm>> -> memref<10000x128xf32, #tpu.memory_space<hbm>>
      tpu.enqueue_indirect_dma source(%dma_start3A_88 : memref<10000x128xf32, #tpu.memory_space<hbm>>) target(%arg13 : memref<192x128xf32, #tpu.memory_space<vmem>>) offsets(%arg8 : memref<192xi32, #tpu.memory_space<vmem>>) semaphore(%arg16 : memref<!tpu.dma_semaphore, #tpu.memory_space<semaphore_mem>>)
      "tpu.region"() ({
        %run_scoped3A = tpu.sem_alloc : memref<!tpu.dma_semaphore, #tpu.memory_space<semaphore_mem>>
        %dma_start3A_102 = arith.constant 0 : i32
        %dma_start3A_103 = arith.constant 0 : i32
        %dma_start3A_104 = tpu.memref_slice %arg14[%dma_start3A_102, %dma_start3A_103] : memref<10000x128xf32, #tpu.memory_space<vmem_shared>> -> memref<10000x128xf32, #tpu.memory_space<vmem_shared>>
        tpu.enqueue_indirect_dma source(%arg12 : memref<192x128xf32, #tpu.memory_space<vmem>>) target(%dma_start3A_104 : memref<10000x128xf32, #tpu.memory_space<vmem_shared>>) offsets(%arg7 : memref<192xi32, #tpu.memory_space<vmem>>) semaphore(%run_scoped3A : memref<!tpu.dma_semaphore, #tpu.memory_space<semaphore_mem>>) {add = true}
        %dma_wait3A_105 = arith.constant 0 : i32
        %dma_wait3A_106 = arith.constant 0 : i32
        %dma_wait3A_107 = tpu.memref_slice %arg14[%dma_wait3A_105, %dma_wait3A_106] : memref<10000x128xf32, #tpu.memory_space<vmem_shared>> -> memref<10000x128xf32, #tpu.memory_space<vmem_shared>>
        tpu.wait_indirect_dma semaphore(%run_scoped3A : memref<!tpu.dma_semaphore, #tpu.memory_space<semaphore_mem>>) src(%arg12 : memref<192x128xf32, #tpu.memory_space<vmem>>) dst(%dma_wait3A_107 : memref<10000x128xf32, #tpu.memory_space<vmem_shared>>)
        tpu.yield
      }) : () -> ()
      %lt3A = arith.constant 25 : i32
      %lt3A_89 = arith.cmpi slt, %scan3A_71, %lt3A : i32
      %convert_element_type3A_90 = arith.extui %lt3A_89 : i1 to i32
      %cond3A_91 = arith.constant 0 : i32
      %cond3A_92 = arith.cmpi ne, %convert_element_type3A_90, %cond3A_91 : i32
      scf.if %cond3A_92 {
        %mul3A_102 = arith.constant 2 : i32
        %mul3A_103 = arith.muli %mul3A_102, %scan3A_71 : i32
        %add3A_104 = arith.constant 2 : i32
        %add3A_105 = arith.addi %mul3A_103, %add3A_104 : i32
        %mul3A_106 = arith.constant 192 : i32
        %mul3A_107 = arith.muli %add3A_105, %mul3A_106 : i32
        %add3A_108 = arith.addi %mul3A_20, %mul3A_107 : i32
        "tpu.region"() ({
          %run_scoped3A = tpu.sem_alloc : memref<!tpu.dma_semaphore, #tpu.memory_space<semaphore_mem>>
          %dma_start3A_112 = tpu.memref_slice %arg3[%add3A_108] : memref<320000xi32, #tpu.memory_space<hbm>> -> memref<192xi32, #tpu.memory_space<hbm>>
          %dma_start3A_113 = tpu.memref_slice %arg3[%add3A_108] : memref<320000xi32, #tpu.memory_space<hbm>> -> memref<192xi32, #tpu.memory_space<hbm>>
          tpu.enqueue_dma source(%dma_start3A_113 : memref<192xi32, #tpu.memory_space<hbm>>) target(%arg6 : memref<192xi32, #tpu.memory_space<vmem>>) target_semaphore(%run_scoped3A : memref<!tpu.dma_semaphore, #tpu.memory_space<semaphore_mem>>)
          %dma_wait3A_114 = tpu.memref_slice %arg3[%add3A_108] : memref<320000xi32, #tpu.memory_space<hbm>> -> memref<192xi32, #tpu.memory_space<hbm>>
          %dma_wait3A_115 = tpu.memref_slice %arg3[%add3A_108] : memref<320000xi32, #tpu.memory_space<hbm>> -> memref<192xi32, #tpu.memory_space<hbm>>
          tpu.wait_dma2 semaphore(%run_scoped3A : memref<!tpu.dma_semaphore, #tpu.memory_space<semaphore_mem>>) src(%dma_wait3A_115 : memref<192xi32, #tpu.memory_space<hbm>>) dst(%arg6 : memref<192xi32, #tpu.memory_space<vmem>>)
          tpu.yield
        }) : () -> ()
        %mul3A_109 = arith.constant 192 : i32
        %mul3A_110 = arith.muli %add3A_105, %mul3A_109 : i32
        %add3A_111 = arith.addi %mul3A_20, %mul3A_110 : i32
        "tpu.region"() ({
          %run_scoped3A = tpu.sem_alloc : memref<!tpu.dma_semaphore, #tpu.memory_space<semaphore_mem>>
          %dma_start3A_112 = tpu.memref_slice %arg4[%add3A_111] : memref<320000xi32, #tpu.memory_space<hbm>> -> memref<192xi32, #tpu.memory_space<hbm>>
          %dma_start3A_113 = tpu.memref_slice %arg4[%add3A_111] : memref<320000xi32, #tpu.memory_space<hbm>> -> memref<192xi32, #tpu.memory_space<hbm>>
          tpu.enqueue_dma source(%dma_start3A_113 : memref<192xi32, #tpu.memory_space<hbm>>) target(%arg7 : memref<192xi32, #tpu.memory_space<vmem>>) target_semaphore(%run_scoped3A : memref<!tpu.dma_semaphore, #tpu.memory_space<semaphore_mem>>)
          %dma_wait3A_114 = tpu.memref_slice %arg4[%add3A_111] : memref<320000xi32, #tpu.memory_space<hbm>> -> memref<192xi32, #tpu.memory_space<hbm>>
          %dma_wait3A_115 = tpu.memref_slice %arg4[%add3A_111] : memref<320000xi32, #tpu.memory_space<hbm>> -> memref<192xi32, #tpu.memory_space<hbm>>
          tpu.wait_dma2 semaphore(%run_scoped3A : memref<!tpu.dma_semaphore, #tpu.memory_space<semaphore_mem>>) src(%dma_wait3A_115 : memref<192xi32, #tpu.memory_space<hbm>>) dst(%arg7 : memref<192xi32, #tpu.memory_space<vmem>>)
          tpu.yield
        }) : () -> ()
      } else {
      }
      %dma_wait3A_93 = arith.constant 0 : i32
      %dma_wait3A_94 = arith.constant 0 : i32
      %dma_wait3A_95 = tpu.memref_slice %arg2[%dma_wait3A_93, %dma_wait3A_94] : memref<10000x128xf32, #tpu.memory_space<hbm>> -> memref<10000x128xf32, #tpu.memory_space<hbm>>
      tpu.wait_indirect_dma semaphore(%arg16 : memref<!tpu.dma_semaphore, #tpu.memory_space<semaphore_mem>>) src(%dma_wait3A_95 : memref<10000x128xf32, #tpu.memory_space<hbm>>) dst(%arg13 : memref<192x128xf32, #tpu.memory_space<vmem>>)
      %lt3A_96 = arith.constant 25 : i32
      %lt3A_97 = arith.cmpi slt, %scan3A_71, %lt3A_96 : i32
      %convert_element_type3A_98 = arith.extui %lt3A_97 : i1 to i32
      %cond3A_99 = arith.constant 0 : i32
      %cond3A_100 = arith.cmpi ne, %convert_element_type3A_98, %cond3A_99 : i32
      scf.if %cond3A_100 {
        %dma_start3A_102 = arith.constant 0 : i32
        %dma_start3A_103 = arith.constant 0 : i32
        %dma_start3A_104 = tpu.memref_slice %arg2[%dma_start3A_102, %dma_start3A_103] : memref<10000x128xf32, #tpu.memory_space<hbm>> -> memref<10000x128xf32, #tpu.memory_space<hbm>>
        tpu.enqueue_indirect_dma source(%dma_start3A_104 : memref<10000x128xf32, #tpu.memory_space<hbm>>) target(%arg12 : memref<192x128xf32, #tpu.memory_space<vmem>>) offsets(%arg6 : memref<192xi32, #tpu.memory_space<vmem>>) semaphore(%arg15 : memref<!tpu.dma_semaphore, #tpu.memory_space<semaphore_mem>>)
      } else {
      }
      "tpu.region"() ({
        %run_scoped3A = tpu.sem_alloc : memref<!tpu.dma_semaphore, #tpu.memory_space<semaphore_mem>>
        %dma_start3A_102 = arith.constant 0 : i32
        %dma_start3A_103 = arith.constant 0 : i32
        %dma_start3A_104 = tpu.memref_slice %arg14[%dma_start3A_102, %dma_start3A_103] : memref<10000x128xf32, #tpu.memory_space<vmem_shared>> -> memref<10000x128xf32, #tpu.memory_space<vmem_shared>>
        tpu.enqueue_indirect_dma source(%arg13 : memref<192x128xf32, #tpu.memory_space<vmem>>) target(%dma_start3A_104 : memref<10000x128xf32, #tpu.memory_space<vmem_shared>>) offsets(%arg9 : memref<192xi32, #tpu.memory_space<vmem>>) semaphore(%run_scoped3A : memref<!tpu.dma_semaphore, #tpu.memory_space<semaphore_mem>>) {add = true}
        %dma_wait3A_105 = arith.constant 0 : i32
        %dma_wait3A_106 = arith.constant 0 : i32
        %dma_wait3A_107 = tpu.memref_slice %arg14[%dma_wait3A_105, %dma_wait3A_106] : memref<10000x128xf32, #tpu.memory_space<vmem_shared>> -> memref<10000x128xf32, #tpu.memory_space<vmem_shared>>
        tpu.wait_indirect_dma semaphore(%run_scoped3A : memref<!tpu.dma_semaphore, #tpu.memory_space<semaphore_mem>>) src(%arg13 : memref<192x128xf32, #tpu.memory_space<vmem>>) dst(%dma_wait3A_107 : memref<10000x128xf32, #tpu.memory_space<vmem_shared>>)
        tpu.yield
      }) : () -> ()
      %scan3A_101 = arith.constant 0 : i32
      scf.yield %scan3A_101 : i32
    }
    %scan3A_33 = arith.constant 26 : i32
    %add3A_34 = arith.constant 9984 : i32
    %add3A_35 = arith.addi %mul3A_20, %add3A_34 : i32
    "tpu.region"() ({
      %run_scoped3A = tpu.sem_alloc : memref<!tpu.dma_semaphore, #tpu.memory_space<semaphore_mem>>
      %dma_start3A_71 = tpu.memref_slice %arg3[%add3A_35] : memref<320000xi32, #tpu.memory_space<hbm>> -> memref<16xi32, #tpu.memory_space<hbm>>
      %dma_start3A_72 = tpu.memref_slice %arg3[%add3A_35] : memref<320000xi32, #tpu.memory_space<hbm>> -> memref<16xi32, #tpu.memory_space<hbm>>
      tpu.enqueue_dma source(%dma_start3A_72 : memref<16xi32, #tpu.memory_space<hbm>>) target(%arg10 : memref<16xi32, #tpu.memory_space<vmem>>) target_semaphore(%run_scoped3A : memref<!tpu.dma_semaphore, #tpu.memory_space<semaphore_mem>>)
      %dma_wait3A_73 = tpu.memref_slice %arg3[%add3A_35] : memref<320000xi32, #tpu.memory_space<hbm>> -> memref<16xi32, #tpu.memory_space<hbm>>
      %dma_wait3A_74 = tpu.memref_slice %arg3[%add3A_35] : memref<320000xi32, #tpu.memory_space<hbm>> -> memref<16xi32, #tpu.memory_space<hbm>>
      tpu.wait_dma2 semaphore(%run_scoped3A : memref<!tpu.dma_semaphore, #tpu.memory_space<semaphore_mem>>) src(%dma_wait3A_74 : memref<16xi32, #tpu.memory_space<hbm>>) dst(%arg10 : memref<16xi32, #tpu.memory_space<vmem>>)
      tpu.yield
    }) : () -> ()
    %add3A_36 = arith.constant 9984 : i32
    %add3A_37 = arith.addi %mul3A_20, %add3A_36 : i32
    "tpu.region"() ({
      %run_scoped3A = tpu.sem_alloc : memref<!tpu.dma_semaphore, #tpu.memory_space<semaphore_mem>>
      %dma_start3A_71 = tpu.memref_slice %arg4[%add3A_37] : memref<320000xi32, #tpu.memory_space<hbm>> -> memref<16xi32, #tpu.memory_space<hbm>>
      %dma_start3A_72 = tpu.memref_slice %arg4[%add3A_37] : memref<320000xi32, #tpu.memory_space<hbm>> -> memref<16xi32, #tpu.memory_space<hbm>>
      tpu.enqueue_dma source(%dma_start3A_72 : memref<16xi32, #tpu.memory_space<hbm>>) target(%arg11 : memref<16xi32, #tpu.memory_space<vmem>>) target_semaphore(%run_scoped3A : memref<!tpu.dma_semaphore, #tpu.memory_space<semaphore_mem>>)
      %dma_wait3A_73 = tpu.memref_slice %arg4[%add3A_37] : memref<320000xi32, #tpu.memory_space<hbm>> -> memref<16xi32, #tpu.memory_space<hbm>>
      %dma_wait3A_74 = tpu.memref_slice %arg4[%add3A_37] : memref<320000xi32, #tpu.memory_space<hbm>> -> memref<16xi32, #tpu.memory_space<hbm>>
      tpu.wait_dma2 semaphore(%run_scoped3A : memref<!tpu.dma_semaphore, #tpu.memory_space<semaphore_mem>>) src(%dma_wait3A_74 : memref<16xi32, #tpu.memory_space<hbm>>) dst(%arg11 : memref<16xi32, #tpu.memory_space<vmem>>)
      tpu.yield
    }) : () -> ()
    %dma_start3A_38 = arith.constant 0 : i32
    %dma_start3A_39 = arith.constant 0 : i32
    %dma_start3A_40 = tpu.memref_slice %arg12[%dma_start3A_38, %dma_start3A_39] : memref<192x128xf32, #tpu.memory_space<vmem>> -> memref<16x128xf32, #tpu.memory_space<vmem>>
    %dma_start3A_41 = arith.constant 0 : i32
    %dma_start3A_42 = arith.constant 0 : i32
    %dma_start3A_43 = tpu.memref_slice %arg2[%dma_start3A_41, %dma_start3A_42] : memref<10000x128xf32, #tpu.memory_space<hbm>> -> memref<10000x128xf32, #tpu.memory_space<hbm>>
    tpu.enqueue_indirect_dma source(%dma_start3A_43 : memref<10000x128xf32, #tpu.memory_space<hbm>>) target(%dma_start3A_40 : memref<16x128xf32, #tpu.memory_space<vmem>>) offsets(%arg10 : memref<16xi32, #tpu.memory_space<vmem>>) semaphore(%arg15 : memref<!tpu.dma_semaphore, #tpu.memory_space<semaphore_mem>>)
    %dma_wait3A = arith.constant 0 : i32
    %dma_wait3A_44 = arith.constant 0 : i32
    %dma_wait3A_45 = tpu.memref_slice %arg12[%dma_wait3A, %dma_wait3A_44] : memref<192x128xf32, #tpu.memory_space<vmem>> -> memref<16x128xf32, #tpu.memory_space<vmem>>
    %dma_wait3A_46 = arith.constant 0 : i32
    %dma_wait3A_47 = arith.constant 0 : i32
    %dma_wait3A_48 = tpu.memref_slice %arg2[%dma_wait3A_46, %dma_wait3A_47] : memref<10000x128xf32, #tpu.memory_space<hbm>> -> memref<10000x128xf32, #tpu.memory_space<hbm>>
    tpu.wait_indirect_dma semaphore(%arg15 : memref<!tpu.dma_semaphore, #tpu.memory_space<semaphore_mem>>) src(%dma_wait3A_48 : memref<10000x128xf32, #tpu.memory_space<hbm>>) dst(%dma_wait3A_45 : memref<16x128xf32, #tpu.memory_space<vmem>>)
    "tpu.region"() ({
      %run_scoped3A = tpu.sem_alloc : memref<!tpu.dma_semaphore, #tpu.memory_space<semaphore_mem>>
      %dma_start3A_71 = arith.constant 0 : i32
      %dma_start3A_72 = arith.constant 0 : i32
      %dma_start3A_73 = tpu.memref_slice %arg12[%dma_start3A_71, %dma_start3A_72] : memref<192x128xf32, #tpu.memory_space<vmem>> -> memref<16x128xf32, #tpu.memory_space<vmem>>
      %dma_start3A_74 = arith.constant 0 : i32
      %dma_start3A_75 = arith.constant 0 : i32
      %dma_start3A_76 = tpu.memref_slice %arg14[%dma_start3A_74, %dma_start3A_75] : memref<10000x128xf32, #tpu.memory_space<vmem_shared>> -> memref<10000x128xf32, #tpu.memory_space<vmem_shared>>
      tpu.enqueue_indirect_dma source(%dma_start3A_73 : memref<16x128xf32, #tpu.memory_space<vmem>>) target(%dma_start3A_76 : memref<10000x128xf32, #tpu.memory_space<vmem_shared>>) offsets(%arg11 : memref<16xi32, #tpu.memory_space<vmem>>) semaphore(%run_scoped3A : memref<!tpu.dma_semaphore, #tpu.memory_space<semaphore_mem>>) {add = true}
      %dma_wait3A_77 = arith.constant 0 : i32
      %dma_wait3A_78 = arith.constant 0 : i32
      %dma_wait3A_79 = tpu.memref_slice %arg12[%dma_wait3A_77, %dma_wait3A_78] : memref<192x128xf32, #tpu.memory_space<vmem>> -> memref<16x128xf32, #tpu.memory_space<vmem>>
      %dma_wait3A_80 = arith.constant 0 : i32
      %dma_wait3A_81 = arith.constant 0 : i32
      %dma_wait3A_82 = tpu.memref_slice %arg14[%dma_wait3A_80, %dma_wait3A_81] : memref<10000x128xf32, #tpu.memory_space<vmem_shared>> -> memref<10000x128xf32, #tpu.memory_space<vmem_shared>>
      tpu.wait_indirect_dma semaphore(%run_scoped3A : memref<!tpu.dma_semaphore, #tpu.memory_space<semaphore_mem>>) src(%dma_wait3A_79 : memref<16x128xf32, #tpu.memory_space<vmem>>) dst(%dma_wait3A_82 : memref<10000x128xf32, #tpu.memory_space<vmem_shared>>)
      tpu.yield
    }) : () -> ()
    %barrier3A_49 = arith.constant 0 : index
    tpu.barrier barrier_id(%barrier3A_49)
    %add3A_50 = arith.constant 0 : i32
    %add3A_51 = arith.addi %mul3A_0, %add3A_50 : i32
    "tpu.region"() ({
      %run_scoped3A = tpu.sem_alloc : memref<!tpu.dma_semaphore, #tpu.memory_space<semaphore_mem>>
      %dma_start3A_71 = arith.constant 0 : i32
      %dma_start3A_72 = arith.constant 0 : i32
      %dma_start3A_73 = tpu.memref_slice %arg12[%dma_start3A_71, %dma_start3A_72] : memref<192x128xf32, #tpu.memory_space<vmem>> -> memref<192x128xf32, #tpu.memory_space<vmem>>
      %dma_start3A_74 = arith.constant 0 : i32
      %dma_start3A_75 = tpu.memref_slice %arg14[%add3A_51, %dma_start3A_74] : memref<10000x128xf32, #tpu.memory_space<vmem_shared>> -> memref<192x128xf32, #tpu.memory_space<vmem_shared>>
      %dma_start3A_76 = arith.constant 0 : i32
      %dma_start3A_77 = arith.constant 0 : i32
      %dma_start3A_78 = tpu.memref_slice %arg12[%dma_start3A_76, %dma_start3A_77] : memref<192x128xf32, #tpu.memory_space<vmem>> -> memref<192x128xf32, #tpu.memory_space<vmem>>
      %dma_start3A_79 = arith.constant 0 : i32
      %dma_start3A_80 = tpu.memref_slice %arg14[%add3A_51, %dma_start3A_79] : memref<10000x128xf32, #tpu.memory_space<vmem_shared>> -> memref<192x128xf32, #tpu.memory_space<vmem_shared>>
      tpu.enqueue_dma source(%dma_start3A_80 : memref<192x128xf32, #tpu.memory_space<vmem_shared>>) target(%dma_start3A_78 : memref<192x128xf32, #tpu.memory_space<vmem>>) target_semaphore(%run_scoped3A : memref<!tpu.dma_semaphore, #tpu.memory_space<semaphore_mem>>)
      %dma_wait3A_81 = arith.constant 0 : i32
      %dma_wait3A_82 = arith.constant 0 : i32
      %dma_wait3A_83 = tpu.memref_slice %arg12[%dma_wait3A_81, %dma_wait3A_82] : memref<192x128xf32, #tpu.memory_space<vmem>> -> memref<192x128xf32, #tpu.memory_space<vmem>>
      %dma_wait3A_84 = arith.constant 0 : i32
      %dma_wait3A_85 = tpu.memref_slice %arg14[%add3A_51, %dma_wait3A_84] : memref<10000x128xf32, #tpu.memory_space<vmem_shared>> -> memref<192x128xf32, #tpu.memory_space<vmem_shared>>
      %dma_wait3A_86 = arith.constant 0 : i32
      %dma_wait3A_87 = arith.constant 0 : i32
      %dma_wait3A_88 = tpu.memref_slice %arg12[%dma_wait3A_86, %dma_wait3A_87] : memref<192x128xf32, #tpu.memory_space<vmem>> -> memref<192x128xf32, #tpu.memory_space<vmem>>
      %dma_wait3A_89 = arith.constant 0 : i32
      %dma_wait3A_90 = tpu.memref_slice %arg14[%add3A_51, %dma_wait3A_89] : memref<10000x128xf32, #tpu.memory_space<vmem_shared>> -> memref<192x128xf32, #tpu.memory_space<vmem_shared>>
      tpu.wait_dma2 semaphore(%run_scoped3A : memref<!tpu.dma_semaphore, #tpu.memory_space<semaphore_mem>>) src(%dma_wait3A_90 : memref<192x128xf32, #tpu.memory_space<vmem_shared>>) dst(%dma_wait3A_88 : memref<192x128xf32, #tpu.memory_space<vmem>>)
      tpu.yield
    }) : () -> ()
    %add3A_52 = arith.constant 0 : i32
    %add3A_53 = arith.addi %mul3A_0, %add3A_52 : i32
    "tpu.region"() ({
      %run_scoped3A = tpu.sem_alloc : memref<!tpu.dma_semaphore, #tpu.memory_space<semaphore_mem>>
      %dma_start3A_71 = arith.constant 0 : i32
      %dma_start3A_72 = arith.constant 0 : i32
      %dma_start3A_73 = tpu.memref_slice %arg12[%dma_start3A_71, %dma_start3A_72] : memref<192x128xf32, #tpu.memory_space<vmem>> -> memref<192x128xf32, #tpu.memory_space<vmem>>
      %dma_start3A_74 = arith.constant 0 : i32
      %dma_start3A_75 = tpu.memref_slice %arg5[%arg0, %add3A_53, %dma_start3A_74] : memref<2x10000x128xf32, #tpu.memory_space<hbm>> -> memref<1x192x128xf32, #tpu.memory_space<hbm>>
      %dma_start3A_76 = tpu.memref_squeeze %dma_start3A_75 : memref<1x192x128xf32, #tpu.memory_space<hbm>> -> memref<192x128xf32, #tpu.memory_space<hbm>>
      %dma_start3A_77 = arith.constant 0 : i32
      %dma_start3A_78 = tpu.memref_slice %arg5[%arg0, %add3A_53, %dma_start3A_77] : memref<2x10000x128xf32, #tpu.memory_space<hbm>> -> memref<1x192x128xf32, #tpu.memory_space<hbm>>
      %dma_start3A_79 = tpu.memref_squeeze %dma_start3A_78 : memref<1x192x128xf32, #tpu.memory_space<hbm>> -> memref<192x128xf32, #tpu.memory_space<hbm>>
      %dma_start3A_80 = arith.constant 0 : i32
      %dma_start3A_81 = arith.constant 0 : i32
      %dma_start3A_82 = tpu.memref_slice %arg12[%dma_start3A_80, %dma_start3A_81] : memref<192x128xf32, #tpu.memory_space<vmem>> -> memref<192x128xf32, #tpu.memory_space<vmem>>
      tpu.enqueue_dma source(%dma_start3A_82 : memref<192x128xf32, #tpu.memory_space<vmem>>) target(%dma_start3A_79 : memref<192x128xf32, #tpu.memory_space<hbm>>) target_semaphore(%run_scoped3A : memref<!tpu.dma_semaphore, #tpu.memory_space<semaphore_mem>>)
      %dma_wait3A_83 = arith.constant 0 : i32
      %dma_wait3A_84 = arith.constant 0 : i32
      %dma_wait3A_85 = tpu.memref_slice %arg12[%dma_wait3A_83, %dma_wait3A_84] : memref<192x128xf32, #tpu.memory_space<vmem>> -> memref<192x128xf32, #tpu.memory_space<vmem>>
      %dma_wait3A_86 = arith.constant 0 : i32
      %dma_wait3A_87 = tpu.memref_slice %arg5[%arg0, %add3A_53, %dma_wait3A_86] : memref<2x10000x128xf32, #tpu.memory_space<hbm>> -> memref<1x192x128xf32, #tpu.memory_space<hbm>>
      %dma_wait3A_88 = tpu.memref_squeeze %dma_wait3A_87 : memref<1x192x128xf32, #tpu.memory_space<hbm>> -> memref<192x128xf32, #tpu.memory_space<hbm>>
      %dma_wait3A_89 = arith.constant 0 : i32
      %dma_wait3A_90 = tpu.memref_slice %arg5[%arg0, %add3A_53, %dma_wait3A_89] : memref<2x10000x128xf32, #tpu.memory_space<hbm>> -> memref<1x192x128xf32, #tpu.memory_space<hbm>>
      %dma_wait3A_91 = tpu.memref_squeeze %dma_wait3A_90 : memref<1x192x128xf32, #tpu.memory_space<hbm>> -> memref<192x128xf32, #tpu.memory_space<hbm>>
      %dma_wait3A_92 = arith.constant 0 : i32
      %dma_wait3A_93 = arith.constant 0 : i32
      %dma_wait3A_94 = tpu.memref_slice %arg12[%dma_wait3A_92, %dma_wait3A_93] : memref<192x128xf32, #tpu.memory_space<vmem>> -> memref<192x128xf32, #tpu.memory_space<vmem>>
      tpu.wait_dma2 semaphore(%run_scoped3A : memref<!tpu.dma_semaphore, #tpu.memory_space<semaphore_mem>>) src(%dma_wait3A_94 : memref<192x128xf32, #tpu.memory_space<vmem>>) dst(%dma_wait3A_91 : memref<192x128xf32, #tpu.memory_space<hbm>>)
      tpu.yield
    }) : () -> ()
    %add3A_54 = arith.constant 192 : i32
    %add3A_55 = arith.addi %mul3A_0, %add3A_54 : i32
    "tpu.region"() ({
      %run_scoped3A = tpu.sem_alloc : memref<!tpu.dma_semaphore, #tpu.memory_space<semaphore_mem>>
      %dma_start3A_71 = arith.constant 0 : i32
      %dma_start3A_72 = arith.constant 0 : i32
      %dma_start3A_73 = tpu.memref_slice %arg12[%dma_start3A_71, %dma_start3A_72] : memref<192x128xf32, #tpu.memory_space<vmem>> -> memref<192x128xf32, #tpu.memory_space<vmem>>
      %dma_start3A_74 = arith.constant 0 : i32
      %dma_start3A_75 = tpu.memref_slice %arg14[%add3A_55, %dma_start3A_74] : memref<10000x128xf32, #tpu.memory_space<vmem_shared>> -> memref<192x128xf32, #tpu.memory_space<vmem_shared>>
      %dma_start3A_76 = arith.constant 0 : i32
      %dma_start3A_77 = arith.constant 0 : i32
      %dma_start3A_78 = tpu.memref_slice %arg12[%dma_start3A_76, %dma_start3A_77] : memref<192x128xf32, #tpu.memory_space<vmem>> -> memref<192x128xf32, #tpu.memory_space<vmem>>
      %dma_start3A_79 = arith.constant 0 : i32
      %dma_start3A_80 = tpu.memref_slice %arg14[%add3A_55, %dma_start3A_79] : memref<10000x128xf32, #tpu.memory_space<vmem_shared>> -> memref<192x128xf32, #tpu.memory_space<vmem_shared>>
      tpu.enqueue_dma source(%dma_start3A_80 : memref<192x128xf32, #tpu.memory_space<vmem_shared>>) target(%dma_start3A_78 : memref<192x128xf32, #tpu.memory_space<vmem>>) target_semaphore(%run_scoped3A : memref<!tpu.dma_semaphore, #tpu.memory_space<semaphore_mem>>)
      %dma_wait3A_81 = arith.constant 0 : i32
      %dma_wait3A_82 = arith.constant 0 : i32
      %dma_wait3A_83 = tpu.memref_slice %arg12[%dma_wait3A_81, %dma_wait3A_82] : memref<192x128xf32, #tpu.memory_space<vmem>> -> memref<192x128xf32, #tpu.memory_space<vmem>>
      %dma_wait3A_84 = arith.constant 0 : i32
      %dma_wait3A_85 = tpu.memref_slice %arg14[%add3A_55, %dma_wait3A_84] : memref<10000x128xf32, #tpu.memory_space<vmem_shared>> -> memref<192x128xf32, #tpu.memory_space<vmem_shared>>
      %dma_wait3A_86 = arith.constant 0 : i32
      %dma_wait3A_87 = arith.constant 0 : i32
      %dma_wait3A_88 = tpu.memref_slice %arg12[%dma_wait3A_86, %dma_wait3A_87] : memref<192x128xf32, #tpu.memory_space<vmem>> -> memref<192x128xf32, #tpu.memory_space<vmem>>
      %dma_wait3A_89 = arith.constant 0 : i32
      %dma_wait3A_90 = tpu.memref_slice %arg14[%add3A_55, %dma_wait3A_89] : memref<10000x128xf32, #tpu.memory_space<vmem_shared>> -> memref<192x128xf32, #tpu.memory_space<vmem_shared>>
      tpu.wait_dma2 semaphore(%run_scoped3A : memref<!tpu.dma_semaphore, #tpu.memory_space<semaphore_mem>>) src(%dma_wait3A_90 : memref<192x128xf32, #tpu.memory_space<vmem_shared>>) dst(%dma_wait3A_88 : memref<192x128xf32, #tpu.memory_space<vmem>>)
      tpu.yield
    }) : () -> ()
    %add3A_56 = arith.constant 192 : i32
    %add3A_57 = arith.addi %mul3A_0, %add3A_56 : i32
    "tpu.region"() ({
      %run_scoped3A = tpu.sem_alloc : memref<!tpu.dma_semaphore, #tpu.memory_space<semaphore_mem>>
      %dma_start3A_71 = arith.constant 0 : i32
      %dma_start3A_72 = arith.constant 0 : i32
      %dma_start3A_73 = tpu.memref_slice %arg12[%dma_start3A_71, %dma_start3A_72] : memref<192x128xf32, #tpu.memory_space<vmem>> -> memref<192x128xf32, #tpu.memory_space<vmem>>
      %dma_start3A_74 = arith.constant 0 : i32
      %dma_start3A_75 = tpu.memref_slice %arg5[%arg0, %add3A_57, %dma_start3A_74] : memref<2x10000x128xf32, #tpu.memory_space<hbm>> -> memref<1x192x128xf32, #tpu.memory_space<hbm>>
      %dma_start3A_76 = tpu.memref_squeeze %dma_start3A_75 : memref<1x192x128xf32, #tpu.memory_space<hbm>> -> memref<192x128xf32, #tpu.memory_space<hbm>>
      %dma_start3A_77 = arith.constant 0 : i32
      %dma_start3A_78 = tpu.memref_slice %arg5[%arg0, %add3A_57, %dma_start3A_77] : memref<2x10000x128xf32, #tpu.memory_space<hbm>> -> memref<1x192x128xf32, #tpu.memory_space<hbm>>
      %dma_start3A_79 = tpu.memref_squeeze %dma_start3A_78 : memref<1x192x128xf32, #tpu.memory_space<hbm>> -> memref<192x128xf32, #tpu.memory_space<hbm>>
      %dma_start3A_80 = arith.constant 0 : i32
      %dma_start3A_81 = arith.constant 0 : i32
      %dma_start3A_82 = tpu.memref_slice %arg12[%dma_start3A_80, %dma_start3A_81] : memref<192x128xf32, #tpu.memory_space<vmem>> -> memref<192x128xf32, #tpu.memory_space<vmem>>
      tpu.enqueue_dma source(%dma_start3A_82 : memref<192x128xf32, #tpu.memory_space<vmem>>) target(%dma_start3A_79 : memref<192x128xf32, #tpu.memory_space<hbm>>) target_semaphore(%run_scoped3A : memref<!tpu.dma_semaphore, #tpu.memory_space<semaphore_mem>>)
      %dma_wait3A_83 = arith.constant 0 : i32
      %dma_wait3A_84 = arith.constant 0 : i32
      %dma_wait3A_85 = tpu.memref_slice %arg12[%dma_wait3A_83, %dma_wait3A_84] : memref<192x128xf32, #tpu.memory_space<vmem>> -> memref<192x128xf32, #tpu.memory_space<vmem>>
      %dma_wait3A_86 = arith.constant 0 : i32
      %dma_wait3A_87 = tpu.memref_slice %arg5[%arg0, %add3A_57, %dma_wait3A_86] : memref<2x10000x128xf32, #tpu.memory_space<hbm>> -> memref<1x192x128xf32, #tpu.memory_space<hbm>>
      %dma_wait3A_88 = tpu.memref_squeeze %dma_wait3A_87 : memref<1x192x128xf32, #tpu.memory_space<hbm>> -> memref<192x128xf32, #tpu.memory_space<hbm>>
      %dma_wait3A_89 = arith.constant 0 : i32
      %dma_wait3A_90 = tpu.memref_slice %arg5[%arg0, %add3A_57, %dma_wait3A_89] : memref<2x10000x128xf32, #tpu.memory_space<hbm>> -> memref<1x192x128xf32, #tpu.memory_space<hbm>>
      %dma_wait3A_91 = tpu.memref_squeeze %dma_wait3A_90 : memref<1x192x128xf32, #tpu.memory_space<hbm>> -> memref<192x128xf32, #tpu.memory_space<hbm>>
      %dma_wait3A_92 = arith.constant 0 : i32
      %dma_wait3A_93 = arith.constant 0 : i32
      %dma_wait3A_94 = tpu.memref_slice %arg12[%dma_wait3A_92, %dma_wait3A_93] : memref<192x128xf32, #tpu.memory_space<vmem>> -> memref<192x128xf32, #tpu.memory_space<vmem>>
      tpu.wait_dma2 semaphore(%run_scoped3A : memref<!tpu.dma_semaphore, #tpu.memory_space<semaphore_mem>>) src(%dma_wait3A_94 : memref<192x128xf32, #tpu.memory_space<vmem>>) dst(%dma_wait3A_91 : memref<192x128xf32, #tpu.memory_space<hbm>>)
      tpu.yield
    }) : () -> ()
    %add3A_58 = arith.constant 384 : i32
    %add3A_59 = arith.addi %mul3A_0, %add3A_58 : i32
    "tpu.region"() ({
      %run_scoped3A = tpu.sem_alloc : memref<!tpu.dma_semaphore, #tpu.memory_space<semaphore_mem>>
      %dma_start3A_71 = arith.constant 0 : i32
      %dma_start3A_72 = arith.constant 0 : i32
      %dma_start3A_73 = tpu.memref_slice %arg12[%dma_start3A_71, %dma_start3A_72] : memref<192x128xf32, #tpu.memory_space<vmem>> -> memref<192x128xf32, #tpu.memory_space<vmem>>
      %dma_start3A_74 = arith.constant 0 : i32
      %dma_start3A_75 = tpu.memref_slice %arg14[%add3A_59, %dma_start3A_74] : memref<10000x128xf32, #tpu.memory_space<vmem_shared>> -> memref<192x128xf32, #tpu.memory_space<vmem_shared>>
      %dma_start3A_76 = arith.constant 0 : i32
      %dma_start3A_77 = arith.constant 0 : i32
      %dma_start3A_78 = tpu.memref_slice %arg12[%dma_start3A_76, %dma_start3A_77] : memref<192x128xf32, #tpu.memory_space<vmem>> -> memref<192x128xf32, #tpu.memory_space<vmem>>
      %dma_start3A_79 = arith.constant 0 : i32
      %dma_start3A_80 = tpu.memref_slice %arg14[%add3A_59, %dma_start3A_79] : memref<10000x128xf32, #tpu.memory_space<vmem_shared>> -> memref<192x128xf32, #tpu.memory_space<vmem_shared>>
      tpu.enqueue_dma source(%dma_start3A_80 : memref<192x128xf32, #tpu.memory_space<vmem_shared>>) target(%dma_start3A_78 : memref<192x128xf32, #tpu.memory_space<vmem>>) target_semaphore(%run_scoped3A : memref<!tpu.dma_semaphore, #tpu.memory_space<semaphore_mem>>)
      %dma_wait3A_81 = arith.constant 0 : i32
      %dma_wait3A_82 = arith.constant 0 : i32
      %dma_wait3A_83 = tpu.memref_slice %arg12[%dma_wait3A_81, %dma_wait3A_82] : memref<192x128xf32, #tpu.memory_space<vmem>> -> memref<192x128xf32, #tpu.memory_space<vmem>>
      %dma_wait3A_84 = arith.constant 0 : i32
      %dma_wait3A_85 = tpu.memref_slice %arg14[%add3A_59, %dma_wait3A_84] : memref<10000x128xf32, #tpu.memory_space<vmem_shared>> -> memref<192x128xf32, #tpu.memory_space<vmem_shared>>
      %dma_wait3A_86 = arith.constant 0 : i32
      %dma_wait3A_87 = arith.constant 0 : i32
      %dma_wait3A_88 = tpu.memref_slice %arg12[%dma_wait3A_86, %dma_wait3A_87] : memref<192x128xf32, #tpu.memory_space<vmem>> -> memref<192x128xf32, #tpu.memory_space<vmem>>
      %dma_wait3A_89 = arith.constant 0 : i32
      %dma_wait3A_90 = tpu.memref_slice %arg14[%add3A_59, %dma_wait3A_89] : memref<10000x128xf32, #tpu.memory_space<vmem_shared>> -> memref<192x128xf32, #tpu.memory_space<vmem_shared>>
      tpu.wait_dma2 semaphore(%run_scoped3A : memref<!tpu.dma_semaphore, #tpu.memory_space<semaphore_mem>>) src(%dma_wait3A_90 : memref<192x128xf32, #tpu.memory_space<vmem_shared>>) dst(%dma_wait3A_88 : memref<192x128xf32, #tpu.memory_space<vmem>>)
      tpu.yield
    }) : () -> ()
    %add3A_60 = arith.constant 384 : i32
    %add3A_61 = arith.addi %mul3A_0, %add3A_60 : i32
    "tpu.region"() ({
      %run_scoped3A = tpu.sem_alloc : memref<!tpu.dma_semaphore, #tpu.memory_space<semaphore_mem>>
      %dma_start3A_71 = arith.constant 0 : i32
      %dma_start3A_72 = arith.constant 0 : i32
      %dma_start3A_73 = tpu.memref_slice %arg12[%dma_start3A_71, %dma_start3A_72] : memref<192x128xf32, #tpu.memory_space<vmem>> -> memref<192x128xf32, #tpu.memory_space<vmem>>
      %dma_start3A_74 = arith.constant 0 : i32
      %dma_start3A_75 = tpu.memref_slice %arg5[%arg0, %add3A_61, %dma_start3A_74] : memref<2x10000x128xf32, #tpu.memory_space<hbm>> -> memref<1x192x128xf32, #tpu.memory_space<hbm>>
      %dma_start3A_76 = tpu.memref_squeeze %dma_start3A_75 : memref<1x192x128xf32, #tpu.memory_space<hbm>> -> memref<192x128xf32, #tpu.memory_space<hbm>>
      %dma_start3A_77 = arith.constant 0 : i32
      %dma_start3A_78 = tpu.memref_slice %arg5[%arg0, %add3A_61, %dma_start3A_77] : memref<2x10000x128xf32, #tpu.memory_space<hbm>> -> memref<1x192x128xf32, #tpu.memory_space<hbm>>
      %dma_start3A_79 = tpu.memref_squeeze %dma_start3A_78 : memref<1x192x128xf32, #tpu.memory_space<hbm>> -> memref<192x128xf32, #tpu.memory_space<hbm>>
      %dma_start3A_80 = arith.constant 0 : i32
      %dma_start3A_81 = arith.constant 0 : i32
      %dma_start3A_82 = tpu.memref_slice %arg12[%dma_start3A_80, %dma_start3A_81] : memref<192x128xf32, #tpu.memory_space<vmem>> -> memref<192x128xf32, #tpu.memory_space<vmem>>
      tpu.enqueue_dma source(%dma_start3A_82 : memref<192x128xf32, #tpu.memory_space<vmem>>) target(%dma_start3A_79 : memref<192x128xf32, #tpu.memory_space<hbm>>) target_semaphore(%run_scoped3A : memref<!tpu.dma_semaphore, #tpu.memory_space<semaphore_mem>>)
      %dma_wait3A_83 = arith.constant 0 : i32
      %dma_wait3A_84 = arith.constant 0 : i32
      %dma_wait3A_85 = tpu.memref_slice %arg12[%dma_wait3A_83, %dma_wait3A_84] : memref<192x128xf32, #tpu.memory_space<vmem>> -> memref<192x128xf32, #tpu.memory_space<vmem>>
      %dma_wait3A_86 = arith.constant 0 : i32
      %dma_wait3A_87 = tpu.memref_slice %arg5[%arg0, %add3A_61, %dma_wait3A_86] : memref<2x10000x128xf32, #tpu.memory_space<hbm>> -> memref<1x192x128xf32, #tpu.memory_space<hbm>>
      %dma_wait3A_88 = tpu.memref_squeeze %dma_wait3A_87 : memref<1x192x128xf32, #tpu.memory_space<hbm>> -> memref<192x128xf32, #tpu.memory_space<hbm>>
      %dma_wait3A_89 = arith.constant 0 : i32
      %dma_wait3A_90 = tpu.memref_slice %arg5[%arg0, %add3A_61, %dma_wait3A_89] : memref<2x10000x128xf32, #tpu.memory_space<hbm>> -> memref<1x192x128xf32, #tpu.memory_space<hbm>>
      %dma_wait3A_91 = tpu.memref_squeeze %dma_wait3A_90 : memref<1x192x128xf32, #tpu.memory_space<hbm>> -> memref<192x128xf32, #tpu.memory_space<hbm>>
      %dma_wait3A_92 = arith.constant 0 : i32
      %dma_wait3A_93 = arith.constant 0 : i32
      %dma_wait3A_94 = tpu.memref_slice %arg12[%dma_wait3A_92, %dma_wait3A_93] : memref<192x128xf32, #tpu.memory_space<vmem>> -> memref<192x128xf32, #tpu.memory_space<vmem>>
      tpu.wait_dma2 semaphore(%run_scoped3A : memref<!tpu.dma_semaphore, #tpu.memory_space<semaphore_mem>>) src(%dma_wait3A_94 : memref<192x128xf32, #tpu.memory_space<vmem>>) dst(%dma_wait3A_91 : memref<192x128xf32, #tpu.memory_space<hbm>>)
      tpu.yield
    }) : () -> ()
    %add3A_62 = arith.constant 576 : i32
    %add3A_63 = arith.addi %mul3A_0, %add3A_62 : i32
    "tpu.region"() ({
      %run_scoped3A = tpu.sem_alloc : memref<!tpu.dma_semaphore, #tpu.memory_space<semaphore_mem>>
      %dma_start3A_71 = arith.constant 0 : i32
      %dma_start3A_72 = arith.constant 0 : i32
      %dma_start3A_73 = tpu.memref_slice %arg12[%dma_start3A_71, %dma_start3A_72] : memref<192x128xf32, #tpu.memory_space<vmem>> -> memref<48x128xf32, #tpu.memory_space<vmem>>
      %dma_start3A_74 = arith.constant 0 : i32
      %dma_start3A_75 = tpu.memref_slice %arg14[%add3A_63, %dma_start3A_74] : memref<10000x128xf32, #tpu.memory_space<vmem_shared>> -> memref<48x128xf32, #tpu.memory_space<vmem_shared>>
      %dma_start3A_76 = arith.constant 0 : i32
      %dma_start3A_77 = arith.constant 0 : i32
      %dma_start3A_78 = tpu.memref_slice %arg12[%dma_start3A_76, %dma_start3A_77] : memref<192x128xf32, #tpu.memory_space<vmem>> -> memref<48x128xf32, #tpu.memory_space<vmem>>
      %dma_start3A_79 = arith.constant 0 : i32
      %dma_start3A_80 = tpu.memref_slice %arg14[%add3A_63, %dma_start3A_79] : memref<10000x128xf32, #tpu.memory_space<vmem_shared>> -> memref<48x128xf32, #tpu.memory_space<vmem_shared>>
      tpu.enqueue_dma source(%dma_start3A_80 : memref<48x128xf32, #tpu.memory_space<vmem_shared>>) target(%dma_start3A_78 : memref<48x128xf32, #tpu.memory_space<vmem>>) target_semaphore(%run_scoped3A : memref<!tpu.dma_semaphore, #tpu.memory_space<semaphore_mem>>)
      %dma_wait3A_81 = arith.constant 0 : i32
      %dma_wait3A_82 = arith.constant 0 : i32
      %dma_wait3A_83 = tpu.memref_slice %arg12[%dma_wait3A_81, %dma_wait3A_82] : memref<192x128xf32, #tpu.memory_space<vmem>> -> memref<48x128xf32, #tpu.memory_space<vmem>>
      %dma_wait3A_84 = arith.constant 0 : i32
      %dma_wait3A_85 = tpu.memref_slice %arg14[%add3A_63, %dma_wait3A_84] : memref<10000x128xf32, #tpu.memory_space<vmem_shared>> -> memref<48x128xf32, #tpu.memory_space<vmem_shared>>
      %dma_wait3A_86 = arith.constant 0 : i32
      %dma_wait3A_87 = arith.constant 0 : i32
      %dma_wait3A_88 = tpu.memref_slice %arg12[%dma_wait3A_86, %dma_wait3A_87] : memref<192x128xf32, #tpu.memory_space<vmem>> -> memref<48x128xf32, #tpu.memory_space<vmem>>
      %dma_wait3A_89 = arith.constant 0 : i32
      %dma_wait3A_90 = tpu.memref_slice %arg14[%add3A_63, %dma_wait3A_89] : memref<10000x128xf32, #tpu.memory_space<vmem_shared>> -> memref<48x128xf32, #tpu.memory_space<vmem_shared>>
      tpu.wait_dma2 semaphore(%run_scoped3A : memref<!tpu.dma_semaphore, #tpu.memory_space<semaphore_mem>>) src(%dma_wait3A_90 : memref<48x128xf32, #tpu.memory_space<vmem_shared>>) dst(%dma_wait3A_88 : memref<48x128xf32, #tpu.memory_space<vmem>>)
      tpu.yield
    }) : () -> ()
    %add3A_64 = arith.constant 576 : i32
    %add3A_65 = arith.addi %mul3A_0, %add3A_64 : i32
    "tpu.region"() ({
      %run_scoped3A = tpu.sem_alloc : memref<!tpu.dma_semaphore, #tpu.memory_space<semaphore_mem>>
      %dma_start3A_71 = arith.constant 0 : i32
      %dma_start3A_72 = arith.constant 0 : i32
      %dma_start3A_73 = tpu.memref_slice %arg12[%dma_start3A_71, %dma_start3A_72] : memref<192x128xf32, #tpu.memory_space<vmem>> -> memref<48x128xf32, #tpu.memory_space<vmem>>
      %dma_start3A_74 = arith.constant 0 : i32
      %dma_start3A_75 = tpu.memref_slice %arg5[%arg0, %add3A_65, %dma_start3A_74] : memref<2x10000x128xf32, #tpu.memory_space<hbm>> -> memref<1x48x128xf32, #tpu.memory_space<hbm>>
      %dma_start3A_76 = tpu.memref_squeeze %dma_start3A_75 : memref<1x48x128xf32, #tpu.memory_space<hbm>> -> memref<48x128xf32, #tpu.memory_space<hbm>>
      %dma_start3A_77 = arith.constant 0 : i32
      %dma_start3A_78 = tpu.memref_slice %arg5[%arg0, %add3A_65, %dma_start3A_77] : memref<2x10000x128xf32, #tpu.memory_space<hbm>> -> memref<1x48x128xf32, #tpu.memory_space<hbm>>
      %dma_start3A_79 = tpu.memref_squeeze %dma_start3A_78 : memref<1x48x128xf32, #tpu.memory_space<hbm>> -> memref<48x128xf32, #tpu.memory_space<hbm>>
      %dma_start3A_80 = arith.constant 0 : i32
      %dma_start3A_81 = arith.constant 0 : i32
      %dma_start3A_82 = tpu.memref_slice %arg12[%dma_start3A_80, %dma_start3A_81] : memref<192x128xf32, #tpu.memory_space<vmem>> -> memref<48x128xf32, #tpu.memory_space<vmem>>
      tpu.enqueue_dma source(%dma_start3A_82 : memref<48x128xf32, #tpu.memory_space<vmem>>) target(%dma_start3A_79 : memref<48x128xf32, #tpu.memory_space<hbm>>) target_semaphore(%run_scoped3A : memref<!tpu.dma_semaphore, #tpu.memory_space<semaphore_mem>>)
      %dma_wait3A_83 = arith.constant 0 : i32
      %dma_wait3A_84 = arith.constant 0 : i32
      %dma_wait3A_85 = tpu.memref_slice %arg12[%dma_wait3A_83, %dma_wait3A_84] : memref<192x128xf32, #tpu.memory_space<vmem>> -> memref<48x128xf32, #tpu.memory_space<vmem>>
      %dma_wait3A_86 = arith.constant 0 : i32
      %dma_wait3A_87 = tpu.memref_slice %arg5[%arg0, %add3A_65, %dma_wait3A_86] : memref<2x10000x128xf32, #tpu.memory_space<hbm>> -> memref<1x48x128xf32, #tpu.memory_space<hbm>>
      %dma_wait3A_88 = tpu.memref_squeeze %dma_wait3A_87 : memref<1x48x128xf32, #tpu.memory_space<hbm>> -> memref<48x128xf32, #tpu.memory_space<hbm>>
      %dma_wait3A_89 = arith.constant 0 : i32
      %dma_wait3A_90 = tpu.memref_slice %arg5[%arg0, %add3A_65, %dma_wait3A_89] : memref<2x10000x128xf32, #tpu.memory_space<hbm>> -> memref<1x48x128xf32, #tpu.memory_space<hbm>>
      %dma_wait3A_91 = tpu.memref_squeeze %dma_wait3A_90 : memref<1x48x128xf32, #tpu.memory_space<hbm>> -> memref<48x128xf32, #tpu.memory_space<hbm>>
      %dma_wait3A_92 = arith.constant 0 : i32
      %dma_wait3A_93 = arith.constant 0 : i32
      %dma_wait3A_94 = tpu.memref_slice %arg12[%dma_wait3A_92, %dma_wait3A_93] : memref<192x128xf32, #tpu.memory_space<vmem>> -> memref<48x128xf32, #tpu.memory_space<vmem>>
      tpu.wait_dma2 semaphore(%run_scoped3A : memref<!tpu.dma_semaphore, #tpu.memory_space<semaphore_mem>>) src(%dma_wait3A_94 : memref<48x128xf32, #tpu.memory_space<vmem>>) dst(%dma_wait3A_91 : memref<48x128xf32, #tpu.memory_space<hbm>>)
      tpu.yield
    }) : () -> ()
    %eq3A_66 = arith.constant 0 : i32
    %eq3A_67 = arith.cmpi eq, %arg1, %eq3A_66 : i32
    %convert_element_type3A_68 = arith.extui %eq3A_67 : i1 to i32
    %cond3A_69 = arith.constant 0 : i32
    %cond3A_70 = arith.cmpi ne, %convert_element_type3A_68, %cond3A_69 : i32
    scf.if %cond3A_70 {
      "tpu.region"() ({
        %run_scoped3A = tpu.sem_alloc : memref<!tpu.dma_semaphore, #tpu.memory_space<semaphore_mem>>
        %dma_start3A_71 = arith.constant 0 : i32
        %dma_start3A_72 = arith.constant 0 : i32
        %dma_start3A_73 = tpu.memref_slice %arg12[%dma_start3A_71, %dma_start3A_72] : memref<192x128xf32, #tpu.memory_space<vmem>> -> memref<16x128xf32, #tpu.memory_space<vmem>>
        %dma_start3A_74 = arith.constant 9984 : i32
        %dma_start3A_75 = arith.constant 0 : i32
        %dma_start3A_76 = tpu.memref_slice %arg14[%dma_start3A_74, %dma_start3A_75] : memref<10000x128xf32, #tpu.memory_space<vmem_shared>> -> memref<16x128xf32, #tpu.memory_space<vmem_shared>>
        %dma_start3A_77 = arith.constant 0 : i32
        %dma_start3A_78 = arith.constant 0 : i32
        %dma_start3A_79 = tpu.memref_slice %arg12[%dma_start3A_77, %dma_start3A_78] : memref<192x128xf32, #tpu.memory_space<vmem>> -> memref<16x128xf32, #tpu.memory_space<vmem>>
        %dma_start3A_80 = arith.constant 9984 : i32
        %dma_start3A_81 = arith.constant 0 : i32
        %dma_start3A_82 = tpu.memref_slice %arg14[%dma_start3A_80, %dma_start3A_81] : memref<10000x128xf32, #tpu.memory_space<vmem_shared>> -> memref<16x128xf32, #tpu.memory_space<vmem_shared>>
        tpu.enqueue_dma source(%dma_start3A_82 : memref<16x128xf32, #tpu.memory_space<vmem_shared>>) target(%dma_start3A_79 : memref<16x128xf32, #tpu.memory_space<vmem>>) target_semaphore(%run_scoped3A : memref<!tpu.dma_semaphore, #tpu.memory_space<semaphore_mem>>)
        %dma_wait3A_83 = arith.constant 0 : i32
        %dma_wait3A_84 = arith.constant 0 : i32
        %dma_wait3A_85 = tpu.memref_slice %arg12[%dma_wait3A_83, %dma_wait3A_84] : memref<192x128xf32, #tpu.memory_space<vmem>> -> memref<16x128xf32, #tpu.memory_space<vmem>>
        %dma_wait3A_86 = arith.constant 9984 : i32
        %dma_wait3A_87 = arith.constant 0 : i32
        %dma_wait3A_88 = tpu.memref_slice %arg14[%dma_wait3A_86, %dma_wait3A_87] : memref<10000x128xf32, #tpu.memory_space<vmem_shared>> -> memref<16x128xf32, #tpu.memory_space<vmem_shared>>
        %dma_wait3A_89 = arith.constant 0 : i32
        %dma_wait3A_90 = arith.constant 0 : i32
        %dma_wait3A_91 = tpu.memref_slice %arg12[%dma_wait3A_89, %dma_wait3A_90] : memref<192x128xf32, #tpu.memory_space<vmem>> -> memref<16x128xf32, #tpu.memory_space<vmem>>
        %dma_wait3A_92 = arith.constant 9984 : i32
        %dma_wait3A_93 = arith.constant 0 : i32
        %dma_wait3A_94 = tpu.memref_slice %arg14[%dma_wait3A_92, %dma_wait3A_93] : memref<10000x128xf32, #tpu.memory_space<vmem_shared>> -> memref<16x128xf32, #tpu.memory_space<vmem_shared>>
        tpu.wait_dma2 semaphore(%run_scoped3A : memref<!tpu.dma_semaphore, #tpu.memory_space<semaphore_mem>>) src(%dma_wait3A_94 : memref<16x128xf32, #tpu.memory_space<vmem_shared>>) dst(%dma_wait3A_91 : memref<16x128xf32, #tpu.memory_space<vmem>>)
        tpu.yield
      }) : () -> ()
      "tpu.region"() ({
        %run_scoped3A = tpu.sem_alloc : memref<!tpu.dma_semaphore, #tpu.memory_space<semaphore_mem>>
        %dma_start3A_71 = arith.constant 0 : i32
        %dma_start3A_72 = arith.constant 0 : i32
        %dma_start3A_73 = tpu.memref_slice %arg12[%dma_start3A_71, %dma_start3A_72] : memref<192x128xf32, #tpu.memory_space<vmem>> -> memref<16x128xf32, #tpu.memory_space<vmem>>
        %dma_start3A_74 = arith.constant 9984 : i32
        %dma_start3A_75 = arith.constant 0 : i32
        %dma_start3A_76 = tpu.memref_slice %arg5[%arg0, %dma_start3A_74, %dma_start3A_75] : memref<2x10000x128xf32, #tpu.memory_space<hbm>> -> memref<1x16x128xf32, #tpu.memory_space<hbm>>
        %dma_start3A_77 = tpu.memref_squeeze %dma_start3A_76 : memref<1x16x128xf32, #tpu.memory_space<hbm>> -> memref<16x128xf32, #tpu.memory_space<hbm>>
        %dma_start3A_78 = arith.constant 9984 : i32
        %dma_start3A_79 = arith.constant 0 : i32
        %dma_start3A_80 = tpu.memref_slice %arg5[%arg0, %dma_start3A_78, %dma_start3A_79] : memref<2x10000x128xf32, #tpu.memory_space<hbm>> -> memref<1x16x128xf32, #tpu.memory_space<hbm>>
        %dma_start3A_81 = tpu.memref_squeeze %dma_start3A_80 : memref<1x16x128xf32, #tpu.memory_space<hbm>> -> memref<16x128xf32, #tpu.memory_space<hbm>>
        %dma_start3A_82 = arith.constant 0 : i32
        %dma_start3A_83 = arith.constant 0 : i32
        %dma_start3A_84 = tpu.memref_slice %arg12[%dma_start3A_82, %dma_start3A_83] : memref<192x128xf32, #tpu.memory_space<vmem>> -> memref<16x128xf32, #tpu.memory_space<vmem>>
        tpu.enqueue_dma source(%dma_start3A_84 : memref<16x128xf32, #tpu.memory_space<vmem>>) target(%dma_start3A_81 : memref<16x128xf32, #tpu.memory_space<hbm>>) target_semaphore(%run_scoped3A : memref<!tpu.dma_semaphore, #tpu.memory_space<semaphore_mem>>)
        %dma_wait3A_85 = arith.constant 0 : i32
        %dma_wait3A_86 = arith.constant 0 : i32
        %dma_wait3A_87 = tpu.memref_slice %arg12[%dma_wait3A_85, %dma_wait3A_86] : memref<192x128xf32, #tpu.memory_space<vmem>> -> memref<16x128xf32, #tpu.memory_space<vmem>>
        %dma_wait3A_88 = arith.constant 9984 : i32
        %dma_wait3A_89 = arith.constant 0 : i32
        %dma_wait3A_90 = tpu.memref_slice %arg5[%arg0, %dma_wait3A_88, %dma_wait3A_89] : memref<2x10000x128xf32, #tpu.memory_space<hbm>> -> memref<1x16x128xf32, #tpu.memory_space<hbm>>
        %dma_wait3A_91 = tpu.memref_squeeze %dma_wait3A_90 : memref<1x16x128xf32, #tpu.memory_space<hbm>> -> memref<16x128xf32, #tpu.memory_space<hbm>>
        %dma_wait3A_92 = arith.constant 9984 : i32
        %dma_wait3A_93 = arith.constant 0 : i32
        %dma_wait3A_94 = tpu.memref_slice %arg5[%arg0, %dma_wait3A_92, %dma_wait3A_93] : memref<2x10000x128xf32, #tpu.memory_space<hbm>> -> memref<1x16x128xf32, #tpu.memory_space<hbm>>
        %dma_wait3A_95 = tpu.memref_squeeze %dma_wait3A_94 : memref<1x16x128xf32, #tpu.memory_space<hbm>> -> memref<16x128xf32, #tpu.memory_space<hbm>>
        %dma_wait3A_96 = arith.constant 0 : i32
        %dma_wait3A_97 = arith.constant 0 : i32
        %dma_wait3A_98 = tpu.memref_slice %arg12[%dma_wait3A_96, %dma_wait3A_97] : memref<192x128xf32, #tpu.memory_space<vmem>> -> memref<16x128xf32, #tpu.memory_space<vmem>>
        tpu.wait_dma2 semaphore(%run_scoped3A : memref<!tpu.dma_semaphore, #tpu.memory_space<semaphore_mem>>) src(%dma_wait3A_98 : memref<16x128xf32, #tpu.memory_space<vmem>>) dst(%dma_wait3A_95 : memref<16x128xf32, #tpu.memory_space<hbm>>)
        tpu.yield
      }) : () -> ()
    } else {
    }
    return
  }
}

#map = affine_map<(d0, d1) -> (0, 0)>
#map1 = affine_map<(d0, d1) -> (0)>
#map2 = affine_map<(d0, d1) -> (0, 0, 0)>
module attributes {stable_mosaic.version = 14 : i64} {
  func.func @_edge_kernel(%arg0: i32, %arg1: i32, %arg2: memref<10000x128xf32, #tpu.memory_space<hbm>>, %arg3: memref<320000xi32, #tpu.memory_space<hbm>>, %arg4: memref<320000xi32, #tpu.memory_space<hbm>>, %arg5: memref<2x10000x128xf32, #tpu.memory_space<hbm>>, %arg6: memref<192xi32, #tpu.memory_space<vmem>>, %arg7: memref<192xi32, #tpu.memory_space<vmem>>, %arg8: memref<192xi32, #tpu.memory_space<vmem>>, %arg9: memref<192xi32, #tpu.memory_space<vmem>>, %arg10: memref<16xi32, #tpu.memory_space<vmem>>, %arg11: memref<16xi32, #tpu.memory_space<vmem>>, %arg12: memref<192x128xf32, #tpu.memory_space<vmem>>, %arg13: memref<192x128xf32, #tpu.memory_space<vmem>>, %arg14: memref<10000x128xf32, #tpu.memory_space<vmem_shared>>, %arg15: memref<!tpu.dma_semaphore, #tpu.memory_space<semaphore_mem>>, %arg16: memref<!tpu.dma_semaphore, #tpu.memory_space<semaphore_mem>>) attributes {dimension_semantics = [#tpu.dimension_semantics<core_parallel>, #tpu.dimension_semantics<subcore_parallel>], iteration_bounds = array<i64: 2, 16>, scalar_prefetch = 0 : i64, scratch_operands = 11 : i64, tpu.core_type = #tpu.core_type<sc_vector_subcore>, window_params = [{transform_indices = #map}, {transform_indices = #map1}, {transform_indices = #map1}, {transform_indices = #map2}]} {
    %mul3A = arith.constant 624 : i32
    %mul3A_0 = arith.muli %arg1, %mul3A : i32
    %scan3A = arith.constant 0 : i32
    %scan3A_1 = arith.constant 0 : i32
    %scan3A_2 = arith.constant 192 : i32
    %scan3A_3 = arith.addi %scan3A_1, %scan3A_2 : i32
    %scan3A_4 = arith.constant 1 : i32
    %scan3A_5 = scf.for %scan3A_71 = %scan3A_1 to %scan3A_3 step %scan3A_4 iter_args(%scan3A_72 = %scan3A) -> (i32)  : i32 {
      %broadcast_in_dim3A = arith.constant 0.000000e+00 : f32
      %broadcast_in_dim3A_73 = vector.broadcast %broadcast_in_dim3A : f32 to vector<16xf32>
      %swap3A = arith.index_cast %scan3A_71 : i32 to index
      %swap3A_74 = arith.constant 0 : index
      %swap3A_75 = tpu.vector_load %arg12[%swap3A, %swap3A_74] {strides = array<i32>} : memref<192x128xf32, #tpu.memory_space<vmem>>, vector<1x16xf32>,
      %swap3A_76 = vector.shape_cast %swap3A_75 : vector<1x16xf32> to vector<16xf32>
      %swap3A_77 = vector.shape_cast %broadcast_in_dim3A_73 : vector<16xf32> to vector<1x16xf32>
      tpu.vector_store %arg12[%swap3A, %swap3A_74], %swap3A_77 {strides = array<i32>} : memref<192x128xf32, #tpu.memory_space<vmem>>, vector<1x16xf32>,
      %broadcast_in_dim3A_78 = arith.constant 0.000000e+00 : f32
      %broadcast_in_dim3A_79 = vector.broadcast %broadcast_in_dim3A_78 : f32 to vector<16xf32>
      %swap3A_80 = arith.index_cast %scan3A_71 : i32 to index
      %swap3A_81 = arith.constant 16 : index
      %swap3A_82 = tpu.vector_load %arg12[%swap3A_80, %swap3A_81] {strides = array<i32>} : memref<192x128xf32, #tpu.memory_space<vmem>>, vector<1x16xf32>,
      %swap3A_83 = vector.shape_cast %swap3A_82 : vector<1x16xf32> to vector<16xf32>
      %swap3A_84 = vector.shape_cast %broadcast_in_dim3A_79 : vector<16xf32> to vector<1x16xf32>
      tpu.vector_store %arg12[%swap3A_80, %swap3A_81], %swap3A_84 {strides = array<i32>} : memref<192x128xf32, #tpu.memory_space<vmem>>, vector<1x16xf32>,
      %broadcast_in_dim3A_85 = arith.constant 0.000000e+00 : f32
      %broadcast_in_dim3A_86 = vector.broadcast %broadcast_in_dim3A_85 : f32 to vector<16xf32>
      %swap3A_87 = arith.index_cast %scan3A_71 : i32 to index
      %swap3A_88 = arith.constant 32 : index
      %swap3A_89 = tpu.vector_load %arg12[%swap3A_87, %swap3A_88] {strides = array<i32>} : memref<192x128xf32, #tpu.memory_space<vmem>>, vector<1x16xf32>,
      %swap3A_90 = vector.shape_cast %swap3A_89 : vector<1x16xf32> to vector<16xf32>
      %swap3A_91 = vector.shape_cast %broadcast_in_dim3A_86 : vector<16xf32> to vector<1x16xf32>
      tpu.vector_store %arg12[%swap3A_87, %swap3A_88], %swap3A_91 {strides = array<i32>} : memref<192x128xf32, #tpu.memory_space<vmem>>, vector<1x16xf32>,
      %broadcast_in_dim3A_92 = arith.constant 0.000000e+00 : f32
      %broadcast_in_dim3A_93 = vector.broadcast %broadcast_in_dim3A_92 : f32 to vector<16xf32>
      %swap3A_94 = arith.index_cast %scan3A_71 : i32 to index
      %swap3A_95 = arith.constant 48 : index
      %swap3A_96 = tpu.vector_load %arg12[%swap3A_94, %swap3A_95] {strides = array<i32>} : memref<192x128xf32, #tpu.memory_space<vmem>>, vector<1x16xf32>,
      %swap3A_97 = vector.shape_cast %swap3A_96 : vector<1x16xf32> to vector<16xf32>
      %swap3A_98 = vector.shape_cast %broadcast_in_dim3A_93 : vector<16xf32> to vector<1x16xf32>
      tpu.vector_store %arg12[%swap3A_94, %swap3A_95], %swap3A_98 {strides = array<i32>} : memref<192x128xf32, #tpu.memory_space<vmem>>, vector<1x16xf32>,
      %broadcast_in_dim3A_99 = arith.constant 0.000000e+00 : f32
      %broadcast_in_dim3A_100 = vector.broadcast %broadcast_in_dim3A_99 : f32 to vector<16xf32>
      %swap3A_101 = arith.index_cast %scan3A_71 : i32 to index
      %swap3A_102 = arith.constant 64 : index
      %swap3A_103 = tpu.vector_load %arg12[%swap3A_101, %swap3A_102] {strides = array<i32>} : memref<192x128xf32, #tpu.memory_space<vmem>>, vector<1x16xf32>,
      %swap3A_104 = vector.shape_cast %swap3A_103 : vector<1x16xf32> to vector<16xf32>
      %swap3A_105 = vector.shape_cast %broadcast_in_dim3A_100 : vector<16xf32> to vector<1x16xf32>
      tpu.vector_store %arg12[%swap3A_101, %swap3A_102], %swap3A_105 {strides = array<i32>} : memref<192x128xf32, #tpu.memory_space<vmem>>, vector<1x16xf32>,
      %broadcast_in_dim3A_106 = arith.constant 0.000000e+00 : f32
      %broadcast_in_dim3A_107 = vector.broadcast %broadcast_in_dim3A_106 : f32 to vector<16xf32>
      %swap3A_108 = arith.index_cast %scan3A_71 : i32 to index
      %swap3A_109 = arith.constant 80 : index
      %swap3A_110 = tpu.vector_load %arg12[%swap3A_108, %swap3A_109] {strides = array<i32>} : memref<192x128xf32, #tpu.memory_space<vmem>>, vector<1x16xf32>,
      %swap3A_111 = vector.shape_cast %swap3A_110 : vector<1x16xf32> to vector<16xf32>
      %swap3A_112 = vector.shape_cast %broadcast_in_dim3A_107 : vector<16xf32> to vector<1x16xf32>
      tpu.vector_store %arg12[%swap3A_108, %swap3A_109], %swap3A_112 {strides = array<i32>} : memref<192x128xf32, #tpu.memory_space<vmem>>, vector<1x16xf32>,
      %broadcast_in_dim3A_113 = arith.constant 0.000000e+00 : f32
      %broadcast_in_dim3A_114 = vector.broadcast %broadcast_in_dim3A_113 : f32 to vector<16xf32>
      %swap3A_115 = arith.index_cast %scan3A_71 : i32 to index
      %swap3A_116 = arith.constant 96 : index
      %swap3A_117 = tpu.vector_load %arg12[%swap3A_115, %swap3A_116] {strides = array<i32>} : memref<192x128xf32, #tpu.memory_space<vmem>>, vector<1x16xf32>,
      %swap3A_118 = vector.shape_cast %swap3A_117 : vector<1x16xf32> to vector<16xf32>
      %swap3A_119 = vector.shape_cast %broadcast_in_dim3A_114 : vector<16xf32> to vector<1x16xf32>
      tpu.vector_store %arg12[%swap3A_115, %swap3A_116], %swap3A_119 {strides = array<i32>} : memref<192x128xf32, #tpu.memory_space<vmem>>, vector<1x16xf32>,
      %broadcast_in_dim3A_120 = arith.constant 0.000000e+00 : f32
      %broadcast_in_dim3A_121 = vector.broadcast %broadcast_in_dim3A_120 : f32 to vector<16xf32>
      %swap3A_122 = arith.index_cast %scan3A_71 : i32 to index
      %swap3A_123 = arith.constant 112 : index
      %swap3A_124 = tpu.vector_load %arg12[%swap3A_122, %swap3A_123] {strides = array<i32>} : memref<192x128xf32, #tpu.memory_space<vmem>>, vector<1x16xf32>,
      %swap3A_125 = vector.shape_cast %swap3A_124 : vector<1x16xf32> to vector<16xf32>
      %swap3A_126 = vector.shape_cast %broadcast_in_dim3A_121 : vector<16xf32> to vector<1x16xf32>
      tpu.vector_store %arg12[%swap3A_122, %swap3A_123], %swap3A_126 {strides = array<i32>} : memref<192x128xf32, #tpu.memory_space<vmem>>, vector<1x16xf32>,
      %scan3A_127 = arith.constant 0 : i32
      scf.yield %scan3A_127 : i32
    }
    %scan3A_6 = arith.constant 192 : i32
    %add3A = arith.constant 0 : i32
    %add3A_7 = arith.addi %mul3A_0, %add3A : i32
    "tpu.region"() ({
      %run_scoped3A = tpu.sem_alloc : memref<!tpu.dma_semaphore, #tpu.memory_space<semaphore_mem>>
      %dma_start3A_71 = arith.constant 0 : i32
      %dma_start3A_72 = tpu.memref_slice %arg14[%add3A_7, %dma_start3A_71] : memref<10000x128xf32, #tpu.memory_space<vmem_shared>> -> memref<192x128xf32, #tpu.memory_space<vmem_shared>>
      %dma_start3A_73 = arith.constant 0 : i32
      %dma_start3A_74 = tpu.memref_slice %arg14[%add3A_7, %dma_start3A_73] : memref<10000x128xf32, #tpu.memory_space<vmem_shared>> -> memref<192x128xf32, #tpu.memory_space<vmem_shared>>
      tpu.enqueue_dma source(%arg12 : memref<192x128xf32, #tpu.memory_space<vmem>>) target(%dma_start3A_74 : memref<192x128xf32, #tpu.memory_space<vmem_shared>>) target_semaphore(%run_scoped3A : memref<!tpu.dma_semaphore, #tpu.memory_space<semaphore_mem>>)
      %dma_wait3A_75 = arith.constant 0 : i32
      %dma_wait3A_76 = tpu.memref_slice %arg14[%add3A_7, %dma_wait3A_75] : memref<10000x128xf32, #tpu.memory_space<vmem_shared>> -> memref<192x128xf32, #tpu.memory_space<vmem_shared>>
      %dma_wait3A_77 = arith.constant 0 : i32
      %dma_wait3A_78 = tpu.memref_slice %arg14[%add3A_7, %dma_wait3A_77] : memref<10000x128xf32, #tpu.memory_space<vmem_shared>> -> memref<192x128xf32, #tpu.memory_space<vmem_shared>>
      tpu.wait_dma2 semaphore(%run_scoped3A : memref<!tpu.dma_semaphore, #tpu.memory_space<semaphore_mem>>) src(%arg12 : memref<192x128xf32, #tpu.memory_space<vmem>>) dst(%dma_wait3A_78 : memref<192x128xf32, #tpu.memory_space<vmem_shared>>)
      tpu.yield
    }) : () -> ()
    %add3A_8 = arith.constant 192 : i32
    %add3A_9 = arith.addi %mul3A_0, %add3A_8 : i32
    "tpu.region"() ({
      %run_scoped3A = tpu.sem_alloc : memref<!tpu.dma_semaphore, #tpu.memory_space<semaphore_mem>>
      %dma_start3A_71 = arith.constant 0 : i32
      %dma_start3A_72 = tpu.memref_slice %arg14[%add3A_9, %dma_start3A_71] : memref<10000x128xf32, #tpu.memory_space<vmem_shared>> -> memref<192x128xf32, #tpu.memory_space<vmem_shared>>
      %dma_start3A_73 = arith.constant 0 : i32
      %dma_start3A_74 = tpu.memref_slice %arg14[%add3A_9, %dma_start3A_73] : memref<10000x128xf32, #tpu.memory_space<vmem_shared>> -> memref<192x128xf32, #tpu.memory_space<vmem_shared>>
      tpu.enqueue_dma source(%arg12 : memref<192x128xf32, #tpu.memory_space<vmem>>) target(%dma_start3A_74 : memref<192x128xf32, #tpu.memory_space<vmem_shared>>) target_semaphore(%run_scoped3A : memref<!tpu.dma_semaphore, #tpu.memory_space<semaphore_mem>>)
      %dma_wait3A_75 = arith.constant 0 : i32
      %dma_wait3A_76 = tpu.memref_slice %arg14[%add3A_9, %dma_wait3A_75] : memref<10000x128xf32, #tpu.memory_space<vmem_shared>> -> memref<192x128xf32, #tpu.memory_space<vmem_shared>>
      %dma_wait3A_77 = arith.constant 0 : i32
      %dma_wait3A_78 = tpu.memref_slice %arg14[%add3A_9, %dma_wait3A_77] : memref<10000x128xf32, #tpu.memory_space<vmem_shared>> -> memref<192x128xf32, #tpu.memory_space<vmem_shared>>
      tpu.wait_dma2 semaphore(%run_scoped3A : memref<!tpu.dma_semaphore, #tpu.memory_space<semaphore_mem>>) src(%arg12 : memref<192x128xf32, #tpu.memory_space<vmem>>) dst(%dma_wait3A_78 : memref<192x128xf32, #tpu.memory_space<vmem_shared>>)
      tpu.yield
    }) : () -> ()
    %add3A_10 = arith.constant 384 : i32
    %add3A_11 = arith.addi %mul3A_0, %add3A_10 : i32
    "tpu.region"() ({
      %run_scoped3A = tpu.sem_alloc : memref<!tpu.dma_semaphore, #tpu.memory_space<semaphore_mem>>
      %dma_start3A_71 = arith.constant 0 : i32
      %dma_start3A_72 = tpu.memref_slice %arg14[%add3A_11, %dma_start3A_71] : memref<10000x128xf32, #tpu.memory_space<vmem_shared>> -> memref<192x128xf32, #tpu.memory_space<vmem_shared>>
      %dma_start3A_73 = arith.constant 0 : i32
      %dma_start3A_74 = tpu.memref_slice %arg14[%add3A_11, %dma_start3A_73] : memref<10000x128xf32, #tpu.memory_space<vmem_shared>> -> memref<192x128xf32, #tpu.memory_space<vmem_shared>>
      tpu.enqueue_dma source(%arg12 : memref<192x128xf32, #tpu.memory_space<vmem>>) target(%dma_start3A_74 : memref<192x128xf32, #tpu.memory_space<vmem_shared>>) target_semaphore(%run_scoped3A : memref<!tpu.dma_semaphore, #tpu.memory_space<semaphore_mem>>)
      %dma_wait3A_75 = arith.constant 0 : i32
      %dma_wait3A_76 = tpu.memref_slice %arg14[%add3A_11, %dma_wait3A_75] : memref<10000x128xf32, #tpu.memory_space<vmem_shared>> -> memref<192x128xf32, #tpu.memory_space<vmem_shared>>
      %dma_wait3A_77 = arith.constant 0 : i32
      %dma_wait3A_78 = tpu.memref_slice %arg14[%add3A_11, %dma_wait3A_77] : memref<10000x128xf32, #tpu.memory_space<vmem_shared>> -> memref<192x128xf32, #tpu.memory_space<vmem_shared>>
      tpu.wait_dma2 semaphore(%run_scoped3A : memref<!tpu.dma_semaphore, #tpu.memory_space<semaphore_mem>>) src(%arg12 : memref<192x128xf32, #tpu.memory_space<vmem>>) dst(%dma_wait3A_78 : memref<192x128xf32, #tpu.memory_space<vmem_shared>>)
      tpu.yield
    }) : () -> ()
    %add3A_12 = arith.constant 576 : i32
    %add3A_13 = arith.addi %mul3A_0, %add3A_12 : i32
    "tpu.region"() ({
      %run_scoped3A = tpu.sem_alloc : memref<!tpu.dma_semaphore, #tpu.memory_space<semaphore_mem>>
      %dma_start3A_71 = arith.constant 0 : i32
      %dma_start3A_72 = arith.constant 0 : i32
      %dma_start3A_73 = tpu.memref_slice %arg12[%dma_start3A_71, %dma_start3A_72] : memref<192x128xf32, #tpu.memory_space<vmem>> -> memref<48x128xf32, #tpu.memory_space<vmem>>
      %dma_start3A_74 = arith.constant 0 : i32
      %dma_start3A_75 = tpu.memref_slice %arg14[%add3A_13, %dma_start3A_74] : memref<10000x128xf32, #tpu.memory_space<vmem_shared>> -> memref<48x128xf32, #tpu.memory_space<vmem_shared>>
      %dma_start3A_76 = arith.constant 0 : i32
      %dma_start3A_77 = tpu.memref_slice %arg14[%add3A_13, %dma_start3A_76] : memref<10000x128xf32, #tpu.memory_space<vmem_shared>> -> memref<48x128xf32, #tpu.memory_space<vmem_shared>>
      %dma_start3A_78 = arith.constant 0 : i32
      %dma_start3A_79 = arith.constant 0 : i32
      %dma_start3A_80 = tpu.memref_slice %arg12[%dma_start3A_78, %dma_start3A_79] : memref<192x128xf32, #tpu.memory_space<vmem>> -> memref<48x128xf32, #tpu.memory_space<vmem>>
      tpu.enqueue_dma source(%dma_start3A_80 : memref<48x128xf32, #tpu.memory_space<vmem>>) target(%dma_start3A_77 : memref<48x128xf32, #tpu.memory_space<vmem_shared>>) target_semaphore(%run_scoped3A : memref<!tpu.dma_semaphore, #tpu.memory_space<semaphore_mem>>)
      %dma_wait3A_81 = arith.constant 0 : i32
      %dma_wait3A_82 = arith.constant 0 : i32
      %dma_wait3A_83 = tpu.memref_slice %arg12[%dma_wait3A_81, %dma_wait3A_82] : memref<192x128xf32, #tpu.memory_space<vmem>> -> memref<48x128xf32, #tpu.memory_space<vmem>>
      %dma_wait3A_84 = arith.constant 0 : i32
      %dma_wait3A_85 = tpu.memref_slice %arg14[%add3A_13, %dma_wait3A_84] : memref<10000x128xf32, #tpu.memory_space<vmem_shared>> -> memref<48x128xf32, #tpu.memory_space<vmem_shared>>
      %dma_wait3A_86 = arith.constant 0 : i32
      %dma_wait3A_87 = tpu.memref_slice %arg14[%add3A_13, %dma_wait3A_86] : memref<10000x128xf32, #tpu.memory_space<vmem_shared>> -> memref<48x128xf32, #tpu.memory_space<vmem_shared>>
      %dma_wait3A_88 = arith.constant 0 : i32
      %dma_wait3A_89 = arith.constant 0 : i32
      %dma_wait3A_90 = tpu.memref_slice %arg12[%dma_wait3A_88, %dma_wait3A_89] : memref<192x128xf32, #tpu.memory_space<vmem>> -> memref<48x128xf32, #tpu.memory_space<vmem>>
      tpu.wait_dma2 semaphore(%run_scoped3A : memref<!tpu.dma_semaphore, #tpu.memory_space<semaphore_mem>>) src(%dma_wait3A_90 : memref<48x128xf32, #tpu.memory_space<vmem>>) dst(%dma_wait3A_87 : memref<48x128xf32, #tpu.memory_space<vmem_shared>>)
      tpu.yield
    }) : () -> ()
    %eq3A = arith.constant 0 : i32
    %eq3A_14 = arith.cmpi eq, %arg1, %eq3A : i32
    %convert_element_type3A = arith.extui %eq3A_14 : i1 to i32
    %cond3A = arith.constant 0 : i32
    %cond3A_15 = arith.cmpi ne, %convert_element_type3A, %cond3A : i32
    scf.if %cond3A_15 {
      "tpu.region"() ({
        %run_scoped3A = tpu.sem_alloc : memref<!tpu.dma_semaphore, #tpu.memory_space<semaphore_mem>>
        %dma_start3A_71 = arith.constant 0 : i32
        %dma_start3A_72 = arith.constant 0 : i32
        %dma_start3A_73 = tpu.memref_slice %arg12[%dma_start3A_71, %dma_start3A_72] : memref<192x128xf32, #tpu.memory_space<vmem>> -> memref<16x128xf32, #tpu.memory_space<vmem>>
        %dma_start3A_74 = arith.constant 9984 : i32
        %dma_start3A_75 = arith.constant 0 : i32
        %dma_start3A_76 = tpu.memref_slice %arg14[%dma_start3A_74, %dma_start3A_75] : memref<10000x128xf32, #tpu.memory_space<vmem_shared>> -> memref<16x128xf32, #tpu.memory_space<vmem_shared>>
        %dma_start3A_77 = arith.constant 9984 : i32
        %dma_start3A_78 = arith.constant 0 : i32
        %dma_start3A_79 = tpu.memref_slice %arg14[%dma_start3A_77, %dma_start3A_78] : memref<10000x128xf32, #tpu.memory_space<vmem_shared>> -> memref<16x128xf32, #tpu.memory_space<vmem_shared>>
        %dma_start3A_80 = arith.constant 0 : i32
        %dma_start3A_81 = arith.constant 0 : i32
        %dma_start3A_82 = tpu.memref_slice %arg12[%dma_start3A_80, %dma_start3A_81] : memref<192x128xf32, #tpu.memory_space<vmem>> -> memref<16x128xf32, #tpu.memory_space<vmem>>
        tpu.enqueue_dma source(%dma_start3A_82 : memref<16x128xf32, #tpu.memory_space<vmem>>) target(%dma_start3A_79 : memref<16x128xf32, #tpu.memory_space<vmem_shared>>) target_semaphore(%run_scoped3A : memref<!tpu.dma_semaphore, #tpu.memory_space<semaphore_mem>>)
        %dma_wait3A_83 = arith.constant 0 : i32
        %dma_wait3A_84 = arith.constant 0 : i32
        %dma_wait3A_85 = tpu.memref_slice %arg12[%dma_wait3A_83, %dma_wait3A_84] : memref<192x128xf32, #tpu.memory_space<vmem>> -> memref<16x128xf32, #tpu.memory_space<vmem>>
        %dma_wait3A_86 = arith.constant 9984 : i32
        %dma_wait3A_87 = arith.constant 0 : i32
        %dma_wait3A_88 = tpu.memref_slice %arg14[%dma_wait3A_86, %dma_wait3A_87] : memref<10000x128xf32, #tpu.memory_space<vmem_shared>> -> memref<16x128xf32, #tpu.memory_space<vmem_shared>>
        %dma_wait3A_89 = arith.constant 9984 : i32
        %dma_wait3A_90 = arith.constant 0 : i32
        %dma_wait3A_91 = tpu.memref_slice %arg14[%dma_wait3A_89, %dma_wait3A_90] : memref<10000x128xf32, #tpu.memory_space<vmem_shared>> -> memref<16x128xf32, #tpu.memory_space<vmem_shared>>
        %dma_wait3A_92 = arith.constant 0 : i32
        %dma_wait3A_93 = arith.constant 0 : i32
        %dma_wait3A_94 = tpu.memref_slice %arg12[%dma_wait3A_92, %dma_wait3A_93] : memref<192x128xf32, #tpu.memory_space<vmem>> -> memref<16x128xf32, #tpu.memory_space<vmem>>
        tpu.wait_dma2 semaphore(%run_scoped3A : memref<!tpu.dma_semaphore, #tpu.memory_space<semaphore_mem>>) src(%dma_wait3A_94 : memref<16x128xf32, #tpu.memory_space<vmem>>) dst(%dma_wait3A_91 : memref<16x128xf32, #tpu.memory_space<vmem_shared>>)
        tpu.yield
      }) : () -> ()
    } else {
    }
    %barrier3A = arith.constant 0 : index
    tpu.barrier barrier_id(%barrier3A)
    %mul3A_16 = arith.constant 16 : i32
    %mul3A_17 = arith.muli %arg0, %mul3A_16 : i32
    %add3A_18 = arith.addi %mul3A_17, %arg1 : i32
    %mul3A_19 = arith.constant 10000 : i32
    %mul3A_20 = arith.muli %add3A_18, %mul3A_19 : i32
    %add3A_21 = arith.constant 0 : i32
    %add3A_22 = arith.addi %mul3A_20, %add3A_21 : i32
    "tpu.region"() ({
      %run_scoped3A = tpu.sem_alloc : memref<!tpu.dma_semaphore, #tpu.memory_space<semaphore_mem>>
      %dma_start3A_71 = tpu.memref_slice %arg3[%add3A_22] : memref<320000xi32, #tpu.memory_space<hbm>> -> memref<192xi32, #tpu.memory_space<hbm>>
      %dma_start3A_72 = tpu.memref_slice %arg3[%add3A_22] : memref<320000xi32, #tpu.memory_space<hbm>> -> memref<192xi32, #tpu.memory_space<hbm>>
      tpu.enqueue_dma source(%dma_start3A_72 : memref<192xi32, #tpu.memory_space<hbm>>) target(%arg6 : memref<192xi32, #tpu.memory_space<vmem>>) target_semaphore(%run_scoped3A : memref<!tpu.dma_semaphore, #tpu.memory_space<semaphore_mem>>)
      %dma_wait3A_73 = tpu.memref_slice %arg3[%add3A_22] : memref<320000xi32, #tpu.memory_space<hbm>> -> memref<192xi32, #tpu.memory_space<hbm>>
      %dma_wait3A_74 = tpu.memref_slice %arg3[%add3A_22] : memref<320000xi32, #tpu.memory_space<hbm>> -> memref<192xi32, #tpu.memory_space<hbm>>
      tpu.wait_dma2 semaphore(%run_scoped3A : memref<!tpu.dma_semaphore, #tpu.memory_space<semaphore_mem>>) src(%dma_wait3A_74 : memref<192xi32, #tpu.memory_space<hbm>>) dst(%arg6 : memref<192xi32, #tpu.memory_space<vmem>>)
      tpu.yield
    }) : () -> ()
    %add3A_23 = arith.constant 0 : i32
    %add3A_24 = arith.addi %mul3A_20, %add3A_23 : i32
    "tpu.region"() ({
      %run_scoped3A = tpu.sem_alloc : memref<!tpu.dma_semaphore, #tpu.memory_space<semaphore_mem>>
      %dma_start3A_71 = tpu.memref_slice %arg4[%add3A_24] : memref<320000xi32, #tpu.memory_space<hbm>> -> memref<192xi32, #tpu.memory_space<hbm>>
      %dma_start3A_72 = tpu.memref_slice %arg4[%add3A_24] : memref<320000xi32, #tpu.memory_space<hbm>> -> memref<192xi32, #tpu.memory_space<hbm>>
      tpu.enqueue_dma source(%dma_start3A_72 : memref<192xi32, #tpu.memory_space<hbm>>) target(%arg7 : memref<192xi32, #tpu.memory_space<vmem>>) target_semaphore(%run_scoped3A : memref<!tpu.dma_semaphore, #tpu.memory_space<semaphore_mem>>)
      %dma_wait3A_73 = tpu.memref_slice %arg4[%add3A_24] : memref<320000xi32, #tpu.memory_space<hbm>> -> memref<192xi32, #tpu.memory_space<hbm>>
      %dma_wait3A_74 = tpu.memref_slice %arg4[%add3A_24] : memref<320000xi32, #tpu.memory_space<hbm>> -> memref<192xi32, #tpu.memory_space<hbm>>
      tpu.wait_dma2 semaphore(%run_scoped3A : memref<!tpu.dma_semaphore, #tpu.memory_space<semaphore_mem>>) src(%dma_wait3A_74 : memref<192xi32, #tpu.memory_space<hbm>>) dst(%arg7 : memref<192xi32, #tpu.memory_space<vmem>>)
      tpu.yield
    }) : () -> ()
    %dma_start3A = arith.constant 0 : i32
    %dma_start3A_25 = arith.constant 0 : i32
    %dma_start3A_26 = tpu.memref_slice %arg2[%dma_start3A, %dma_start3A_25] : memref<10000x128xf32, #tpu.memory_space<hbm>> -> memref<10000x128xf32, #tpu.memory_space<hbm>>
    tpu.enqueue_indirect_dma source(%dma_start3A_26 : memref<10000x128xf32, #tpu.memory_space<hbm>>) target(%arg12 : memref<192x128xf32, #tpu.memory_space<vmem>>) offsets(%arg6 : memref<192xi32, #tpu.memory_space<vmem>>) semaphore(%arg15 : memref<!tpu.dma_semaphore, #tpu.memory_space<semaphore_mem>>)
    %scan3A_27 = arith.constant 0 : i32
    %scan3A_28 = arith.constant 0 : i32
    %scan3A_29 = arith.constant 26 : i32
    %scan3A_30 = arith.addi %scan3A_28, %scan3A_29 : i32
    %scan3A_31 = arith.constant 1 : i32
    %scan3A_32 = scf.for %scan3A_71 = %scan3A_28 to %scan3A_30 step %scan3A_31 iter_args(%scan3A_72 = %scan3A_27) -> (i32)  : i32 {
      %mul3A_73 = arith.constant 2 : i32
      %mul3A_74 = arith.muli %mul3A_73, %scan3A_71 : i32
      %add3A_75 = arith.constant 1 : i32
      %add3A_76 = arith.addi %mul3A_74, %add3A_75 : i32
      %mul3A_77 = arith.constant 192 : i32
      %mul3A_78 = arith.muli %add3A_76, %mul3A_77 : i32
      %add3A_79 = arith.addi %mul3A_20, %mul3A_78 : i32
      "tpu.region"() ({
        %run_scoped3A = tpu.sem_alloc : memref<!tpu.dma_semaphore, #tpu.memory_space<semaphore_mem>>
        %dma_start3A_102 = tpu.memref_slice %arg3[%add3A_79] : memref<320000xi32, #tpu.memory_space<hbm>> -> memref<192xi32, #tpu.memory_space<hbm>>
        %dma_start3A_103 = tpu.memref_slice %arg3[%add3A_79] : memref<320000xi32, #tpu.memory_space<hbm>> -> memref<192xi32, #tpu.memory_space<hbm>>
        tpu.enqueue_dma source(%dma_start3A_103 : memref<192xi32, #tpu.memory_space<hbm>>) target(%arg8 : memref<192xi32, #tpu.memory_space<vmem>>) target_semaphore(%run_scoped3A : memref<!tpu.dma_semaphore, #tpu.memory_space<semaphore_mem>>)
        %dma_wait3A_104 = tpu.memref_slice %arg3[%add3A_79] : memref<320000xi32, #tpu.memory_space<hbm>> -> memref<192xi32, #tpu.memory_space<hbm>>
        %dma_wait3A_105 = tpu.memref_slice %arg3[%add3A_79] : memref<320000xi32, #tpu.memory_space<hbm>> -> memref<192xi32, #tpu.memory_space<hbm>>
        tpu.wait_dma2 semaphore(%run_scoped3A : memref<!tpu.dma_semaphore, #tpu.memory_space<semaphore_mem>>) src(%dma_wait3A_105 : memref<192xi32, #tpu.memory_space<hbm>>) dst(%arg8 : memref<192xi32, #tpu.memory_space<vmem>>)
        tpu.yield
      }) : () -> ()
      %mul3A_80 = arith.constant 192 : i32
      %mul3A_81 = arith.muli %add3A_76, %mul3A_80 : i32
      %add3A_82 = arith.addi %mul3A_20, %mul3A_81 : i32
      "tpu.region"() ({
        %run_scoped3A = tpu.sem_alloc : memref<!tpu.dma_semaphore, #tpu.memory_space<semaphore_mem>>
        %dma_start3A_102 = tpu.memref_slice %arg4[%add3A_82] : memref<320000xi32, #tpu.memory_space<hbm>> -> memref<192xi32, #tpu.memory_space<hbm>>
        %dma_start3A_103 = tpu.memref_slice %arg4[%add3A_82] : memref<320000xi32, #tpu.memory_space<hbm>> -> memref<192xi32, #tpu.memory_space<hbm>>
        tpu.enqueue_dma source(%dma_start3A_103 : memref<192xi32, #tpu.memory_space<hbm>>) target(%arg9 : memref<192xi32, #tpu.memory_space<vmem>>) target_semaphore(%run_scoped3A : memref<!tpu.dma_semaphore, #tpu.memory_space<semaphore_mem>>)
        %dma_wait3A_104 = tpu.memref_slice %arg4[%add3A_82] : memref<320000xi32, #tpu.memory_space<hbm>> -> memref<192xi32, #tpu.memory_space<hbm>>
        %dma_wait3A_105 = tpu.memref_slice %arg4[%add3A_82] : memref<320000xi32, #tpu.memory_space<hbm>> -> memref<192xi32, #tpu.memory_space<hbm>>
        tpu.wait_dma2 semaphore(%run_scoped3A : memref<!tpu.dma_semaphore, #tpu.memory_space<semaphore_mem>>) src(%dma_wait3A_105 : memref<192xi32, #tpu.memory_space<hbm>>) dst(%arg9 : memref<192xi32, #tpu.memory_space<vmem>>)
        tpu.yield
      }) : () -> ()
      %dma_wait3A_83 = arith.constant 0 : i32
      %dma_wait3A_84 = arith.constant 0 : i32
      %dma_wait3A_85 = tpu.memref_slice %arg2[%dma_wait3A_83, %dma_wait3A_84] : memref<10000x128xf32, #tpu.memory_space<hbm>> -> memref<10000x128xf32, #tpu.memory_space<hbm>>
      tpu.wait_indirect_dma semaphore(%arg15 : memref<!tpu.dma_semaphore, #tpu.memory_space<semaphore_mem>>) src(%dma_wait3A_85 : memref<10000x128xf32, #tpu.memory_space<hbm>>) dst(%arg12 : memref<192x128xf32, #tpu.memory_space<vmem>>)
      %dma_start3A_86 = arith.constant 0 : i32
      %dma_start3A_87 = arith.constant 0 : i32
      %dma_start3A_88 = tpu.memref_slice %arg2[%dma_start3A_86, %dma_start3A_87] : memref<10000x128xf32, #tpu.memory_space<hbm>> -> memref<10000x128xf32, #tpu.memory_space<hbm>>
      tpu.enqueue_indirect_dma source(%dma_start3A_88 : memref<10000x128xf32, #tpu.memory_space<hbm>>) target(%arg13 : memref<192x128xf32, #tpu.memory_space<vmem>>) offsets(%arg8 : memref<192xi32, #tpu.memory_space<vmem>>) semaphore(%arg16 : memref<!tpu.dma_semaphore, #tpu.memory_space<semaphore_mem>>)
      "tpu.region"() ({
        %run_scoped3A = tpu.sem_alloc : memref<!tpu.dma_semaphore, #tpu.memory_space<semaphore_mem>>
        %dma_start3A_102 = arith.constant 0 : i32
        %dma_start3A_103 = arith.constant 0 : i32
        %dma_start3A_104 = tpu.memref_slice %arg14[%dma_start3A_102, %dma_start3A_103] : memref<10000x128xf32, #tpu.memory_space<vmem_shared>> -> memref<10000x128xf32, #tpu.memory_space<vmem_shared>>
        tpu.enqueue_indirect_dma source(%arg12 : memref<192x128xf32, #tpu.memory_space<vmem>>) target(%dma_start3A_104 : memref<10000x128xf32, #tpu.memory_space<vmem_shared>>) offsets(%arg7 : memref<192xi32, #tpu.memory_space<vmem>>) semaphore(%run_scoped3A : memref<!tpu.dma_semaphore, #tpu.memory_space<semaphore_mem>>) {add = true}
        %dma_wait3A_105 = arith.constant 0 : i32
        %dma_wait3A_106 = arith.constant 0 : i32
        %dma_wait3A_107 = tpu.memref_slice %arg14[%dma_wait3A_105, %dma_wait3A_106] : memref<10000x128xf32, #tpu.memory_space<vmem_shared>> -> memref<10000x128xf32, #tpu.memory_space<vmem_shared>>
        tpu.wait_indirect_dma semaphore(%run_scoped3A : memref<!tpu.dma_semaphore, #tpu.memory_space<semaphore_mem>>) src(%arg12 : memref<192x128xf32, #tpu.memory_space<vmem>>) dst(%dma_wait3A_107 : memref<10000x128xf32, #tpu.memory_space<vmem_shared>>)
        tpu.yield
      }) : () -> ()
      %lt3A = arith.constant 25 : i32
      %lt3A_89 = arith.cmpi slt, %scan3A_71, %lt3A : i32
      %convert_element_type3A_90 = arith.extui %lt3A_89 : i1 to i32
      %cond3A_91 = arith.constant 0 : i32
      %cond3A_92 = arith.cmpi ne, %convert_element_type3A_90, %cond3A_91 : i32
      scf.if %cond3A_92 {
        %mul3A_102 = arith.constant 2 : i32
        %mul3A_103 = arith.muli %mul3A_102, %scan3A_71 : i32
        %add3A_104 = arith.constant 2 : i32
        %add3A_105 = arith.addi %mul3A_103, %add3A_104 : i32
        %mul3A_106 = arith.constant 192 : i32
        %mul3A_107 = arith.muli %add3A_105, %mul3A_106 : i32
        %add3A_108 = arith.addi %mul3A_20, %mul3A_107 : i32
        "tpu.region"() ({
          %run_scoped3A = tpu.sem_alloc : memref<!tpu.dma_semaphore, #tpu.memory_space<semaphore_mem>>
          %dma_start3A_112 = tpu.memref_slice %arg3[%add3A_108] : memref<320000xi32, #tpu.memory_space<hbm>> -> memref<192xi32, #tpu.memory_space<hbm>>
          %dma_start3A_113 = tpu.memref_slice %arg3[%add3A_108] : memref<320000xi32, #tpu.memory_space<hbm>> -> memref<192xi32, #tpu.memory_space<hbm>>
          tpu.enqueue_dma source(%dma_start3A_113 : memref<192xi32, #tpu.memory_space<hbm>>) target(%arg6 : memref<192xi32, #tpu.memory_space<vmem>>) target_semaphore(%run_scoped3A : memref<!tpu.dma_semaphore, #tpu.memory_space<semaphore_mem>>)
          %dma_wait3A_114 = tpu.memref_slice %arg3[%add3A_108] : memref<320000xi32, #tpu.memory_space<hbm>> -> memref<192xi32, #tpu.memory_space<hbm>>
          %dma_wait3A_115 = tpu.memref_slice %arg3[%add3A_108] : memref<320000xi32, #tpu.memory_space<hbm>> -> memref<192xi32, #tpu.memory_space<hbm>>
          tpu.wait_dma2 semaphore(%run_scoped3A : memref<!tpu.dma_semaphore, #tpu.memory_space<semaphore_mem>>) src(%dma_wait3A_115 : memref<192xi32, #tpu.memory_space<hbm>>) dst(%arg6 : memref<192xi32, #tpu.memory_space<vmem>>)
          tpu.yield
        }) : () -> ()
        %mul3A_109 = arith.constant 192 : i32
        %mul3A_110 = arith.muli %add3A_105, %mul3A_109 : i32
        %add3A_111 = arith.addi %mul3A_20, %mul3A_110 : i32
        "tpu.region"() ({
          %run_scoped3A = tpu.sem_alloc : memref<!tpu.dma_semaphore, #tpu.memory_space<semaphore_mem>>
          %dma_start3A_112 = tpu.memref_slice %arg4[%add3A_111] : memref<320000xi32, #tpu.memory_space<hbm>> -> memref<192xi32, #tpu.memory_space<hbm>>
          %dma_start3A_113 = tpu.memref_slice %arg4[%add3A_111] : memref<320000xi32, #tpu.memory_space<hbm>> -> memref<192xi32, #tpu.memory_space<hbm>>
          tpu.enqueue_dma source(%dma_start3A_113 : memref<192xi32, #tpu.memory_space<hbm>>) target(%arg7 : memref<192xi32, #tpu.memory_space<vmem>>) target_semaphore(%run_scoped3A : memref<!tpu.dma_semaphore, #tpu.memory_space<semaphore_mem>>)
          %dma_wait3A_114 = tpu.memref_slice %arg4[%add3A_111] : memref<320000xi32, #tpu.memory_space<hbm>> -> memref<192xi32, #tpu.memory_space<hbm>>
          %dma_wait3A_115 = tpu.memref_slice %arg4[%add3A_111] : memref<320000xi32, #tpu.memory_space<hbm>> -> memref<192xi32, #tpu.memory_space<hbm>>
          tpu.wait_dma2 semaphore(%run_scoped3A : memref<!tpu.dma_semaphore, #tpu.memory_space<semaphore_mem>>) src(%dma_wait3A_115 : memref<192xi32, #tpu.memory_space<hbm>>) dst(%arg7 : memref<192xi32, #tpu.memory_space<vmem>>)
          tpu.yield
        }) : () -> ()
      } else {
      }
      %dma_wait3A_93 = arith.constant 0 : i32
      %dma_wait3A_94 = arith.constant 0 : i32
      %dma_wait3A_95 = tpu.memref_slice %arg2[%dma_wait3A_93, %dma_wait3A_94] : memref<10000x128xf32, #tpu.memory_space<hbm>> -> memref<10000x128xf32, #tpu.memory_space<hbm>>
      tpu.wait_indirect_dma semaphore(%arg16 : memref<!tpu.dma_semaphore, #tpu.memory_space<semaphore_mem>>) src(%dma_wait3A_95 : memref<10000x128xf32, #tpu.memory_space<hbm>>) dst(%arg13 : memref<192x128xf32, #tpu.memory_space<vmem>>)
      %lt3A_96 = arith.constant 25 : i32
      %lt3A_97 = arith.cmpi slt, %scan3A_71, %lt3A_96 : i32
      %convert_element_type3A_98 = arith.extui %lt3A_97 : i1 to i32
      %cond3A_99 = arith.constant 0 : i32
      %cond3A_100 = arith.cmpi ne, %convert_element_type3A_98, %cond3A_99 : i32
      scf.if %cond3A_100 {
        %dma_start3A_102 = arith.constant 0 : i32
        %dma_start3A_103 = arith.constant 0 : i32
        %dma_start3A_104 = tpu.memref_slice %arg2[%dma_start3A_102, %dma_start3A_103] : memref<10000x128xf32, #tpu.memory_space<hbm>> -> memref<10000x128xf32, #tpu.memory_space<hbm>>
        tpu.enqueue_indirect_dma source(%dma_start3A_104 : memref<10000x128xf32, #tpu.memory_space<hbm>>) target(%arg12 : memref<192x128xf32, #tpu.memory_space<vmem>>) offsets(%arg6 : memref<192xi32, #tpu.memory_space<vmem>>) semaphore(%arg15 : memref<!tpu.dma_semaphore, #tpu.memory_space<semaphore_mem>>)
      } else {
      }
      "tpu.region"() ({
        %run_scoped3A = tpu.sem_alloc : memref<!tpu.dma_semaphore, #tpu.memory_space<semaphore_mem>>
        %dma_start3A_102 = arith.constant 0 : i32
        %dma_start3A_103 = arith.constant 0 : i32
        %dma_start3A_104 = tpu.memref_slice %arg14[%dma_start3A_102, %dma_start3A_103] : memref<10000x128xf32, #tpu.memory_space<vmem_shared>> -> memref<10000x128xf32, #tpu.memory_space<vmem_shared>>
        tpu.enqueue_indirect_dma source(%arg13 : memref<192x128xf32, #tpu.memory_space<vmem>>) target(%dma_start3A_104 : memref<10000x128xf32, #tpu.memory_space<vmem_shared>>) offsets(%arg9 : memref<192xi32, #tpu.memory_space<vmem>>) semaphore(%run_scoped3A : memref<!tpu.dma_semaphore, #tpu.memory_space<semaphore_mem>>) {add = true}
        %dma_wait3A_105 = arith.constant 0 : i32
        %dma_wait3A_106 = arith.constant 0 : i32
        %dma_wait3A_107 = tpu.memref_slice %arg14[%dma_wait3A_105, %dma_wait3A_106] : memref<10000x128xf32, #tpu.memory_space<vmem_shared>> -> memref<10000x128xf32, #tpu.memory_space<vmem_shared>>
        tpu.wait_indirect_dma semaphore(%run_scoped3A : memref<!tpu.dma_semaphore, #tpu.memory_space<semaphore_mem>>) src(%arg13 : memref<192x128xf32, #tpu.memory_space<vmem>>) dst(%dma_wait3A_107 : memref<10000x128xf32, #tpu.memory_space<vmem_shared>>)
        tpu.yield
      }) : () -> ()
      %scan3A_101 = arith.constant 0 : i32
      scf.yield %scan3A_101 : i32
    }
    %scan3A_33 = arith.constant 26 : i32
    %add3A_34 = arith.constant 9984 : i32
    %add3A_35 = arith.addi %mul3A_20, %add3A_34 : i32
    "tpu.region"() ({
      %run_scoped3A = tpu.sem_alloc : memref<!tpu.dma_semaphore, #tpu.memory_space<semaphore_mem>>
      %dma_start3A_71 = tpu.memref_slice %arg3[%add3A_35] : memref<320000xi32, #tpu.memory_space<hbm>> -> memref<16xi32, #tpu.memory_space<hbm>>
      %dma_start3A_72 = tpu.memref_slice %arg3[%add3A_35] : memref<320000xi32, #tpu.memory_space<hbm>> -> memref<16xi32, #tpu.memory_space<hbm>>
      tpu.enqueue_dma source(%dma_start3A_72 : memref<16xi32, #tpu.memory_space<hbm>>) target(%arg10 : memref<16xi32, #tpu.memory_space<vmem>>) target_semaphore(%run_scoped3A : memref<!tpu.dma_semaphore, #tpu.memory_space<semaphore_mem>>)
      %dma_wait3A_73 = tpu.memref_slice %arg3[%add3A_35] : memref<320000xi32, #tpu.memory_space<hbm>> -> memref<16xi32, #tpu.memory_space<hbm>>
      %dma_wait3A_74 = tpu.memref_slice %arg3[%add3A_35] : memref<320000xi32, #tpu.memory_space<hbm>> -> memref<16xi32, #tpu.memory_space<hbm>>
      tpu.wait_dma2 semaphore(%run_scoped3A : memref<!tpu.dma_semaphore, #tpu.memory_space<semaphore_mem>>) src(%dma_wait3A_74 : memref<16xi32, #tpu.memory_space<hbm>>) dst(%arg10 : memref<16xi32, #tpu.memory_space<vmem>>)
      tpu.yield
    }) : () -> ()
    %add3A_36 = arith.constant 9984 : i32
    %add3A_37 = arith.addi %mul3A_20, %add3A_36 : i32
    "tpu.region"() ({
      %run_scoped3A = tpu.sem_alloc : memref<!tpu.dma_semaphore, #tpu.memory_space<semaphore_mem>>
      %dma_start3A_71 = tpu.memref_slice %arg4[%add3A_37] : memref<320000xi32, #tpu.memory_space<hbm>> -> memref<16xi32, #tpu.memory_space<hbm>>
      %dma_start3A_72 = tpu.memref_slice %arg4[%add3A_37] : memref<320000xi32, #tpu.memory_space<hbm>> -> memref<16xi32, #tpu.memory_space<hbm>>
      tpu.enqueue_dma source(%dma_start3A_72 : memref<16xi32, #tpu.memory_space<hbm>>) target(%arg11 : memref<16xi32, #tpu.memory_space<vmem>>) target_semaphore(%run_scoped3A : memref<!tpu.dma_semaphore, #tpu.memory_space<semaphore_mem>>)
      %dma_wait3A_73 = tpu.memref_slice %arg4[%add3A_37] : memref<320000xi32, #tpu.memory_space<hbm>> -> memref<16xi32, #tpu.memory_space<hbm>>
      %dma_wait3A_74 = tpu.memref_slice %arg4[%add3A_37] : memref<320000xi32, #tpu.memory_space<hbm>> -> memref<16xi32, #tpu.memory_space<hbm>>
      tpu.wait_dma2 semaphore(%run_scoped3A : memref<!tpu.dma_semaphore, #tpu.memory_space<semaphore_mem>>) src(%dma_wait3A_74 : memref<16xi32, #tpu.memory_space<hbm>>) dst(%arg11 : memref<16xi32, #tpu.memory_space<vmem>>)
      tpu.yield
    }) : () -> ()
    %dma_start3A_38 = arith.constant 0 : i32
    %dma_start3A_39 = arith.constant 0 : i32
    %dma_start3A_40 = tpu.memref_slice %arg12[%dma_start3A_38, %dma_start3A_39] : memref<192x128xf32, #tpu.memory_space<vmem>> -> memref<16x128xf32, #tpu.memory_space<vmem>>
    %dma_start3A_41 = arith.constant 0 : i32
    %dma_start3A_42 = arith.constant 0 : i32
    %dma_start3A_43 = tpu.memref_slice %arg2[%dma_start3A_41, %dma_start3A_42] : memref<10000x128xf32, #tpu.memory_space<hbm>> -> memref<10000x128xf32, #tpu.memory_space<hbm>>
    tpu.enqueue_indirect_dma source(%dma_start3A_43 : memref<10000x128xf32, #tpu.memory_space<hbm>>) target(%dma_start3A_40 : memref<16x128xf32, #tpu.memory_space<vmem>>) offsets(%arg10 : memref<16xi32, #tpu.memory_space<vmem>>) semaphore(%arg15 : memref<!tpu.dma_semaphore, #tpu.memory_space<semaphore_mem>>)
    %dma_wait3A = arith.constant 0 : i32
    %dma_wait3A_44 = arith.constant 0 : i32
    %dma_wait3A_45 = tpu.memref_slice %arg12[%dma_wait3A, %dma_wait3A_44] : memref<192x128xf32, #tpu.memory_space<vmem>> -> memref<16x128xf32, #tpu.memory_space<vmem>>
    %dma_wait3A_46 = arith.constant 0 : i32
    %dma_wait3A_47 = arith.constant 0 : i32
    %dma_wait3A_48 = tpu.memref_slice %arg2[%dma_wait3A_46, %dma_wait3A_47] : memref<10000x128xf32, #tpu.memory_space<hbm>> -> memref<10000x128xf32, #tpu.memory_space<hbm>>
    tpu.wait_indirect_dma semaphore(%arg15 : memref<!tpu.dma_semaphore, #tpu.memory_space<semaphore_mem>>) src(%dma_wait3A_48 : memref<10000x128xf32, #tpu.memory_space<hbm>>) dst(%dma_wait3A_45 : memref<16x128xf32, #tpu.memory_space<vmem>>)
    "tpu.region"() ({
      %run_scoped3A = tpu.sem_alloc : memref<!tpu.dma_semaphore, #tpu.memory_space<semaphore_mem>>
      %dma_start3A_71 = arith.constant 0 : i32
      %dma_start3A_72 = arith.constant 0 : i32
      %dma_start3A_73 = tpu.memref_slice %arg12[%dma_start3A_71, %dma_start3A_72] : memref<192x128xf32, #tpu.memory_space<vmem>> -> memref<16x128xf32, #tpu.memory_space<vmem>>
      %dma_start3A_74 = arith.constant 0 : i32
      %dma_start3A_75 = arith.constant 0 : i32
      %dma_start3A_76 = tpu.memref_slice %arg14[%dma_start3A_74, %dma_start3A_75] : memref<10000x128xf32, #tpu.memory_space<vmem_shared>> -> memref<10000x128xf32, #tpu.memory_space<vmem_shared>>
      tpu.enqueue_indirect_dma source(%dma_start3A_73 : memref<16x128xf32, #tpu.memory_space<vmem>>) target(%dma_start3A_76 : memref<10000x128xf32, #tpu.memory_space<vmem_shared>>) offsets(%arg11 : memref<16xi32, #tpu.memory_space<vmem>>) semaphore(%run_scoped3A : memref<!tpu.dma_semaphore, #tpu.memory_space<semaphore_mem>>) {add = true}
      %dma_wait3A_77 = arith.constant 0 : i32
      %dma_wait3A_78 = arith.constant 0 : i32
      %dma_wait3A_79 = tpu.memref_slice %arg12[%dma_wait3A_77, %dma_wait3A_78] : memref<192x128xf32, #tpu.memory_space<vmem>> -> memref<16x128xf32, #tpu.memory_space<vmem>>
      %dma_wait3A_80 = arith.constant 0 : i32
      %dma_wait3A_81 = arith.constant 0 : i32
      %dma_wait3A_82 = tpu.memref_slice %arg14[%dma_wait3A_80, %dma_wait3A_81] : memref<10000x128xf32, #tpu.memory_space<vmem_shared>> -> memref<10000x128xf32, #tpu.memory_space<vmem_shared>>
      tpu.wait_indirect_dma semaphore(%run_scoped3A : memref<!tpu.dma_semaphore, #tpu.memory_space<semaphore_mem>>) src(%dma_wait3A_79 : memref<16x128xf32, #tpu.memory_space<vmem>>) dst(%dma_wait3A_82 : memref<10000x128xf32, #tpu.memory_space<vmem_shared>>)
      tpu.yield
    }) : () -> ()
    %barrier3A_49 = arith.constant 0 : index
    tpu.barrier barrier_id(%barrier3A_49)
    %add3A_50 = arith.constant 0 : i32
    %add3A_51 = arith.addi %mul3A_0, %add3A_50 : i32
    "tpu.region"() ({
      %run_scoped3A = tpu.sem_alloc : memref<!tpu.dma_semaphore, #tpu.memory_space<semaphore_mem>>
      %dma_start3A_71 = arith.constant 0 : i32
      %dma_start3A_72 = arith.constant 0 : i32
      %dma_start3A_73 = tpu.memref_slice %arg12[%dma_start3A_71, %dma_start3A_72] : memref<192x128xf32, #tpu.memory_space<vmem>> -> memref<192x128xf32, #tpu.memory_space<vmem>>
      %dma_start3A_74 = arith.constant 0 : i32
      %dma_start3A_75 = tpu.memref_slice %arg14[%add3A_51, %dma_start3A_74] : memref<10000x128xf32, #tpu.memory_space<vmem_shared>> -> memref<192x128xf32, #tpu.memory_space<vmem_shared>>
      %dma_start3A_76 = arith.constant 0 : i32
      %dma_start3A_77 = arith.constant 0 : i32
      %dma_start3A_78 = tpu.memref_slice %arg12[%dma_start3A_76, %dma_start3A_77] : memref<192x128xf32, #tpu.memory_space<vmem>> -> memref<192x128xf32, #tpu.memory_space<vmem>>
      %dma_start3A_79 = arith.constant 0 : i32
      %dma_start3A_80 = tpu.memref_slice %arg14[%add3A_51, %dma_start3A_79] : memref<10000x128xf32, #tpu.memory_space<vmem_shared>> -> memref<192x128xf32, #tpu.memory_space<vmem_shared>>
      tpu.enqueue_dma source(%dma_start3A_80 : memref<192x128xf32, #tpu.memory_space<vmem_shared>>) target(%dma_start3A_78 : memref<192x128xf32, #tpu.memory_space<vmem>>) target_semaphore(%run_scoped3A : memref<!tpu.dma_semaphore, #tpu.memory_space<semaphore_mem>>)
      %dma_wait3A_81 = arith.constant 0 : i32
      %dma_wait3A_82 = arith.constant 0 : i32
      %dma_wait3A_83 = tpu.memref_slice %arg12[%dma_wait3A_81, %dma_wait3A_82] : memref<192x128xf32, #tpu.memory_space<vmem>> -> memref<192x128xf32, #tpu.memory_space<vmem>>
      %dma_wait3A_84 = arith.constant 0 : i32
      %dma_wait3A_85 = tpu.memref_slice %arg14[%add3A_51, %dma_wait3A_84] : memref<10000x128xf32, #tpu.memory_space<vmem_shared>> -> memref<192x128xf32, #tpu.memory_space<vmem_shared>>
      %dma_wait3A_86 = arith.constant 0 : i32
      %dma_wait3A_87 = arith.constant 0 : i32
      %dma_wait3A_88 = tpu.memref_slice %arg12[%dma_wait3A_86, %dma_wait3A_87] : memref<192x128xf32, #tpu.memory_space<vmem>> -> memref<192x128xf32, #tpu.memory_space<vmem>>
      %dma_wait3A_89 = arith.constant 0 : i32
      %dma_wait3A_90 = tpu.memref_slice %arg14[%add3A_51, %dma_wait3A_89] : memref<10000x128xf32, #tpu.memory_space<vmem_shared>> -> memref<192x128xf32, #tpu.memory_space<vmem_shared>>
      tpu.wait_dma2 semaphore(%run_scoped3A : memref<!tpu.dma_semaphore, #tpu.memory_space<semaphore_mem>>) src(%dma_wait3A_90 : memref<192x128xf32, #tpu.memory_space<vmem_shared>>) dst(%dma_wait3A_88 : memref<192x128xf32, #tpu.memory_space<vmem>>)
      tpu.yield
    }) : () -> ()
    %add3A_52 = arith.constant 0 : i32
    %add3A_53 = arith.addi %mul3A_0, %add3A_52 : i32
    "tpu.region"() ({
      %run_scoped3A = tpu.sem_alloc : memref<!tpu.dma_semaphore, #tpu.memory_space<semaphore_mem>>
      %dma_start3A_71 = arith.constant 0 : i32
      %dma_start3A_72 = arith.constant 0 : i32
      %dma_start3A_73 = tpu.memref_slice %arg12[%dma_start3A_71, %dma_start3A_72] : memref<192x128xf32, #tpu.memory_space<vmem>> -> memref<192x128xf32, #tpu.memory_space<vmem>>
      %dma_start3A_74 = arith.constant 0 : i32
      %dma_start3A_75 = tpu.memref_slice %arg5[%arg0, %add3A_53, %dma_start3A_74] : memref<2x10000x128xf32, #tpu.memory_space<hbm>> -> memref<1x192x128xf32, #tpu.memory_space<hbm>>
      %dma_start3A_76 = tpu.memref_squeeze %dma_start3A_75 : memref<1x192x128xf32, #tpu.memory_space<hbm>> -> memref<192x128xf32, #tpu.memory_space<hbm>>
      %dma_start3A_77 = arith.constant 0 : i32
      %dma_start3A_78 = tpu.memref_slice %arg5[%arg0, %add3A_53, %dma_start3A_77] : memref<2x10000x128xf32, #tpu.memory_space<hbm>> -> memref<1x192x128xf32, #tpu.memory_space<hbm>>
      %dma_start3A_79 = tpu.memref_squeeze %dma_start3A_78 : memref<1x192x128xf32, #tpu.memory_space<hbm>> -> memref<192x128xf32, #tpu.memory_space<hbm>>
      %dma_start3A_80 = arith.constant 0 : i32
      %dma_start3A_81 = arith.constant 0 : i32
      %dma_start3A_82 = tpu.memref_slice %arg12[%dma_start3A_80, %dma_start3A_81] : memref<192x128xf32, #tpu.memory_space<vmem>> -> memref<192x128xf32, #tpu.memory_space<vmem>>
      tpu.enqueue_dma source(%dma_start3A_82 : memref<192x128xf32, #tpu.memory_space<vmem>>) target(%dma_start3A_79 : memref<192x128xf32, #tpu.memory_space<hbm>>) target_semaphore(%run_scoped3A : memref<!tpu.dma_semaphore, #tpu.memory_space<semaphore_mem>>)
      %dma_wait3A_83 = arith.constant 0 : i32
      %dma_wait3A_84 = arith.constant 0 : i32
      %dma_wait3A_85 = tpu.memref_slice %arg12[%dma_wait3A_83, %dma_wait3A_84] : memref<192x128xf32, #tpu.memory_space<vmem>> -> memref<192x128xf32, #tpu.memory_space<vmem>>
      %dma_wait3A_86 = arith.constant 0 : i32
      %dma_wait3A_87 = tpu.memref_slice %arg5[%arg0, %add3A_53, %dma_wait3A_86] : memref<2x10000x128xf32, #tpu.memory_space<hbm>> -> memref<1x192x128xf32, #tpu.memory_space<hbm>>
      %dma_wait3A_88 = tpu.memref_squeeze %dma_wait3A_87 : memref<1x192x128xf32, #tpu.memory_space<hbm>> -> memref<192x128xf32, #tpu.memory_space<hbm>>
      %dma_wait3A_89 = arith.constant 0 : i32
      %dma_wait3A_90 = tpu.memref_slice %arg5[%arg0, %add3A_53, %dma_wait3A_89] : memref<2x10000x128xf32, #tpu.memory_space<hbm>> -> memref<1x192x128xf32, #tpu.memory_space<hbm>>
      %dma_wait3A_91 = tpu.memref_squeeze %dma_wait3A_90 : memref<1x192x128xf32, #tpu.memory_space<hbm>> -> memref<192x128xf32, #tpu.memory_space<hbm>>
      %dma_wait3A_92 = arith.constant 0 : i32
      %dma_wait3A_93 = arith.constant 0 : i32
      %dma_wait3A_94 = tpu.memref_slice %arg12[%dma_wait3A_92, %dma_wait3A_93] : memref<192x128xf32, #tpu.memory_space<vmem>> -> memref<192x128xf32, #tpu.memory_space<vmem>>
      tpu.wait_dma2 semaphore(%run_scoped3A : memref<!tpu.dma_semaphore, #tpu.memory_space<semaphore_mem>>) src(%dma_wait3A_94 : memref<192x128xf32, #tpu.memory_space<vmem>>) dst(%dma_wait3A_91 : memref<192x128xf32, #tpu.memory_space<hbm>>)
      tpu.yield
    }) : () -> ()
    %add3A_54 = arith.constant 192 : i32
    %add3A_55 = arith.addi %mul3A_0, %add3A_54 : i32
    "tpu.region"() ({
      %run_scoped3A = tpu.sem_alloc : memref<!tpu.dma_semaphore, #tpu.memory_space<semaphore_mem>>
      %dma_start3A_71 = arith.constant 0 : i32
      %dma_start3A_72 = arith.constant 0 : i32
      %dma_start3A_73 = tpu.memref_slice %arg12[%dma_start3A_71, %dma_start3A_72] : memref<192x128xf32, #tpu.memory_space<vmem>> -> memref<192x128xf32, #tpu.memory_space<vmem>>
      %dma_start3A_74 = arith.constant 0 : i32
      %dma_start3A_75 = tpu.memref_slice %arg14[%add3A_55, %dma_start3A_74] : memref<10000x128xf32, #tpu.memory_space<vmem_shared>> -> memref<192x128xf32, #tpu.memory_space<vmem_shared>>
      %dma_start3A_76 = arith.constant 0 : i32
      %dma_start3A_77 = arith.constant 0 : i32
      %dma_start3A_78 = tpu.memref_slice %arg12[%dma_start3A_76, %dma_start3A_77] : memref<192x128xf32, #tpu.memory_space<vmem>> -> memref<192x128xf32, #tpu.memory_space<vmem>>
      %dma_start3A_79 = arith.constant 0 : i32
      %dma_start3A_80 = tpu.memref_slice %arg14[%add3A_55, %dma_start3A_79] : memref<10000x128xf32, #tpu.memory_space<vmem_shared>> -> memref<192x128xf32, #tpu.memory_space<vmem_shared>>
      tpu.enqueue_dma source(%dma_start3A_80 : memref<192x128xf32, #tpu.memory_space<vmem_shared>>) target(%dma_start3A_78 : memref<192x128xf32, #tpu.memory_space<vmem>>) target_semaphore(%run_scoped3A : memref<!tpu.dma_semaphore, #tpu.memory_space<semaphore_mem>>)
      %dma_wait3A_81 = arith.constant 0 : i32
      %dma_wait3A_82 = arith.constant 0 : i32
      %dma_wait3A_83 = tpu.memref_slice %arg12[%dma_wait3A_81, %dma_wait3A_82] : memref<192x128xf32, #tpu.memory_space<vmem>> -> memref<192x128xf32, #tpu.memory_space<vmem>>
      %dma_wait3A_84 = arith.constant 0 : i32
      %dma_wait3A_85 = tpu.memref_slice %arg14[%add3A_55, %dma_wait3A_84] : memref<10000x128xf32, #tpu.memory_space<vmem_shared>> -> memref<192x128xf32, #tpu.memory_space<vmem_shared>>
      %dma_wait3A_86 = arith.constant 0 : i32
      %dma_wait3A_87 = arith.constant 0 : i32
      %dma_wait3A_88 = tpu.memref_slice %arg12[%dma_wait3A_86, %dma_wait3A_87] : memref<192x128xf32, #tpu.memory_space<vmem>> -> memref<192x128xf32, #tpu.memory_space<vmem>>
      %dma_wait3A_89 = arith.constant 0 : i32
      %dma_wait3A_90 = tpu.memref_slice %arg14[%add3A_55, %dma_wait3A_89] : memref<10000x128xf32, #tpu.memory_space<vmem_shared>> -> memref<192x128xf32, #tpu.memory_space<vmem_shared>>
      tpu.wait_dma2 semaphore(%run_scoped3A : memref<!tpu.dma_semaphore, #tpu.memory_space<semaphore_mem>>) src(%dma_wait3A_90 : memref<192x128xf32, #tpu.memory_space<vmem_shared>>) dst(%dma_wait3A_88 : memref<192x128xf32, #tpu.memory_space<vmem>>)
      tpu.yield
    }) : () -> ()
    %add3A_56 = arith.constant 192 : i32
    %add3A_57 = arith.addi %mul3A_0, %add3A_56 : i32
    "tpu.region"() ({
      %run_scoped3A = tpu.sem_alloc : memref<!tpu.dma_semaphore, #tpu.memory_space<semaphore_mem>>
      %dma_start3A_71 = arith.constant 0 : i32
      %dma_start3A_72 = arith.constant 0 : i32
      %dma_start3A_73 = tpu.memref_slice %arg12[%dma_start3A_71, %dma_start3A_72] : memref<192x128xf32, #tpu.memory_space<vmem>> -> memref<192x128xf32, #tpu.memory_space<vmem>>
      %dma_start3A_74 = arith.constant 0 : i32
      %dma_start3A_75 = tpu.memref_slice %arg5[%arg0, %add3A_57, %dma_start3A_74] : memref<2x10000x128xf32, #tpu.memory_space<hbm>> -> memref<1x192x128xf32, #tpu.memory_space<hbm>>
      %dma_start3A_76 = tpu.memref_squeeze %dma_start3A_75 : memref<1x192x128xf32, #tpu.memory_space<hbm>> -> memref<192x128xf32, #tpu.memory_space<hbm>>
      %dma_start3A_77 = arith.constant 0 : i32
      %dma_start3A_78 = tpu.memref_slice %arg5[%arg0, %add3A_57, %dma_start3A_77] : memref<2x10000x128xf32, #tpu.memory_space<hbm>> -> memref<1x192x128xf32, #tpu.memory_space<hbm>>
      %dma_start3A_79 = tpu.memref_squeeze %dma_start3A_78 : memref<1x192x128xf32, #tpu.memory_space<hbm>> -> memref<192x128xf32, #tpu.memory_space<hbm>>
      %dma_start3A_80 = arith.constant 0 : i32
      %dma_start3A_81 = arith.constant 0 : i32
      %dma_start3A_82 = tpu.memref_slice %arg12[%dma_start3A_80, %dma_start3A_81] : memref<192x128xf32, #tpu.memory_space<vmem>> -> memref<192x128xf32, #tpu.memory_space<vmem>>
      tpu.enqueue_dma source(%dma_start3A_82 : memref<192x128xf32, #tpu.memory_space<vmem>>) target(%dma_start3A_79 : memref<192x128xf32, #tpu.memory_space<hbm>>) target_semaphore(%run_scoped3A : memref<!tpu.dma_semaphore, #tpu.memory_space<semaphore_mem>>)
      %dma_wait3A_83 = arith.constant 0 : i32
      %dma_wait3A_84 = arith.constant 0 : i32
      %dma_wait3A_85 = tpu.memref_slice %arg12[%dma_wait3A_83, %dma_wait3A_84] : memref<192x128xf32, #tpu.memory_space<vmem>> -> memref<192x128xf32, #tpu.memory_space<vmem>>
      %dma_wait3A_86 = arith.constant 0 : i32
      %dma_wait3A_87 = tpu.memref_slice %arg5[%arg0, %add3A_57, %dma_wait3A_86] : memref<2x10000x128xf32, #tpu.memory_space<hbm>> -> memref<1x192x128xf32, #tpu.memory_space<hbm>>
      %dma_wait3A_88 = tpu.memref_squeeze %dma_wait3A_87 : memref<1x192x128xf32, #tpu.memory_space<hbm>> -> memref<192x128xf32, #tpu.memory_space<hbm>>
      %dma_wait3A_89 = arith.constant 0 : i32
      %dma_wait3A_90 = tpu.memref_slice %arg5[%arg0, %add3A_57, %dma_wait3A_89] : memref<2x10000x128xf32, #tpu.memory_space<hbm>> -> memref<1x192x128xf32, #tpu.memory_space<hbm>>
      %dma_wait3A_91 = tpu.memref_squeeze %dma_wait3A_90 : memref<1x192x128xf32, #tpu.memory_space<hbm>> -> memref<192x128xf32, #tpu.memory_space<hbm>>
      %dma_wait3A_92 = arith.constant 0 : i32
      %dma_wait3A_93 = arith.constant 0 : i32
      %dma_wait3A_94 = tpu.memref_slice %arg12[%dma_wait3A_92, %dma_wait3A_93] : memref<192x128xf32, #tpu.memory_space<vmem>> -> memref<192x128xf32, #tpu.memory_space<vmem>>
      tpu.wait_dma2 semaphore(%run_scoped3A : memref<!tpu.dma_semaphore, #tpu.memory_space<semaphore_mem>>) src(%dma_wait3A_94 : memref<192x128xf32, #tpu.memory_space<vmem>>) dst(%dma_wait3A_91 : memref<192x128xf32, #tpu.memory_space<hbm>>)
      tpu.yield
    }) : () -> ()
    %add3A_58 = arith.constant 384 : i32
    %add3A_59 = arith.addi %mul3A_0, %add3A_58 : i32
    "tpu.region"() ({
      %run_scoped3A = tpu.sem_alloc : memref<!tpu.dma_semaphore, #tpu.memory_space<semaphore_mem>>
      %dma_start3A_71 = arith.constant 0 : i32
      %dma_start3A_72 = arith.constant 0 : i32
      %dma_start3A_73 = tpu.memref_slice %arg12[%dma_start3A_71, %dma_start3A_72] : memref<192x128xf32, #tpu.memory_space<vmem>> -> memref<192x128xf32, #tpu.memory_space<vmem>>
      %dma_start3A_74 = arith.constant 0 : i32
      %dma_start3A_75 = tpu.memref_slice %arg14[%add3A_59, %dma_start3A_74] : memref<10000x128xf32, #tpu.memory_space<vmem_shared>> -> memref<192x128xf32, #tpu.memory_space<vmem_shared>>
      %dma_start3A_76 = arith.constant 0 : i32
      %dma_start3A_77 = arith.constant 0 : i32
      %dma_start3A_78 = tpu.memref_slice %arg12[%dma_start3A_76, %dma_start3A_77] : memref<192x128xf32, #tpu.memory_space<vmem>> -> memref<192x128xf32, #tpu.memory_space<vmem>>
      %dma_start3A_79 = arith.constant 0 : i32
      %dma_start3A_80 = tpu.memref_slice %arg14[%add3A_59, %dma_start3A_79] : memref<10000x128xf32, #tpu.memory_space<vmem_shared>> -> memref<192x128xf32, #tpu.memory_space<vmem_shared>>
      tpu.enqueue_dma source(%dma_start3A_80 : memref<192x128xf32, #tpu.memory_space<vmem_shared>>) target(%dma_start3A_78 : memref<192x128xf32, #tpu.memory_space<vmem>>) target_semaphore(%run_scoped3A : memref<!tpu.dma_semaphore, #tpu.memory_space<semaphore_mem>>)
      %dma_wait3A_81 = arith.constant 0 : i32
      %dma_wait3A_82 = arith.constant 0 : i32
      %dma_wait3A_83 = tpu.memref_slice %arg12[%dma_wait3A_81, %dma_wait3A_82] : memref<192x128xf32, #tpu.memory_space<vmem>> -> memref<192x128xf32, #tpu.memory_space<vmem>>
      %dma_wait3A_84 = arith.constant 0 : i32
      %dma_wait3A_85 = tpu.memref_slice %arg14[%add3A_59, %dma_wait3A_84] : memref<10000x128xf32, #tpu.memory_space<vmem_shared>> -> memref<192x128xf32, #tpu.memory_space<vmem_shared>>
      %dma_wait3A_86 = arith.constant 0 : i32
      %dma_wait3A_87 = arith.constant 0 : i32
      %dma_wait3A_88 = tpu.memref_slice %arg12[%dma_wait3A_86, %dma_wait3A_87] : memref<192x128xf32, #tpu.memory_space<vmem>> -> memref<192x128xf32, #tpu.memory_space<vmem>>
      %dma_wait3A_89 = arith.constant 0 : i32
      %dma_wait3A_90 = tpu.memref_slice %arg14[%add3A_59, %dma_wait3A_89] : memref<10000x128xf32, #tpu.memory_space<vmem_shared>> -> memref<192x128xf32, #tpu.memory_space<vmem_shared>>
      tpu.wait_dma2 semaphore(%run_scoped3A : memref<!tpu.dma_semaphore, #tpu.memory_space<semaphore_mem>>) src(%dma_wait3A_90 : memref<192x128xf32, #tpu.memory_space<vmem_shared>>) dst(%dma_wait3A_88 : memref<192x128xf32, #tpu.memory_space<vmem>>)
      tpu.yield
    }) : () -> ()
    %add3A_60 = arith.constant 384 : i32
    %add3A_61 = arith.addi %mul3A_0, %add3A_60 : i32
    "tpu.region"() ({
      %run_scoped3A = tpu.sem_alloc : memref<!tpu.dma_semaphore, #tpu.memory_space<semaphore_mem>>
      %dma_start3A_71 = arith.constant 0 : i32
      %dma_start3A_72 = arith.constant 0 : i32
      %dma_start3A_73 = tpu.memref_slice %arg12[%dma_start3A_71, %dma_start3A_72] : memref<192x128xf32, #tpu.memory_space<vmem>> -> memref<192x128xf32, #tpu.memory_space<vmem>>
      %dma_start3A_74 = arith.constant 0 : i32
      %dma_start3A_75 = tpu.memref_slice %arg5[%arg0, %add3A_61, %dma_start3A_74] : memref<2x10000x128xf32, #tpu.memory_space<hbm>> -> memref<1x192x128xf32, #tpu.memory_space<hbm>>
      %dma_start3A_76 = tpu.memref_squeeze %dma_start3A_75 : memref<1x192x128xf32, #tpu.memory_space<hbm>> -> memref<192x128xf32, #tpu.memory_space<hbm>>
      %dma_start3A_77 = arith.constant 0 : i32
      %dma_start3A_78 = tpu.memref_slice %arg5[%arg0, %add3A_61, %dma_start3A_77] : memref<2x10000x128xf32, #tpu.memory_space<hbm>> -> memref<1x192x128xf32, #tpu.memory_space<hbm>>
      %dma_start3A_79 = tpu.memref_squeeze %dma_start3A_78 : memref<1x192x128xf32, #tpu.memory_space<hbm>> -> memref<192x128xf32, #tpu.memory_space<hbm>>
      %dma_start3A_80 = arith.constant 0 : i32
      %dma_start3A_81 = arith.constant 0 : i32
      %dma_start3A_82 = tpu.memref_slice %arg12[%dma_start3A_80, %dma_start3A_81] : memref<192x128xf32, #tpu.memory_space<vmem>> -> memref<192x128xf32, #tpu.memory_space<vmem>>
      tpu.enqueue_dma source(%dma_start3A_82 : memref<192x128xf32, #tpu.memory_space<vmem>>) target(%dma_start3A_79 : memref<192x128xf32, #tpu.memory_space<hbm>>) target_semaphore(%run_scoped3A : memref<!tpu.dma_semaphore, #tpu.memory_space<semaphore_mem>>)
      %dma_wait3A_83 = arith.constant 0 : i32
      %dma_wait3A_84 = arith.constant 0 : i32
      %dma_wait3A_85 = tpu.memref_slice %arg12[%dma_wait3A_83, %dma_wait3A_84] : memref<192x128xf32, #tpu.memory_space<vmem>> -> memref<192x128xf32, #tpu.memory_space<vmem>>
      %dma_wait3A_86 = arith.constant 0 : i32
      %dma_wait3A_87 = tpu.memref_slice %arg5[%arg0, %add3A_61, %dma_wait3A_86] : memref<2x10000x128xf32, #tpu.memory_space<hbm>> -> memref<1x192x128xf32, #tpu.memory_space<hbm>>
      %dma_wait3A_88 = tpu.memref_squeeze %dma_wait3A_87 : memref<1x192x128xf32, #tpu.memory_space<hbm>> -> memref<192x128xf32, #tpu.memory_space<hbm>>
      %dma_wait3A_89 = arith.constant 0 : i32
      %dma_wait3A_90 = tpu.memref_slice %arg5[%arg0, %add3A_61, %dma_wait3A_89] : memref<2x10000x128xf32, #tpu.memory_space<hbm>> -> memref<1x192x128xf32, #tpu.memory_space<hbm>>
      %dma_wait3A_91 = tpu.memref_squeeze %dma_wait3A_90 : memref<1x192x128xf32, #tpu.memory_space<hbm>> -> memref<192x128xf32, #tpu.memory_space<hbm>>
      %dma_wait3A_92 = arith.constant 0 : i32
      %dma_wait3A_93 = arith.constant 0 : i32
      %dma_wait3A_94 = tpu.memref_slice %arg12[%dma_wait3A_92, %dma_wait3A_93] : memref<192x128xf32, #tpu.memory_space<vmem>> -> memref<192x128xf32, #tpu.memory_space<vmem>>
      tpu.wait_dma2 semaphore(%run_scoped3A : memref<!tpu.dma_semaphore, #tpu.memory_space<semaphore_mem>>) src(%dma_wait3A_94 : memref<192x128xf32, #tpu.memory_space<vmem>>) dst(%dma_wait3A_91 : memref<192x128xf32, #tpu.memory_space<hbm>>)
      tpu.yield
    }) : () -> ()
    %add3A_62 = arith.constant 576 : i32
    %add3A_63 = arith.addi %mul3A_0, %add3A_62 : i32
    "tpu.region"() ({
      %run_scoped3A = tpu.sem_alloc : memref<!tpu.dma_semaphore, #tpu.memory_space<semaphore_mem>>
      %dma_start3A_71 = arith.constant 0 : i32
      %dma_start3A_72 = arith.constant 0 : i32
      %dma_start3A_73 = tpu.memref_slice %arg12[%dma_start3A_71, %dma_start3A_72] : memref<192x128xf32, #tpu.memory_space<vmem>> -> memref<48x128xf32, #tpu.memory_space<vmem>>
      %dma_start3A_74 = arith.constant 0 : i32
      %dma_start3A_75 = tpu.memref_slice %arg14[%add3A_63, %dma_start3A_74] : memref<10000x128xf32, #tpu.memory_space<vmem_shared>> -> memref<48x128xf32, #tpu.memory_space<vmem_shared>>
      %dma_start3A_76 = arith.constant 0 : i32
      %dma_start3A_77 = arith.constant 0 : i32
      %dma_start3A_78 = tpu.memref_slice %arg12[%dma_start3A_76, %dma_start3A_77] : memref<192x128xf32, #tpu.memory_space<vmem>> -> memref<48x128xf32, #tpu.memory_space<vmem>>
      %dma_start3A_79 = arith.constant 0 : i32
      %dma_start3A_80 = tpu.memref_slice %arg14[%add3A_63, %dma_start3A_79] : memref<10000x128xf32, #tpu.memory_space<vmem_shared>> -> memref<48x128xf32, #tpu.memory_space<vmem_shared>>
      tpu.enqueue_dma source(%dma_start3A_80 : memref<48x128xf32, #tpu.memory_space<vmem_shared>>) target(%dma_start3A_78 : memref<48x128xf32, #tpu.memory_space<vmem>>) target_semaphore(%run_scoped3A : memref<!tpu.dma_semaphore, #tpu.memory_space<semaphore_mem>>)
      %dma_wait3A_81 = arith.constant 0 : i32
      %dma_wait3A_82 = arith.constant 0 : i32
      %dma_wait3A_83 = tpu.memref_slice %arg12[%dma_wait3A_81, %dma_wait3A_82] : memref<192x128xf32, #tpu.memory_space<vmem>> -> memref<48x128xf32, #tpu.memory_space<vmem>>
      %dma_wait3A_84 = arith.constant 0 : i32
      %dma_wait3A_85 = tpu.memref_slice %arg14[%add3A_63, %dma_wait3A_84] : memref<10000x128xf32, #tpu.memory_space<vmem_shared>> -> memref<48x128xf32, #tpu.memory_space<vmem_shared>>
      %dma_wait3A_86 = arith.constant 0 : i32
      %dma_wait3A_87 = arith.constant 0 : i32
      %dma_wait3A_88 = tpu.memref_slice %arg12[%dma_wait3A_86, %dma_wait3A_87] : memref<192x128xf32, #tpu.memory_space<vmem>> -> memref<48x128xf32, #tpu.memory_space<vmem>>
      %dma_wait3A_89 = arith.constant 0 : i32
      %dma_wait3A_90 = tpu.memref_slice %arg14[%add3A_63, %dma_wait3A_89] : memref<10000x128xf32, #tpu.memory_space<vmem_shared>> -> memref<48x128xf32, #tpu.memory_space<vmem_shared>>
      tpu.wait_dma2 semaphore(%run_scoped3A : memref<!tpu.dma_semaphore, #tpu.memory_space<semaphore_mem>>) src(%dma_wait3A_90 : memref<48x128xf32, #tpu.memory_space<vmem_shared>>) dst(%dma_wait3A_88 : memref<48x128xf32, #tpu.memory_space<vmem>>)
      tpu.yield
    }) : () -> ()
    %add3A_64 = arith.constant 576 : i32
    %add3A_65 = arith.addi %mul3A_0, %add3A_64 : i32
    "tpu.region"() ({
      %run_scoped3A = tpu.sem_alloc : memref<!tpu.dma_semaphore, #tpu.memory_space<semaphore_mem>>
      %dma_start3A_71 = arith.constant 0 : i32
      %dma_start3A_72 = arith.constant 0 : i32
      %dma_start3A_73 = tpu.memref_slice %arg12[%dma_start3A_71, %dma_start3A_72] : memref<192x128xf32, #tpu.memory_space<vmem>> -> memref<48x128xf32, #tpu.memory_space<vmem>>
      %dma_start3A_74 = arith.constant 0 : i32
      %dma_start3A_75 = tpu.memref_slice %arg5[%arg0, %add3A_65, %dma_start3A_74] : memref<2x10000x128xf32, #tpu.memory_space<hbm>> -> memref<1x48x128xf32, #tpu.memory_space<hbm>>
      %dma_start3A_76 = tpu.memref_squeeze %dma_start3A_75 : memref<1x48x128xf32, #tpu.memory_space<hbm>> -> memref<48x128xf32, #tpu.memory_space<hbm>>
      %dma_start3A_77 = arith.constant 0 : i32
      %dma_start3A_78 = tpu.memref_slice %arg5[%arg0, %add3A_65, %dma_start3A_77] : memref<2x10000x128xf32, #tpu.memory_space<hbm>> -> memref<1x48x128xf32, #tpu.memory_space<hbm>>
      %dma_start3A_79 = tpu.memref_squeeze %dma_start3A_78 : memref<1x48x128xf32, #tpu.memory_space<hbm>> -> memref<48x128xf32, #tpu.memory_space<hbm>>
      %dma_start3A_80 = arith.constant 0 : i32
      %dma_start3A_81 = arith.constant 0 : i32
      %dma_start3A_82 = tpu.memref_slice %arg12[%dma_start3A_80, %dma_start3A_81] : memref<192x128xf32, #tpu.memory_space<vmem>> -> memref<48x128xf32, #tpu.memory_space<vmem>>
      tpu.enqueue_dma source(%dma_start3A_82 : memref<48x128xf32, #tpu.memory_space<vmem>>) target(%dma_start3A_79 : memref<48x128xf32, #tpu.memory_space<hbm>>) target_semaphore(%run_scoped3A : memref<!tpu.dma_semaphore, #tpu.memory_space<semaphore_mem>>)
      %dma_wait3A_83 = arith.constant 0 : i32
      %dma_wait3A_84 = arith.constant 0 : i32
      %dma_wait3A_85 = tpu.memref_slice %arg12[%dma_wait3A_83, %dma_wait3A_84] : memref<192x128xf32, #tpu.memory_space<vmem>> -> memref<48x128xf32, #tpu.memory_space<vmem>>
      %dma_wait3A_86 = arith.constant 0 : i32
      %dma_wait3A_87 = tpu.memref_slice %arg5[%arg0, %add3A_65, %dma_wait3A_86] : memref<2x10000x128xf32, #tpu.memory_space<hbm>> -> memref<1x48x128xf32, #tpu.memory_space<hbm>>
      %dma_wait3A_88 = tpu.memref_squeeze %dma_wait3A_87 : memref<1x48x128xf32, #tpu.memory_space<hbm>> -> memref<48x128xf32, #tpu.memory_space<hbm>>
      %dma_wait3A_89 = arith.constant 0 : i32
      %dma_wait3A_90 = tpu.memref_slice %arg5[%arg0, %add3A_65, %dma_wait3A_89] : memref<2x10000x128xf32, #tpu.memory_space<hbm>> -> memref<1x48x128xf32, #tpu.memory_space<hbm>>
      %dma_wait3A_91 = tpu.memref_squeeze %dma_wait3A_90 : memref<1x48x128xf32, #tpu.memory_space<hbm>> -> memref<48x128xf32, #tpu.memory_space<hbm>>
      %dma_wait3A_92 = arith.constant 0 : i32
      %dma_wait3A_93 = arith.constant 0 : i32
      %dma_wait3A_94 = tpu.memref_slice %arg12[%dma_wait3A_92, %dma_wait3A_93] : memref<192x128xf32, #tpu.memory_space<vmem>> -> memref<48x128xf32, #tpu.memory_space<vmem>>
      tpu.wait_dma2 semaphore(%run_scoped3A : memref<!tpu.dma_semaphore, #tpu.memory_space<semaphore_mem>>) src(%dma_wait3A_94 : memref<48x128xf32, #tpu.memory_space<vmem>>) dst(%dma_wait3A_91 : memref<48x128xf32, #tpu.memory_space<hbm>>)
      tpu.yield
    }) : () -> ()
    %eq3A_66 = arith.constant 0 : i32
    %eq3A_67 = arith.cmpi eq, %arg1, %eq3A_66 : i32
    %convert_element_type3A_68 = arith.extui %eq3A_67 : i1 to i32
    %cond3A_69 = arith.constant 0 : i32
    %cond3A_70 = arith.cmpi ne, %convert_element_type3A_68, %cond3A_69 : i32
    scf.if %cond3A_70 {
      "tpu.region"() ({
        %run_scoped3A = tpu.sem_alloc : memref<!tpu.dma_semaphore, #tpu.memory_space<semaphore_mem>>
        %dma_start3A_71 = arith.constant 0 : i32
        %dma_start3A_72 = arith.constant 0 : i32
        %dma_start3A_73 = tpu.memref_slice %arg12[%dma_start3A_71, %dma_start3A_72] : memref<192x128xf32, #tpu.memory_space<vmem>> -> memref<16x128xf32, #tpu.memory_space<vmem>>
        %dma_start3A_74 = arith.constant 9984 : i32
        %dma_start3A_75 = arith.constant 0 : i32
        %dma_start3A_76 = tpu.memref_slice %arg14[%dma_start3A_74, %dma_start3A_75] : memref<10000x128xf32, #tpu.memory_space<vmem_shared>> -> memref<16x128xf32, #tpu.memory_space<vmem_shared>>
        %dma_start3A_77 = arith.constant 0 : i32
        %dma_start3A_78 = arith.constant 0 : i32
        %dma_start3A_79 = tpu.memref_slice %arg12[%dma_start3A_77, %dma_start3A_78] : memref<192x128xf32, #tpu.memory_space<vmem>> -> memref<16x128xf32, #tpu.memory_space<vmem>>
        %dma_start3A_80 = arith.constant 9984 : i32
        %dma_start3A_81 = arith.constant 0 : i32
        %dma_start3A_82 = tpu.memref_slice %arg14[%dma_start3A_80, %dma_start3A_81] : memref<10000x128xf32, #tpu.memory_space<vmem_shared>> -> memref<16x128xf32, #tpu.memory_space<vmem_shared>>
        tpu.enqueue_dma source(%dma_start3A_82 : memref<16x128xf32, #tpu.memory_space<vmem_shared>>) target(%dma_start3A_79 : memref<16x128xf32, #tpu.memory_space<vmem>>) target_semaphore(%run_scoped3A : memref<!tpu.dma_semaphore, #tpu.memory_space<semaphore_mem>>)
        %dma_wait3A_83 = arith.constant 0 : i32
        %dma_wait3A_84 = arith.constant 0 : i32
        %dma_wait3A_85 = tpu.memref_slice %arg12[%dma_wait3A_83, %dma_wait3A_84] : memref<192x128xf32, #tpu.memory_space<vmem>> -> memref<16x128xf32, #tpu.memory_space<vmem>>
        %dma_wait3A_86 = arith.constant 9984 : i32
        %dma_wait3A_87 = arith.constant 0 : i32
        %dma_wait3A_88 = tpu.memref_slice %arg14[%dma_wait3A_86, %dma_wait3A_87] : memref<10000x128xf32, #tpu.memory_space<vmem_shared>> -> memref<16x128xf32, #tpu.memory_space<vmem_shared>>
        %dma_wait3A_89 = arith.constant 0 : i32
        %dma_wait3A_90 = arith.constant 0 : i32
        %dma_wait3A_91 = tpu.memref_slice %arg12[%dma_wait3A_89, %dma_wait3A_90] : memref<192x128xf32, #tpu.memory_space<vmem>> -> memref<16x128xf32, #tpu.memory_space<vmem>>
        %dma_wait3A_92 = arith.constant 9984 : i32
        %dma_wait3A_93 = arith.constant 0 : i32
        %dma_wait3A_94 = tpu.memref_slice %arg14[%dma_wait3A_92, %dma_wait3A_93] : memref<10000x128xf32, #tpu.memory_space<vmem_shared>> -> memref<16x128xf32, #tpu.memory_space<vmem_shared>>
        tpu.wait_dma2 semaphore(%run_scoped3A : memref<!tpu.dma_semaphore, #tpu.memory_space<semaphore_mem>>) src(%dma_wait3A_94 : memref<16x128xf32, #tpu.memory_space<vmem_shared>>) dst(%dma_wait3A_91 : memref<16x128xf32, #tpu.memory_space<vmem>>)
        tpu.yield
      }) : () -> ()
      "tpu.region"() ({
        %run_scoped3A = tpu.sem_alloc : memref<!tpu.dma_semaphore, #tpu.memory_space<semaphore_mem>>
        %dma_start3A_71 = arith.constant 0 : i32
        %dma_start3A_72 = arith.constant 0 : i32
        %dma_start3A_73 = tpu.memref_slice %arg12[%dma_start3A_71, %dma_start3A_72] : memref<192x128xf32, #tpu.memory_space<vmem>> -> memref<16x128xf32, #tpu.memory_space<vmem>>
        %dma_start3A_74 = arith.constant 9984 : i32
        %dma_start3A_75 = arith.constant 0 : i32
        %dma_start3A_76 = tpu.memref_slice %arg5[%arg0, %dma_start3A_74, %dma_start3A_75] : memref<2x10000x128xf32, #tpu.memory_space<hbm>> -> memref<1x16x128xf32, #tpu.memory_space<hbm>>
        %dma_start3A_77 = tpu.memref_squeeze %dma_start3A_76 : memref<1x16x128xf32, #tpu.memory_space<hbm>> -> memref<16x128xf32, #tpu.memory_space<hbm>>
        %dma_start3A_78 = arith.constant 9984 : i32
        %dma_start3A_79 = arith.constant 0 : i32
        %dma_start3A_80 = tpu.memref_slice %arg5[%arg0, %dma_start3A_78, %dma_start3A_79] : memref<2x10000x128xf32, #tpu.memory_space<hbm>> -> memref<1x16x128xf32, #tpu.memory_space<hbm>>
        %dma_start3A_81 = tpu.memref_squeeze %dma_start3A_80 : memref<1x16x128xf32, #tpu.memory_space<hbm>> -> memref<16x128xf32, #tpu.memory_space<hbm>>
        %dma_start3A_82 = arith.constant 0 : i32
        %dma_start3A_83 = arith.constant 0 : i32
        %dma_start3A_84 = tpu.memref_slice %arg12[%dma_start3A_82, %dma_start3A_83] : memref<192x128xf32, #tpu.memory_space<vmem>> -> memref<16x128xf32, #tpu.memory_space<vmem>>
        tpu.enqueue_dma source(%dma_start3A_84 : memref<16x128xf32, #tpu.memory_space<vmem>>) target(%dma_start3A_81 : memref<16x128xf32, #tpu.memory_space<hbm>>) target_semaphore(%run_scoped3A : memref<!tpu.dma_semaphore, #tpu.memory_space<semaphore_mem>>)
        %dma_wait3A_85 = arith.constant 0 : i32
        %dma_wait3A_86 = arith.constant 0 : i32
        %dma_wait3A_87 = tpu.memref_slice %arg12[%dma_wait3A_85, %dma_wait3A_86] : memref<192x128xf32, #tpu.memory_space<vmem>> -> memref<16x128xf32, #tpu.memory_space<vmem>>
        %dma_wait3A_88 = arith.constant 9984 : i32
        %dma_wait3A_89 = arith.constant 0 : i32
        %dma_wait3A_90 = tpu.memref_slice %arg5[%arg0, %dma_wait3A_88, %dma_wait3A_89] : memref<2x10000x128xf32, #tpu.memory_space<hbm>> -> memref<1x16x128xf32, #tpu.memory_space<hbm>>
        %dma_wait3A_91 = tpu.memref_squeeze %dma_wait3A_90 : memref<1x16x128xf32, #tpu.memory_space<hbm>> -> memref<16x128xf32, #tpu.memory_space<hbm>>
        %dma_wait3A_92 = arith.constant 9984 : i32
        %dma_wait3A_93 = arith.constant 0 : i32
        %dma_wait3A_94 = tpu.memref_slice %arg5[%arg0, %dma_wait3A_92, %dma_wait3A_93] : memref<2x10000x128xf32, #tpu.memory_space<hbm>> -> memref<1x16x128xf32, #tpu.memory_space<hbm>>
        %dma_wait3A_95 = tpu.memref_squeeze %dma_wait3A_94 : memref<1x16x128xf32, #tpu.memory_space<hbm>> -> memref<16x128xf32, #tpu.memory_space<hbm>>
        %dma_wait3A_96 = arith.constant 0 : i32
        %dma_wait3A_97 = arith.constant 0 : i32
        %dma_wait3A_98 = tpu.memref_slice %arg12[%dma_wait3A_96, %dma_wait3A_97] : memref<192x128xf32, #tpu.memory_space<vmem>> -> memref<16x128xf32, #tpu.memory_space<vmem>>
        tpu.wait_dma2 semaphore(%run_scoped3A : memref<!tpu.dma_semaphore, #tpu.memory_space<semaphore_mem>>) src(%dma_wait3A_98 : memref<16x128xf32, #tpu.memory_space<vmem>>) dst(%dma_wait3A_95 : memref<16x128xf32, #tpu.memory_space<hbm>>)
        tpu.yield
      }) : () -> ()
    } else {
    }
    return
  }
}

#map = affine_map<(d0, d1) -> (0)>
#map1 = affine_map<(d0, d1) -> (0, 0, 0)>
#map2 = affine_map<(d0, d1) -> (0, 0)>
module attributes {stable_mosaic.version = 14 : i64} {
  func.func @_deg_cnt_kernel(%arg0: i32, %arg1: i32, %arg2: memref<320000xi32, #tpu.memory_space<hbm>>, %arg3: memref<10000xi32, #tpu.memory_space<hbm>>, %arg4: memref<2x10000x16xf32, #tpu.memory_space<hbm>>, %arg5: memref<64x16xf32, #tpu.memory_space<hbm>>, %arg6: memref<200x16xf32, #tpu.memory_space<vmem>>, %arg7: memref<200xi32, #tpu.memory_space<vmem>>, %arg8: memref<104xi32, #tpu.memory_space<vmem>>, %arg9: memref<16xi32, #tpu.memory_space<vmem>>, %arg10: memref<10000x16xf32, #tpu.memory_space<vmem_shared>>, %arg11: memref<64x16xf32, #tpu.memory_space<vmem_shared>>) attributes {dimension_semantics = [#tpu.dimension_semantics<core_parallel>, #tpu.dimension_semantics<subcore_parallel>], iteration_bounds = array<i64: 2, 16>, scalar_prefetch = 0 : i64, scratch_operands = 6 : i64, tpu.core_type = #tpu.core_type<sc_vector_subcore>, window_params = [{transform_indices = #map}, {transform_indices = #map}, {transform_indices = #map1}, {transform_indices = #map2}]} {
    %mul3A = arith.constant 624 : i32
    %mul3A_0 = arith.muli %arg1, %mul3A : i32
    %scan3A = arith.constant 0 : i32
    %scan3A_1 = arith.constant 0 : i32
    %scan3A_2 = arith.constant 200 : i32
    %scan3A_3 = arith.addi %scan3A_1, %scan3A_2 : i32
    %scan3A_4 = arith.constant 1 : i32
    %scan3A_5 = scf.for %scan3A_77 = %scan3A_1 to %scan3A_3 step %scan3A_4 iter_args(%scan3A_78 = %scan3A) -> (i32)  : i32 {
      %broadcast_in_dim3A = arith.constant 0.000000e+00 : f32
      %broadcast_in_dim3A_79 = vector.broadcast %broadcast_in_dim3A : f32 to vector<16xf32>
      %swap3A = arith.index_cast %scan3A_77 : i32 to index
      %swap3A_80 = arith.constant 0 : index
      %swap3A_81 = tpu.vector_load %arg6[%swap3A, %swap3A_80] {strides = array<i32>} : memref<200x16xf32, #tpu.memory_space<vmem>>, vector<1x16xf32>,
      %swap3A_82 = vector.shape_cast %swap3A_81 : vector<1x16xf32> to vector<16xf32>
      %swap3A_83 = vector.shape_cast %broadcast_in_dim3A_79 : vector<16xf32> to vector<1x16xf32>
      tpu.vector_store %arg6[%swap3A, %swap3A_80], %swap3A_83 {strides = array<i32>} : memref<200x16xf32, #tpu.memory_space<vmem>>, vector<1x16xf32>,
      %scan3A_84 = arith.constant 0 : i32
      scf.yield %scan3A_84 : i32
    }
    %scan3A_6 = arith.constant 200 : i32
    %add3A = arith.constant 0 : i32
    %add3A_7 = arith.addi %mul3A_0, %add3A : i32
    "tpu.region"() ({
      %run_scoped3A = tpu.sem_alloc : memref<!tpu.dma_semaphore, #tpu.memory_space<semaphore_mem>>
      %dma_start3A = arith.constant 0 : i32
      %dma_start3A_77 = tpu.memref_slice %arg10[%add3A_7, %dma_start3A] : memref<10000x16xf32, #tpu.memory_space<vmem_shared>> -> memref<200x16xf32, #tpu.memory_space<vmem_shared>>
      %dma_start3A_78 = arith.constant 0 : i32
      %dma_start3A_79 = tpu.memref_slice %arg10[%add3A_7, %dma_start3A_78] : memref<10000x16xf32, #tpu.memory_space<vmem_shared>> -> memref<200x16xf32, #tpu.memory_space<vmem_shared>>
      tpu.enqueue_dma source(%arg6 : memref<200x16xf32, #tpu.memory_space<vmem>>) target(%dma_start3A_79 : memref<200x16xf32, #tpu.memory_space<vmem_shared>>) target_semaphore(%run_scoped3A : memref<!tpu.dma_semaphore, #tpu.memory_space<semaphore_mem>>)
      %dma_wait3A = arith.constant 0 : i32
      %dma_wait3A_80 = tpu.memref_slice %arg10[%add3A_7, %dma_wait3A] : memref<10000x16xf32, #tpu.memory_space<vmem_shared>> -> memref<200x16xf32, #tpu.memory_space<vmem_shared>>
      %dma_wait3A_81 = arith.constant 0 : i32
      %dma_wait3A_82 = tpu.memref_slice %arg10[%add3A_7, %dma_wait3A_81] : memref<10000x16xf32, #tpu.memory_space<vmem_shared>> -> memref<200x16xf32, #tpu.memory_space<vmem_shared>>
      tpu.wait_dma2 semaphore(%run_scoped3A : memref<!tpu.dma_semaphore, #tpu.memory_space<semaphore_mem>>) src(%arg6 : memref<200x16xf32, #tpu.memory_space<vmem>>) dst(%dma_wait3A_82 : memref<200x16xf32, #tpu.memory_space<vmem_shared>>)
      tpu.yield
    }) : () -> ()
    %add3A_8 = arith.constant 200 : i32
    %add3A_9 = arith.addi %mul3A_0, %add3A_8 : i32
    "tpu.region"() ({
      %run_scoped3A = tpu.sem_alloc : memref<!tpu.dma_semaphore, #tpu.memory_space<semaphore_mem>>
      %dma_start3A = arith.constant 0 : i32
      %dma_start3A_77 = tpu.memref_slice %arg10[%add3A_9, %dma_start3A] : memref<10000x16xf32, #tpu.memory_space<vmem_shared>> -> memref<200x16xf32, #tpu.memory_space<vmem_shared>>
      %dma_start3A_78 = arith.constant 0 : i32
      %dma_start3A_79 = tpu.memref_slice %arg10[%add3A_9, %dma_start3A_78] : memref<10000x16xf32, #tpu.memory_space<vmem_shared>> -> memref<200x16xf32, #tpu.memory_space<vmem_shared>>
      tpu.enqueue_dma source(%arg6 : memref<200x16xf32, #tpu.memory_space<vmem>>) target(%dma_start3A_79 : memref<200x16xf32, #tpu.memory_space<vmem_shared>>) target_semaphore(%run_scoped3A : memref<!tpu.dma_semaphore, #tpu.memory_space<semaphore_mem>>)
      %dma_wait3A = arith.constant 0 : i32
      %dma_wait3A_80 = tpu.memref_slice %arg10[%add3A_9, %dma_wait3A] : memref<10000x16xf32, #tpu.memory_space<vmem_shared>> -> memref<200x16xf32, #tpu.memory_space<vmem_shared>>
      %dma_wait3A_81 = arith.constant 0 : i32
      %dma_wait3A_82 = tpu.memref_slice %arg10[%add3A_9, %dma_wait3A_81] : memref<10000x16xf32, #tpu.memory_space<vmem_shared>> -> memref<200x16xf32, #tpu.memory_space<vmem_shared>>
      tpu.wait_dma2 semaphore(%run_scoped3A : memref<!tpu.dma_semaphore, #tpu.memory_space<semaphore_mem>>) src(%arg6 : memref<200x16xf32, #tpu.memory_space<vmem>>) dst(%dma_wait3A_82 : memref<200x16xf32, #tpu.memory_space<vmem_shared>>)
      tpu.yield
    }) : () -> ()
    %add3A_10 = arith.constant 400 : i32
    %add3A_11 = arith.addi %mul3A_0, %add3A_10 : i32
    "tpu.region"() ({
      %run_scoped3A = tpu.sem_alloc : memref<!tpu.dma_semaphore, #tpu.memory_space<semaphore_mem>>
      %dma_start3A = arith.constant 0 : i32
      %dma_start3A_77 = tpu.memref_slice %arg10[%add3A_11, %dma_start3A] : memref<10000x16xf32, #tpu.memory_space<vmem_shared>> -> memref<200x16xf32, #tpu.memory_space<vmem_shared>>
      %dma_start3A_78 = arith.constant 0 : i32
      %dma_start3A_79 = tpu.memref_slice %arg10[%add3A_11, %dma_start3A_78] : memref<10000x16xf32, #tpu.memory_space<vmem_shared>> -> memref<200x16xf32, #tpu.memory_space<vmem_shared>>
      tpu.enqueue_dma source(%arg6 : memref<200x16xf32, #tpu.memory_space<vmem>>) target(%dma_start3A_79 : memref<200x16xf32, #tpu.memory_space<vmem_shared>>) target_semaphore(%run_scoped3A : memref<!tpu.dma_semaphore, #tpu.memory_space<semaphore_mem>>)
      %dma_wait3A = arith.constant 0 : i32
      %dma_wait3A_80 = tpu.memref_slice %arg10[%add3A_11, %dma_wait3A] : memref<10000x16xf32, #tpu.memory_space<vmem_shared>> -> memref<200x16xf32, #tpu.memory_space<vmem_shared>>
      %dma_wait3A_81 = arith.constant 0 : i32
      %dma_wait3A_82 = tpu.memref_slice %arg10[%add3A_11, %dma_wait3A_81] : memref<10000x16xf32, #tpu.memory_space<vmem_shared>> -> memref<200x16xf32, #tpu.memory_space<vmem_shared>>
      tpu.wait_dma2 semaphore(%run_scoped3A : memref<!tpu.dma_semaphore, #tpu.memory_space<semaphore_mem>>) src(%arg6 : memref<200x16xf32, #tpu.memory_space<vmem>>) dst(%dma_wait3A_82 : memref<200x16xf32, #tpu.memory_space<vmem_shared>>)
      tpu.yield
    }) : () -> ()
    %add3A_12 = arith.constant 600 : i32
    %add3A_13 = arith.addi %mul3A_0, %add3A_12 : i32
    "tpu.region"() ({
      %run_scoped3A = tpu.sem_alloc : memref<!tpu.dma_semaphore, #tpu.memory_space<semaphore_mem>>
      %dma_start3A = arith.constant 0 : i32
      %dma_start3A_77 = arith.constant 0 : i32
      %dma_start3A_78 = tpu.memref_slice %arg6[%dma_start3A, %dma_start3A_77] : memref<200x16xf32, #tpu.memory_space<vmem>> -> memref<24x16xf32, #tpu.memory_space<vmem>>
      %dma_start3A_79 = arith.constant 0 : i32
      %dma_start3A_80 = tpu.memref_slice %arg10[%add3A_13, %dma_start3A_79] : memref<10000x16xf32, #tpu.memory_space<vmem_shared>> -> memref<24x16xf32, #tpu.memory_space<vmem_shared>>
      %dma_start3A_81 = arith.constant 0 : i32
      %dma_start3A_82 = tpu.memref_slice %arg10[%add3A_13, %dma_start3A_81] : memref<10000x16xf32, #tpu.memory_space<vmem_shared>> -> memref<24x16xf32, #tpu.memory_space<vmem_shared>>
      %dma_start3A_83 = arith.constant 0 : i32
      %dma_start3A_84 = arith.constant 0 : i32
      %dma_start3A_85 = tpu.memref_slice %arg6[%dma_start3A_83, %dma_start3A_84] : memref<200x16xf32, #tpu.memory_space<vmem>> -> memref<24x16xf32, #tpu.memory_space<vmem>>
      tpu.enqueue_dma source(%dma_start3A_85 : memref<24x16xf32, #tpu.memory_space<vmem>>) target(%dma_start3A_82 : memref<24x16xf32, #tpu.memory_space<vmem_shared>>) target_semaphore(%run_scoped3A : memref<!tpu.dma_semaphore, #tpu.memory_space<semaphore_mem>>)
      %dma_wait3A = arith.constant 0 : i32
      %dma_wait3A_86 = arith.constant 0 : i32
      %dma_wait3A_87 = tpu.memref_slice %arg6[%dma_wait3A, %dma_wait3A_86] : memref<200x16xf32, #tpu.memory_space<vmem>> -> memref<24x16xf32, #tpu.memory_space<vmem>>
      %dma_wait3A_88 = arith.constant 0 : i32
      %dma_wait3A_89 = tpu.memref_slice %arg10[%add3A_13, %dma_wait3A_88] : memref<10000x16xf32, #tpu.memory_space<vmem_shared>> -> memref<24x16xf32, #tpu.memory_space<vmem_shared>>
      %dma_wait3A_90 = arith.constant 0 : i32
      %dma_wait3A_91 = tpu.memref_slice %arg10[%add3A_13, %dma_wait3A_90] : memref<10000x16xf32, #tpu.memory_space<vmem_shared>> -> memref<24x16xf32, #tpu.memory_space<vmem_shared>>
      %dma_wait3A_92 = arith.constant 0 : i32
      %dma_wait3A_93 = arith.constant 0 : i32
      %dma_wait3A_94 = tpu.memref_slice %arg6[%dma_wait3A_92, %dma_wait3A_93] : memref<200x16xf32, #tpu.memory_space<vmem>> -> memref<24x16xf32, #tpu.memory_space<vmem>>
      tpu.wait_dma2 semaphore(%run_scoped3A : memref<!tpu.dma_semaphore, #tpu.memory_space<semaphore_mem>>) src(%dma_wait3A_94 : memref<24x16xf32, #tpu.memory_space<vmem>>) dst(%dma_wait3A_91 : memref<24x16xf32, #tpu.memory_space<vmem_shared>>)
      tpu.yield
    }) : () -> ()
    %eq3A = arith.constant 0 : i32
    %eq3A_14 = arith.cmpi eq, %arg1, %eq3A : i32
    %convert_element_type3A = arith.extui %eq3A_14 : i1 to i32
    %cond3A = arith.constant 0 : i32
    %cond3A_15 = arith.cmpi ne, %convert_element_type3A, %cond3A : i32
    scf.if %cond3A_15 {
      "tpu.region"() ({
        %run_scoped3A = tpu.sem_alloc : memref<!tpu.dma_semaphore, #tpu.memory_space<semaphore_mem>>
        %dma_start3A = arith.constant 0 : i32
        %dma_start3A_77 = arith.constant 0 : i32
        %dma_start3A_78 = tpu.memref_slice %arg6[%dma_start3A, %dma_start3A_77] : memref<200x16xf32, #tpu.memory_space<vmem>> -> memref<16x16xf32, #tpu.memory_space<vmem>>
        %dma_start3A_79 = arith.constant 9984 : i32
        %dma_start3A_80 = arith.constant 0 : i32
        %dma_start3A_81 = tpu.memref_slice %arg10[%dma_start3A_79, %dma_start3A_80] : memref<10000x16xf32, #tpu.memory_space<vmem_shared>> -> memref<16x16xf32, #tpu.memory_space<vmem_shared>>
        %dma_start3A_82 = arith.constant 9984 : i32
        %dma_start3A_83 = arith.constant 0 : i32
        %dma_start3A_84 = tpu.memref_slice %arg10[%dma_start3A_82, %dma_start3A_83] : memref<10000x16xf32, #tpu.memory_space<vmem_shared>> -> memref<16x16xf32, #tpu.memory_space<vmem_shared>>
        %dma_start3A_85 = arith.constant 0 : i32
        %dma_start3A_86 = arith.constant 0 : i32
        %dma_start3A_87 = tpu.memref_slice %arg6[%dma_start3A_85, %dma_start3A_86] : memref<200x16xf32, #tpu.memory_space<vmem>> -> memref<16x16xf32, #tpu.memory_space<vmem>>
        tpu.enqueue_dma source(%dma_start3A_87 : memref<16x16xf32, #tpu.memory_space<vmem>>) target(%dma_start3A_84 : memref<16x16xf32, #tpu.memory_space<vmem_shared>>) target_semaphore(%run_scoped3A : memref<!tpu.dma_semaphore, #tpu.memory_space<semaphore_mem>>)
        %dma_wait3A = arith.constant 0 : i32
        %dma_wait3A_88 = arith.constant 0 : i32
        %dma_wait3A_89 = tpu.memref_slice %arg6[%dma_wait3A, %dma_wait3A_88] : memref<200x16xf32, #tpu.memory_space<vmem>> -> memref<16x16xf32, #tpu.memory_space<vmem>>
        %dma_wait3A_90 = arith.constant 9984 : i32
        %dma_wait3A_91 = arith.constant 0 : i32
        %dma_wait3A_92 = tpu.memref_slice %arg10[%dma_wait3A_90, %dma_wait3A_91] : memref<10000x16xf32, #tpu.memory_space<vmem_shared>> -> memref<16x16xf32, #tpu.memory_space<vmem_shared>>
        %dma_wait3A_93 = arith.constant 9984 : i32
        %dma_wait3A_94 = arith.constant 0 : i32
        %dma_wait3A_95 = tpu.memref_slice %arg10[%dma_wait3A_93, %dma_wait3A_94] : memref<10000x16xf32, #tpu.memory_space<vmem_shared>> -> memref<16x16xf32, #tpu.memory_space<vmem_shared>>
        %dma_wait3A_96 = arith.constant 0 : i32
        %dma_wait3A_97 = arith.constant 0 : i32
        %dma_wait3A_98 = tpu.memref_slice %arg6[%dma_wait3A_96, %dma_wait3A_97] : memref<200x16xf32, #tpu.memory_space<vmem>> -> memref<16x16xf32, #tpu.memory_space<vmem>>
        tpu.wait_dma2 semaphore(%run_scoped3A : memref<!tpu.dma_semaphore, #tpu.memory_space<semaphore_mem>>) src(%dma_wait3A_98 : memref<16x16xf32, #tpu.memory_space<vmem>>) dst(%dma_wait3A_95 : memref<16x16xf32, #tpu.memory_space<vmem_shared>>)
        tpu.yield
      }) : () -> ()
      "tpu.region"() ({
        %run_scoped3A = tpu.sem_alloc : memref<!tpu.dma_semaphore, #tpu.memory_space<semaphore_mem>>
        %dma_start3A = arith.constant 0 : i32
        %dma_start3A_77 = arith.constant 0 : i32
        %dma_start3A_78 = tpu.memref_slice %arg6[%dma_start3A, %dma_start3A_77] : memref<200x16xf32, #tpu.memory_space<vmem>> -> memref<64x16xf32, #tpu.memory_space<vmem>>
        %dma_start3A_79 = arith.constant 0 : i32
        %dma_start3A_80 = arith.constant 0 : i32
        %dma_start3A_81 = tpu.memref_slice %arg6[%dma_start3A_79, %dma_start3A_80] : memref<200x16xf32, #tpu.memory_space<vmem>> -> memref<64x16xf32, #tpu.memory_space<vmem>>
        tpu.enqueue_dma source(%dma_start3A_81 : memref<64x16xf32, #tpu.memory_space<vmem>>) target(%arg11 : memref<64x16xf32, #tpu.memory_space<vmem_shared>>) target_semaphore(%run_scoped3A : memref<!tpu.dma_semaphore, #tpu.memory_space<semaphore_mem>>)
        %dma_wait3A = arith.constant 0 : i32
        %dma_wait3A_82 = arith.constant 0 : i32
        %dma_wait3A_83 = tpu.memref_slice %arg6[%dma_wait3A, %dma_wait3A_82] : memref<200x16xf32, #tpu.memory_space<vmem>> -> memref<64x16xf32, #tpu.memory_space<vmem>>
        %dma_wait3A_84 = arith.constant 0 : i32
        %dma_wait3A_85 = arith.constant 0 : i32
        %dma_wait3A_86 = tpu.memref_slice %arg6[%dma_wait3A_84, %dma_wait3A_85] : memref<200x16xf32, #tpu.memory_space<vmem>> -> memref<64x16xf32, #tpu.memory_space<vmem>>
        tpu.wait_dma2 semaphore(%run_scoped3A : memref<!tpu.dma_semaphore, #tpu.memory_space<semaphore_mem>>) src(%dma_wait3A_86 : memref<64x16xf32, #tpu.memory_space<vmem>>) dst(%arg11 : memref<64x16xf32, #tpu.memory_space<vmem_shared>>)
        tpu.yield
      }) : () -> ()
    } else {
    }
    %scan3A_16 = arith.constant 0 : i32
    %scan3A_17 = arith.constant 0 : i32
    %scan3A_18 = arith.constant 200 : i32
    %scan3A_19 = arith.addi %scan3A_17, %scan3A_18 : i32
    %scan3A_20 = arith.constant 1 : i32
    %scan3A_21 = scf.for %scan3A_77 = %scan3A_17 to %scan3A_19 step %scan3A_20 iter_args(%scan3A_78 = %scan3A_16) -> (i32)  : i32 {
      %broadcast_in_dim3A = arith.constant 1.000000e+00 : f32
      %broadcast_in_dim3A_79 = vector.broadcast %broadcast_in_dim3A : f32 to vector<16xf32>
      %swap3A = arith.index_cast %scan3A_77 : i32 to index
      %swap3A_80 = arith.constant 0 : index
      %swap3A_81 = tpu.vector_load %arg6[%swap3A, %swap3A_80] {strides = array<i32>} : memref<200x16xf32, #tpu.memory_space<vmem>>, vector<1x16xf32>,
      %swap3A_82 = vector.shape_cast %swap3A_81 : vector<1x16xf32> to vector<16xf32>
      %swap3A_83 = vector.shape_cast %broadcast_in_dim3A_79 : vector<16xf32> to vector<1x16xf32>
      tpu.vector_store %arg6[%swap3A, %swap3A_80], %swap3A_83 {strides = array<i32>} : memref<200x16xf32, #tpu.memory_space<vmem>>, vector<1x16xf32>,
      %scan3A_84 = arith.constant 0 : i32
      scf.yield %scan3A_84 : i32
    }
    %scan3A_22 = arith.constant 200 : i32
    %barrier3A = arith.constant 0 : index
    tpu.barrier barrier_id(%barrier3A)
    %mul3A_23 = arith.constant 16 : i32
    %mul3A_24 = arith.muli %arg0, %mul3A_23 : i32
    %add3A_25 = arith.addi %mul3A_24, %arg1 : i32
    %mul3A_26 = arith.constant 10000 : i32
    %mul3A_27 = arith.muli %add3A_25, %mul3A_26 : i32
    %scan3A_28 = arith.constant 0 : i32
    %scan3A_29 = arith.constant 0 : i32
    %scan3A_30 = arith.constant 50 : i32
    %scan3A_31 = arith.addi %scan3A_29, %scan3A_30 : i32
    %scan3A_32 = arith.constant 1 : i32
    %scan3A_33 = scf.for %scan3A_77 = %scan3A_29 to %scan3A_31 step %scan3A_32 iter_args(%scan3A_78 = %scan3A_28) -> (i32)  : i32 {
      %mul3A_79 = arith.constant 200 : i32
      %mul3A_80 = arith.muli %scan3A_77, %mul3A_79 : i32
      %add3A_81 = arith.addi %mul3A_27, %mul3A_80 : i32
      "tpu.region"() ({
        %run_scoped3A = tpu.sem_alloc : memref<!tpu.dma_semaphore, #tpu.memory_space<semaphore_mem>>
        %dma_start3A = tpu.memref_slice %arg2[%add3A_81] : memref<320000xi32, #tpu.memory_space<hbm>> -> memref<200xi32, #tpu.memory_space<hbm>>
        %dma_start3A_83 = tpu.memref_slice %arg2[%add3A_81] : memref<320000xi32, #tpu.memory_space<hbm>> -> memref<200xi32, #tpu.memory_space<hbm>>
        tpu.enqueue_dma source(%dma_start3A_83 : memref<200xi32, #tpu.memory_space<hbm>>) target(%arg7 : memref<200xi32, #tpu.memory_space<vmem>>) target_semaphore(%run_scoped3A : memref<!tpu.dma_semaphore, #tpu.memory_space<semaphore_mem>>)
        %dma_wait3A = tpu.memref_slice %arg2[%add3A_81] : memref<320000xi32, #tpu.memory_space<hbm>> -> memref<200xi32, #tpu.memory_space<hbm>>
        %dma_wait3A_84 = tpu.memref_slice %arg2[%add3A_81] : memref<320000xi32, #tpu.memory_space<hbm>> -> memref<200xi32, #tpu.memory_space<hbm>>
        tpu.wait_dma2 semaphore(%run_scoped3A : memref<!tpu.dma_semaphore, #tpu.memory_space<semaphore_mem>>) src(%dma_wait3A_84 : memref<200xi32, #tpu.memory_space<hbm>>) dst(%arg7 : memref<200xi32, #tpu.memory_space<vmem>>)
        tpu.yield
      }) : () -> ()
      "tpu.region"() ({
        %run_scoped3A = tpu.sem_alloc : memref<!tpu.dma_semaphore, #tpu.memory_space<semaphore_mem>>
        %dma_start3A = arith.constant 0 : i32
        %dma_start3A_83 = arith.constant 0 : i32
        %dma_start3A_84 = tpu.memref_slice %arg10[%dma_start3A, %dma_start3A_83] : memref<10000x16xf32, #tpu.memory_space<vmem_shared>> -> memref<10000x16xf32, #tpu.memory_space<vmem_shared>>
        tpu.enqueue_indirect_dma source(%arg6 : memref<200x16xf32, #tpu.memory_space<vmem>>) target(%dma_start3A_84 : memref<10000x16xf32, #tpu.memory_space<vmem_shared>>) offsets(%arg7 : memref<200xi32, #tpu.memory_space<vmem>>) semaphore(%run_scoped3A : memref<!tpu.dma_semaphore, #tpu.memory_space<semaphore_mem>>) {add = true}
        %dma_wait3A = arith.constant 0 : i32
        %dma_wait3A_85 = arith.constant 0 : i32
        %dma_wait3A_86 = tpu.memref_slice %arg10[%dma_wait3A, %dma_wait3A_85] : memref<10000x16xf32, #tpu.memory_space<vmem_shared>> -> memref<10000x16xf32, #tpu.memory_space<vmem_shared>>
        tpu.wait_indirect_dma semaphore(%run_scoped3A : memref<!tpu.dma_semaphore, #tpu.memory_space<semaphore_mem>>) src(%arg6 : memref<200x16xf32, #tpu.memory_space<vmem>>) dst(%dma_wait3A_86 : memref<10000x16xf32, #tpu.memory_space<vmem_shared>>)
        tpu.yield
      }) : () -> ()
      %scan3A_82 = arith.constant 0 : i32
      scf.yield %scan3A_82 : i32
    }
    %scan3A_34 = arith.constant 50 : i32
    %eq3A_35 = arith.constant 0 : i32
    %eq3A_36 = arith.cmpi eq, %arg0, %eq3A_35 : i32
    %convert_element_type3A_37 = arith.extui %eq3A_36 : i1 to i32
    %cond3A_38 = arith.constant 0 : i32
    %cond3A_39 = arith.cmpi ne, %convert_element_type3A_37, %cond3A_38 : i32
    scf.if %cond3A_39 {
      %scan3A_77 = arith.constant 0 : i32
      %scan3A_78 = arith.constant 0 : i32
      %scan3A_79 = arith.constant 6 : i32
      %scan3A_80 = arith.addi %scan3A_78, %scan3A_79 : i32
      %scan3A_81 = arith.constant 1 : i32
      %scan3A_82 = scf.for %scan3A_84 = %scan3A_78 to %scan3A_80 step %scan3A_81 iter_args(%scan3A_85 = %scan3A_77) -> (i32)  : i32 {
        %mul3A_86 = arith.constant 624 : i32
        %mul3A_87 = arith.muli %arg1, %mul3A_86 : i32
        %mul3A_88 = arith.constant 104 : i32
        %mul3A_89 = arith.muli %scan3A_84, %mul3A_88 : i32
        %add3A_90 = arith.addi %mul3A_87, %mul3A_89 : i32
        "tpu.region"() ({
          %run_scoped3A = tpu.sem_alloc : memref<!tpu.dma_semaphore, #tpu.memory_space<semaphore_mem>>
          %dma_start3A = tpu.memref_slice %arg3[%add3A_90] : memref<10000xi32, #tpu.memory_space<hbm>> -> memref<104xi32, #tpu.memory_space<hbm>>
          %dma_start3A_92 = tpu.memref_slice %arg3[%add3A_90] : memref<10000xi32, #tpu.memory_space<hbm>> -> memref<104xi32, #tpu.memory_space<hbm>>
          tpu.enqueue_dma source(%dma_start3A_92 : memref<104xi32, #tpu.memory_space<hbm>>) target(%arg8 : memref<104xi32, #tpu.memory_space<vmem>>) target_semaphore(%run_scoped3A : memref<!tpu.dma_semaphore, #tpu.memory_space<semaphore_mem>>)
          %dma_wait3A = tpu.memref_slice %arg3[%add3A_90] : memref<10000xi32, #tpu.memory_space<hbm>> -> memref<104xi32, #tpu.memory_space<hbm>>
          %dma_wait3A_93 = tpu.memref_slice %arg3[%add3A_90] : memref<10000xi32, #tpu.memory_space<hbm>> -> memref<104xi32, #tpu.memory_space<hbm>>
          tpu.wait_dma2 semaphore(%run_scoped3A : memref<!tpu.dma_semaphore, #tpu.memory_space<semaphore_mem>>) src(%dma_wait3A_93 : memref<104xi32, #tpu.memory_space<hbm>>) dst(%arg8 : memref<104xi32, #tpu.memory_space<vmem>>)
          tpu.yield
        }) : () -> ()
        "tpu.region"() ({
          %run_scoped3A = tpu.sem_alloc : memref<!tpu.dma_semaphore, #tpu.memory_space<semaphore_mem>>
          %dma_start3A = arith.constant 0 : i32
          %dma_start3A_92 = arith.constant 0 : i32
          %dma_start3A_93 = tpu.memref_slice %arg6[%dma_start3A, %dma_start3A_92] : memref<200x16xf32, #tpu.memory_space<vmem>> -> memref<104x16xf32, #tpu.memory_space<vmem>>
          %dma_start3A_94 = arith.constant 0 : i32
          %dma_start3A_95 = arith.constant 0 : i32
          %dma_start3A_96 = tpu.memref_slice %arg11[%dma_start3A_94, %dma_start3A_95] : memref<64x16xf32, #tpu.memory_space<vmem_shared>> -> memref<64x16xf32, #tpu.memory_space<vmem_shared>>
          tpu.enqueue_indirect_dma source(%dma_start3A_93 : memref<104x16xf32, #tpu.memory_space<vmem>>) target(%dma_start3A_96 : memref<64x16xf32, #tpu.memory_space<vmem_shared>>) offsets(%arg8 : memref<104xi32, #tpu.memory_space<vmem>>) semaphore(%run_scoped3A : memref<!tpu.dma_semaphore, #tpu.memory_space<semaphore_mem>>) {add = true}
          %dma_wait3A = arith.constant 0 : i32
          %dma_wait3A_97 = arith.constant 0 : i32
          %dma_wait3A_98 = tpu.memref_slice %arg6[%dma_wait3A, %dma_wait3A_97] : memref<200x16xf32, #tpu.memory_space<vmem>> -> memref<104x16xf32, #tpu.memory_space<vmem>>
          %dma_wait3A_99 = arith.constant 0 : i32
          %dma_wait3A_100 = arith.constant 0 : i32
          %dma_wait3A_101 = tpu.memref_slice %arg11[%dma_wait3A_99, %dma_wait3A_100] : memref<64x16xf32, #tpu.memory_space<vmem_shared>> -> memref<64x16xf32, #tpu.memory_space<vmem_shared>>
          tpu.wait_indirect_dma semaphore(%run_scoped3A : memref<!tpu.dma_semaphore, #tpu.memory_space<semaphore_mem>>) src(%dma_wait3A_98 : memref<104x16xf32, #tpu.memory_space<vmem>>) dst(%dma_wait3A_101 : memref<64x16xf32, #tpu.memory_space<vmem_shared>>)
          tpu.yield
        }) : () -> ()
        %scan3A_91 = arith.constant 0 : i32
        scf.yield %scan3A_91 : i32
      }
      %scan3A_83 = arith.constant 6 : i32
    } else {
    }
    %eq3A_40 = arith.constant 0 : i32
    %eq3A_41 = arith.cmpi eq, %arg0, %eq3A_40 : i32
    %eq3A_42 = arith.constant 0 : i32
    %eq3A_43 = arith.cmpi eq, %arg1, %eq3A_42 : i32
    %and3A = arith.andi %eq3A_41, %eq3A_43 : i1
    %convert_element_type3A_44 = arith.extui %and3A : i1 to i32
    %cond3A_45 = arith.constant 0 : i32
    %cond3A_46 = arith.cmpi ne, %convert_element_type3A_44, %cond3A_45 : i32
    scf.if %cond3A_46 {
      "tpu.region"() ({
        %run_scoped3A = tpu.sem_alloc : memref<!tpu.dma_semaphore, #tpu.memory_space<semaphore_mem>>
        %dma_start3A = arith.constant 9984 : i32
        %dma_start3A_77 = tpu.memref_slice %arg3[%dma_start3A] : memref<10000xi32, #tpu.memory_space<hbm>> -> memref<16xi32, #tpu.memory_space<hbm>>
        %dma_start3A_78 = arith.constant 9984 : i32
        %dma_start3A_79 = tpu.memref_slice %arg3[%dma_start3A_78] : memref<10000xi32, #tpu.memory_space<hbm>> -> memref<16xi32, #tpu.memory_space<hbm>>
        tpu.enqueue_dma source(%dma_start3A_79 : memref<16xi32, #tpu.memory_space<hbm>>) target(%arg9 : memref<16xi32, #tpu.memory_space<vmem>>) target_semaphore(%run_scoped3A : memref<!tpu.dma_semaphore, #tpu.memory_space<semaphore_mem>>)
        %dma_wait3A = arith.constant 9984 : i32
        %dma_wait3A_80 = tpu.memref_slice %arg3[%dma_wait3A] : memref<10000xi32, #tpu.memory_space<hbm>> -> memref<16xi32, #tpu.memory_space<hbm>>
        %dma_wait3A_81 = arith.constant 9984 : i32
        %dma_wait3A_82 = tpu.memref_slice %arg3[%dma_wait3A_81] : memref<10000xi32, #tpu.memory_space<hbm>> -> memref<16xi32, #tpu.memory_space<hbm>>
        tpu.wait_dma2 semaphore(%run_scoped3A : memref<!tpu.dma_semaphore, #tpu.memory_space<semaphore_mem>>) src(%dma_wait3A_82 : memref<16xi32, #tpu.memory_space<hbm>>) dst(%arg9 : memref<16xi32, #tpu.memory_space<vmem>>)
        tpu.yield
      }) : () -> ()
      "tpu.region"() ({
        %run_scoped3A = tpu.sem_alloc : memref<!tpu.dma_semaphore, #tpu.memory_space<semaphore_mem>>
        %dma_start3A = arith.constant 0 : i32
        %dma_start3A_77 = arith.constant 0 : i32
        %dma_start3A_78 = tpu.memref_slice %arg6[%dma_start3A, %dma_start3A_77] : memref<200x16xf32, #tpu.memory_space<vmem>> -> memref<16x16xf32, #tpu.memory_space<vmem>>
        %dma_start3A_79 = arith.constant 0 : i32
        %dma_start3A_80 = arith.constant 0 : i32
        %dma_start3A_81 = tpu.memref_slice %arg11[%dma_start3A_79, %dma_start3A_80] : memref<64x16xf32, #tpu.memory_space<vmem_shared>> -> memref<64x16xf32, #tpu.memory_space<vmem_shared>>
        tpu.enqueue_indirect_dma source(%dma_start3A_78 : memref<16x16xf32, #tpu.memory_space<vmem>>) target(%dma_start3A_81 : memref<64x16xf32, #tpu.memory_space<vmem_shared>>) offsets(%arg9 : memref<16xi32, #tpu.memory_space<vmem>>) semaphore(%run_scoped3A : memref<!tpu.dma_semaphore, #tpu.memory_space<semaphore_mem>>) {add = true}
        %dma_wait3A = arith.constant 0 : i32
        %dma_wait3A_82 = arith.constant 0 : i32
        %dma_wait3A_83 = tpu.memref_slice %arg6[%dma_wait3A, %dma_wait3A_82] : memref<200x16xf32, #tpu.memory_space<vmem>> -> memref<16x16xf32, #tpu.memory_space<vmem>>
        %dma_wait3A_84 = arith.constant 0 : i32
        %dma_wait3A_85 = arith.constant 0 : i32
        %dma_wait3A_86 = tpu.memref_slice %arg11[%dma_wait3A_84, %dma_wait3A_85] : memref<64x16xf32, #tpu.memory_space<vmem_shared>> -> memref<64x16xf32, #tpu.memory_space<vmem_shared>>
        tpu.wait_indirect_dma semaphore(%run_scoped3A : memref<!tpu.dma_semaphore, #tpu.memory_space<semaphore_mem>>) src(%dma_wait3A_83 : memref<16x16xf32, #tpu.memory_space<vmem>>) dst(%dma_wait3A_86 : memref<64x16xf32, #tpu.memory_space<vmem_shared>>)
        tpu.yield
      }) : () -> ()
    } else {
    }
    %barrier3A_47 = arith.constant 0 : index
    tpu.barrier barrier_id(%barrier3A_47)
    %add3A_48 = arith.constant 0 : i32
    %add3A_49 = arith.addi %mul3A_0, %add3A_48 : i32
    "tpu.region"() ({
      %run_scoped3A = tpu.sem_alloc : memref<!tpu.dma_semaphore, #tpu.memory_space<semaphore_mem>>
      %dma_start3A = arith.constant 0 : i32
      %dma_start3A_77 = arith.constant 0 : i32
      %dma_start3A_78 = tpu.memref_slice %arg6[%dma_start3A, %dma_start3A_77] : memref<200x16xf32, #tpu.memory_space<vmem>> -> memref<200x16xf32, #tpu.memory_space<vmem>>
      %dma_start3A_79 = arith.constant 0 : i32
      %dma_start3A_80 = tpu.memref_slice %arg10[%add3A_49, %dma_start3A_79] : memref<10000x16xf32, #tpu.memory_space<vmem_shared>> -> memref<200x16xf32, #tpu.memory_space<vmem_shared>>
      %dma_start3A_81 = arith.constant 0 : i32
      %dma_start3A_82 = arith.constant 0 : i32
      %dma_start3A_83 = tpu.memref_slice %arg6[%dma_start3A_81, %dma_start3A_82] : memref<200x16xf32, #tpu.memory_space<vmem>> -> memref<200x16xf32, #tpu.memory_space<vmem>>
      %dma_start3A_84 = arith.constant 0 : i32
      %dma_start3A_85 = tpu.memref_slice %arg10[%add3A_49, %dma_start3A_84] : memref<10000x16xf32, #tpu.memory_space<vmem_shared>> -> memref<200x16xf32, #tpu.memory_space<vmem_shared>>
      tpu.enqueue_dma source(%dma_start3A_85 : memref<200x16xf32, #tpu.memory_space<vmem_shared>>) target(%dma_start3A_83 : memref<200x16xf32, #tpu.memory_space<vmem>>) target_semaphore(%run_scoped3A : memref<!tpu.dma_semaphore, #tpu.memory_space<semaphore_mem>>)
      %dma_wait3A = arith.constant 0 : i32
      %dma_wait3A_86 = arith.constant 0 : i32
      %dma_wait3A_87 = tpu.memref_slice %arg6[%dma_wait3A, %dma_wait3A_86] : memref<200x16xf32, #tpu.memory_space<vmem>> -> memref<200x16xf32, #tpu.memory_space<vmem>>
      %dma_wait3A_88 = arith.constant 0 : i32
      %dma_wait3A_89 = tpu.memref_slice %arg10[%add3A_49, %dma_wait3A_88] : memref<10000x16xf32, #tpu.memory_space<vmem_shared>> -> memref<200x16xf32, #tpu.memory_space<vmem_shared>>
      %dma_wait3A_90 = arith.constant 0 : i32
      %dma_wait3A_91 = arith.constant 0 : i32
      %dma_wait3A_92 = tpu.memref_slice %arg6[%dma_wait3A_90, %dma_wait3A_91] : memref<200x16xf32, #tpu.memory_space<vmem>> -> memref<200x16xf32, #tpu.memory_space<vmem>>
      %dma_wait3A_93 = arith.constant 0 : i32
      %dma_wait3A_94 = tpu.memref_slice %arg10[%add3A_49, %dma_wait3A_93] : memref<10000x16xf32, #tpu.memory_space<vmem_shared>> -> memref<200x16xf32, #tpu.memory_space<vmem_shared>>
      tpu.wait_dma2 semaphore(%run_scoped3A : memref<!tpu.dma_semaphore, #tpu.memory_space<semaphore_mem>>) src(%dma_wait3A_94 : memref<200x16xf32, #tpu.memory_space<vmem_shared>>) dst(%dma_wait3A_92 : memref<200x16xf32, #tpu.memory_space<vmem>>)
      tpu.yield
    }) : () -> ()
    %add3A_50 = arith.constant 0 : i32
    %add3A_51 = arith.addi %mul3A_0, %add3A_50 : i32
    "tpu.region"() ({
      %run_scoped3A = tpu.sem_alloc : memref<!tpu.dma_semaphore, #tpu.memory_space<semaphore_mem>>
      %dma_start3A = arith.constant 0 : i32
      %dma_start3A_77 = arith.constant 0 : i32
      %dma_start3A_78 = tpu.memref_slice %arg6[%dma_start3A, %dma_start3A_77] : memref<200x16xf32, #tpu.memory_space<vmem>> -> memref<200x16xf32, #tpu.memory_space<vmem>>
      %dma_start3A_79 = arith.constant 0 : i32
      %dma_start3A_80 = tpu.memref_slice %arg4[%arg0, %add3A_51, %dma_start3A_79] : memref<2x10000x16xf32, #tpu.memory_space<hbm>> -> memref<1x200x16xf32, #tpu.memory_space<hbm>>
      %dma_start3A_81 = tpu.memref_squeeze %dma_start3A_80 : memref<1x200x16xf32, #tpu.memory_space<hbm>> -> memref<200x16xf32, #tpu.memory_space<hbm>>
      %dma_start3A_82 = arith.constant 0 : i32
      %dma_start3A_83 = tpu.memref_slice %arg4[%arg0, %add3A_51, %dma_start3A_82] : memref<2x10000x16xf32, #tpu.memory_space<hbm>> -> memref<1x200x16xf32, #tpu.memory_space<hbm>>
      %dma_start3A_84 = tpu.memref_squeeze %dma_start3A_83 : memref<1x200x16xf32, #tpu.memory_space<hbm>> -> memref<200x16xf32, #tpu.memory_space<hbm>>
      %dma_start3A_85 = arith.constant 0 : i32
      %dma_start3A_86 = arith.constant 0 : i32
      %dma_start3A_87 = tpu.memref_slice %arg6[%dma_start3A_85, %dma_start3A_86] : memref<200x16xf32, #tpu.memory_space<vmem>> -> memref<200x16xf32, #tpu.memory_space<vmem>>
      tpu.enqueue_dma source(%dma_start3A_87 : memref<200x16xf32, #tpu.memory_space<vmem>>) target(%dma_start3A_84 : memref<200x16xf32, #tpu.memory_space<hbm>>) target_semaphore(%run_scoped3A : memref<!tpu.dma_semaphore, #tpu.memory_space<semaphore_mem>>)
      %dma_wait3A = arith.constant 0 : i32
      %dma_wait3A_88 = arith.constant 0 : i32
      %dma_wait3A_89 = tpu.memref_slice %arg6[%dma_wait3A, %dma_wait3A_88] : memref<200x16xf32, #tpu.memory_space<vmem>> -> memref<200x16xf32, #tpu.memory_space<vmem>>
      %dma_wait3A_90 = arith.constant 0 : i32
      %dma_wait3A_91 = tpu.memref_slice %arg4[%arg0, %add3A_51, %dma_wait3A_90] : memref<2x10000x16xf32, #tpu.memory_space<hbm>> -> memref<1x200x16xf32, #tpu.memory_space<hbm>>
      %dma_wait3A_92 = tpu.memref_squeeze %dma_wait3A_91 : memref<1x200x16xf32, #tpu.memory_space<hbm>> -> memref<200x16xf32, #tpu.memory_space<hbm>>
      %dma_wait3A_93 = arith.constant 0 : i32
      %dma_wait3A_94 = tpu.memref_slice %arg4[%arg0, %add3A_51, %dma_wait3A_93] : memref<2x10000x16xf32, #tpu.memory_space<hbm>> -> memref<1x200x16xf32, #tpu.memory_space<hbm>>
      %dma_wait3A_95 = tpu.memref_squeeze %dma_wait3A_94 : memref<1x200x16xf32, #tpu.memory_space<hbm>> -> memref<200x16xf32, #tpu.memory_space<hbm>>
      %dma_wait3A_96 = arith.constant 0 : i32
      %dma_wait3A_97 = arith.constant 0 : i32
      %dma_wait3A_98 = tpu.memref_slice %arg6[%dma_wait3A_96, %dma_wait3A_97] : memref<200x16xf32, #tpu.memory_space<vmem>> -> memref<200x16xf32, #tpu.memory_space<vmem>>
      tpu.wait_dma2 semaphore(%run_scoped3A : memref<!tpu.dma_semaphore, #tpu.memory_space<semaphore_mem>>) src(%dma_wait3A_98 : memref<200x16xf32, #tpu.memory_space<vmem>>) dst(%dma_wait3A_95 : memref<200x16xf32, #tpu.memory_space<hbm>>)
      tpu.yield
    }) : () -> ()
    %add3A_52 = arith.constant 200 : i32
    %add3A_53 = arith.addi %mul3A_0, %add3A_52 : i32
    "tpu.region"() ({
      %run_scoped3A = tpu.sem_alloc : memref<!tpu.dma_semaphore, #tpu.memory_space<semaphore_mem>>
      %dma_start3A = arith.constant 0 : i32
      %dma_start3A_77 = arith.constant 0 : i32
      %dma_start3A_78 = tpu.memref_slice %arg6[%dma_start3A, %dma_start3A_77] : memref<200x16xf32, #tpu.memory_space<vmem>> -> memref<200x16xf32, #tpu.memory_space<vmem>>
      %dma_start3A_79 = arith.constant 0 : i32
      %dma_start3A_80 = tpu.memref_slice %arg10[%add3A_53, %dma_start3A_79] : memref<10000x16xf32, #tpu.memory_space<vmem_shared>> -> memref<200x16xf32, #tpu.memory_space<vmem_shared>>
      %dma_start3A_81 = arith.constant 0 : i32
      %dma_start3A_82 = arith.constant 0 : i32
      %dma_start3A_83 = tpu.memref_slice %arg6[%dma_start3A_81, %dma_start3A_82] : memref<200x16xf32, #tpu.memory_space<vmem>> -> memref<200x16xf32, #tpu.memory_space<vmem>>
      %dma_start3A_84 = arith.constant 0 : i32
      %dma_start3A_85 = tpu.memref_slice %arg10[%add3A_53, %dma_start3A_84] : memref<10000x16xf32, #tpu.memory_space<vmem_shared>> -> memref<200x16xf32, #tpu.memory_space<vmem_shared>>
      tpu.enqueue_dma source(%dma_start3A_85 : memref<200x16xf32, #tpu.memory_space<vmem_shared>>) target(%dma_start3A_83 : memref<200x16xf32, #tpu.memory_space<vmem>>) target_semaphore(%run_scoped3A : memref<!tpu.dma_semaphore, #tpu.memory_space<semaphore_mem>>)
      %dma_wait3A = arith.constant 0 : i32
      %dma_wait3A_86 = arith.constant 0 : i32
      %dma_wait3A_87 = tpu.memref_slice %arg6[%dma_wait3A, %dma_wait3A_86] : memref<200x16xf32, #tpu.memory_space<vmem>> -> memref<200x16xf32, #tpu.memory_space<vmem>>
      %dma_wait3A_88 = arith.constant 0 : i32
      %dma_wait3A_89 = tpu.memref_slice %arg10[%add3A_53, %dma_wait3A_88] : memref<10000x16xf32, #tpu.memory_space<vmem_shared>> -> memref<200x16xf32, #tpu.memory_space<vmem_shared>>
      %dma_wait3A_90 = arith.constant 0 : i32
      %dma_wait3A_91 = arith.constant 0 : i32
      %dma_wait3A_92 = tpu.memref_slice %arg6[%dma_wait3A_90, %dma_wait3A_91] : memref<200x16xf32, #tpu.memory_space<vmem>> -> memref<200x16xf32, #tpu.memory_space<vmem>>
      %dma_wait3A_93 = arith.constant 0 : i32
      %dma_wait3A_94 = tpu.memref_slice %arg10[%add3A_53, %dma_wait3A_93] : memref<10000x16xf32, #tpu.memory_space<vmem_shared>> -> memref<200x16xf32, #tpu.memory_space<vmem_shared>>
      tpu.wait_dma2 semaphore(%run_scoped3A : memref<!tpu.dma_semaphore, #tpu.memory_space<semaphore_mem>>) src(%dma_wait3A_94 : memref<200x16xf32, #tpu.memory_space<vmem_shared>>) dst(%dma_wait3A_92 : memref<200x16xf32, #tpu.memory_space<vmem>>)
      tpu.yield
    }) : () -> ()
    %add3A_54 = arith.constant 200 : i32
    %add3A_55 = arith.addi %mul3A_0, %add3A_54 : i32
    "tpu.region"() ({
      %run_scoped3A = tpu.sem_alloc : memref<!tpu.dma_semaphore, #tpu.memory_space<semaphore_mem>>
      %dma_start3A = arith.constant 0 : i32
      %dma_start3A_77 = arith.constant 0 : i32
      %dma_start3A_78 = tpu.memref_slice %arg6[%dma_start3A, %dma_start3A_77] : memref<200x16xf32, #tpu.memory_space<vmem>> -> memref<200x16xf32, #tpu.memory_space<vmem>>
      %dma_start3A_79 = arith.constant 0 : i32
      %dma_start3A_80 = tpu.memref_slice %arg4[%arg0, %add3A_55, %dma_start3A_79] : memref<2x10000x16xf32, #tpu.memory_space<hbm>> -> memref<1x200x16xf32, #tpu.memory_space<hbm>>
      %dma_start3A_81 = tpu.memref_squeeze %dma_start3A_80 : memref<1x200x16xf32, #tpu.memory_space<hbm>> -> memref<200x16xf32, #tpu.memory_space<hbm>>
      %dma_start3A_82 = arith.constant 0 : i32
      %dma_start3A_83 = tpu.memref_slice %arg4[%arg0, %add3A_55, %dma_start3A_82] : memref<2x10000x16xf32, #tpu.memory_space<hbm>> -> memref<1x200x16xf32, #tpu.memory_space<hbm>>
      %dma_start3A_84 = tpu.memref_squeeze %dma_start3A_83 : memref<1x200x16xf32, #tpu.memory_space<hbm>> -> memref<200x16xf32, #tpu.memory_space<hbm>>
      %dma_start3A_85 = arith.constant 0 : i32
      %dma_start3A_86 = arith.constant 0 : i32
      %dma_start3A_87 = tpu.memref_slice %arg6[%dma_start3A_85, %dma_start3A_86] : memref<200x16xf32, #tpu.memory_space<vmem>> -> memref<200x16xf32, #tpu.memory_space<vmem>>
      tpu.enqueue_dma source(%dma_start3A_87 : memref<200x16xf32, #tpu.memory_space<vmem>>) target(%dma_start3A_84 : memref<200x16xf32, #tpu.memory_space<hbm>>) target_semaphore(%run_scoped3A : memref<!tpu.dma_semaphore, #tpu.memory_space<semaphore_mem>>)
      %dma_wait3A = arith.constant 0 : i32
      %dma_wait3A_88 = arith.constant 0 : i32
      %dma_wait3A_89 = tpu.memref_slice %arg6[%dma_wait3A, %dma_wait3A_88] : memref<200x16xf32, #tpu.memory_space<vmem>> -> memref<200x16xf32, #tpu.memory_space<vmem>>
      %dma_wait3A_90 = arith.constant 0 : i32
      %dma_wait3A_91 = tpu.memref_slice %arg4[%arg0, %add3A_55, %dma_wait3A_90] : memref<2x10000x16xf32, #tpu.memory_space<hbm>> -> memref<1x200x16xf32, #tpu.memory_space<hbm>>
      %dma_wait3A_92 = tpu.memref_squeeze %dma_wait3A_91 : memref<1x200x16xf32, #tpu.memory_space<hbm>> -> memref<200x16xf32, #tpu.memory_space<hbm>>
      %dma_wait3A_93 = arith.constant 0 : i32
      %dma_wait3A_94 = tpu.memref_slice %arg4[%arg0, %add3A_55, %dma_wait3A_93] : memref<2x10000x16xf32, #tpu.memory_space<hbm>> -> memref<1x200x16xf32, #tpu.memory_space<hbm>>
      %dma_wait3A_95 = tpu.memref_squeeze %dma_wait3A_94 : memref<1x200x16xf32, #tpu.memory_space<hbm>> -> memref<200x16xf32, #tpu.memory_space<hbm>>
      %dma_wait3A_96 = arith.constant 0 : i32
      %dma_wait3A_97 = arith.constant 0 : i32
      %dma_wait3A_98 = tpu.memref_slice %arg6[%dma_wait3A_96, %dma_wait3A_97] : memref<200x16xf32, #tpu.memory_space<vmem>> -> memref<200x16xf32, #tpu.memory_space<vmem>>
      tpu.wait_dma2 semaphore(%run_scoped3A : memref<!tpu.dma_semaphore, #tpu.memory_space<semaphore_mem>>) src(%dma_wait3A_98 : memref<200x16xf32, #tpu.memory_space<vmem>>) dst(%dma_wait3A_95 : memref<200x16xf32, #tpu.memory_space<hbm>>)
      tpu.yield
    }) : () -> ()
    %add3A_56 = arith.constant 400 : i32
    %add3A_57 = arith.addi %mul3A_0, %add3A_56 : i32
    "tpu.region"() ({
      %run_scoped3A = tpu.sem_alloc : memref<!tpu.dma_semaphore, #tpu.memory_space<semaphore_mem>>
      %dma_start3A = arith.constant 0 : i32
      %dma_start3A_77 = arith.constant 0 : i32
      %dma_start3A_78 = tpu.memref_slice %arg6[%dma_start3A, %dma_start3A_77] : memref<200x16xf32, #tpu.memory_space<vmem>> -> memref<200x16xf32, #tpu.memory_space<vmem>>
      %dma_start3A_79 = arith.constant 0 : i32
      %dma_start3A_80 = tpu.memref_slice %arg10[%add3A_57, %dma_start3A_79] : memref<10000x16xf32, #tpu.memory_space<vmem_shared>> -> memref<200x16xf32, #tpu.memory_space<vmem_shared>>
      %dma_start3A_81 = arith.constant 0 : i32
      %dma_start3A_82 = arith.constant 0 : i32
      %dma_start3A_83 = tpu.memref_slice %arg6[%dma_start3A_81, %dma_start3A_82] : memref<200x16xf32, #tpu.memory_space<vmem>> -> memref<200x16xf32, #tpu.memory_space<vmem>>
      %dma_start3A_84 = arith.constant 0 : i32
      %dma_start3A_85 = tpu.memref_slice %arg10[%add3A_57, %dma_start3A_84] : memref<10000x16xf32, #tpu.memory_space<vmem_shared>> -> memref<200x16xf32, #tpu.memory_space<vmem_shared>>
      tpu.enqueue_dma source(%dma_start3A_85 : memref<200x16xf32, #tpu.memory_space<vmem_shared>>) target(%dma_start3A_83 : memref<200x16xf32, #tpu.memory_space<vmem>>) target_semaphore(%run_scoped3A : memref<!tpu.dma_semaphore, #tpu.memory_space<semaphore_mem>>)
      %dma_wait3A = arith.constant 0 : i32
      %dma_wait3A_86 = arith.constant 0 : i32
      %dma_wait3A_87 = tpu.memref_slice %arg6[%dma_wait3A, %dma_wait3A_86] : memref<200x16xf32, #tpu.memory_space<vmem>> -> memref<200x16xf32, #tpu.memory_space<vmem>>
      %dma_wait3A_88 = arith.constant 0 : i32
      %dma_wait3A_89 = tpu.memref_slice %arg10[%add3A_57, %dma_wait3A_88] : memref<10000x16xf32, #tpu.memory_space<vmem_shared>> -> memref<200x16xf32, #tpu.memory_space<vmem_shared>>
      %dma_wait3A_90 = arith.constant 0 : i32
      %dma_wait3A_91 = arith.constant 0 : i32
      %dma_wait3A_92 = tpu.memref_slice %arg6[%dma_wait3A_90, %dma_wait3A_91] : memref<200x16xf32, #tpu.memory_space<vmem>> -> memref<200x16xf32, #tpu.memory_space<vmem>>
      %dma_wait3A_93 = arith.constant 0 : i32
      %dma_wait3A_94 = tpu.memref_slice %arg10[%add3A_57, %dma_wait3A_93] : memref<10000x16xf32, #tpu.memory_space<vmem_shared>> -> memref<200x16xf32, #tpu.memory_space<vmem_shared>>
      tpu.wait_dma2 semaphore(%run_scoped3A : memref<!tpu.dma_semaphore, #tpu.memory_space<semaphore_mem>>) src(%dma_wait3A_94 : memref<200x16xf32, #tpu.memory_space<vmem_shared>>) dst(%dma_wait3A_92 : memref<200x16xf32, #tpu.memory_space<vmem>>)
      tpu.yield
    }) : () -> ()
    %add3A_58 = arith.constant 400 : i32
    %add3A_59 = arith.addi %mul3A_0, %add3A_58 : i32
    "tpu.region"() ({
      %run_scoped3A = tpu.sem_alloc : memref<!tpu.dma_semaphore, #tpu.memory_space<semaphore_mem>>
      %dma_start3A = arith.constant 0 : i32
      %dma_start3A_77 = arith.constant 0 : i32
      %dma_start3A_78 = tpu.memref_slice %arg6[%dma_start3A, %dma_start3A_77] : memref<200x16xf32, #tpu.memory_space<vmem>> -> memref<200x16xf32, #tpu.memory_space<vmem>>
      %dma_start3A_79 = arith.constant 0 : i32
      %dma_start3A_80 = tpu.memref_slice %arg4[%arg0, %add3A_59, %dma_start3A_79] : memref<2x10000x16xf32, #tpu.memory_space<hbm>> -> memref<1x200x16xf32, #tpu.memory_space<hbm>>
      %dma_start3A_81 = tpu.memref_squeeze %dma_start3A_80 : memref<1x200x16xf32, #tpu.memory_space<hbm>> -> memref<200x16xf32, #tpu.memory_space<hbm>>
      %dma_start3A_82 = arith.constant 0 : i32
      %dma_start3A_83 = tpu.memref_slice %arg4[%arg0, %add3A_59, %dma_start3A_82] : memref<2x10000x16xf32, #tpu.memory_space<hbm>> -> memref<1x200x16xf32, #tpu.memory_space<hbm>>
      %dma_start3A_84 = tpu.memref_squeeze %dma_start3A_83 : memref<1x200x16xf32, #tpu.memory_space<hbm>> -> memref<200x16xf32, #tpu.memory_space<hbm>>
      %dma_start3A_85 = arith.constant 0 : i32
      %dma_start3A_86 = arith.constant 0 : i32
      %dma_start3A_87 = tpu.memref_slice %arg6[%dma_start3A_85, %dma_start3A_86] : memref<200x16xf32, #tpu.memory_space<vmem>> -> memref<200x16xf32, #tpu.memory_space<vmem>>
      tpu.enqueue_dma source(%dma_start3A_87 : memref<200x16xf32, #tpu.memory_space<vmem>>) target(%dma_start3A_84 : memref<200x16xf32, #tpu.memory_space<hbm>>) target_semaphore(%run_scoped3A : memref<!tpu.dma_semaphore, #tpu.memory_space<semaphore_mem>>)
      %dma_wait3A = arith.constant 0 : i32
      %dma_wait3A_88 = arith.constant 0 : i32
      %dma_wait3A_89 = tpu.memref_slice %arg6[%dma_wait3A, %dma_wait3A_88] : memref<200x16xf32, #tpu.memory_space<vmem>> -> memref<200x16xf32, #tpu.memory_space<vmem>>
      %dma_wait3A_90 = arith.constant 0 : i32
      %dma_wait3A_91 = tpu.memref_slice %arg4[%arg0, %add3A_59, %dma_wait3A_90] : memref<2x10000x16xf32, #tpu.memory_space<hbm>> -> memref<1x200x16xf32, #tpu.memory_space<hbm>>
      %dma_wait3A_92 = tpu.memref_squeeze %dma_wait3A_91 : memref<1x200x16xf32, #tpu.memory_space<hbm>> -> memref<200x16xf32, #tpu.memory_space<hbm>>
      %dma_wait3A_93 = arith.constant 0 : i32
      %dma_wait3A_94 = tpu.memref_slice %arg4[%arg0, %add3A_59, %dma_wait3A_93] : memref<2x10000x16xf32, #tpu.memory_space<hbm>> -> memref<1x200x16xf32, #tpu.memory_space<hbm>>
      %dma_wait3A_95 = tpu.memref_squeeze %dma_wait3A_94 : memref<1x200x16xf32, #tpu.memory_space<hbm>> -> memref<200x16xf32, #tpu.memory_space<hbm>>
      %dma_wait3A_96 = arith.constant 0 : i32
      %dma_wait3A_97 = arith.constant 0 : i32
      %dma_wait3A_98 = tpu.memref_slice %arg6[%dma_wait3A_96, %dma_wait3A_97] : memref<200x16xf32, #tpu.memory_space<vmem>> -> memref<200x16xf32, #tpu.memory_space<vmem>>
      tpu.wait_dma2 semaphore(%run_scoped3A : memref<!tpu.dma_semaphore, #tpu.memory_space<semaphore_mem>>) src(%dma_wait3A_98 : memref<200x16xf32, #tpu.memory_space<vmem>>) dst(%dma_wait3A_95 : memref<200x16xf32, #tpu.memory_space<hbm>>)
      tpu.yield
    }) : () -> ()
    %add3A_60 = arith.constant 600 : i32
    %add3A_61 = arith.addi %mul3A_0, %add3A_60 : i32
    "tpu.region"() ({
      %run_scoped3A = tpu.sem_alloc : memref<!tpu.dma_semaphore, #tpu.memory_space<semaphore_mem>>
      %dma_start3A = arith.constant 0 : i32
      %dma_start3A_77 = arith.constant 0 : i32
      %dma_start3A_78 = tpu.memref_slice %arg6[%dma_start3A, %dma_start3A_77] : memref<200x16xf32, #tpu.memory_space<vmem>> -> memref<24x16xf32, #tpu.memory_space<vmem>>
      %dma_start3A_79 = arith.constant 0 : i32
      %dma_start3A_80 = tpu.memref_slice %arg10[%add3A_61, %dma_start3A_79] : memref<10000x16xf32, #tpu.memory_space<vmem_shared>> -> memref<24x16xf32, #tpu.memory_space<vmem_shared>>
      %dma_start3A_81 = arith.constant 0 : i32
      %dma_start3A_82 = arith.constant 0 : i32
      %dma_start3A_83 = tpu.memref_slice %arg6[%dma_start3A_81, %dma_start3A_82] : memref<200x16xf32, #tpu.memory_space<vmem>> -> memref<24x16xf32, #tpu.memory_space<vmem>>
      %dma_start3A_84 = arith.constant 0 : i32
      %dma_start3A_85 = tpu.memref_slice %arg10[%add3A_61, %dma_start3A_84] : memref<10000x16xf32, #tpu.memory_space<vmem_shared>> -> memref<24x16xf32, #tpu.memory_space<vmem_shared>>
      tpu.enqueue_dma source(%dma_start3A_85 : memref<24x16xf32, #tpu.memory_space<vmem_shared>>) target(%dma_start3A_83 : memref<24x16xf32, #tpu.memory_space<vmem>>) target_semaphore(%run_scoped3A : memref<!tpu.dma_semaphore, #tpu.memory_space<semaphore_mem>>)
      %dma_wait3A = arith.constant 0 : i32
      %dma_wait3A_86 = arith.constant 0 : i32
      %dma_wait3A_87 = tpu.memref_slice %arg6[%dma_wait3A, %dma_wait3A_86] : memref<200x16xf32, #tpu.memory_space<vmem>> -> memref<24x16xf32, #tpu.memory_space<vmem>>
      %dma_wait3A_88 = arith.constant 0 : i32
      %dma_wait3A_89 = tpu.memref_slice %arg10[%add3A_61, %dma_wait3A_88] : memref<10000x16xf32, #tpu.memory_space<vmem_shared>> -> memref<24x16xf32, #tpu.memory_space<vmem_shared>>
      %dma_wait3A_90 = arith.constant 0 : i32
      %dma_wait3A_91 = arith.constant 0 : i32
      %dma_wait3A_92 = tpu.memref_slice %arg6[%dma_wait3A_90, %dma_wait3A_91] : memref<200x16xf32, #tpu.memory_space<vmem>> -> memref<24x16xf32, #tpu.memory_space<vmem>>
      %dma_wait3A_93 = arith.constant 0 : i32
      %dma_wait3A_94 = tpu.memref_slice %arg10[%add3A_61, %dma_wait3A_93] : memref<10000x16xf32, #tpu.memory_space<vmem_shared>> -> memref<24x16xf32, #tpu.memory_space<vmem_shared>>
      tpu.wait_dma2 semaphore(%run_scoped3A : memref<!tpu.dma_semaphore, #tpu.memory_space<semaphore_mem>>) src(%dma_wait3A_94 : memref<24x16xf32, #tpu.memory_space<vmem_shared>>) dst(%dma_wait3A_92 : memref<24x16xf32, #tpu.memory_space<vmem>>)
      tpu.yield
    }) : () -> ()
    %add3A_62 = arith.constant 600 : i32
    %add3A_63 = arith.addi %mul3A_0, %add3A_62 : i32
    "tpu.region"() ({
      %run_scoped3A = tpu.sem_alloc : memref<!tpu.dma_semaphore, #tpu.memory_space<semaphore_mem>>
      %dma_start3A = arith.constant 0 : i32
      %dma_start3A_77 = arith.constant 0 : i32
      %dma_start3A_78 = tpu.memref_slice %arg6[%dma_start3A, %dma_start3A_77] : memref<200x16xf32, #tpu.memory_space<vmem>> -> memref<24x16xf32, #tpu.memory_space<vmem>>
      %dma_start3A_79 = arith.constant 0 : i32
      %dma_start3A_80 = tpu.memref_slice %arg4[%arg0, %add3A_63, %dma_start3A_79] : memref<2x10000x16xf32, #tpu.memory_space<hbm>> -> memref<1x24x16xf32, #tpu.memory_space<hbm>>
      %dma_start3A_81 = tpu.memref_squeeze %dma_start3A_80 : memref<1x24x16xf32, #tpu.memory_space<hbm>> -> memref<24x16xf32, #tpu.memory_space<hbm>>
      %dma_start3A_82 = arith.constant 0 : i32
      %dma_start3A_83 = tpu.memref_slice %arg4[%arg0, %add3A_63, %dma_start3A_82] : memref<2x10000x16xf32, #tpu.memory_space<hbm>> -> memref<1x24x16xf32, #tpu.memory_space<hbm>>
      %dma_start3A_84 = tpu.memref_squeeze %dma_start3A_83 : memref<1x24x16xf32, #tpu.memory_space<hbm>> -> memref<24x16xf32, #tpu.memory_space<hbm>>
      %dma_start3A_85 = arith.constant 0 : i32
      %dma_start3A_86 = arith.constant 0 : i32
      %dma_start3A_87 = tpu.memref_slice %arg6[%dma_start3A_85, %dma_start3A_86] : memref<200x16xf32, #tpu.memory_space<vmem>> -> memref<24x16xf32, #tpu.memory_space<vmem>>
      tpu.enqueue_dma source(%dma_start3A_87 : memref<24x16xf32, #tpu.memory_space<vmem>>) target(%dma_start3A_84 : memref<24x16xf32, #tpu.memory_space<hbm>>) target_semaphore(%run_scoped3A : memref<!tpu.dma_semaphore, #tpu.memory_space<semaphore_mem>>)
      %dma_wait3A = arith.constant 0 : i32
      %dma_wait3A_88 = arith.constant 0 : i32
      %dma_wait3A_89 = tpu.memref_slice %arg6[%dma_wait3A, %dma_wait3A_88] : memref<200x16xf32, #tpu.memory_space<vmem>> -> memref<24x16xf32, #tpu.memory_space<vmem>>
      %dma_wait3A_90 = arith.constant 0 : i32
      %dma_wait3A_91 = tpu.memref_slice %arg4[%arg0, %add3A_63, %dma_wait3A_90] : memref<2x10000x16xf32, #tpu.memory_space<hbm>> -> memref<1x24x16xf32, #tpu.memory_space<hbm>>
      %dma_wait3A_92 = tpu.memref_squeeze %dma_wait3A_91 : memref<1x24x16xf32, #tpu.memory_space<hbm>> -> memref<24x16xf32, #tpu.memory_space<hbm>>
      %dma_wait3A_93 = arith.constant 0 : i32
      %dma_wait3A_94 = tpu.memref_slice %arg4[%arg0, %add3A_63, %dma_wait3A_93] : memref<2x10000x16xf32, #tpu.memory_space<hbm>> -> memref<1x24x16xf32, #tpu.memory_space<hbm>>
      %dma_wait3A_95 = tpu.memref_squeeze %dma_wait3A_94 : memref<1x24x16xf32, #tpu.memory_space<hbm>> -> memref<24x16xf32, #tpu.memory_space<hbm>>
      %dma_wait3A_96 = arith.constant 0 : i32
      %dma_wait3A_97 = arith.constant 0 : i32
      %dma_wait3A_98 = tpu.memref_slice %arg6[%dma_wait3A_96, %dma_wait3A_97] : memref<200x16xf32, #tpu.memory_space<vmem>> -> memref<24x16xf32, #tpu.memory_space<vmem>>
      tpu.wait_dma2 semaphore(%run_scoped3A : memref<!tpu.dma_semaphore, #tpu.memory_space<semaphore_mem>>) src(%dma_wait3A_98 : memref<24x16xf32, #tpu.memory_space<vmem>>) dst(%dma_wait3A_95 : memref<24x16xf32, #tpu.memory_space<hbm>>)
      tpu.yield
    }) : () -> ()
    %eq3A_64 = arith.constant 0 : i32
    %eq3A_65 = arith.cmpi eq, %arg1, %eq3A_64 : i32
    %convert_element_type3A_66 = arith.extui %eq3A_65 : i1 to i32
    %cond3A_67 = arith.constant 0 : i32
    %cond3A_68 = arith.cmpi ne, %convert_element_type3A_66, %cond3A_67 : i32
    scf.if %cond3A_68 {
      "tpu.region"() ({
        %run_scoped3A = tpu.sem_alloc : memref<!tpu.dma_semaphore, #tpu.memory_space<semaphore_mem>>
        %dma_start3A = arith.constant 0 : i32
        %dma_start3A_77 = arith.constant 0 : i32
        %dma_start3A_78 = tpu.memref_slice %arg6[%dma_start3A, %dma_start3A_77] : memref<200x16xf32, #tpu.memory_space<vmem>> -> memref<16x16xf32, #tpu.memory_space<vmem>>
        %dma_start3A_79 = arith.constant 9984 : i32
        %dma_start3A_80 = arith.constant 0 : i32
        %dma_start3A_81 = tpu.memref_slice %arg10[%dma_start3A_79, %dma_start3A_80] : memref<10000x16xf32, #tpu.memory_space<vmem_shared>> -> memref<16x16xf32, #tpu.memory_space<vmem_shared>>
        %dma_start3A_82 = arith.constant 0 : i32
        %dma_start3A_83 = arith.constant 0 : i32
        %dma_start3A_84 = tpu.memref_slice %arg6[%dma_start3A_82, %dma_start3A_83] : memref<200x16xf32, #tpu.memory_space<vmem>> -> memref<16x16xf32, #tpu.memory_space<vmem>>
        %dma_start3A_85 = arith.constant 9984 : i32
        %dma_start3A_86 = arith.constant 0 : i32
        %dma_start3A_87 = tpu.memref_slice %arg10[%dma_start3A_85, %dma_start3A_86] : memref<10000x16xf32, #tpu.memory_space<vmem_shared>> -> memref<16x16xf32, #tpu.memory_space<vmem_shared>>
        tpu.enqueue_dma source(%dma_start3A_87 : memref<16x16xf32, #tpu.memory_space<vmem_shared>>) target(%dma_start3A_84 : memref<16x16xf32, #tpu.memory_space<vmem>>) target_semaphore(%run_scoped3A : memref<!tpu.dma_semaphore, #tpu.memory_space<semaphore_mem>>)
        %dma_wait3A = arith.constant 0 : i32
        %dma_wait3A_88 = arith.constant 0 : i32
        %dma_wait3A_89 = tpu.memref_slice %arg6[%dma_wait3A, %dma_wait3A_88] : memref<200x16xf32, #tpu.memory_space<vmem>> -> memref<16x16xf32, #tpu.memory_space<vmem>>
        %dma_wait3A_90 = arith.constant 9984 : i32
        %dma_wait3A_91 = arith.constant 0 : i32
        %dma_wait3A_92 = tpu.memref_slice %arg10[%dma_wait3A_90, %dma_wait3A_91] : memref<10000x16xf32, #tpu.memory_space<vmem_shared>> -> memref<16x16xf32, #tpu.memory_space<vmem_shared>>
        %dma_wait3A_93 = arith.constant 0 : i32
        %dma_wait3A_94 = arith.constant 0 : i32
        %dma_wait3A_95 = tpu.memref_slice %arg6[%dma_wait3A_93, %dma_wait3A_94] : memref<200x16xf32, #tpu.memory_space<vmem>> -> memref<16x16xf32, #tpu.memory_space<vmem>>
        %dma_wait3A_96 = arith.constant 9984 : i32
        %dma_wait3A_97 = arith.constant 0 : i32
        %dma_wait3A_98 = tpu.memref_slice %arg10[%dma_wait3A_96, %dma_wait3A_97] : memref<10000x16xf32, #tpu.memory_space<vmem_shared>> -> memref<16x16xf32, #tpu.memory_space<vmem_shared>>
        tpu.wait_dma2 semaphore(%run_scoped3A : memref<!tpu.dma_semaphore, #tpu.memory_space<semaphore_mem>>) src(%dma_wait3A_98 : memref<16x16xf32, #tpu.memory_space<vmem_shared>>) dst(%dma_wait3A_95 : memref<16x16xf32, #tpu.memory_space<vmem>>)
        tpu.yield
      }) : () -> ()
      "tpu.region"() ({
        %run_scoped3A = tpu.sem_alloc : memref<!tpu.dma_semaphore, #tpu.memory_space<semaphore_mem>>
        %dma_start3A = arith.constant 0 : i32
        %dma_start3A_77 = arith.constant 0 : i32
        %dma_start3A_78 = tpu.memref_slice %arg6[%dma_start3A, %dma_start3A_77] : memref<200x16xf32, #tpu.memory_space<vmem>> -> memref<16x16xf32, #tpu.memory_space<vmem>>
        %dma_start3A_79 = arith.constant 9984 : i32
        %dma_start3A_80 = arith.constant 0 : i32
        %dma_start3A_81 = tpu.memref_slice %arg4[%arg0, %dma_start3A_79, %dma_start3A_80] : memref<2x10000x16xf32, #tpu.memory_space<hbm>> -> memref<1x16x16xf32, #tpu.memory_space<hbm>>
        %dma_start3A_82 = tpu.memref_squeeze %dma_start3A_81 : memref<1x16x16xf32, #tpu.memory_space<hbm>> -> memref<16x16xf32, #tpu.memory_space<hbm>>
        %dma_start3A_83 = arith.constant 9984 : i32
        %dma_start3A_84 = arith.constant 0 : i32
        %dma_start3A_85 = tpu.memref_slice %arg4[%arg0, %dma_start3A_83, %dma_start3A_84] : memref<2x10000x16xf32, #tpu.memory_space<hbm>> -> memref<1x16x16xf32, #tpu.memory_space<hbm>>
        %dma_start3A_86 = tpu.memref_squeeze %dma_start3A_85 : memref<1x16x16xf32, #tpu.memory_space<hbm>> -> memref<16x16xf32, #tpu.memory_space<hbm>>
        %dma_start3A_87 = arith.constant 0 : i32
        %dma_start3A_88 = arith.constant 0 : i32
        %dma_start3A_89 = tpu.memref_slice %arg6[%dma_start3A_87, %dma_start3A_88] : memref<200x16xf32, #tpu.memory_space<vmem>> -> memref<16x16xf32, #tpu.memory_space<vmem>>
        tpu.enqueue_dma source(%dma_start3A_89 : memref<16x16xf32, #tpu.memory_space<vmem>>) target(%dma_start3A_86 : memref<16x16xf32, #tpu.memory_space<hbm>>) target_semaphore(%run_scoped3A : memref<!tpu.dma_semaphore, #tpu.memory_space<semaphore_mem>>)
        %dma_wait3A = arith.constant 0 : i32
        %dma_wait3A_90 = arith.constant 0 : i32
        %dma_wait3A_91 = tpu.memref_slice %arg6[%dma_wait3A, %dma_wait3A_90] : memref<200x16xf32, #tpu.memory_space<vmem>> -> memref<16x16xf32, #tpu.memory_space<vmem>>
        %dma_wait3A_92 = arith.constant 9984 : i32
        %dma_wait3A_93 = arith.constant 0 : i32
        %dma_wait3A_94 = tpu.memref_slice %arg4[%arg0, %dma_wait3A_92, %dma_wait3A_93] : memref<2x10000x16xf32, #tpu.memory_space<hbm>> -> memref<1x16x16xf32, #tpu.memory_space<hbm>>
        %dma_wait3A_95 = tpu.memref_squeeze %dma_wait3A_94 : memref<1x16x16xf32, #tpu.memory_space<hbm>> -> memref<16x16xf32, #tpu.memory_space<hbm>>
        %dma_wait3A_96 = arith.constant 9984 : i32
        %dma_wait3A_97 = arith.constant 0 : i32
        %dma_wait3A_98 = tpu.memref_slice %arg4[%arg0, %dma_wait3A_96, %dma_wait3A_97] : memref<2x10000x16xf32, #tpu.memory_space<hbm>> -> memref<1x16x16xf32, #tpu.memory_space<hbm>>
        %dma_wait3A_99 = tpu.memref_squeeze %dma_wait3A_98 : memref<1x16x16xf32, #tpu.memory_space<hbm>> -> memref<16x16xf32, #tpu.memory_space<hbm>>
        %dma_wait3A_100 = arith.constant 0 : i32
        %dma_wait3A_101 = arith.constant 0 : i32
        %dma_wait3A_102 = tpu.memref_slice %arg6[%dma_wait3A_100, %dma_wait3A_101] : memref<200x16xf32, #tpu.memory_space<vmem>> -> memref<16x16xf32, #tpu.memory_space<vmem>>
        tpu.wait_dma2 semaphore(%run_scoped3A : memref<!tpu.dma_semaphore, #tpu.memory_space<semaphore_mem>>) src(%dma_wait3A_102 : memref<16x16xf32, #tpu.memory_space<vmem>>) dst(%dma_wait3A_99 : memref<16x16xf32, #tpu.memory_space<hbm>>)
        tpu.yield
      }) : () -> ()
    } else {
    }
    %eq3A_69 = arith.constant 0 : i32
    %eq3A_70 = arith.cmpi eq, %arg0, %eq3A_69 : i32
    %eq3A_71 = arith.constant 0 : i32
    %eq3A_72 = arith.cmpi eq, %arg1, %eq3A_71 : i32
    %and3A_73 = arith.andi %eq3A_70, %eq3A_72 : i1
    %convert_element_type3A_74 = arith.extui %and3A_73 : i1 to i32
    %cond3A_75 = arith.constant 0 : i32
    %cond3A_76 = arith.cmpi ne, %convert_element_type3A_74, %cond3A_75 : i32
    scf.if %cond3A_76 {
      "tpu.region"() ({
        %run_scoped3A = tpu.sem_alloc : memref<!tpu.dma_semaphore, #tpu.memory_space<semaphore_mem>>
        %dma_start3A = arith.constant 0 : i32
        %dma_start3A_77 = arith.constant 0 : i32
        %dma_start3A_78 = tpu.memref_slice %arg6[%dma_start3A, %dma_start3A_77] : memref<200x16xf32, #tpu.memory_space<vmem>> -> memref<64x16xf32, #tpu.memory_space<vmem>>
        %dma_start3A_79 = arith.constant 0 : i32
        %dma_start3A_80 = arith.constant 0 : i32
        %dma_start3A_81 = tpu.memref_slice %arg11[%dma_start3A_79, %dma_start3A_80] : memref<64x16xf32, #tpu.memory_space<vmem_shared>> -> memref<64x16xf32, #tpu.memory_space<vmem_shared>>
        %dma_start3A_82 = arith.constant 0 : i32
        %dma_start3A_83 = arith.constant 0 : i32
        %dma_start3A_84 = tpu.memref_slice %arg6[%dma_start3A_82, %dma_start3A_83] : memref<200x16xf32, #tpu.memory_space<vmem>> -> memref<64x16xf32, #tpu.memory_space<vmem>>
        %dma_start3A_85 = arith.constant 0 : i32
        %dma_start3A_86 = arith.constant 0 : i32
        %dma_start3A_87 = tpu.memref_slice %arg11[%dma_start3A_85, %dma_start3A_86] : memref<64x16xf32, #tpu.memory_space<vmem_shared>> -> memref<64x16xf32, #tpu.memory_space<vmem_shared>>
        tpu.enqueue_dma source(%dma_start3A_87 : memref<64x16xf32, #tpu.memory_space<vmem_shared>>) target(%dma_start3A_84 : memref<64x16xf32, #tpu.memory_space<vmem>>) target_semaphore(%run_scoped3A : memref<!tpu.dma_semaphore, #tpu.memory_space<semaphore_mem>>)
        %dma_wait3A = arith.constant 0 : i32
        %dma_wait3A_88 = arith.constant 0 : i32
        %dma_wait3A_89 = tpu.memref_slice %arg6[%dma_wait3A, %dma_wait3A_88] : memref<200x16xf32, #tpu.memory_space<vmem>> -> memref<64x16xf32, #tpu.memory_space<vmem>>
        %dma_wait3A_90 = arith.constant 0 : i32
        %dma_wait3A_91 = arith.constant 0 : i32
        %dma_wait3A_92 = tpu.memref_slice %arg11[%dma_wait3A_90, %dma_wait3A_91] : memref<64x16xf32, #tpu.memory_space<vmem_shared>> -> memref<64x16xf32, #tpu.memory_space<vmem_shared>>
        %dma_wait3A_93 = arith.constant 0 : i32
        %dma_wait3A_94 = arith.constant 0 : i32
        %dma_wait3A_95 = tpu.memref_slice %arg6[%dma_wait3A_93, %dma_wait3A_94] : memref<200x16xf32, #tpu.memory_space<vmem>> -> memref<64x16xf32, #tpu.memory_space<vmem>>
        %dma_wait3A_96 = arith.constant 0 : i32
        %dma_wait3A_97 = arith.constant 0 : i32
        %dma_wait3A_98 = tpu.memref_slice %arg11[%dma_wait3A_96, %dma_wait3A_97] : memref<64x16xf32, #tpu.memory_space<vmem_shared>> -> memref<64x16xf32, #tpu.memory_space<vmem_shared>>
        tpu.wait_dma2 semaphore(%run_scoped3A : memref<!tpu.dma_semaphore, #tpu.memory_space<semaphore_mem>>) src(%dma_wait3A_98 : memref<64x16xf32, #tpu.memory_space<vmem_shared>>) dst(%dma_wait3A_95 : memref<64x16xf32, #tpu.memory_space<vmem>>)
        tpu.yield
      }) : () -> ()
      "tpu.region"() ({
        %run_scoped3A = tpu.sem_alloc : memref<!tpu.dma_semaphore, #tpu.memory_space<semaphore_mem>>
        %dma_start3A = arith.constant 0 : i32
        %dma_start3A_77 = arith.constant 0 : i32
        %dma_start3A_78 = tpu.memref_slice %arg6[%dma_start3A, %dma_start3A_77] : memref<200x16xf32, #tpu.memory_space<vmem>> -> memref<64x16xf32, #tpu.memory_space<vmem>>
        %dma_start3A_79 = arith.constant 0 : i32
        %dma_start3A_80 = arith.constant 0 : i32
        %dma_start3A_81 = tpu.memref_slice %arg5[%dma_start3A_79, %dma_start3A_80] : memref<64x16xf32, #tpu.memory_space<hbm>> -> memref<64x16xf32, #tpu.memory_space<hbm>>
        %dma_start3A_82 = arith.constant 0 : i32
        %dma_start3A_83 = arith.constant 0 : i32
        %dma_start3A_84 = tpu.memref_slice %arg5[%dma_start3A_82, %dma_start3A_83] : memref<64x16xf32, #tpu.memory_space<hbm>> -> memref<64x16xf32, #tpu.memory_space<hbm>>
        %dma_start3A_85 = arith.constant 0 : i32
        %dma_start3A_86 = arith.constant 0 : i32
        %dma_start3A_87 = tpu.memref_slice %arg6[%dma_start3A_85, %dma_start3A_86] : memref<200x16xf32, #tpu.memory_space<vmem>> -> memref<64x16xf32, #tpu.memory_space<vmem>>
        tpu.enqueue_dma source(%dma_start3A_87 : memref<64x16xf32, #tpu.memory_space<vmem>>) target(%dma_start3A_84 : memref<64x16xf32, #tpu.memory_space<hbm>>) target_semaphore(%run_scoped3A : memref<!tpu.dma_semaphore, #tpu.memory_space<semaphore_mem>>)
        %dma_wait3A = arith.constant 0 : i32
        %dma_wait3A_88 = arith.constant 0 : i32
        %dma_wait3A_89 = tpu.memref_slice %arg6[%dma_wait3A, %dma_wait3A_88] : memref<200x16xf32, #tpu.memory_space<vmem>> -> memref<64x16xf32, #tpu.memory_space<vmem>>
        %dma_wait3A_90 = arith.constant 0 : i32
        %dma_wait3A_91 = arith.constant 0 : i32
        %dma_wait3A_92 = tpu.memref_slice %arg5[%dma_wait3A_90, %dma_wait3A_91] : memref<64x16xf32, #tpu.memory_space<hbm>> -> memref<64x16xf32, #tpu.memory_space<hbm>>
        %dma_wait3A_93 = arith.constant 0 : i32
        %dma_wait3A_94 = arith.constant 0 : i32
        %dma_wait3A_95 = tpu.memref_slice %arg5[%dma_wait3A_93, %dma_wait3A_94] : memref<64x16xf32, #tpu.memory_space<hbm>> -> memref<64x16xf32, #tpu.memory_space<hbm>>
        %dma_wait3A_96 = arith.constant 0 : i32
        %dma_wait3A_97 = arith.constant 0 : i32
        %dma_wait3A_98 = tpu.memref_slice %arg6[%dma_wait3A_96, %dma_wait3A_97] : memref<200x16xf32, #tpu.memory_space<vmem>> -> memref<64x16xf32, #tpu.memory_space<vmem>>
        tpu.wait_dma2 semaphore(%run_scoped3A : memref<!tpu.dma_semaphore, #tpu.memory_space<semaphore_mem>>) src(%dma_wait3A_98 : memref<64x16xf32, #tpu.memory_space<vmem>>) dst(%dma_wait3A_95 : memref<64x16xf32, #tpu.memory_space<hbm>>)
        tpu.yield
      }) : () -> ()
    } else {
    }
    return
  }
}

#map = affine_map<(d0, d1) -> (0, 0)>
#map1 = affine_map<(d0, d1) -> (0)>
#map2 = affine_map<(d0, d1) -> (0, 0, 0)>
module attributes {stable_mosaic.version = 14 : i64} {
  func.func @_pool_kernel(%arg0: i32, %arg1: i32, %arg2: memref<10000x128xf32, #tpu.memory_space<hbm>>, %arg3: memref<10000xi32, #tpu.memory_space<hbm>>, %arg4: memref<2x64x128xf32, #tpu.memory_space<hbm>>, %arg5: memref<312xi32, #tpu.memory_space<vmem>>, %arg6: memref<16xi32, #tpu.memory_space<vmem>>, %arg7: memref<312x128xf32, #tpu.memory_space<vmem>>, %arg8: memref<64x128xf32, #tpu.memory_space<vmem_shared>>) attributes {dimension_semantics = [#tpu.dimension_semantics<core_parallel>, #tpu.dimension_semantics<subcore_parallel>], iteration_bounds = array<i64: 2, 16>, scalar_prefetch = 0 : i64, scratch_operands = 4 : i64, tpu.core_type = #tpu.core_type<sc_vector_subcore>, window_params = [{transform_indices = #map}, {transform_indices = #map1}, {transform_indices = #map2}]} {
    %scan3A = arith.constant 0 : i32
    %scan3A_0 = arith.constant 0 : i32
    %scan3A_1 = arith.constant 64 : i32
    %scan3A_2 = arith.addi %scan3A_0, %scan3A_1 : i32
    %scan3A_3 = arith.constant 1 : i32
    %scan3A_4 = scf.for %scan3A_24 = %scan3A_0 to %scan3A_2 step %scan3A_3 iter_args(%scan3A_25 = %scan3A) -> (i32)  : i32 {
      %broadcast_in_dim3A = arith.constant 0.000000e+00 : f32
      %broadcast_in_dim3A_26 = vector.broadcast %broadcast_in_dim3A : f32 to vector<16xf32>
      %swap3A = arith.index_cast %scan3A_24 : i32 to index
      %swap3A_27 = arith.constant 0 : index
      %swap3A_28 = tpu.vector_load %arg7[%swap3A, %swap3A_27] {strides = array<i32>} : memref<312x128xf32, #tpu.memory_space<vmem>>, vector<1x16xf32>,
      %swap3A_29 = vector.shape_cast %swap3A_28 : vector<1x16xf32> to vector<16xf32>
      %swap3A_30 = vector.shape_cast %broadcast_in_dim3A_26 : vector<16xf32> to vector<1x16xf32>
      tpu.vector_store %arg7[%swap3A, %swap3A_27], %swap3A_30 {strides = array<i32>} : memref<312x128xf32, #tpu.memory_space<vmem>>, vector<1x16xf32>,
      %broadcast_in_dim3A_31 = arith.constant 0.000000e+00 : f32
      %broadcast_in_dim3A_32 = vector.broadcast %broadcast_in_dim3A_31 : f32 to vector<16xf32>
      %swap3A_33 = arith.index_cast %scan3A_24 : i32 to index
      %swap3A_34 = arith.constant 16 : index
      %swap3A_35 = tpu.vector_load %arg7[%swap3A_33, %swap3A_34] {strides = array<i32>} : memref<312x128xf32, #tpu.memory_space<vmem>>, vector<1x16xf32>,
      %swap3A_36 = vector.shape_cast %swap3A_35 : vector<1x16xf32> to vector<16xf32>
      %swap3A_37 = vector.shape_cast %broadcast_in_dim3A_32 : vector<16xf32> to vector<1x16xf32>
      tpu.vector_store %arg7[%swap3A_33, %swap3A_34], %swap3A_37 {strides = array<i32>} : memref<312x128xf32, #tpu.memory_space<vmem>>, vector<1x16xf32>,
      %broadcast_in_dim3A_38 = arith.constant 0.000000e+00 : f32
      %broadcast_in_dim3A_39 = vector.broadcast %broadcast_in_dim3A_38 : f32 to vector<16xf32>
      %swap3A_40 = arith.index_cast %scan3A_24 : i32 to index
      %swap3A_41 = arith.constant 32 : index
      %swap3A_42 = tpu.vector_load %arg7[%swap3A_40, %swap3A_41] {strides = array<i32>} : memref<312x128xf32, #tpu.memory_space<vmem>>, vector<1x16xf32>,
      %swap3A_43 = vector.shape_cast %swap3A_42 : vector<1x16xf32> to vector<16xf32>
      %swap3A_44 = vector.shape_cast %broadcast_in_dim3A_39 : vector<16xf32> to vector<1x16xf32>
      tpu.vector_store %arg7[%swap3A_40, %swap3A_41], %swap3A_44 {strides = array<i32>} : memref<312x128xf32, #tpu.memory_space<vmem>>, vector<1x16xf32>,
      %broadcast_in_dim3A_45 = arith.constant 0.000000e+00 : f32
      %broadcast_in_dim3A_46 = vector.broadcast %broadcast_in_dim3A_45 : f32 to vector<16xf32>
      %swap3A_47 = arith.index_cast %scan3A_24 : i32 to index
      %swap3A_48 = arith.constant 48 : index
      %swap3A_49 = tpu.vector_load %arg7[%swap3A_47, %swap3A_48] {strides = array<i32>} : memref<312x128xf32, #tpu.memory_space<vmem>>, vector<1x16xf32>,
      %swap3A_50 = vector.shape_cast %swap3A_49 : vector<1x16xf32> to vector<16xf32>
      %swap3A_51 = vector.shape_cast %broadcast_in_dim3A_46 : vector<16xf32> to vector<1x16xf32>
      tpu.vector_store %arg7[%swap3A_47, %swap3A_48], %swap3A_51 {strides = array<i32>} : memref<312x128xf32, #tpu.memory_space<vmem>>, vector<1x16xf32>,
      %broadcast_in_dim3A_52 = arith.constant 0.000000e+00 : f32
      %broadcast_in_dim3A_53 = vector.broadcast %broadcast_in_dim3A_52 : f32 to vector<16xf32>
      %swap3A_54 = arith.index_cast %scan3A_24 : i32 to index
      %swap3A_55 = arith.constant 64 : index
      %swap3A_56 = tpu.vector_load %arg7[%swap3A_54, %swap3A_55] {strides = array<i32>} : memref<312x128xf32, #tpu.memory_space<vmem>>, vector<1x16xf32>,
      %swap3A_57 = vector.shape_cast %swap3A_56 : vector<1x16xf32> to vector<16xf32>
      %swap3A_58 = vector.shape_cast %broadcast_in_dim3A_53 : vector<16xf32> to vector<1x16xf32>
      tpu.vector_store %arg7[%swap3A_54, %swap3A_55], %swap3A_58 {strides = array<i32>} : memref<312x128xf32, #tpu.memory_space<vmem>>, vector<1x16xf32>,
      %broadcast_in_dim3A_59 = arith.constant 0.000000e+00 : f32
      %broadcast_in_dim3A_60 = vector.broadcast %broadcast_in_dim3A_59 : f32 to vector<16xf32>
      %swap3A_61 = arith.index_cast %scan3A_24 : i32 to index
      %swap3A_62 = arith.constant 80 : index
      %swap3A_63 = tpu.vector_load %arg7[%swap3A_61, %swap3A_62] {strides = array<i32>} : memref<312x128xf32, #tpu.memory_space<vmem>>, vector<1x16xf32>,
      %swap3A_64 = vector.shape_cast %swap3A_63 : vector<1x16xf32> to vector<16xf32>
      %swap3A_65 = vector.shape_cast %broadcast_in_dim3A_60 : vector<16xf32> to vector<1x16xf32>
      tpu.vector_store %arg7[%swap3A_61, %swap3A_62], %swap3A_65 {strides = array<i32>} : memref<312x128xf32, #tpu.memory_space<vmem>>, vector<1x16xf32>,
      %broadcast_in_dim3A_66 = arith.constant 0.000000e+00 : f32
      %broadcast_in_dim3A_67 = vector.broadcast %broadcast_in_dim3A_66 : f32 to vector<16xf32>
      %swap3A_68 = arith.index_cast %scan3A_24 : i32 to index
      %swap3A_69 = arith.constant 96 : index
      %swap3A_70 = tpu.vector_load %arg7[%swap3A_68, %swap3A_69] {strides = array<i32>} : memref<312x128xf32, #tpu.memory_space<vmem>>, vector<1x16xf32>,
      %swap3A_71 = vector.shape_cast %swap3A_70 : vector<1x16xf32> to vector<16xf32>
      %swap3A_72 = vector.shape_cast %broadcast_in_dim3A_67 : vector<16xf32> to vector<1x16xf32>
      tpu.vector_store %arg7[%swap3A_68, %swap3A_69], %swap3A_72 {strides = array<i32>} : memref<312x128xf32, #tpu.memory_space<vmem>>, vector<1x16xf32>,
      %broadcast_in_dim3A_73 = arith.constant 0.000000e+00 : f32
      %broadcast_in_dim3A_74 = vector.broadcast %broadcast_in_dim3A_73 : f32 to vector<16xf32>
      %swap3A_75 = arith.index_cast %scan3A_24 : i32 to index
      %swap3A_76 = arith.constant 112 : index
      %swap3A_77 = tpu.vector_load %arg7[%swap3A_75, %swap3A_76] {strides = array<i32>} : memref<312x128xf32, #tpu.memory_space<vmem>>, vector<1x16xf32>,
      %swap3A_78 = vector.shape_cast %swap3A_77 : vector<1x16xf32> to vector<16xf32>
      %swap3A_79 = vector.shape_cast %broadcast_in_dim3A_74 : vector<16xf32> to vector<1x16xf32>
      tpu.vector_store %arg7[%swap3A_75, %swap3A_76], %swap3A_79 {strides = array<i32>} : memref<312x128xf32, #tpu.memory_space<vmem>>, vector<1x16xf32>,
      %scan3A_80 = arith.constant 0 : i32
      scf.yield %scan3A_80 : i32
    }
    %scan3A_5 = arith.constant 64 : i32
    %eq3A = arith.constant 0 : i32
    %eq3A_6 = arith.cmpi eq, %arg1, %eq3A : i32
    %convert_element_type3A = arith.extui %eq3A_6 : i1 to i32
    %cond3A = arith.constant 0 : i32
    %cond3A_7 = arith.cmpi ne, %convert_element_type3A, %cond3A : i32
    scf.if %cond3A_7 {
      "tpu.region"() ({
        %run_scoped3A = tpu.sem_alloc : memref<!tpu.dma_semaphore, #tpu.memory_space<semaphore_mem>>
        %dma_start3A = arith.constant 0 : i32
        %dma_start3A_24 = arith.constant 0 : i32
        %dma_start3A_25 = tpu.memref_slice %arg7[%dma_start3A, %dma_start3A_24] : memref<312x128xf32, #tpu.memory_space<vmem>> -> memref<64x128xf32, #tpu.memory_space<vmem>>
        %dma_start3A_26 = arith.constant 0 : i32
        %dma_start3A_27 = arith.constant 0 : i32
        %dma_start3A_28 = tpu.memref_slice %arg7[%dma_start3A_26, %dma_start3A_27] : memref<312x128xf32, #tpu.memory_space<vmem>> -> memref<64x128xf32, #tpu.memory_space<vmem>>
        tpu.enqueue_dma source(%dma_start3A_28 : memref<64x128xf32, #tpu.memory_space<vmem>>) target(%arg8 : memref<64x128xf32, #tpu.memory_space<vmem_shared>>) target_semaphore(%run_scoped3A : memref<!tpu.dma_semaphore, #tpu.memory_space<semaphore_mem>>)
        %dma_wait3A = arith.constant 0 : i32
        %dma_wait3A_29 = arith.constant 0 : i32
        %dma_wait3A_30 = tpu.memref_slice %arg7[%dma_wait3A, %dma_wait3A_29] : memref<312x128xf32, #tpu.memory_space<vmem>> -> memref<64x128xf32, #tpu.memory_space<vmem>>
        %dma_wait3A_31 = arith.constant 0 : i32
        %dma_wait3A_32 = arith.constant 0 : i32
        %dma_wait3A_33 = tpu.memref_slice %arg7[%dma_wait3A_31, %dma_wait3A_32] : memref<312x128xf32, #tpu.memory_space<vmem>> -> memref<64x128xf32, #tpu.memory_space<vmem>>
        tpu.wait_dma2 semaphore(%run_scoped3A : memref<!tpu.dma_semaphore, #tpu.memory_space<semaphore_mem>>) src(%dma_wait3A_33 : memref<64x128xf32, #tpu.memory_space<vmem>>) dst(%arg8 : memref<64x128xf32, #tpu.memory_space<vmem_shared>>)
        tpu.yield
      }) : () -> ()
    } else {
    }
    %barrier3A = arith.constant 0 : index
    tpu.barrier barrier_id(%barrier3A)
    %mul3A = arith.constant 16 : i32
    %mul3A_8 = arith.muli %arg0, %mul3A : i32
    %add3A = arith.addi %mul3A_8, %arg1 : i32
    %mul3A_9 = arith.constant 312 : i32
    %mul3A_10 = arith.muli %add3A, %mul3A_9 : i32
    "tpu.region"() ({
      %run_scoped3A = tpu.sem_alloc : memref<!tpu.dma_semaphore, #tpu.memory_space<semaphore_mem>>
      %dma_start3A = tpu.memref_slice %arg3[%mul3A_10] : memref<10000xi32, #tpu.memory_space<hbm>> -> memref<312xi32, #tpu.memory_space<hbm>>
      %dma_start3A_24 = tpu.memref_slice %arg3[%mul3A_10] : memref<10000xi32, #tpu.memory_space<hbm>> -> memref<312xi32, #tpu.memory_space<hbm>>
      tpu.enqueue_dma source(%dma_start3A_24 : memref<312xi32, #tpu.memory_space<hbm>>) target(%arg5 : memref<312xi32, #tpu.memory_space<vmem>>) target_semaphore(%run_scoped3A : memref<!tpu.dma_semaphore, #tpu.memory_space<semaphore_mem>>)
      %dma_wait3A = tpu.memref_slice %arg3[%mul3A_10] : memref<10000xi32, #tpu.memory_space<hbm>> -> memref<312xi32, #tpu.memory_space<hbm>>
      %dma_wait3A_25 = tpu.memref_slice %arg3[%mul3A_10] : memref<10000xi32, #tpu.memory_space<hbm>> -> memref<312xi32, #tpu.memory_space<hbm>>
      tpu.wait_dma2 semaphore(%run_scoped3A : memref<!tpu.dma_semaphore, #tpu.memory_space<semaphore_mem>>) src(%dma_wait3A_25 : memref<312xi32, #tpu.memory_space<hbm>>) dst(%arg5 : memref<312xi32, #tpu.memory_space<vmem>>)
      tpu.yield
    }) : () -> ()
    "tpu.region"() ({
      %run_scoped3A = tpu.sem_alloc : memref<!tpu.dma_semaphore, #tpu.memory_space<semaphore_mem>>
      %dma_start3A = arith.constant 0 : i32
      %dma_start3A_24 = tpu.memref_slice %arg2[%mul3A_10, %dma_start3A] : memref<10000x128xf32, #tpu.memory_space<hbm>> -> memref<312x128xf32, #tpu.memory_space<hbm>>
      %dma_start3A_25 = arith.constant 0 : i32
      %dma_start3A_26 = tpu.memref_slice %arg2[%mul3A_10, %dma_start3A_25] : memref<10000x128xf32, #tpu.memory_space<hbm>> -> memref<312x128xf32, #tpu.memory_space<hbm>>
      tpu.enqueue_dma source(%dma_start3A_26 : memref<312x128xf32, #tpu.memory_space<hbm>>) target(%arg7 : memref<312x128xf32, #tpu.memory_space<vmem>>) target_semaphore(%run_scoped3A : memref<!tpu.dma_semaphore, #tpu.memory_space<semaphore_mem>>)
      %dma_wait3A = arith.constant 0 : i32
      %dma_wait3A_27 = tpu.memref_slice %arg2[%mul3A_10, %dma_wait3A] : memref<10000x128xf32, #tpu.memory_space<hbm>> -> memref<312x128xf32, #tpu.memory_space<hbm>>
      %dma_wait3A_28 = arith.constant 0 : i32
      %dma_wait3A_29 = tpu.memref_slice %arg2[%mul3A_10, %dma_wait3A_28] : memref<10000x128xf32, #tpu.memory_space<hbm>> -> memref<312x128xf32, #tpu.memory_space<hbm>>
      tpu.wait_dma2 semaphore(%run_scoped3A : memref<!tpu.dma_semaphore, #tpu.memory_space<semaphore_mem>>) src(%dma_wait3A_29 : memref<312x128xf32, #tpu.memory_space<hbm>>) dst(%arg7 : memref<312x128xf32, #tpu.memory_space<vmem>>)
      tpu.yield
    }) : () -> ()
    "tpu.region"() ({
      %run_scoped3A = tpu.sem_alloc : memref<!tpu.dma_semaphore, #tpu.memory_space<semaphore_mem>>
      %dma_start3A = arith.constant 0 : i32
      %dma_start3A_24 = arith.constant 0 : i32
      %dma_start3A_25 = tpu.memref_slice %arg8[%dma_start3A, %dma_start3A_24] : memref<64x128xf32, #tpu.memory_space<vmem_shared>> -> memref<64x128xf32, #tpu.memory_space<vmem_shared>>
      tpu.enqueue_indirect_dma source(%arg7 : memref<312x128xf32, #tpu.memory_space<vmem>>) target(%dma_start3A_25 : memref<64x128xf32, #tpu.memory_space<vmem_shared>>) offsets(%arg5 : memref<312xi32, #tpu.memory_space<vmem>>) semaphore(%run_scoped3A : memref<!tpu.dma_semaphore, #tpu.memory_space<semaphore_mem>>) {add = true}
      %dma_wait3A = arith.constant 0 : i32
      %dma_wait3A_26 = arith.constant 0 : i32
      %dma_wait3A_27 = tpu.memref_slice %arg8[%dma_wait3A, %dma_wait3A_26] : memref<64x128xf32, #tpu.memory_space<vmem_shared>> -> memref<64x128xf32, #tpu.memory_space<vmem_shared>>
      tpu.wait_indirect_dma semaphore(%run_scoped3A : memref<!tpu.dma_semaphore, #tpu.memory_space<semaphore_mem>>) src(%arg7 : memref<312x128xf32, #tpu.memory_space<vmem>>) dst(%dma_wait3A_27 : memref<64x128xf32, #tpu.memory_space<vmem_shared>>)
      tpu.yield
    }) : () -> ()
    %eq3A_11 = arith.constant 0 : i32
    %eq3A_12 = arith.cmpi eq, %arg0, %eq3A_11 : i32
    %eq3A_13 = arith.constant 0 : i32
    %eq3A_14 = arith.cmpi eq, %arg1, %eq3A_13 : i32
    %and3A = arith.andi %eq3A_12, %eq3A_14 : i1
    %convert_element_type3A_15 = arith.extui %and3A : i1 to i32
    %cond3A_16 = arith.constant 0 : i32
    %cond3A_17 = arith.cmpi ne, %convert_element_type3A_15, %cond3A_16 : i32
    scf.if %cond3A_17 {
      "tpu.region"() ({
        %run_scoped3A = tpu.sem_alloc : memref<!tpu.dma_semaphore, #tpu.memory_space<semaphore_mem>>
        %dma_start3A = arith.constant 9984 : i32
        %dma_start3A_24 = tpu.memref_slice %arg3[%dma_start3A] : memref<10000xi32, #tpu.memory_space<hbm>> -> memref<16xi32, #tpu.memory_space<hbm>>
        %dma_start3A_25 = arith.constant 9984 : i32
        %dma_start3A_26 = tpu.memref_slice %arg3[%dma_start3A_25] : memref<10000xi32, #tpu.memory_space<hbm>> -> memref<16xi32, #tpu.memory_space<hbm>>
        tpu.enqueue_dma source(%dma_start3A_26 : memref<16xi32, #tpu.memory_space<hbm>>) target(%arg6 : memref<16xi32, #tpu.memory_space<vmem>>) target_semaphore(%run_scoped3A : memref<!tpu.dma_semaphore, #tpu.memory_space<semaphore_mem>>)
        %dma_wait3A = arith.constant 9984 : i32
        %dma_wait3A_27 = tpu.memref_slice %arg3[%dma_wait3A] : memref<10000xi32, #tpu.memory_space<hbm>> -> memref<16xi32, #tpu.memory_space<hbm>>
        %dma_wait3A_28 = arith.constant 9984 : i32
        %dma_wait3A_29 = tpu.memref_slice %arg3[%dma_wait3A_28] : memref<10000xi32, #tpu.memory_space<hbm>> -> memref<16xi32, #tpu.memory_space<hbm>>
        tpu.wait_dma2 semaphore(%run_scoped3A : memref<!tpu.dma_semaphore, #tpu.memory_space<semaphore_mem>>) src(%dma_wait3A_29 : memref<16xi32, #tpu.memory_space<hbm>>) dst(%arg6 : memref<16xi32, #tpu.memory_space<vmem>>)
        tpu.yield
      }) : () -> ()
      "tpu.region"() ({
        %run_scoped3A = tpu.sem_alloc : memref<!tpu.dma_semaphore, #tpu.memory_space<semaphore_mem>>
        %dma_start3A = arith.constant 0 : i32
        %dma_start3A_24 = arith.constant 0 : i32
        %dma_start3A_25 = tpu.memref_slice %arg7[%dma_start3A, %dma_start3A_24] : memref<312x128xf32, #tpu.memory_space<vmem>> -> memref<16x128xf32, #tpu.memory_space<vmem>>
        %dma_start3A_26 = arith.constant 9984 : i32
        %dma_start3A_27 = arith.constant 0 : i32
        %dma_start3A_28 = tpu.memref_slice %arg2[%dma_start3A_26, %dma_start3A_27] : memref<10000x128xf32, #tpu.memory_space<hbm>> -> memref<16x128xf32, #tpu.memory_space<hbm>>
        %dma_start3A_29 = arith.constant 0 : i32
        %dma_start3A_30 = arith.constant 0 : i32
        %dma_start3A_31 = tpu.memref_slice %arg7[%dma_start3A_29, %dma_start3A_30] : memref<312x128xf32, #tpu.memory_space<vmem>> -> memref<16x128xf32, #tpu.memory_space<vmem>>
        %dma_start3A_32 = arith.constant 9984 : i32
        %dma_start3A_33 = arith.constant 0 : i32
        %dma_start3A_34 = tpu.memref_slice %arg2[%dma_start3A_32, %dma_start3A_33] : memref<10000x128xf32, #tpu.memory_space<hbm>> -> memref<16x128xf32, #tpu.memory_space<hbm>>
        tpu.enqueue_dma source(%dma_start3A_34 : memref<16x128xf32, #tpu.memory_space<hbm>>) target(%dma_start3A_31 : memref<16x128xf32, #tpu.memory_space<vmem>>) target_semaphore(%run_scoped3A : memref<!tpu.dma_semaphore, #tpu.memory_space<semaphore_mem>>)
        %dma_wait3A = arith.constant 0 : i32
        %dma_wait3A_35 = arith.constant 0 : i32
        %dma_wait3A_36 = tpu.memref_slice %arg7[%dma_wait3A, %dma_wait3A_35] : memref<312x128xf32, #tpu.memory_space<vmem>> -> memref<16x128xf32, #tpu.memory_space<vmem>>
        %dma_wait3A_37 = arith.constant 9984 : i32
        %dma_wait3A_38 = arith.constant 0 : i32
        %dma_wait3A_39 = tpu.memref_slice %arg2[%dma_wait3A_37, %dma_wait3A_38] : memref<10000x128xf32, #tpu.memory_space<hbm>> -> memref<16x128xf32, #tpu.memory_space<hbm>>
        %dma_wait3A_40 = arith.constant 0 : i32
        %dma_wait3A_41 = arith.constant 0 : i32
        %dma_wait3A_42 = tpu.memref_slice %arg7[%dma_wait3A_40, %dma_wait3A_41] : memref<312x128xf32, #tpu.memory_space<vmem>> -> memref<16x128xf32, #tpu.memory_space<vmem>>
        %dma_wait3A_43 = arith.constant 9984 : i32
        %dma_wait3A_44 = arith.constant 0 : i32
        %dma_wait3A_45 = tpu.memref_slice %arg2[%dma_wait3A_43, %dma_wait3A_44] : memref<10000x128xf32, #tpu.memory_space<hbm>> -> memref<16x128xf32, #tpu.memory_space<hbm>>
        tpu.wait_dma2 semaphore(%run_scoped3A : memref<!tpu.dma_semaphore, #tpu.memory_space<semaphore_mem>>) src(%dma_wait3A_45 : memref<16x128xf32, #tpu.memory_space<hbm>>) dst(%dma_wait3A_42 : memref<16x128xf32, #tpu.memory_space<vmem>>)
        tpu.yield
      }) : () -> ()
      "tpu.region"() ({
        %run_scoped3A = tpu.sem_alloc : memref<!tpu.dma_semaphore, #tpu.memory_space<semaphore_mem>>
        %dma_start3A = arith.constant 0 : i32
        %dma_start3A_24 = arith.constant 0 : i32
        %dma_start3A_25 = tpu.memref_slice %arg7[%dma_start3A, %dma_start3A_24] : memref<312x128xf32, #tpu.memory_space<vmem>> -> memref<16x128xf32, #tpu.memory_space<vmem>>
        %dma_start3A_26 = arith.constant 0 : i32
        %dma_start3A_27 = arith.constant 0 : i32
        %dma_start3A_28 = tpu.memref_slice %arg8[%dma_start3A_26, %dma_start3A_27] : memref<64x128xf32, #tpu.memory_space<vmem_shared>> -> memref<64x128xf32, #tpu.memory_space<vmem_shared>>
        tpu.enqueue_indirect_dma source(%dma_start3A_25 : memref<16x128xf32, #tpu.memory_space<vmem>>) target(%dma_start3A_28 : memref<64x128xf32, #tpu.memory_space<vmem_shared>>) offsets(%arg6 : memref<16xi32, #tpu.memory_space<vmem>>) semaphore(%run_scoped3A : memref<!tpu.dma_semaphore, #tpu.memory_space<semaphore_mem>>) {add = true}
        %dma_wait3A = arith.constant 0 : i32
        %dma_wait3A_29 = arith.constant 0 : i32
        %dma_wait3A_30 = tpu.memref_slice %arg7[%dma_wait3A, %dma_wait3A_29] : memref<312x128xf32, #tpu.memory_space<vmem>> -> memref<16x128xf32, #tpu.memory_space<vmem>>
        %dma_wait3A_31 = arith.constant 0 : i32
        %dma_wait3A_32 = arith.constant 0 : i32
        %dma_wait3A_33 = tpu.memref_slice %arg8[%dma_wait3A_31, %dma_wait3A_32] : memref<64x128xf32, #tpu.memory_space<vmem_shared>> -> memref<64x128xf32, #tpu.memory_space<vmem_shared>>
        tpu.wait_indirect_dma semaphore(%run_scoped3A : memref<!tpu.dma_semaphore, #tpu.memory_space<semaphore_mem>>) src(%dma_wait3A_30 : memref<16x128xf32, #tpu.memory_space<vmem>>) dst(%dma_wait3A_33 : memref<64x128xf32, #tpu.memory_space<vmem_shared>>)
        tpu.yield
      }) : () -> ()
    } else {
    }
    %barrier3A_18 = arith.constant 0 : index
    tpu.barrier barrier_id(%barrier3A_18)
    %eq3A_19 = arith.constant 0 : i32
    %eq3A_20 = arith.cmpi eq, %arg1, %eq3A_19 : i32
    %convert_element_type3A_21 = arith.extui %eq3A_20 : i1 to i32
    %cond3A_22 = arith.constant 0 : i32
    %cond3A_23 = arith.cmpi ne, %convert_element_type3A_21, %cond3A_22 : i32
    scf.if %cond3A_23 {
      "tpu.region"() ({
        %run_scoped3A = tpu.sem_alloc : memref<!tpu.dma_semaphore, #tpu.memory_space<semaphore_mem>>
        %dma_start3A = arith.constant 0 : i32
        %dma_start3A_24 = arith.constant 0 : i32
        %dma_start3A_25 = tpu.memref_slice %arg7[%dma_start3A, %dma_start3A_24] : memref<312x128xf32, #tpu.memory_space<vmem>> -> memref<64x128xf32, #tpu.memory_space<vmem>>
        %dma_start3A_26 = arith.constant 0 : i32
        %dma_start3A_27 = arith.constant 0 : i32
        %dma_start3A_28 = tpu.memref_slice %arg7[%dma_start3A_26, %dma_start3A_27] : memref<312x128xf32, #tpu.memory_space<vmem>> -> memref<64x128xf32, #tpu.memory_space<vmem>>
        tpu.enqueue_dma source(%arg8 : memref<64x128xf32, #tpu.memory_space<vmem_shared>>) target(%dma_start3A_28 : memref<64x128xf32, #tpu.memory_space<vmem>>) target_semaphore(%run_scoped3A : memref<!tpu.dma_semaphore, #tpu.memory_space<semaphore_mem>>)
        %dma_wait3A = arith.constant 0 : i32
        %dma_wait3A_29 = arith.constant 0 : i32
        %dma_wait3A_30 = tpu.memref_slice %arg7[%dma_wait3A, %dma_wait3A_29] : memref<312x128xf32, #tpu.memory_space<vmem>> -> memref<64x128xf32, #tpu.memory_space<vmem>>
        %dma_wait3A_31 = arith.constant 0 : i32
        %dma_wait3A_32 = arith.constant 0 : i32
        %dma_wait3A_33 = tpu.memref_slice %arg7[%dma_wait3A_31, %dma_wait3A_32] : memref<312x128xf32, #tpu.memory_space<vmem>> -> memref<64x128xf32, #tpu.memory_space<vmem>>
        tpu.wait_dma2 semaphore(%run_scoped3A : memref<!tpu.dma_semaphore, #tpu.memory_space<semaphore_mem>>) src(%arg8 : memref<64x128xf32, #tpu.memory_space<vmem_shared>>) dst(%dma_wait3A_33 : memref<64x128xf32, #tpu.memory_space<vmem>>)
        tpu.yield
      }) : () -> ()
      "tpu.region"() ({
        %run_scoped3A = tpu.sem_alloc : memref<!tpu.dma_semaphore, #tpu.memory_space<semaphore_mem>>
        %dma_start3A = arith.constant 0 : i32
        %dma_start3A_24 = arith.constant 0 : i32
        %dma_start3A_25 = tpu.memref_slice %arg7[%dma_start3A, %dma_start3A_24] : memref<312x128xf32, #tpu.memory_space<vmem>> -> memref<64x128xf32, #tpu.memory_space<vmem>>
        %dma_start3A_26 = arith.constant 0 : i32
        %dma_start3A_27 = arith.constant 0 : i32
        %dma_start3A_28 = tpu.memref_slice %arg4[%arg0, %dma_start3A_26, %dma_start3A_27] : memref<2x64x128xf32, #tpu.memory_space<hbm>> -> memref<1x64x128xf32, #tpu.memory_space<hbm>>
        %dma_start3A_29 = tpu.memref_squeeze %dma_start3A_28 : memref<1x64x128xf32, #tpu.memory_space<hbm>> -> memref<64x128xf32, #tpu.memory_space<hbm>>
        %dma_start3A_30 = arith.constant 0 : i32
        %dma_start3A_31 = arith.constant 0 : i32
        %dma_start3A_32 = tpu.memref_slice %arg4[%arg0, %dma_start3A_30, %dma_start3A_31] : memref<2x64x128xf32, #tpu.memory_space<hbm>> -> memref<1x64x128xf32, #tpu.memory_space<hbm>>
        %dma_start3A_33 = tpu.memref_squeeze %dma_start3A_32 : memref<1x64x128xf32, #tpu.memory_space<hbm>> -> memref<64x128xf32, #tpu.memory_space<hbm>>
        %dma_start3A_34 = arith.constant 0 : i32
        %dma_start3A_35 = arith.constant 0 : i32
        %dma_start3A_36 = tpu.memref_slice %arg7[%dma_start3A_34, %dma_start3A_35] : memref<312x128xf32, #tpu.memory_space<vmem>> -> memref<64x128xf32, #tpu.memory_space<vmem>>
        tpu.enqueue_dma source(%dma_start3A_36 : memref<64x128xf32, #tpu.memory_space<vmem>>) target(%dma_start3A_33 : memref<64x128xf32, #tpu.memory_space<hbm>>) target_semaphore(%run_scoped3A : memref<!tpu.dma_semaphore, #tpu.memory_space<semaphore_mem>>)
        %dma_wait3A = arith.constant 0 : i32
        %dma_wait3A_37 = arith.constant 0 : i32
        %dma_wait3A_38 = tpu.memref_slice %arg7[%dma_wait3A, %dma_wait3A_37] : memref<312x128xf32, #tpu.memory_space<vmem>> -> memref<64x128xf32, #tpu.memory_space<vmem>>
        %dma_wait3A_39 = arith.constant 0 : i32
        %dma_wait3A_40 = arith.constant 0 : i32
        %dma_wait3A_41 = tpu.memref_slice %arg4[%arg0, %dma_wait3A_39, %dma_wait3A_40] : memref<2x64x128xf32, #tpu.memory_space<hbm>> -> memref<1x64x128xf32, #tpu.memory_space<hbm>>
        %dma_wait3A_42 = tpu.memref_squeeze %dma_wait3A_41 : memref<1x64x128xf32, #tpu.memory_space<hbm>> -> memref<64x128xf32, #tpu.memory_space<hbm>>
        %dma_wait3A_43 = arith.constant 0 : i32
        %dma_wait3A_44 = arith.constant 0 : i32
        %dma_wait3A_45 = tpu.memref_slice %arg4[%arg0, %dma_wait3A_43, %dma_wait3A_44] : memref<2x64x128xf32, #tpu.memory_space<hbm>> -> memref<1x64x128xf32, #tpu.memory_space<hbm>>
        %dma_wait3A_46 = tpu.memref_squeeze %dma_wait3A_45 : memref<1x64x128xf32, #tpu.memory_space<hbm>> -> memref<64x128xf32, #tpu.memory_space<hbm>>
        %dma_wait3A_47 = arith.constant 0 : i32
        %dma_wait3A_48 = arith.constant 0 : i32
        %dma_wait3A_49 = tpu.memref_slice %arg7[%dma_wait3A_47, %dma_wait3A_48] : memref<312x128xf32, #tpu.memory_space<vmem>> -> memref<64x128xf32, #tpu.memory_space<vmem>>
        tpu.wait_dma2 semaphore(%run_scoped3A : memref<!tpu.dma_semaphore, #tpu.memory_space<semaphore_mem>>) src(%dma_wait3A_49 : memref<64x128xf32, #tpu.memory_space<vmem>>) dst(%dma_wait3A_46 : memref<64x128xf32, #tpu.memory_space<hbm>>)
        tpu.yield
      }) : () -> ()
    } else {
    }
    return
  }
}

module attributes {stable_mosaic.version = 14 : i64} {
  func.func @_a1_body(%arg0: i32, %arg1: memref<1000x128xf32, #tpu.memory_space<vmem>>, %arg2: memref<128x128xf32, #tpu.memory_space<vmem>>, %arg3: memref<2x1000x16xf32, #tpu.memory_space<vmem>>, %arg4: memref<1000x128xf32, #tpu.memory_space<vmem>>) attributes {dimension_semantics = [#tpu.dimension_semantics<arbitrary>], iteration_bounds = array<i64: 10>, scalar_prefetch = 0 : i64, scratch_operands = 0 : i64, tpu.core_type = #tpu.core_type<tc>, window_params = [{transform_indices = @transform_0, window_bounds = array<i64: 1000, 128>}, {pipeline_mode = #tpu.pipeline_mode<synchronous>, transform_indices = @transform_1, window_bounds = array<i64: 128, 128>}, {transform_indices = @transform_2, window_bounds = array<i64: 2, 1000, 16>}, {transform_indices = @transform_3, window_bounds = array<i64: 1000, 128>}]} {
    %get3A = arith.constant 0 : index
    %get3A_0 = arith.constant 0 : index
    %get3A_1 = arith.constant 0 : index
    %get3A_2 = vector.load %arg3[%get3A, %get3A_0, %get3A_1] : memref<2x1000x16xf32, #tpu.memory_space<vmem>>, vector<1x1000x1xf32>
    %get3A_3 = vector.shape_cast %get3A_2 : vector<1x1000x1xf32> to vector<1000x1xf32>
    %get3A_4 = arith.constant 1 : index
    %get3A_5 = arith.constant 0 : index
    %get3A_6 = arith.constant 0 : index
    %get3A_7 = vector.load %arg3[%get3A_4, %get3A_5, %get3A_6] : memref<2x1000x16xf32, #tpu.memory_space<vmem>>, vector<1x1000x1xf32>
    %get3A_8 = vector.shape_cast %get3A_7 : vector<1x1000x1xf32> to vector<1000x1xf32>
    %add3A = arith.addf %get3A_3, %get3A_8 : vector<1000x1xf32>
    %add3A_9 = arith.constant 1.000000e+00 : f32
    %add3A_10 = vector.broadcast %add3A_9 : f32 to vector<1000x1xf32>
    %add3A_11 = arith.addf %add3A, %add3A_10 : vector<1000x1xf32>
    %rsqrt3A = math.rsqrt %add3A_11 : vector<1000x1xf32>
    %get3A_12 = arith.constant 0 : index
    %get3A_13 = arith.constant 0 : index
    %get3A_14 = vector.load %arg1[%get3A_12, %get3A_13] : memref<1000x128xf32, #tpu.memory_space<vmem>>, vector<1000x128xf32>
    %get3A_15 = arith.constant 0 : index
    %get3A_16 = arith.constant 0 : index
    %get3A_17 = vector.load %arg2[%get3A_15, %get3A_16] : memref<128x128xf32, #tpu.memory_space<vmem>>, vector<128x128xf32>
    %dot_general3A = arith.constant dense<0.000000e+00> : vector<1000x128xf32>
    %dot_general3A_18 = tpu.matmul %get3A_14, %get3A_17, %dot_general3A {dimension_numbers = #tpu.dot_dimension_numbers<[1], [0], [0], [1], [0, 0, 1, 1], [], []>, transpose_lhs_hint = false} : vector<1000x128xf32>, vector<128x128xf32>, vector<1000x128xf32> -> vector<1000x128xf32>
    %mul3A = vector.broadcast %rsqrt3A : vector<1000x1xf32> to vector<1000x128xf32>
    %mul3A_19 = arith.mulf %mul3A, %dot_general3A_18 : vector<1000x128xf32>
    %swap3A = arith.constant 0 : index
    %swap3A_20 = arith.constant 0 : index
    %swap3A_21 = vector.load %arg4[%swap3A, %swap3A_20] : memref<1000x128xf32, #tpu.memory_space<vmem>>, vector<1000x128xf32>
    tpu.vector_store %arg4[%swap3A, %swap3A_20], %mul3A_19 {strides = array<i32>} : memref<1000x128xf32, #tpu.memory_space<vmem>>, vector<1000x128xf32>,
    return
  }
  func.func @transform_0(%arg0: i32) -> (i32, i32) {
    %c0_i32 = arith.constant 0 : i32
    %c0_i32_0 = arith.constant 0 : i32
    return %arg0, %c0_i32 : i32, i32
  }
  func.func @transform_1(%arg0: i32) -> (i32, i32) {
    %c0_i32 = arith.constant 0 : i32
    %c0_i32_0 = arith.constant 0 : i32
    %c0_i32_1 = arith.constant 0 : i32
    return %c0_i32, %c0_i32_0 : i32, i32
  }
  func.func @transform_2(%arg0: i32) -> (i32, i32, i32) {
    %c0_i32 = arith.constant 0 : i32
    %c0_i32_0 = arith.constant 0 : i32
    %c0_i32_1 = arith.constant 0 : i32
    return %c0_i32, %arg0, %c0_i32_0 : i32, i32, i32
  }
  func.func @transform_3(%arg0: i32) -> (i32, i32) {
    %c0_i32 = arith.constant 0 : i32
    %c0_i32_0 = arith.constant 0 : i32
    return %arg0, %c0_i32 : i32, i32
  }
}

module attributes {stable_mosaic.version = 14 : i64} {
  func.func @_c4_body(%arg0: i32, %arg1: memref<1x1000x128xf32, #tpu.memory_space<vmem>>, %arg2: memref<1x1000x128xf32, #tpu.memory_space<vmem>>, %arg3: memref<1000x128xf32, #tpu.memory_space<vmem>>, %arg4: memref<2x1000x16xf32, #tpu.memory_space<vmem>>, %arg5: memref<1x128xf32, #tpu.memory_space<vmem>>, %arg6: memref<1000x128xf32, #tpu.memory_space<vmem>>) attributes {dimension_semantics = [#tpu.dimension_semantics<arbitrary>], iteration_bounds = array<i64: 10>, scalar_prefetch = 0 : i64, scratch_operands = 0 : i64, tpu.core_type = #tpu.core_type<tc>, window_params = [{transform_indices = @transform_0, window_bounds = array<i64: 1, 1000, 128>}, {transform_indices = @transform_1, window_bounds = array<i64: 1, 1000, 128>}, {transform_indices = @transform_2, window_bounds = array<i64: 1000, 128>}, {transform_indices = @transform_3, window_bounds = array<i64: 2, 1000, 16>}, {pipeline_mode = #tpu.pipeline_mode<synchronous>, transform_indices = @transform_4, window_bounds = array<i64: 1, 128>}, {transform_indices = @transform_5, window_bounds = array<i64: 1000, 128>}]} {
    %get3A = arith.constant 0 : index
    %get3A_0 = arith.constant 0 : index
    %get3A_1 = arith.constant 0 : index
    %get3A_2 = vector.load %arg4[%get3A, %get3A_0, %get3A_1] : memref<2x1000x16xf32, #tpu.memory_space<vmem>>, vector<1x1000x1xf32>
    %get3A_3 = vector.shape_cast %get3A_2 : vector<1x1000x1xf32> to vector<1000x1xf32>
    %get3A_4 = arith.constant 1 : index
    %get3A_5 = arith.constant 0 : index
    %get3A_6 = arith.constant 0 : index
    %get3A_7 = vector.load %arg4[%get3A_4, %get3A_5, %get3A_6] : memref<2x1000x16xf32, #tpu.memory_space<vmem>>, vector<1x1000x1xf32>
    %get3A_8 = vector.shape_cast %get3A_7 : vector<1x1000x1xf32> to vector<1000x1xf32>
    %add3A = arith.addf %get3A_3, %get3A_8 : vector<1000x1xf32>
    %add3A_9 = arith.constant 1.000000e+00 : f32
    %add3A_10 = vector.broadcast %add3A_9 : f32 to vector<1000x1xf32>
    %add3A_11 = arith.addf %add3A, %add3A_10 : vector<1000x1xf32>
    %rsqrt3A = math.rsqrt %add3A_11 : vector<1000x1xf32>
    %get3A_12 = arith.constant 0 : index
    %get3A_13 = arith.constant 0 : index
    %get3A_14 = arith.constant 0 : index
    %get3A_15 = vector.load %arg1[%get3A_12, %get3A_13, %get3A_14] : memref<1x1000x128xf32, #tpu.memory_space<vmem>>, vector<1x1000x128xf32>
    %get3A_16 = vector.shape_cast %get3A_15 : vector<1x1000x128xf32> to vector<1000x128xf32>
    %get3A_17 = arith.constant 0 : index
    %get3A_18 = arith.constant 0 : index
    %get3A_19 = arith.constant 0 : index
    %get3A_20 = vector.load %arg2[%get3A_17, %get3A_18, %get3A_19] : memref<1x1000x128xf32, #tpu.memory_space<vmem>>, vector<1x1000x128xf32>
    %get3A_21 = vector.shape_cast %get3A_20 : vector<1x1000x128xf32> to vector<1000x128xf32>
    %add3A_22 = arith.addf %get3A_16, %get3A_21 : vector<1000x128xf32>
    %get3A_23 = arith.constant 0 : index
    %get3A_24 = arith.constant 0 : index
    %get3A_25 = vector.load %arg3[%get3A_23, %get3A_24] : memref<1000x128xf32, #tpu.memory_space<vmem>>, vector<1000x128xf32>
    %add3A_26 = arith.addf %add3A_22, %get3A_25 : vector<1000x128xf32>
    %mul3A = vector.broadcast %rsqrt3A : vector<1000x1xf32> to vector<1000x128xf32>
    %mul3A_27 = arith.mulf %mul3A, %add3A_26 : vector<1000x128xf32>
    %get3A_28 = arith.constant 0 : index
    %get3A_29 = arith.constant 0 : index
    %get3A_30 = vector.load %arg5[%get3A_28, %get3A_29] : memref<1x128xf32, #tpu.memory_space<vmem>>, vector<1x128xf32>
    %add3A_31 = vector.broadcast %get3A_30 : vector<1x128xf32> to vector<1000x128xf32>
    %add3A_32 = arith.addf %mul3A_27, %add3A_31 : vector<1000x128xf32>
    %swap3A = arith.constant 0 : index
    %swap3A_33 = arith.constant 0 : index
    %swap3A_34 = vector.load %arg6[%swap3A, %swap3A_33] : memref<1000x128xf32, #tpu.memory_space<vmem>>, vector<1000x128xf32>
    tpu.vector_store %arg6[%swap3A, %swap3A_33], %add3A_32 {strides = array<i32>} : memref<1000x128xf32, #tpu.memory_space<vmem>>, vector<1000x128xf32>,
    return
  }
  func.func @transform_0(%arg0: i32) -> (i32, i32, i32) {
    %c0_i32 = arith.constant 0 : i32
    %c0_i32_0 = arith.constant 0 : i32
    %c0_i32_1 = arith.constant 0 : i32
    return %c0_i32, %arg0, %c0_i32_0 : i32, i32, i32
  }
  func.func @transform_1(%arg0: i32) -> (i32, i32, i32) {
    %c1_i32 = arith.constant 1 : i32
    %c0_i32 = arith.constant 0 : i32
    %c0_i32_0 = arith.constant 0 : i32
    return %c1_i32, %arg0, %c0_i32 : i32, i32, i32
  }
  func.func @transform_2(%arg0: i32) -> (i32, i32) {
    %c0_i32 = arith.constant 0 : i32
    %c0_i32_0 = arith.constant 0 : i32
    return %arg0, %c0_i32 : i32, i32
  }
  func.func @transform_3(%arg0: i32) -> (i32, i32, i32) {
    %c0_i32 = arith.constant 0 : i32
    %c0_i32_0 = arith.constant 0 : i32
    %c0_i32_1 = arith.constant 0 : i32
    return %c0_i32, %arg0, %c0_i32_0 : i32, i32, i32
  }
  func.func @transform_4(%arg0: i32) -> (i32, i32) {
    %c0_i32 = arith.constant 0 : i32
    %c0_i32_0 = arith.constant 0 : i32
    %c0_i32_1 = arith.constant 0 : i32
    return %c0_i32, %c0_i32_0 : i32, i32
  }
  func.func @transform_5(%arg0: i32) -> (i32, i32) {
    %c0_i32 = arith.constant 0 : i32
    %c0_i32_0 = arith.constant 0 : i32
    return %arg0, %c0_i32 : i32, i32
  }
}

module attributes {stable_mosaic.version = 14 : i64} {
  func.func @_ac_body(%arg0: i32, %arg1: memref<1x1000x128xf32, #tpu.memory_space<vmem>>, %arg2: memref<1x1000x128xf32, #tpu.memory_space<vmem>>, %arg3: memref<1000x128xf32, #tpu.memory_space<vmem>>, %arg4: memref<2x1000x16xf32, #tpu.memory_space<vmem>>, %arg5: memref<1x128xf32, #tpu.memory_space<vmem>>, %arg6: memref<128x128xf32, #tpu.memory_space<vmem>>, %arg7: memref<1000x128xf32, #tpu.memory_space<vmem>>) attributes {dimension_semantics = [#tpu.dimension_semantics<arbitrary>], iteration_bounds = array<i64: 10>, scalar_prefetch = 0 : i64, scratch_operands = 0 : i64, tpu.core_type = #tpu.core_type<tc>, window_params = [{transform_indices = @transform_0, window_bounds = array<i64: 1, 1000, 128>}, {transform_indices = @transform_1, window_bounds = array<i64: 1, 1000, 128>}, {transform_indices = @transform_2, window_bounds = array<i64: 1000, 128>}, {transform_indices = @transform_3, window_bounds = array<i64: 2, 1000, 16>}, {pipeline_mode = #tpu.pipeline_mode<synchronous>, transform_indices = @transform_4, window_bounds = array<i64: 1, 128>}, {pipeline_mode = #tpu.pipeline_mode<synchronous>, transform_indices = @transform_5, window_bounds = array<i64: 128, 128>}, {transform_indices = @transform_6, window_bounds = array<i64: 1000, 128>}]} {
    %get3A = arith.constant 0 : index
    %get3A_0 = arith.constant 0 : index
    %get3A_1 = arith.constant 0 : index
    %get3A_2 = vector.load %arg4[%get3A, %get3A_0, %get3A_1] : memref<2x1000x16xf32, #tpu.memory_space<vmem>>, vector<1x1000x1xf32>
    %get3A_3 = vector.shape_cast %get3A_2 : vector<1x1000x1xf32> to vector<1000x1xf32>
    %get3A_4 = arith.constant 1 : index
    %get3A_5 = arith.constant 0 : index
    %get3A_6 = arith.constant 0 : index
    %get3A_7 = vector.load %arg4[%get3A_4, %get3A_5, %get3A_6] : memref<2x1000x16xf32, #tpu.memory_space<vmem>>, vector<1x1000x1xf32>
    %get3A_8 = vector.shape_cast %get3A_7 : vector<1x1000x1xf32> to vector<1000x1xf32>
    %add3A = arith.addf %get3A_3, %get3A_8 : vector<1000x1xf32>
    %add3A_9 = arith.constant 1.000000e+00 : f32
    %add3A_10 = vector.broadcast %add3A_9 : f32 to vector<1000x1xf32>
    %add3A_11 = arith.addf %add3A, %add3A_10 : vector<1000x1xf32>
    %rsqrt3A = math.rsqrt %add3A_11 : vector<1000x1xf32>
    %get3A_12 = arith.constant 0 : index
    %get3A_13 = arith.constant 0 : index
    %get3A_14 = arith.constant 0 : index
    %get3A_15 = vector.load %arg1[%get3A_12, %get3A_13, %get3A_14] : memref<1x1000x128xf32, #tpu.memory_space<vmem>>, vector<1x1000x128xf32>
    %get3A_16 = vector.shape_cast %get3A_15 : vector<1x1000x128xf32> to vector<1000x128xf32>
    %get3A_17 = arith.constant 0 : index
    %get3A_18 = arith.constant 0 : index
    %get3A_19 = arith.constant 0 : index
    %get3A_20 = vector.load %arg2[%get3A_17, %get3A_18, %get3A_19] : memref<1x1000x128xf32, #tpu.memory_space<vmem>>, vector<1x1000x128xf32>
    %get3A_21 = vector.shape_cast %get3A_20 : vector<1x1000x128xf32> to vector<1000x128xf32>
    %add3A_22 = arith.addf %get3A_16, %get3A_21 : vector<1000x128xf32>
    %get3A_23 = arith.constant 0 : index
    %get3A_24 = arith.constant 0 : index
    %get3A_25 = vector.load %arg3[%get3A_23, %get3A_24] : memref<1000x128xf32, #tpu.memory_space<vmem>>, vector<1000x128xf32>
    %add3A_26 = arith.addf %add3A_22, %get3A_25 : vector<1000x128xf32>
    %mul3A = vector.broadcast %rsqrt3A : vector<1000x1xf32> to vector<1000x128xf32>
    %mul3A_27 = arith.mulf %mul3A, %add3A_26 : vector<1000x128xf32>
    %get3A_28 = arith.constant 0 : index
    %get3A_29 = arith.constant 0 : index
    %get3A_30 = vector.load %arg5[%get3A_28, %get3A_29] : memref<1x128xf32, #tpu.memory_space<vmem>>, vector<1x128xf32>
    %add3A_31 = vector.broadcast %get3A_30 : vector<1x128xf32> to vector<1000x128xf32>
    %add3A_32 = arith.addf %mul3A_27, %add3A_31 : vector<1000x128xf32>
    %max3A = arith.constant 0.000000e+00 : f32
    %max3A_33 = vector.broadcast %max3A : f32 to vector<1000x128xf32>
    %max3A_34 = arith.maximumf %add3A_32, %max3A_33 : vector<1000x128xf32>
    %get3A_35 = arith.constant 0 : index
    %get3A_36 = arith.constant 0 : index
    %get3A_37 = vector.load %arg6[%get3A_35, %get3A_36] : memref<128x128xf32, #tpu.memory_space<vmem>>, vector<128x128xf32>
    %dot_general3A = arith.constant dense<0.000000e+00> : vector<1000x128xf32>
    %dot_general3A_38 = tpu.matmul %max3A_34, %get3A_37, %dot_general3A {dimension_numbers = #tpu.dot_dimension_numbers<[1], [0], [0], [1], [0, 0, 1, 1], [], []>, transpose_lhs_hint = false} : vector<1000x128xf32>, vector<128x128xf32>, vector<1000x128xf32> -> vector<1000x128xf32>
    %mul3A_39 = vector.broadcast %rsqrt3A : vector<1000x1xf32> to vector<1000x128xf32>
    %mul3A_40 = arith.mulf %mul3A_39, %dot_general3A_38 : vector<1000x128xf32>
    %swap3A = arith.constant 0 : index
    %swap3A_41 = arith.constant 0 : index
    %swap3A_42 = vector.load %arg7[%swap3A, %swap3A_41] : memref<1000x128xf32, #tpu.memory_space<vmem>>, vector<1000x128xf32>
    tpu.vector_store %arg7[%swap3A, %swap3A_41], %mul3A_40 {strides = array<i32>} : memref<1000x128xf32, #tpu.memory_space<vmem>>, vector<1000x128xf32>,
    return
  }
  func.func @transform_0(%arg0: i32) -> (i32, i32, i32) {
    %c0_i32 = arith.constant 0 : i32
    %c0_i32_0 = arith.constant 0 : i32
    %c0_i32_1 = arith.constant 0 : i32
    return %c0_i32, %arg0, %c0_i32_0 : i32, i32, i32
  }
  func.func @transform_1(%arg0: i32) -> (i32, i32, i32) {
    %c1_i32 = arith.constant 1 : i32
    %c0_i32 = arith.constant 0 : i32
    %c0_i32_0 = arith.constant 0 : i32
    return %c1_i32, %arg0, %c0_i32 : i32, i32, i32
  }
  func.func @transform_2(%arg0: i32) -> (i32, i32) {
    %c0_i32 = arith.constant 0 : i32
    %c0_i32_0 = arith.constant 0 : i32
    return %arg0, %c0_i32 : i32, i32
  }
  func.func @transform_3(%arg0: i32) -> (i32, i32, i32) {
    %c0_i32 = arith.constant 0 : i32
    %c0_i32_0 = arith.constant 0 : i32
    %c0_i32_1 = arith.constant 0 : i32
    return %c0_i32, %arg0, %c0_i32_0 : i32, i32, i32
  }
  func.func @transform_4(%arg0: i32) -> (i32, i32) {
    %c0_i32 = arith.constant 0 : i32
    %c0_i32_0 = arith.constant 0 : i32
    %c0_i32_1 = arith.constant 0 : i32
    return %c0_i32, %c0_i32_0 : i32, i32
  }
  func.func @transform_5(%arg0: i32) -> (i32, i32) {
    %c0_i32 = arith.constant 0 : i32
    %c0_i32_0 = arith.constant 0 : i32
    %c0_i32_1 = arith.constant 0 : i32
    return %c0_i32, %c0_i32_0 : i32, i32
  }
  func.func @transform_6(%arg0: i32) -> (i32, i32) {
    %c0_i32 = arith.constant 0 : i32
    %c0_i32_0 = arith.constant 0 : i32
    return %arg0, %c0_i32 : i32, i32
  }
}

module attributes {stable_mosaic.version = 14 : i64} {
  func.func @_mean_body(%arg0: memref<2x64x128xf32, #tpu.memory_space<vmem>>, %arg1: memref<64x16xf32, #tpu.memory_space<vmem>>, %arg2: memref<64x128xf32, #tpu.memory_space<vmem>>) attributes {dimension_semantics = [], scalar_prefetch = 0 : i64, scratch_operands = 0 : i64, tpu.core_type = #tpu.core_type<tc>} {
    %get3A = arith.constant 0 : index
    %get3A_0 = arith.constant 0 : index
    %get3A_1 = vector.load %arg1[%get3A, %get3A_0] : memref<64x16xf32, #tpu.memory_space<vmem>>, vector<64x1xf32>
    %max3A = arith.constant 1.000000e+00 : f32
    %max3A_2 = vector.broadcast %max3A : f32 to vector<64x1xf32>
    %max3A_3 = arith.maximumf %get3A_1, %max3A_2 : vector<64x1xf32>
    %get3A_4 = arith.constant 0 : index
    %get3A_5 = arith.constant 0 : index
    %get3A_6 = arith.constant 0 : index
    %get3A_7 = vector.load %arg0[%get3A_4, %get3A_5, %get3A_6] : memref<2x64x128xf32, #tpu.memory_space<vmem>>, vector<1x64x128xf32>
    %get3A_8 = vector.shape_cast %get3A_7 : vector<1x64x128xf32> to vector<64x128xf32>
    %get3A_9 = arith.constant 1 : index
    %get3A_10 = arith.constant 0 : index
    %get3A_11 = arith.constant 0 : index
    %get3A_12 = vector.load %arg0[%get3A_9, %get3A_10, %get3A_11] : memref<2x64x128xf32, #tpu.memory_space<vmem>>, vector<1x64x128xf32>
    %get3A_13 = vector.shape_cast %get3A_12 : vector<1x64x128xf32> to vector<64x128xf32>
    %add3A = arith.addf %get3A_8, %get3A_13 : vector<64x128xf32>
    %div3A = vector.broadcast %max3A_3 : vector<64x1xf32> to vector<64x128xf32>
    %div3A_14 = arith.divf %add3A, %div3A : vector<64x128xf32>
    %swap3A = arith.constant 0 : index
    %swap3A_15 = arith.constant 0 : index
    %swap3A_16 = vector.load %arg2[%swap3A, %swap3A_15] : memref<64x128xf32, #tpu.memory_space<vmem>>, vector<64x128xf32>
    tpu.vector_store %arg2[%swap3A, %swap3A_15], %div3A_14 {strides = array<i32>} : memref<64x128xf32, #tpu.memory_space<vmem>>, vector<64x128xf32>,
    return
  }
}

</mosaic_0001>

<sc_bundles>
// kernel: kernel.12.cloned.1.call-start
scs
__scs_entry_jumppad:
0x0: {  	(pc) =	sbr.rel $0x88, $3  }
0x1: {  	(tag) =	ssettag $0x0;
	lr =	simm.s32 $0x1  }
0x2: {  	[smem:$0x3F98] =	sst lr;
	_ =	strace $0xD0000000  }
0x3: {  	_ = 	snop  }
0x4: {  	_ = 	snop  }
0x5: {  	_ = 	snop  }
0x6: {  	_ = 	snop  }
0x7: {  	_ = 	snop  }
__scs_overlays_trampoline_lowered:
0x8: {  	[smem:$0x3FA7] =	sst s0  }
0x9: {  	[smem:$0x3FA8] =	sst s1  }
0xa: {  	[smem:$0x3FA9] =	sst s2  }
0xb: {  	[smem:$0x3FAA] =	sst s3  }
0xc: {  	[smem:$0x3FAB] =	sst s4  }
0xd: {  	[smem:$0x3FAC] =	sst s5  }
0xe: {  	[smem:$0x3FAD] =	sst s6  }
0xf: {  	[smem:$0x3FAE] =	sst s7  }
0x10: {  	[smem:$0x3FAF] =	sst s8  }
0x11: {  	[smem:$0x3FB0] =	sst s9;
	s0 =	simm.s32 @!p0 $0x0  }
0x12: {  	s1 =	sld [smem:$0x3F96];
	s0 =	simm.s32 @p0 $0x1  }
0x13: {  	[smem:$0x3FB1] =	sst s0;
	s0 =	simm.s32 @!p1 $0x0  }
0x14: {  	s2 =	sld [smem:$0x3F95];
	s0 =	simm.s32 @p1 $0x1  }
0x15: {  	[smem:$0x3FB2] =	sst s0;
	s0 =	simm.s32 @!p2 $0x0  }
0x16: {  	s3 =	sld [smem:$0x3FDB];
	s0 =	simm.s32 @p2 $0x1  }
0x17: {  	s4 =	simm.s32 $0x1BF5;
	[smem:$0x3FB4] =	sst s0  }
0x18: {  	s0 =	sld [smem:$0x3F97];
	_ =	swait.ge [sflag:s4], $0x0  }
0x19: {  	s7 =	sld [smem:$0x3F98]  }
0x1a: {  	s8 =	sadd.s32 $0xFFFFE003, lr  }
0x1b: {  	s9 =	sadd.s32 $0xFFFFFEF7, lr;
	s5 =	simm.s32 $0xFFFFFFFF;
	p2 =	slt.u32 s8, $0xFFFFF086  }
0x1c: {  	p1 =	slt.u32 s9, $0xF7A;
	s5 =	simm.s32 @!p2 $0x0  }
0x1d: {  	s5 =	simm.s32 @p1 $0x1;
	p0 =	seq.s32 s7, s2  }
0x1e: {  	s7 =	smul.u32 @!p0 $0xF7A, s2;
	p2 =	seq.s32 @!p0 s5, $0x0  }
0x1f: {  	s9 =	smul.u32 $0xF7A, s1;
	s8 =	simm.s32 @!p0 $0x1BF5;
	p2 =	por !p2, p0  }
0x20: {  	[sflag:s8] =	ssyncset.s32 @!p0 $0xFFFFF086;
	s6 =	sadd.s32 @!p0 s3, s7;
	s7 =	simm.s32 @!p0 $0x108  }
0x21: {  	s3 =	sadd.s32 s3, s9;
	s6 =	sadd.s32 @!p0 $0x88, s6;
	s7 =	simm.s32 @p2 $0x1082  }
0x22: {  	[simem:s7], [sflag:s8] =	dma.local @!p0 [hbm:s6], $0xF7A  }
0x23: {  	s9 =	sor.u32 $0xD0000000, s2;
	s6 =	simm.s32 $0x108;
	_ =	swait.ge @!p0 [sflag:s8], $0x0  }
0x24: {  	s3 =	sadd.s32 $0x88, s3;
	s6 =	simm.s32 @!p1 $0x1082;
	[sflag:s4] =	ssyncset.s32 $0xFFFFF086  }
0x25: {  	[simem:s6], [sflag:s4] =	dma.local [hbm:s3], $0xF7A  }
0x26: {  	[smem:$0x3F98] =	sst s1;
	(tag) =	ssettag s2;
	_ =	strace s9  }
0x27: {  	s1 =	sld [smem:$0x3FA8]  }
0x28: {  	s2 =	sld [smem:$0x3FA9]  }
0x29: {  	s4 =	sld [smem:$0x3FAB]  }
0x2a: {  	p0 =	seq.s32 s5, $0x0;
	s5 =	sld [smem:$0x3FAC]  }
0x2b: {  	s6 =	sld [smem:$0x3FAD]  }
0x2c: {  	s7 =	sld [smem:$0x3FAE]  }
0x2d: {  	s3 =	simm.s32 $0x108;
	s8 =	sld [smem:$0x3FAF]  }
0x2e: {  	s3 =	simm.s32 @!p0 $0x1082;
	s9 =	sld [smem:$0x3FB0]  }
0x2f: {  	lr =	sadd.s32 s0, s3;
	s0 =	sld [smem:$0x3FA7]  }
0x30: {  	s3 =	sld [smem:$0x3FAA]  }
0x31: {  	[smem:$0x3FB3] =	sst s10  }
0x32: {  	s10 =	sld [smem:$0x3FB1];
	_ =	sdelay $0x3  }
0x33: {  	p0 =	seq.s32 s10, $0x1;
	s10 =	sld [smem:$0x3FB3];
	_ =	sdelay $0x3  }
0x34: {  	[smem:$0x3FB3] =	sst s10  }
0x35: {  	s10 =	sld [smem:$0x3FB2];
	_ =	sdelay $0x3  }
0x36: {  	p1 =	seq.s32 s10, $0x1;
	s10 =	sld [smem:$0x3FB3];
	_ =	sdelay $0x3  }
0x37: {  	[smem:$0x3FB3] =	sst s10  }
0x38: {  	s10 =	sld [smem:$0x3FB4]  }
0x39: {  	_ = 	snop;
	(pc) =	sbr.ind lr, $3  }
0x3a: {  	_ = 	snop  }
0x3b: {  	_ = 	snop  }
0x3c: {  	p2 =	seq.s32 s10, $0x1;
	s10 =	sld [smem:$0x3FB3]  }
0x3d: {  	_ =	shalt  }
0x3e: {  	_ =	shalt  }
0x3f: {  	_ =	shalt  }
0x40: {  	_ =	shalt  }
0x41: {  	_ =	shalt  }
0x42: {  	_ =	shalt  }
0x43: {  	_ =	shalt  }
0x44: {  	_ =	shalt  }
0x45: {  	_ =	shalt  }
0x46: {  	_ =	shalt  }
0x47: {  	_ =	shalt  }
0x48: {  	_ =	shalt  }
0x49: {  	_ =	shalt  }
0x4a: {  	_ =	shalt  }
0x4b: {  	_ =	shalt  }
0x4c: {  	_ =	shalt  }
0x4d: {  	_ =	shalt  }
0x4e: {  	_ =	shalt  }
0x4f: {  	_ =	shalt  }
0x50: {  	_ =	shalt  }
0x51: {  	_ =	shalt  }
0x52: {  	_ =	shalt  }
0x53: {  	_ =	shalt  }
0x54: {  	_ =	shalt  }
0x55: {  	_ =	shalt  }
0x56: {  	_ =	shalt  }
0x57: {  	_ =	shalt  }
0x58: {  	_ =	shalt  }
0x59: {  	_ =	shalt  }
0x5a: {  	_ =	shalt  }
0x5b: {  	_ =	shalt  }
0x5c: {  	_ =	shalt  }
0x5d: {  	_ =	shalt  }
0x5e: {  	_ =	shalt  }
0x5f: {  	_ =	shalt  }
0x60: {  	_ =	shalt  }
0x61: {  	_ =	shalt  }
0x62: {  	_ =	shalt  }
0x63: {  	_ =	shalt  }
0x64: {  	_ =	shalt  }
0x65: {  	_ =	shalt  }
0x66: {  	_ =	shalt  }
0x67: {  	_ =	shalt  }
0x68: {  	_ =	shalt  }
0x69: {  	_ =	shalt  }
0x6a: {  	_ =	shalt  }
0x6b: {  	_ =	shalt  }
0x6c: {  	_ =	shalt  }
0x6d: {  	_ =	shalt  }
0x6e: {  	_ =	shalt  }
0x6f: {  	_ =	shalt  }
0x70: {  	_ =	shalt  }
0x71: {  	_ =	shalt  }
0x72: {  	_ =	shalt  }
0x73: {  	_ =	shalt  }
0x74: {  	_ =	shalt  }
0x75: {  	_ =	shalt  }
0x76: {  	_ =	shalt  }
0x77: {  	_ =	shalt  }
0x78: {  	_ =	shalt  }
0x79: {  	_ =	shalt  }
0x7a: {  	_ =	shalt  }
0x7b: {  	_ =	shalt  }
0x7c: {  	_ =	shalt  }
0x7d: {  	_ =	shalt  }
0x7e: {  	_ =	shalt  }
0x7f: {  	_ =	shalt  }
0x80: {  	_ =	shalt  }
0x81: {  	_ =	shalt  }
0x82: {  	_ =	shalt  }
0x83: {  	_ =	shalt  }
0x84: {  	_ =	shalt  }
0x85: {  	_ =	shalt  }
0x86: {  	_ =	shalt  }
0x87: {  	_ =	shalt  }
.Lfunc_end0:
.L_simem_size_0:
called_computation_lowered:
.L_overlay_start_0:
0x88: {  	s2 =	sld [smem:$0x3FD9]  }
0x89: {  	s3 =	sld [smem:$0x3FFE];
	_ =	sdelay $0x1  }
0x8a: {  	s1 =	srdreg.scid  }
0x8b: {  	s0 =	sand.u32 $0x1, s1  }
0x8c: {  	s17 =	sshll.u32 s0, $0xA;
	s2 =	sadd.s32 s3, s2  }
0x8d: {  	s2 =	sadd.s32 s2, s17  }
0x8e: {  	[smem:$0x3FBF] =	sst s2  }
0x8f: {  	_ = 	snop  }
0x90: {  	s2 =	sld [smem:$0x3FC7]  }
0x91: {  	s18 =	sld [smem:$0x3FD0];
	(tm) =	ssettm $0x1  }
0x92: {  	s4 =	sld [smem:$0x3FFB];
	_ =	sdelay $0x3  }
0x93: {  	_ =	strace s4  }
0x94: {  	s4 =	sld [smem:$0x3FFC];
	_ =	sdelay $0x3  }
0x95: {  	_ =	strace s4  }
0x96: {  	s4 =	sld [smem:$0x3FFD];
	_ =	sdelay $0x3  }
0x97: {  	_ =	strace s4  }
0x98: {  	_ =	strace $0x8FFFFFFF  }
0x99: {  	s19 =	sld [smem:$0x3FDB];
	_ =	sdelay $0x1  }
0x9a: {  	s5 =	simm.s32 $_scs_section_size  }
0x9b: {  	s6 =	simm.s32 $_size__tile_overlayer_lowered;
	s7 =	simm.s32 $_tile_overlayer_lowered  }
0x9c: {  	s22 =	simm.s32 $0x1BFF;
	s21 =	sshll.u32 s7, $0x1;
	s4 =	sadd.s32 s5, s19  }
0x9d: {  	s8 =	simm.s32 $0x0;
	s20 =	sshll.u32 s6, $0x1;
	s6 =	sadd.s32 s21, s4  }
0x9e: {  	[timem:s8], [sflag:s22] =	dma.local [hbm:s6], s20  }
0x9f: {  	_ =	swait.ge [sflag:s22], s20  }
0xa0: {  	s5 =	ssub.s32 $0x0, s20;
	[sflag:s22] =	ssyncset.done $0x0  }
0xa1: {  	[sflag:s22] =	ssyncadd.s32 s5;
	_ =	sdelay $0x1  }
0xa2: {  	s23 =	simm.s32 $0x1B8B  }
0xa3: {  	_ =	swait.ge [sflag:s23], $0x1  }
0xa4: {  	[sflag:s23] =	ssyncset.done $0x0  }
0xa5: {  	s25 =	simm.s32 $0x1B8E;
	s24 =	sld [smem:$0x3FFE];
	[sflag:s23] =	ssyncadd.s32 $0xFFFFFFFF  }
0xa6: {  	s26 =	simm.s32 $execute0_lowered;
	[smem:$0x3FD2] =	sst s25  }
0xa7: {  	s6 =	sshll.u32 s26, $0x1;
	_ =	strace $0x80000046;
	[dreg:$0x1] =	wrdreg $0xFFFFFFFF  }
0xa8: {  	s28 =	simm.s32 $_size_execute0_lowered;
	s4 =	sadd.s32 s4, s6;
	[dreg:$0x0] =	wrdreg $0x0  }
0xa9: {  	s6 =	sshll.u32 s28, $0x1;
	[dreg:$0x2] =	wrdreg s4  }
0xaa: {  	[dreg:$0x3] =	wrdreg s6  }
0xab: {  	[dreg:$0x4] =	wrdreg $0xC0  }
0xac: {  	_ =	task [dreg:s8], $0x5FFFF  }
0xad: {  	[dreg:$0x1] =	wrdreg $0xFFFFFFFF  }
0xae: {  	[dreg:$0x0] =	wrdreg $0x60  }
0xaf: {  	[dreg:$0x2] =	wrdreg s24  }
0xb0: {  	[dreg:$0x3] =	wrdreg s2  }
0xb1: {  	[dreg:$0x4] =	wrdreg s18  }
0xb2: {  	[dreg:$0x5] =	wrdreg $0x66000  }
0xb3: {  	[dreg:$0x6] =	wrdreg $0x8D100  }
0xb4: {  	[dreg:$0x7] =	wrdreg $0x9  }
0xb5: {  	_ =	task.clear_ibuf [dreg:s8], $0x8FFFF;
	_ =	strace $0x90000046  }
0xb6: {  	s29 =	simm.s32 $0x9;
	_ =	strace $0x80000048  }
0xb7: {  	_ =	swait.ge [sflag:s29], $0x1  }
0xb8: {  	[sflag:s29] =	ssyncadd.s32 $0xFFFFFFFF  }
0xb9: {  	_ =	strace $0x90000048  }
0xba: {  	_ =	sfence  }
0xbb: {  	s30 =	sld [smem:$0x0];
	_ =	sdelay $0x2  }
0xbc: {  	s31 =	sshll.u32 s1, $0xD;
	s1 =	sshrl.u32 s1, $0x2  }
0xbd: {  	s3 =	sand.u32 $0x4000, s31;
	s1 =	sadd.s32 s1, s30  }
0xbe: {  	s0 =	sor.u32 s3, s0;
	s1 =	sshll.u32 s1, $0x11  }
0xbf: {  	s0 =	sor.u32 s1, s0  }
0xc0: {  	s0 =	sadd.s32 $0x8F2B, s0  }
0xc1: {  	[sflag:s0] =	ssyncadd.remote.s32 $0x1  }
0xc2: {  	_ =	sfence.sel $0xFFFF  }
0xc3: {  	[dreg:$0x0] =	wrdreg $0xFFFFFFFF;
	(pc) =	sbr.abs _section_cstart, $3  }
0xc4: {  	[dreg:$0x1] =	wrdreg $0xFFFFFFFF  }
0xc5: {  	_ =	task.clear_ibuf [dreg:s8], $0x2FFFF;
	_ =	strace $0x9FFFFFFF  }
0xc6: {  	(tm) =	ssettm $0x7FFFFFFF  }
0xc7: {  	_ =	shalt  }
tec
execute0_lowered:
.L_overlay_start_1:
0x0: {  	(tag) =	ssettag $0x1  }
0x1: {  	s5 =	rddreg [dreg:$0x0]  }
0x2: {  	s20 =	rddreg [dreg:$0x1]  }
0x3: {  	s0 =	rddreg [dreg:$0x2]  }
0x4: {  	s2 =	srdreg.scid;
	s1 =	rddreg [dreg:$0x3]  }
0x5: {  	s22 =	stileid.u32;
	s3 =	rddreg [dreg:$0x4]  }
0x6: {  	s4 =	simm.s32 $0x0;
	s28 =	simm.s32 $0x0;
	s7 =	smul.u32 $0x2710, s22  }
0x7: {  	s24 =	sand.u32 $0x1, s2;
	[smem:$0x7FF] =	sst s4;
	s18 =	smul.u32 $0x270, s22  }
0x8: {  	s12 =	smul.u32 $0x4E000, s22;
	s14 =	sadd.s32 $0x17400, s5;
	s9 =	sadd.s32 $0x138000, s1  }
0x9: {  	p0 =	sne.s32 s22, $0x0;
	s6 =	smul.u32 $0x27100, s24;
	_ =	strace $0x80000047  }
0xa: {  	s11 =	ssub.s32 $0x2, s24;
	s25 =	sor.u32 s22, s24;
	p1 =	sne.s32 s24, $0x0  }
0xb: {  	s13 =	sshrl.u32 s11, $0x1;
	s8 =	sshll.u32 s18, $0x7;
	s15 =	sshrl.u32 s12, $0x2  }
0xc: {  	s26 =	sshrl.u32 s18, $0x3;
	s29 =	sadd.s32 $0x68, s18;
	p2 =	sne.s32 s25, $0x0  }
0xd: {  	s25 =	simm.s32 $0x6400;
	s6 =	sadd.s32 s7, s6;
	s16 =	ssub.s32 s11, s13  }
0xe: {  	s10 =	sadd.s32 $0x6400, s8;
	s13 =	smul.u32 $0x138800, s24;
	s17 =	sadd.s32 $0x12C00, s8  }
0xf: {  	s11 =	smul.u32 $0x13800, s22;
	s24 =	simm.s32 $0x1;
	s6 =	sshrl.u32 s6, $0x3  }
0x10: {  	s16 =	smax.u32 s16, $0x1;
	s23 =	sadd.s32 s6, s5;
	s5 =	sadd.s32 s15, s1  }
0x11: {  	s6 =	sadd.s32 s10, s1;
	s15 =	sadd.s32 $0xC800, s8;
	s8 =	sadd.s32 s17, s1  }
0x12: {  	s11 =	sadd.s32 s11, s13;
	s12 =	sadd.s32 s13, s10;
	s10 =	sadd.s32 $0x4E0, s20  }
0x13: {  	s17 =	sadd.s32 s13, s17;
	s19 =	sshrl.u32 s13, $0x3;
	s7 =	sadd.s32 s15, s1  }
0x14: {  	s11 =	sshrl.u32 s11, $0x3;
	s12 =	sshrl.u32 s12, $0x3;
	s15 =	sadd.s32 s13, s15  }
0x15: {  	s17 =	sshrl.u32 s17, $0x3;
	s21 =	sadd.s32 s14, s19;
	s19 =	sshrl.u32 s29, $0x3  }
0x16: {  	s23 =	sadd.s32 $0xD600, s23;
	s11 =	sadd.s32 s14, s11;
	s15 =	sshrl.u32 s15, $0x3  }
0x17: {  	s12 =	sadd.s32 s14, s12;
	s13 =	sadd.s32 s14, s15;
	s14 =	sadd.s32 s14, s17  }
0x18: {  	s15 =	sadd.s32 $0x27000, s21;
	s17 =	sadd.s32 s20, s26;
	s21 =	sadd.s32 $0x138, s18  }
0x19: {  	s26 =	sadd.s32 $0x208, s18;
	s18 =	sadd.s32 s20, s19;
	s30 =	sshrl.u32 s21, $0x3  }
0x1a: {  	s31 =	sshrl.u32 s26, $0x3;
	s21 =	sadd.s32 $0x1A, s17;
	s22 =	sadd.s32 $0x34, s17  }
0x1b: {  	v0 =	vimm.f32 $0.0e+00;
	v1 =	vimm.f32 $1.000000000e+00;
	s26 =	simm.s32 $0xC8;
	s19 =	sadd.s32 s20, s30;
	s20 =	sadd.s32 s20, s31  }
.LBB2_1:
0x1c: {  	s29 =	simm.s32 $0x200;
	s30 =	simm.s32 $0x0  }
.LBB2_2:
0x1d: {  	p3 =	sne.s32 s29, $0x18E00;
	[tilespmem:s30+$0x0] =	vst v0;
	s30 =	smov.u32 s29;
	s29 =	sadd.s32 $0x200, s29  }
.Ltmp0:
0x1e: {  	(pc) =	sbr.rel @p3 .LBB2_2-.Ltmp0, $2  }
0x1f: {  	_ =	sdelay $0x2  }
0x20: {  	s30 =	sshra.s32 s30, $0x2  }
0x21: {  	[tilespmem:s30+$0x0] =	vst v0  }
0x22: {  	[spmem:s5] =	stream.linear.scatter [tilespmem:s4], [sflag:$0x1], $0x6400, $0x38;
	[tilespmem:$0x8D50] =	vst v63  }
0x23: {  	_ =	swait.ge [sflag:s24], $0x6400  }
0x24: {  	[sflag:s24] =	ssyncset.done $0x0  }
0x25: {  	[sflag:s24] =	ssyncadd.s32 $0xFFFF9C00  }
0x26: {  	[spmem:s6] =	stream.linear.scatter [tilespmem:s4], [sflag:$0x1], $0x6400, $0x38;
	[tilespmem:$0x8D50] =	vst v63  }
0x27: {  	_ =	swait.ge [sflag:s24], $0x6400  }
0x28: {  	[sflag:s24] =	ssyncset.done $0x0  }
0x29: {  	[sflag:s24] =	ssyncadd.s32 $0xFFFF9C00  }
0x2a: {  	[spmem:s7] =	stream.linear.scatter [tilespmem:s4], [sflag:$0x1], $0x6400, $0x38;
	[tilespmem:$0x8D50] =	vst v63  }
0x2b: {  	_ =	swait.ge [sflag:s24], $0x6400  }
0x2c: {  	[sflag:s24] =	ssyncset.done $0x0  }
0x2d: {  	[sflag:s24] =	ssyncadd.s32 $0xFFFF9C00  }
0x2e: {  	[spmem:s8] =	stream.linear.scatter [tilespmem:s4], [sflag:$0x1], $0xC00, $0x38;
	[tilespmem:$0x8D50] =	vst v63  }
0x2f: {  	_ =	swait.ge [sflag:s24], $0xC00  }
0x30: {  	[sflag:s24] =	ssyncset.done $0x0  }
0x31: {  	s29 =	simm.s32 @!p0 $0x0;
	s30 =	simm.s32 @!p0 $0x1;
	[sflag:s24] =	ssyncadd.s32 $0xFFFFF400  }
0x32: {  	[spmem:s9] =	stream.linear.scatter @!p0 [tilespmem:s29], [sflag:$0x1], $0x800, $0x38;
	[tilespmem:$0x8D50] =	vst v63  }
0x33: {  	_ =	swait.ge @!p0 [sflag:s30], $0x800  }
0x34: {  	[sflag:s30] =	ssyncset.done @!p0 $0x0  }
0x35: {  	[sflag:s30] =	ssyncadd.s32 @!p0 $0xFFFFF800  }
0x36: {  	[spmem:s3] =	stream.linear.scatter @!p0 [tilespmem:s29], [sflag:$0x1], $0x2000, $0x38;
	[tilespmem:$0x8D50] =	vst v63  }
0x37: {  	_ =	swait.ge @!p0 [sflag:s30], $0x2000  }
0x38: {  	[sflag:s30] =	ssyncset.done @!p0 $0x0  }
0x39: {  	s29 =	simm.s32 $0x200;
	[sflag:s30] =	ssyncadd.s32 @!p0 $0xFFFFE000;
	s30 =	simm.s32 $0x0  }
.LBB2_4:
0x3a: {  	p3 =	sne.s32 s29, $0x18E00;
	[tilespmem:s30+$0x0] =	vst v1;
	s30 =	smov.u32 s29;
	s29 =	sadd.s32 $0x200, s29  }
.Ltmp1:
0x3b: {  	(pc) =	sbr.rel @p3 .LBB2_4-.Ltmp1, $2  }
0x3c: {  	_ =	sdelay $0x2  }
0x3d: {  	s30 =	sshra.s32 s30, $0x2  }
0x3e: {  	[tilespmem:s30+$0x0] =	vst v1  }
0x3f: {  	s29 =	sadd.s32 $0x0, s23;
	[bflag:$0x0] =	sbarrier.arrive $0xFFFF  }
0x40: {  	[tilespmem:s25], [sflag:$0x1] =	stream.linear.gather [hbm4b:s29+s4], $0xC8, $0x38;
	[tilespmem:$0x8D50] =	vst v63  }
0x41: {  	_ =	swait.ge [sflag:s24], $0xC8  }
0x42: {  	[sflag:s24] =	ssyncset.done $0x0  }
0x43: {  	[sflag:s24] =	ssyncadd.s32 $0xFFFFFF38  }
0x44: {  	[spmem:s1] =	stream.indirect.scatter.add.f32 [tilespmem:s4], [sflag:$0x1], $0x10, s25, s26, $0xb8;
	[tilespmem:$0x8D50] =	vst v63  }
0x45: {  	_ =	swait.ge [sflag:s24], $0xC80  }
0x46: {  	s30 =	simm.s32 $0x32;
	s29 =	simm.s32 $0x19;
	[sflag:s24] =	ssyncset.done $0x0  }
.LBB2_6:
0x47: {  	s31 =	sadd.s32 s29, s23  }
0x48: {  	[sflag:s24] =	ssyncadd.s32 $0xFFFFF380;
	s29 =	smov.u32 s30;
	s2 =	sadd.s32 $0x19, s30  }
0x49: {  	[tilespmem:s25], [sflag:$0x1] =	stream.linear.gather [hbm4b:s31+s4], $0xC8, $0x38;
	[tilespmem:$0x8D50] =	vst v63  }
0x4a: {  	p3 =	sne.s32 s30, $0x4C9;
	_ =	swait.ge [sflag:s24], $0xC8  }
.Ltmp2:
0x4b: {  	[sflag:s24] =	ssyncset.done $0x0;
	(pc) =	sbr.rel @p3 .LBB2_6-.Ltmp2, $4  }
0x4c: {  	[sflag:s24] =	ssyncadd.s32 $0xFFFFFF38  }
0x4d: {  	[spmem:s1] =	stream.indirect.scatter.add.f32 [tilespmem:s4], [sflag:$0x1], $0x10, s25, s26, $0xb8;
	[tilespmem:$0x8D50] =	vst v63  }
0x4e: {  	_ =	swait.ge [sflag:s24], $0xC80  }
0x4f: {  	s30 =	smov.u32 s2;
	[sflag:s24] =	ssyncset.done $0x0  }
0x50: {  	s2 =	sadd.s32 s29, s23;
	[sflag:s24] =	ssyncadd.s32 $0xFFFFF380  }
0x51: {  	[tilespmem:s25], [sflag:$0x1] =	stream.linear.gather [hbm4b:s2+s4], $0xC8, $0x38;
	[tilespmem:$0x8D50] =	vst v63  }
0x52: {  	_ =	swait.ge [sflag:s24], $0xC8  }
0x53: {  	[sflag:s24] =	ssyncset.done $0x0  }
0x54: {  	[sflag:s24] =	ssyncadd.s32 $0xFFFFFF38  }
0x55: {  	[spmem:s1] =	stream.indirect.scatter.add.f32 [tilespmem:s4], [sflag:$0x1], $0x10, s25, s26, $0xb8;
	[tilespmem:$0x8D50] =	vst v63  }
0x56: {  	_ =	swait.ge [sflag:s24], $0xC80  }
0x57: {  	s29 =	simm.s32 @!p1 $0x6500;
	[sflag:s24] =	ssyncset.done $0x0  }
0x58: {  	s30 =	simm.s32 @!p1 $0x1;
	s2 =	simm.s32 @!p1 $0x0;
	[sflag:s24] =	ssyncadd.s32 $0xFFFFF380  }
0x59: {  	[tilespmem:s29], [sflag:$0x1] =	stream.linear.gather @!p1 [hbm4b:s17+s2], $0x68, $0x38;
	[tilespmem:$0x8D50] =	vst v63  }
0x5a: {  	_ =	swait.ge @!p1 [sflag:s30], $0x68  }
0x5b: {  	[sflag:s30] =	ssyncset.done @!p1 $0x0  }
0x5c: {  	s31 =	simm.s32 @!p1 $0x68;
	[sflag:s30] =	ssyncadd.s32 @!p1 $0xFFFFFF98  }
0x5d: {  	[spmem:s3] =	stream.indirect.scatter.add.f32 @!p1 [tilespmem:s2], [sflag:$0x1], $0x10, s29, s31, $0xb8;
	[tilespmem:$0x8D50] =	vst v63  }
0x5e: {  	_ =	swait.ge @!p1 [sflag:s30], $0x680  }
0x5f: {  	[sflag:s30] =	ssyncset.done @!p1 $0x0  }
0x60: {  	[sflag:s30] =	ssyncadd.s32 @!p1 $0xFFFFF980  }
0x61: {  	[tilespmem:s29], [sflag:$0x1] =	stream.linear.gather @!p1 [hbm4b:s18+s2], $0x68, $0x38;
	[tilespmem:$0x8D50] =	vst v63  }
0x62: {  	_ =	swait.ge @!p1 [sflag:s30], $0x68  }
0x63: {  	[sflag:s30] =	ssyncset.done @!p1 $0x0  }
0x64: {  	[sflag:s30] =	ssyncadd.s32 @!p1 $0xFFFFFF98  }
0x65: {  	[spmem:s3] =	stream.indirect.scatter.add.f32 @!p1 [tilespmem:s2], [sflag:$0x1], $0x10, s29, s31, $0xb8;
	[tilespmem:$0x8D50] =	vst v63  }
0x66: {  	_ =	swait.ge @!p1 [sflag:s30], $0x680  }
0x67: {  	[sflag:s30] =	ssyncset.done @!p1 $0x0  }
0x68: {  	[sflag:s30] =	ssyncadd.s32 @!p1 $0xFFFFF980  }
0x69: {  	[tilespmem:s29], [sflag:$0x1] =	stream.linear.gather @!p1 [hbm4b:s21+s2], $0x68, $0x38;
	[tilespmem:$0x8D50] =	vst v63  }
0x6a: {  	_ =	swait.ge @!p1 [sflag:s30], $0x68  }
0x6b: {  	[sflag:s30] =	ssyncset.done @!p1 $0x0  }
0x6c: {  	[sflag:s30] =	ssyncadd.s32 @!p1 $0xFFFFFF98  }
0x6d: {  	[spmem:s3] =	stream.indirect.scatter.add.f32 @!p1 [tilespmem:s2], [sflag:$0x1], $0x10, s29, s31, $0xb8;
	[tilespmem:$0x8D50] =	vst v63  }
0x6e: {  	_ =	swait.ge @!p1 [sflag:s30], $0x680  }
0x6f: {  	[sflag:s30] =	ssyncset.done @!p1 $0x0  }
0x70: {  	[sflag:s30] =	ssyncadd.s32 @!p1 $0xFFFFF980  }
0x71: {  	[tilespmem:s29], [sflag:$0x1] =	stream.linear.gather @!p1 [hbm4b:s19+s2], $0x68, $0x38;
	[tilespmem:$0x8D50] =	vst v63  }
0x72: {  	_ =	swait.ge @!p1 [sflag:s30], $0x68  }
0x73: {  	[sflag:s30] =	ssyncset.done @!p1 $0x0  }
0x74: {  	[sflag:s30] =	ssyncadd.s32 @!p1 $0xFFFFFF98  }
0x75: {  	[spmem:s3] =	stream.indirect.scatter.add.f32 @!p1 [tilespmem:s2], [sflag:$0x1], $0x10, s29, s31, $0xb8;
	[tilespmem:$0x8D50] =	vst v63  }
0x76: {  	_ =	swait.ge @!p1 [sflag:s30], $0x680  }
0x77: {  	[sflag:s30] =	ssyncset.done @!p1 $0x0  }
0x78: {  	[sflag:s30] =	ssyncadd.s32 @!p1 $0xFFFFF980  }
0x79: {  	[tilespmem:s29], [sflag:$0x1] =	stream.linear.gather @!p1 [hbm4b:s22+s2], $0x68, $0x38;
	[tilespmem:$0x8D50] =	vst v63  }
0x7a: {  	_ =	swait.ge @!p1 [sflag:s30], $0x68  }
0x7b: {  	[sflag:s30] =	ssyncset.done @!p1 $0x0  }
0x7c: {  	[sflag:s30] =	ssyncadd.s32 @!p1 $0xFFFFFF98  }
0x7d: {  	[spmem:s3] =	stream.indirect.scatter.add.f32 @!p1 [tilespmem:s2], [sflag:$0x1], $0x10, s29, s31, $0xb8;
	[tilespmem:$0x8D50] =	vst v63  }
0x7e: {  	_ =	swait.ge @!p1 [sflag:s30], $0x680  }
0x7f: {  	[sflag:s30] =	ssyncset.done @!p1 $0x0  }
0x80: {  	[sflag:s30] =	ssyncadd.s32 @!p1 $0xFFFFF980  }
0x81: {  	[tilespmem:s29], [sflag:$0x1] =	stream.linear.gather @!p1 [hbm4b:s20+s2], $0x68, $0x38;
	[tilespmem:$0x8D50] =	vst v63  }
0x82: {  	_ =	swait.ge @!p1 [sflag:s30], $0x68  }
0x83: {  	[sflag:s30] =	ssyncset.done @!p1 $0x0  }
0x84: {  	[sflag:s30] =	ssyncadd.s32 @!p1 $0xFFFFFF98  }
0x85: {  	[spmem:s3] =	stream.indirect.scatter.add.f32 @!p1 [tilespmem:s2], [sflag:$0x1], $0x10, s29, s31, $0xb8;
	[tilespmem:$0x8D50] =	vst v63  }
0x86: {  	_ =	swait.ge @!p1 [sflag:s30], $0x680  }
0x87: {  	s2 =	simm.s32 @!p2 $0x0;
	[sflag:s30] =	ssyncset.done @!p1 $0x0  }
0x88: {  	s29 =	simm.s32 @!p2 $0x6580;
	[sflag:s30] =	ssyncadd.s32 @!p1 $0xFFFFF980;
	s30 =	simm.s32 @!p2 $0x1  }
0x89: {  	[tilespmem:s29], [sflag:$0x1] =	stream.linear.gather @!p2 [hbm4b:s10+s2], $0x10, $0x38;
	[tilespmem:$0x8D50] =	vst v63  }
0x8a: {  	_ =	swait.ge @!p2 [sflag:s30], $0x10  }
0x8b: {  	[sflag:s30] =	ssyncset.done @!p2 $0x0  }
0x8c: {  	s31 =	simm.s32 @!p2 $0x10;
	[sflag:s30] =	ssyncadd.s32 @!p2 $0xFFFFFFF0  }
0x8d: {  	[spmem:s3] =	stream.indirect.scatter.add.f32 @!p2 [tilespmem:s2], [sflag:$0x1], $0x10, s29, s31, $0xb8;
	[tilespmem:$0x8D50] =	vst v63  }
0x8e: {  	_ =	swait.ge @!p2 [sflag:s30], $0x100  }
0x8f: {  	[sflag:s30] =	ssyncset.done @!p2 $0x0  }
0x90: {  	[sflag:s30] =	ssyncadd.s32 @!p2 $0xFFFFFF00  }
0x91: {  	[bflag:$0x0] =	sbarrier.arrive $0xFFFF  }
0x92: {  	[tilespmem:s4], [sflag:$0x1] =	stream.linear.gather [spmem:s5], $0x6400, $0x38;
	[tilespmem:$0x8D50] =	vst v63  }
0x93: {  	_ =	swait.ge [sflag:s24], $0x6400  }
0x94: {  	[sflag:s24] =	ssyncset.done $0x0  }
0x95: {  	[sflag:s24] =	ssyncadd.s32 $0xFFFF9C00  }
0x96: {  	[hbm4b:s11+s4] =	stream.linear.scatter [tilespmem:s4], [sflag:$0x1], $0x6400, $0x38;
	[tilespmem:$0x8D50] =	vst v63  }
0x97: {  	_ =	swait.ge [sflag:s24], $0x6400  }
0x98: {  	[sflag:s24] =	ssyncset.done $0x0  }
0x99: {  	[sflag:s24] =	ssyncadd.s32 $0xFFFF9C00  }
0x9a: {  	[tilespmem:s4], [sflag:$0x1] =	stream.linear.gather [spmem:s6], $0x6400, $0x38;
	[tilespmem:$0x8D50] =	vst v63  }
0x9b: {  	_ =	swait.ge [sflag:s24], $0x6400  }
0x9c: {  	[sflag:s24] =	ssyncset.done $0x0  }
0x9d: {  	[sflag:s24] =	ssyncadd.s32 $0xFFFF9C00  }
0x9e: {  	[hbm4b:s12+s4] =	stream.linear.scatter [tilespmem:s4], [sflag:$0x1], $0x6400, $0x38;
	[tilespmem:$0x8D50] =	vst v63  }
0x9f: {  	_ =	swait.ge [sflag:s24], $0x6400  }
0xa0: {  	[sflag:s24] =	ssyncset.done $0x0  }
0xa1: {  	[sflag:s24] =	ssyncadd.s32 $0xFFFF9C00  }
0xa2: {  	[tilespmem:s4], [sflag:$0x1] =	stream.linear.gather [spmem:s7], $0x6400, $0x38;
	[tilespmem:$0x8D50] =	vst v63  }
0xa3: {  	_ =	swait.ge [sflag:s24], $0x6400  }
0xa4: {  	[sflag:s24] =	ssyncset.done $0x0  }
0xa5: {  	[sflag:s24] =	ssyncadd.s32 $0xFFFF9C00  }
0xa6: {  	[hbm4b:s13+s4] =	stream.linear.scatter [tilespmem:s4], [sflag:$0x1], $0x6400, $0x38;
	[tilespmem:$0x8D50] =	vst v63  }
0xa7: {  	_ =	swait.ge [sflag:s24], $0x6400  }
0xa8: {  	[sflag:s24] =	ssyncset.done $0x0  }
0xa9: {  	[sflag:s24] =	ssyncadd.s32 $0xFFFF9C00  }
0xaa: {  	[tilespmem:s4], [sflag:$0x1] =	stream.linear.gather [spmem:s8], $0xC00, $0x38;
	[tilespmem:$0x8D50] =	vst v63  }
0xab: {  	_ =	swait.ge [sflag:s24], $0xC00  }
0xac: {  	[sflag:s24] =	ssyncset.done $0x0  }
0xad: {  	[sflag:s24] =	ssyncadd.s32 $0xFFFFF400  }
0xae: {  	[hbm4b:s14+s4] =	stream.linear.scatter [tilespmem:s4], [sflag:$0x1], $0xC00, $0x38;
	[tilespmem:$0x8D50] =	vst v63  }
0xaf: {  	_ =	swait.ge [sflag:s24], $0xC00  }
0xb0: {  	[sflag:s24] =	ssyncset.done $0x0  }
0xb1: {  	s29 =	simm.s32 @!p0 $0x0;
	s31 =	simm.s32 @!p0 $0x1;
	[sflag:s24] =	ssyncadd.s32 $0xFFFFF400  }
0xb2: {  	[tilespmem:s29], [sflag:$0x1] =	stream.linear.gather @!p0 [spmem:s9], $0x800, $0x38;
	[tilespmem:$0x8D50] =	vst v63  }
0xb3: {  	_ =	swait.ge @!p0 [sflag:s31], $0x800  }
0xb4: {  	[sflag:s31] =	ssyncset.done @!p0 $0x0  }
0xb5: {  	[sflag:s31] =	ssyncadd.s32 @!p0 $0xFFFFF800  }
0xb6: {  	[hbm4b:s15+s29] =	stream.linear.scatter @!p0 [tilespmem:s29], [sflag:$0x1], $0x800, $0x38;
	[tilespmem:$0x8D50] =	vst v63  }
0xb7: {  	_ =	swait.ge @!p0 [sflag:s31], $0x800  }
0xb8: {  	[sflag:s31] =	ssyncset.done @!p0 $0x0  }
0xb9: {  	[sflag:s31] =	ssyncadd.s32 @!p0 $0xFFFFF800  }
0xba: {  	[tilespmem:s2], [sflag:$0x1] =	stream.linear.gather @!p2 [spmem:s3], $0x2000, $0x38;
	[tilespmem:$0x8D50] =	vst v63  }
0xbb: {  	s28 =	sadd.s32 $0x1, s28;
	_ =	swait.ge @!p2 [sflag:s30], $0x2000  }
0xbc: {  	p3 =	sne.s32 s28, s16;
	[sflag:s30] =	ssyncset.done @!p2 $0x0  }
.Ltmp3:
0xbd: {  	[sflag:s30] =	ssyncadd.s32 @!p2 $0xFFFFE000;
	(pc) =	sbr.rel @p3 .LBB2_1-.Ltmp3, $4  }
0xbe: {  	[hbm4b:s0+s2] =	stream.linear.scatter @!p2 [tilespmem:s2], [sflag:$0x1], $0x2000, $0x38;
	[tilespmem:$0x8D50] =	vst v63  }
0xbf: {  	_ =	swait.ge @!p2 [sflag:s30], $0x2000  }
0xc0: {  	[sflag:s30] =	ssyncset.done @!p2 $0x0  }
0xc1: {  	[sflag:s30] =	ssyncadd.s32 @!p2 $0xFFFFE000  }
0xc2: {  	_ =	sfence.sel $0x180000  }
0xc3: {  	[bflag:$0x0] =	sbarrier.arrive $0xFFFF  }
0xc4: {  	_ =	strace $0x90000047  }
0xc5: {  	[bflag:$0x2] =	sbarrier.arrive $0xFFFF  }
0xc6: {  	s0 =	rddreg [dreg:$0x5]  }
0xc7: {  	s0 =	sadd.s32 @!p0 $0x100000, s0  }
0xc8: {  	[sflag:s0] =	ssyncadd.tile.s32 @!p0 $0x1;
	_ =	shalt  }
.Lfunc_end2:
_tile_overlayer_lowered:
.L_overlay_start_2:
0xc9: {  	(tag) =	ssettag $0x2  }
0xca: {  	s0 =	rddreg [dreg:$0x0];
	s2 =	stileid.u32  }
0xcb: {  	s1 =	rddreg [dreg:$0x1];
	p0 =	sne.s32 s2, $0x0  }
0xcc: {  	s3 =	rddreg [dreg:$0x2];
	[bflag:$0x3] =	sbarrier.arrive $0xFFFF;
	s2 =	simm.s32 @!p0 $0x1C01  }
0xcd: {  	[timem:s3], [sflag:s2] =	dma.local @!p0 [hbm:s0], s1  }
0xce: {  	s0 =	simm.s32 @!p0 $0x1  }
0xcf: {  	_ =	swait.ge @!p0 [sflag:s0], s1  }
0xd0: {  	s1 =	ssub.s32 @!p0 $0x0, s1;
	[sflag:s0] =	ssyncset.done @!p0 $0x0  }
0xd1: {  	[sflag:s0] =	ssyncadd.s32 @!p0 s1  }
0xd2: {  	[bflag:$0x3] =	sbarrier.arrive $0xFFFF  }
0xd3: {  	_ =	shalt  }

// kernel: kernel.15.cloned.1.call-start
scs
__scs_entry_jumppad:
0x0: {  	(pc) =	sbr.rel $0x88, $3  }
0x1: {  	(tag) =	ssettag $0x0;
	lr =	simm.s32 $0x1  }
0x2: {  	[smem:$0x3F98] =	sst lr;
	_ =	strace $0xD0000000  }
0x3: {  	_ = 	snop  }
0x4: {  	_ = 	snop  }
0x5: {  	_ = 	snop  }
0x6: {  	_ = 	snop  }
0x7: {  	_ = 	snop  }
__scs_overlays_trampoline_lowered:
0x8: {  	[smem:$0x3FA7] =	sst s0  }
0x9: {  	[smem:$0x3FA8] =	sst s1  }
0xa: {  	[smem:$0x3FA9] =	sst s2  }
0xb: {  	[smem:$0x3FAA] =	sst s3  }
0xc: {  	[smem:$0x3FAB] =	sst s4  }
0xd: {  	[smem:$0x3FAC] =	sst s5  }
0xe: {  	[smem:$0x3FAD] =	sst s6  }
0xf: {  	[smem:$0x3FAE] =	sst s7  }
0x10: {  	[smem:$0x3FAF] =	sst s8  }
0x11: {  	[smem:$0x3FB0] =	sst s9;
	s0 =	simm.s32 @!p0 $0x0  }
0x12: {  	s1 =	sld [smem:$0x3F96];
	s0 =	simm.s32 @p0 $0x1  }
0x13: {  	[smem:$0x3FB1] =	sst s0;
	s0 =	simm.s32 @!p1 $0x0  }
0x14: {  	s2 =	sld [smem:$0x3F95];
	s0 =	simm.s32 @p1 $0x1  }
0x15: {  	[smem:$0x3FB2] =	sst s0;
	s0 =	simm.s32 @!p2 $0x0  }
0x16: {  	s3 =	sld [smem:$0x3FDB];
	s0 =	simm.s32 @p2 $0x1  }
0x17: {  	s4 =	simm.s32 $0x1BF5;
	[smem:$0x3FB4] =	sst s0  }
0x18: {  	s0 =	sld [smem:$0x3F97];
	_ =	swait.ge [sflag:s4], $0x0  }
0x19: {  	s7 =	sld [smem:$0x3F98]  }
0x1a: {  	s8 =	sadd.s32 $0xFFFFE003, lr  }
0x1b: {  	s9 =	sadd.s32 $0xFFFFFEF7, lr;
	s5 =	simm.s32 $0xFFFFFFFF;
	p2 =	slt.u32 s8, $0xFFFFF086  }
0x1c: {  	p1 =	slt.u32 s9, $0xF7A;
	s5 =	simm.s32 @!p2 $0x0  }
0x1d: {  	s5 =	simm.s32 @p1 $0x1;
	p0 =	seq.s32 s7, s2  }
0x1e: {  	s7 =	smul.u32 @!p0 $0xF7A, s2;
	p2 =	seq.s32 @!p0 s5, $0x0  }
0x1f: {  	s9 =	smul.u32 $0xF7A, s1;
	s8 =	simm.s32 @!p0 $0x1BF5;
	p2 =	por !p2, p0  }
0x20: {  	[sflag:s8] =	ssyncset.s32 @!p0 $0xFFFFF086;
	s6 =	sadd.s32 @!p0 s3, s7;
	s7 =	simm.s32 @!p0 $0x108  }
0x21: {  	s3 =	sadd.s32 s3, s9;
	s6 =	sadd.s32 @!p0 $0x88, s6;
	s7 =	simm.s32 @p2 $0x1082  }
0x22: {  	[simem:s7], [sflag:s8] =	dma.local @!p0 [hbm:s6], $0xF7A  }
0x23: {  	s9 =	sor.u32 $0xD0000000, s2;
	s6 =	simm.s32 $0x108;
	_ =	swait.ge @!p0 [sflag:s8], $0x0  }
0x24: {  	s3 =	sadd.s32 $0x88, s3;
	s6 =	simm.s32 @!p1 $0x1082;
	[sflag:s4] =	ssyncset.s32 $0xFFFFF086  }
0x25: {  	[simem:s6], [sflag:s4] =	dma.local [hbm:s3], $0xF7A  }
0x26: {  	[smem:$0x3F98] =	sst s1;
	(tag) =	ssettag s2;
	_ =	strace s9  }
0x27: {  	s1 =	sld [smem:$0x3FA8]  }
0x28: {  	s2 =	sld [smem:$0x3FA9]  }
0x29: {  	s4 =	sld [smem:$0x3FAB]  }
0x2a: {  	p0 =	seq.s32 s5, $0x0;
	s5 =	sld [smem:$0x3FAC]  }
0x2b: {  	s6 =	sld [smem:$0x3FAD]  }
0x2c: {  	s7 =	sld [smem:$0x3FAE]  }
0x2d: {  	s3 =	simm.s32 $0x108;
	s8 =	sld [smem:$0x3FAF]  }
0x2e: {  	s3 =	simm.s32 @!p0 $0x1082;
	s9 =	sld [smem:$0x3FB0]  }
0x2f: {  	lr =	sadd.s32 s0, s3;
	s0 =	sld [smem:$0x3FA7]  }
0x30: {  	s3 =	sld [smem:$0x3FAA]  }
0x31: {  	[smem:$0x3FB3] =	sst s10  }
0x32: {  	s10 =	sld [smem:$0x3FB1];
	_ =	sdelay $0x3  }
0x33: {  	p0 =	seq.s32 s10, $0x1;
	s10 =	sld [smem:$0x3FB3];
	_ =	sdelay $0x3  }
0x34: {  	[smem:$0x3FB3] =	sst s10  }
0x35: {  	s10 =	sld [smem:$0x3FB2];
	_ =	sdelay $0x3  }
0x36: {  	p1 =	seq.s32 s10, $0x1;
	s10 =	sld [smem:$0x3FB3];
	_ =	sdelay $0x3  }
0x37: {  	[smem:$0x3FB3] =	sst s10  }
0x38: {  	s10 =	sld [smem:$0x3FB4]  }
0x39: {  	_ = 	snop;
	(pc) =	sbr.ind lr, $3  }
0x3a: {  	_ = 	snop  }
0x3b: {  	_ = 	snop  }
0x3c: {  	p2 =	seq.s32 s10, $0x1;
	s10 =	sld [smem:$0x3FB3]  }
0x3d: {  	_ =	shalt  }
0x3e: {  	_ =	shalt  }
0x3f: {  	_ =	shalt  }
0x40: {  	_ =	shalt  }
0x41: {  	_ =	shalt  }
0x42: {  	_ =	shalt  }
0x43: {  	_ =	shalt  }
0x44: {  	_ =	shalt  }
0x45: {  	_ =	shalt  }
0x46: {  	_ =	shalt  }
0x47: {  	_ =	shalt  }
0x48: {  	_ =	shalt  }
0x49: {  	_ =	shalt  }
0x4a: {  	_ =	shalt  }
0x4b: {  	_ =	shalt  }
0x4c: {  	_ =	shalt  }
0x4d: {  	_ =	shalt  }
0x4e: {  	_ =	shalt  }
0x4f: {  	_ =	shalt  }
0x50: {  	_ =	shalt  }
0x51: {  	_ =	shalt  }
0x52: {  	_ =	shalt  }
0x53: {  	_ =	shalt  }
0x54: {  	_ =	shalt  }
0x55: {  	_ =	shalt  }
0x56: {  	_ =	shalt  }
0x57: {  	_ =	shalt  }
0x58: {  	_ =	shalt  }
0x59: {  	_ =	shalt  }
0x5a: {  	_ =	shalt  }
0x5b: {  	_ =	shalt  }
0x5c: {  	_ =	shalt  }
0x5d: {  	_ =	shalt  }
0x5e: {  	_ =	shalt  }
0x5f: {  	_ =	shalt  }
0x60: {  	_ =	shalt  }
0x61: {  	_ =	shalt  }
0x62: {  	_ =	shalt  }
0x63: {  	_ =	shalt  }
0x64: {  	_ =	shalt  }
0x65: {  	_ =	shalt  }
0x66: {  	_ =	shalt  }
0x67: {  	_ =	shalt  }
0x68: {  	_ =	shalt  }
0x69: {  	_ =	shalt  }
0x6a: {  	_ =	shalt  }
0x6b: {  	_ =	shalt  }
0x6c: {  	_ =	shalt  }
0x6d: {  	_ =	shalt  }
0x6e: {  	_ =	shalt  }
0x6f: {  	_ =	shalt  }
0x70: {  	_ =	shalt  }
0x71: {  	_ =	shalt  }
0x72: {  	_ =	shalt  }
0x73: {  	_ =	shalt  }
0x74: {  	_ =	shalt  }
0x75: {  	_ =	shalt  }
0x76: {  	_ =	shalt  }
0x77: {  	_ =	shalt  }
0x78: {  	_ =	shalt  }
0x79: {  	_ =	shalt  }
0x7a: {  	_ =	shalt  }
0x7b: {  	_ =	shalt  }
0x7c: {  	_ =	shalt  }
0x7d: {  	_ =	shalt  }
0x7e: {  	_ =	shalt  }
0x7f: {  	_ =	shalt  }
0x80: {  	_ =	shalt  }
0x81: {  	_ =	shalt  }
0x82: {  	_ =	shalt  }
0x83: {  	_ =	shalt  }
0x84: {  	_ =	shalt  }
0x85: {  	_ =	shalt  }
0x86: {  	_ =	shalt  }
0x87: {  	_ =	shalt  }
.Lfunc_end0:
.L_simem_size_0:
called_computation.1_lowered:
.L_overlay_start_0:
0x88: {  	s2 =	sld [smem:$0x3FD9]  }
0x89: {  	s3 =	sld [smem:$0x3FFE];
	_ =	sdelay $0x1  }
0x8a: {  	s1 =	srdreg.scid  }
0x8b: {  	s0 =	sand.u32 $0x1, s1  }
0x8c: {  	s16 =	sshll.u32 s0, $0xA;
	s2 =	sadd.s32 s3, s2  }
0x8d: {  	s2 =	sadd.s32 s2, s16  }
0x8e: {  	[smem:$0x3FBF] =	sst s2  }
0x8f: {  	_ = 	snop  }
0x90: {  	(tm) =	ssettm $0x1  }
0x91: {  	s17 =	sld [smem:$0x3FFB];
	_ =	sdelay $0x3  }
0x92: {  	_ =	strace s17  }
0x93: {  	s2 =	sld [smem:$0x3FFC];
	_ =	sdelay $0x3  }
0x94: {  	_ =	strace s2  }
0x95: {  	s2 =	sld [smem:$0x3FFD];
	_ =	sdelay $0x3  }
0x96: {  	_ =	strace s2  }
0x97: {  	_ =	strace $0x8FFFFFFF  }
0x98: {  	s18 =	sld [smem:$0x3FDB];
	_ =	sdelay $0x1  }
0x99: {  	s19 =	simm.s32 $_scs_section_size  }
0x9a: {  	s4 =	simm.s32 $_size__tile_overlayer_lowered;
	s5 =	simm.s32 $_tile_overlayer_lowered  }
0x9b: {  	s22 =	simm.s32 $0x1BFF;
	s21 =	sshll.u32 s5, $0x1;
	s2 =	sadd.s32 s19, s18  }
0x9c: {  	s6 =	simm.s32 $0x0;
	s20 =	sshll.u32 s4, $0x1;
	s4 =	sadd.s32 s21, s2  }
0x9d: {  	[timem:s6], [sflag:s22] =	dma.local [hbm:s4], s20  }
0x9e: {  	_ =	swait.ge [sflag:s22], s20  }
0x9f: {  	s3 =	ssub.s32 $0x0, s20;
	[sflag:s22] =	ssyncset.done $0x0  }
0xa0: {  	[sflag:s22] =	ssyncadd.s32 s3;
	_ =	sdelay $0x1  }
0xa1: {  	s23 =	simm.s32 $0x1B8B  }
0xa2: {  	_ =	swait.ge [sflag:s23], $0x1  }
0xa3: {  	[sflag:s23] =	ssyncset.done $0x0  }
0xa4: {  	s25 =	simm.s32 $0x1B8E;
	s24 =	sld [smem:$0x3FFE];
	[sflag:s23] =	ssyncadd.s32 $0xFFFFFFFF  }
0xa5: {  	s26 =	simm.s32 $execute0_lowered;
	[smem:$0x3FD2] =	sst s25  }
0xa6: {  	s4 =	sshll.u32 s26, $0x1;
	_ =	strace $0x80000049;
	[dreg:$0x1] =	wrdreg $0xFFFFFFFF  }
0xa7: {  	s28 =	simm.s32 $_size_execute0_lowered;
	s2 =	sadd.s32 s2, s4;
	[dreg:$0x0] =	wrdreg $0x0  }
0xa8: {  	s4 =	sshll.u32 s28, $0x1;
	[dreg:$0x2] =	wrdreg s2  }
0xa9: {  	[dreg:$0x3] =	wrdreg s4  }
0xaa: {  	[dreg:$0x4] =	wrdreg $0xC0  }
0xab: {  	_ =	task [dreg:s6], $0x5FFFF  }
0xac: {  	[dreg:$0x1] =	wrdreg $0xFFFFFFFF  }
0xad: {  	[dreg:$0x0] =	wrdreg $0x60  }
0xae: {  	[dreg:$0x2] =	wrdreg s24  }
0xaf: {  	[dreg:$0x3] =	wrdreg $0xC5000  }
0xb0: {  	[dreg:$0x4] =	wrdreg $0x9  }
0xb1: {  	_ =	task.clear_ibuf [dreg:s6], $0x5FFFF;
	_ =	strace $0x90000049  }
0xb2: {  	s29 =	simm.s32 $0x9;
	_ =	strace $0x8000004B  }
0xb3: {  	_ =	swait.ge [sflag:s29], $0x1  }
0xb4: {  	[sflag:s29] =	ssyncadd.s32 $0xFFFFFFFF  }
0xb5: {  	_ =	strace $0x9000004B  }
0xb6: {  	_ =	sfence  }
0xb7: {  	s30 =	sld [smem:$0x0];
	_ =	sdelay $0x2  }
0xb8: {  	s31 =	sshll.u32 s1, $0xD;
	s1 =	sshrl.u32 s1, $0x2  }
0xb9: {  	s3 =	sand.u32 $0x4000, s31;
	s1 =	sadd.s32 s1, s30  }
0xba: {  	s0 =	sor.u32 s3, s0;
	s1 =	sshll.u32 s1, $0x11  }
0xbb: {  	s0 =	sor.u32 s1, s0  }
0xbc: {  	s0 =	sadd.s32 $0x8F2B, s0  }
0xbd: {  	[sflag:s0] =	ssyncadd.remote.s32 $0x1  }
0xbe: {  	_ =	sfence.sel $0xFFFF  }
0xbf: {  	[dreg:$0x0] =	wrdreg $0xFFFFFFFF;
	(pc) =	sbr.abs _section_cstart, $3  }
0xc0: {  	[dreg:$0x1] =	wrdreg $0xFFFFFFFF  }
0xc1: {  	_ =	task.clear_ibuf [dreg:s6], $0x2FFFF;
	_ =	strace $0x9FFFFFFF  }
0xc2: {  	(tm) =	ssettm $0x7FFFFFFF  }
0xc3: {  	_ =	shalt  }
tec
execute0_lowered:
.L_overlay_start_1:
0x0: {  	(tag) =	ssettag $0x1  }
0x1: {  	s0 =	rddreg [dreg:$0x0]  }
0x2: {  	s1 =	rddreg [dreg:$0x1];
	s2 =	simm.s32 $0x0;
	s6 =	srdreg.scid  }
0x3: {  	s11 =	stileid.u32;
	s28 =	simm.s32 $0x3;
	s29 =	simm.s32 $0x100  }
0x4: {  	s30 =	simm.s32 $0xC0;
	s31 =	simm.s32 $0x200;
	[smem:$0x7FF] =	sst s2  }
0x5: {  	s3 =	sadd.s32 $0x65600, s0;
	s4 =	sadd.s32 $0x3800, s0;
	s5 =	sadd.s32 $0xD600, s0  }
0x6: {  	s12 =	sand.u32 $0x1, s6;
	s0 =	sadd.s32 $0x8C800, s0;
	s7 =	smul.u32 $0x4E000, s11  }
0x7: {  	s13 =	smul.u32 $0x13800, s11;
	p0 =	sne.s32 s11, $0x0;
	_ =	strace $0x8000004A  }
0x8: {  	s6 =	ssub.s32 $0x2, s12;
	s9 =	sshll.u32 s12, $0x4;
	s20 =	smul.u32 $0x138800, s12  }
0x9: {  	s12 =	smul.u32 $0x27100, s12;
	s8 =	sshrl.u32 s6, $0x1;
	s21 =	sshrl.u32 s7, $0x2  }
0xa: {  	s22 =	sor.u32 s11, s9;
	s15 =	sadd.s32 $0x6000, s13;
	s16 =	sadd.s32 $0xC000, s13  }
0xb: {  	s17 =	sadd.s32 $0x12000, s13;
	s14 =	ssub.s32 s6, s8;
	s6 =	sadd.s32 s21, s1  }
0xc: {  	s10 =	smul.u32 $0x2710, s22;
	s7 =	sadd.s32 s15, s1;
	s8 =	sadd.s32 s16, s1  }
0xd: {  	s9 =	sadd.s32 s17, s1;
	s13 =	sadd.s32 s13, s20;
	s15 =	sadd.s32 s20, s15  }
0xe: {  	s16 =	sadd.s32 s20, s16;
	s13 =	sshrl.u32 s13, $0x3;
	s15 =	sshrl.u32 s15, $0x3  }
0xf: {  	s26 =	sshrl.u32 s16, $0x3;
	s18 =	sshrl.u32 s10, $0x3;
	s13 =	sadd.s32 s0, s13  }
0x10: {  	s10 =	sadd.s32 $0x138000, s1;
	s25 =	sadd.s32 s0, s15;
	[dreg:$0x7] =	wrdreg s13  }
0x11: {  	s19 =	sadd.s32 $0x4E0, s18;
	s21 =	sadd.s32 s4, s18;
	[dreg:$0x8] =	wrdreg s25  }
0x12: {  	s23 =	sadd.s32 s5, s18;
	s13 =	sadd.s32 s0, s26;
	[dreg:$0x3] =	wrdreg s21  }
0x13: {  	[dreg:$0x4] =	wrdreg s23;
	s24 =	sadd.s32 s4, s19;
	s19 =	sadd.s32 s5, s19  }
0x14: {  	s21 =	smul.u32 $0x2710, s11;
	[dreg:$0x9] =	wrdreg s13;
	s23 =	smax.u32 s14, $0x1  }
0x15: {  	s11 =	simm.s32 $0x1;
	s13 =	simm.s32 $0x2;
	[dreg:$0x5] =	wrdreg s24  }
0x16: {  	s14 =	simm.s32 $0x400;
	[dreg:$0x6] =	wrdreg s19;
	s19 =	sadd.s32 s20, s17  }
0x17: {  	s20 =	sshrl.u32 s20, $0x3;
	[dreg:$0xc] =	wrdreg s23;
	s24 =	sadd.s32 $0x4C8, s18  }
0x18: {  	s17 =	simm.s32 $0x0;
	s15 =	sshrl.u32 s19, $0x3;
	s16 =	sadd.s32 s0, s20  }
0x19: {  	s12 =	sadd.s32 s21, s12;
	s25 =	sadd.s32 s4, s24;
	s0 =	sadd.s32 s0, s15  }
0x1a: {  	s22 =	sadd.s32 $0x27000, s16;
	[dreg:$0xd] =	wrdreg s25;
	s26 =	sadd.s32 $0xC0, s12  }
0x1b: {  	s19 =	sadd.s32 $0x180, s12;
	s12 =	simm.s32 $0x6500;
	[dreg:$0xa] =	wrdreg s0  }
0x1c: {  	s15 =	simm.s32 $0x480;
	s16 =	simm.s32 $0x10;
	[dreg:$0xb] =	wrdreg s22  }
0x1d: {  	s22 =	sadd.s32 s5, s24;
	s0 =	sshrl.u32 s26, $0x3;
	s26 =	simm.s32 $0x500  }
0x1e: {  	v0 =	vimm.f32 $0.0e+00;
	s24 =	sadd.s32 s0, s5;
	s25 =	sadd.s32 s0, s4;
	s0 =	simm.s32 $0x300  }
.LBB2_1:
0x1f: {  	s18 =	simm.s32 $0x0;
	s23 =	simm.s32 $0x200  }
.LBB2_2:
0x20: {  	p1 =	sne.s32 s23, $0x17E00;
	[tilespmem:s18+$0x570] =	vst v0  }
0x21: {  	[tilespmem:s18+$0x500] =	vst v0  }
0x22: {  	[tilespmem:s18+$0x510] =	vst v0  }
.Ltmp0:
0x23: {  	[tilespmem:s18+$0x520] =	vst v0;
	(pc) =	sbr.rel @p1 .LBB2_2-.Ltmp0, $4  }
0x24: {  	[tilespmem:s18+$0x530] =	vst v0  }
0x25: {  	[tilespmem:s18+$0x540] =	vst v0  }
0x26: {  	[tilespmem:s18+$0x550] =	vst v0  }
0x27: {  	[tilespmem:s18+$0x560] =	vst v0;
	s18 =	sshra.s32 s23, $0x2;
	s23 =	sadd.s32 $0x200, s23  }
0x28: {  	[tilespmem:s18+$0x570] =	vst v0  }
0x29: {  	[tilespmem:s18+$0x500] =	vst v0  }
0x2a: {  	[tilespmem:s18+$0x510] =	vst v0  }
0x2b: {  	[tilespmem:s18+$0x520] =	vst v0  }
0x2c: {  	[tilespmem:s18+$0x530] =	vst v0  }
0x2d: {  	[tilespmem:s18+$0x540] =	vst v0  }
0x2e: {  	[tilespmem:s18+$0x550] =	vst v0  }
0x2f: {  	[tilespmem:s18+$0x560] =	vst v0  }
0x30: {  	[spmem:s6] =	stream.linear.scatter [tilespmem:s26], [sflag:$0x3], $0x6000, $0x38;
	[tilespmem:$0x1FD80] =	vst v63  }
0x31: {  	_ =	swait.ge [sflag:s28], $0x6000  }
0x32: {  	[sflag:s28] =	ssyncset.done $0x0  }
0x33: {  	[sflag:s28] =	ssyncadd.s32 $0xFFFFA000  }
0x34: {  	[spmem:s7] =	stream.linear.scatter [tilespmem:s26], [sflag:$0x3], $0x6000, $0x38;
	[tilespmem:$0x1FD80] =	vst v63  }
0x35: {  	_ =	swait.ge [sflag:s28], $0x6000  }
0x36: {  	[sflag:s28] =	ssyncset.done $0x0  }
0x37: {  	[sflag:s28] =	ssyncadd.s32 $0xFFFFA000  }
0x38: {  	[spmem:s8] =	stream.linear.scatter [tilespmem:s26], [sflag:$0x3], $0x6000, $0x38;
	[tilespmem:$0x1FD80] =	vst v63  }
0x39: {  	_ =	swait.ge [sflag:s28], $0x6000  }
0x3a: {  	[sflag:s28] =	ssyncset.done $0x0  }
0x3b: {  	[sflag:s28] =	ssyncadd.s32 $0xFFFFA000  }
0x3c: {  	[spmem:s9] =	stream.linear.scatter [tilespmem:s26], [sflag:$0x3], $0x1800, $0x38;
	[tilespmem:$0x1FD80] =	vst v63  }
0x3d: {  	_ =	swait.ge [sflag:s28], $0x1800  }
0x3e: {  	[sflag:s28] =	ssyncset.done $0x0  }
0x3f: {  	s18 =	simm.s32 @!p0 $0x500;
	[sflag:s28] =	ssyncadd.s32 $0xFFFFE800  }
0x40: {  	[spmem:s10] =	stream.linear.scatter @!p0 [tilespmem:s18], [sflag:$0x3], $0x800, $0x38;
	[tilespmem:$0x1FD80] =	vst v63  }
0x41: {  	s18 =	simm.s32 @!p0 $0x3  }
0x42: {  	_ =	swait.ge @!p0 [sflag:s18], $0x800  }
0x43: {  	[sflag:s18] =	ssyncset.done @!p0 $0x0  }
0x44: {  	[sflag:s18] =	ssyncadd.s32 @!p0 $0xFFFFF800  }
0x45: {  	[bflag:$0x0] =	sbarrier.arrive $0xFFFF  }
0x46: {  	s23 =	simm.s32 $0x0;
	s20 =	rddreg [dreg:$0x3]  }
0x47: {  	[tilespmem:s23], [sflag:$0x3] =	stream.linear.gather [hbm4b:s20+s23], $0xC0, $0x38;
	[tilespmem:$0x1FD80] =	vst v63  }
0x48: {  	_ =	swait.ge [sflag:s28], $0xC0  }
0x49: {  	[sflag:s28] =	ssyncset.done $0x0  }
0x4a: {  	s21 =	rddreg [dreg:$0x4];
	[sflag:s28] =	ssyncadd.s32 $0xFFFFFF40  }
0x4b: {  	[tilespmem:s29], [sflag:$0x3] =	stream.linear.gather [hbm4b:s21+s23], $0xC0, $0x38;
	[tilespmem:$0x1FD80] =	vst v63  }
0x4c: {  	_ =	swait.ge [sflag:s28], $0xC0  }
0x4d: {  	[sflag:s28] =	ssyncset.done $0x0  }
0x4e: {  	[sflag:s28] =	ssyncadd.s32 $0xFFFFFF40  }
0x4f: {  	[tilespmem:s26], [sflag:$0x1] =	stream.indirect.gather [hbm4b:s3+s30], $0x80, s23, s30, $0xb8;
	[tilespmem:$0x1FD80] =	vst v63  }
0x50: {  	s23 =	sadd.s32 $0x0, s25  }
0x51: {  	[tilespmem:s31], [sflag:$0x3] =	stream.linear.gather [hbm4b:s23+s2], $0xC0, $0x38;
	[tilespmem:$0x1FD80] =	vst v63  }
0x52: {  	_ =	swait.ge [sflag:s28], $0xC0  }
0x53: {  	[sflag:s28] =	ssyncset.done $0x0  }
0x54: {  	s20 =	sadd.s32 $0x0, s24;
	[sflag:s28] =	ssyncadd.s32 $0xFFFFFF40  }
0x55: {  	[tilespmem:s0], [sflag:$0x3] =	stream.linear.gather [hbm4b:s20+s2], $0xC0, $0x38;
	[tilespmem:$0x1FD80] =	vst v63  }
0x56: {  	_ =	swait.ge [sflag:s28], $0xC0  }
0x57: {  	[sflag:s28] =	ssyncset.done $0x0  }
0x58: {  	[sflag:s28] =	ssyncadd.s32 $0xFFFFFF40  }
0x59: {  	_ =	swait.ge [sflag:s11], $0x6000  }
0x5a: {  	[sflag:s11] =	ssyncset.done $0x0  }
0x5b: {  	[sflag:s11] =	ssyncadd.s32 $0xFFFFA000  }
0x5c: {  	[tilespmem:s12], [sflag:$0x2] =	stream.indirect.gather [hbm4b:s3+s30], $0x80, s31, s30, $0xb8;
	[tilespmem:$0x1FD80] =	vst v63  }
0x5d: {  	_ = 	snop  }
0x5e: {  	[spmem:s1] =	stream.indirect.scatter.add.f32 [tilespmem:s26], [sflag:$0x3], $0x80, s29, s30, $0xb8;
	[tilespmem:$0x1FD80] =	vst v63  }
0x5f: {  	_ =	swait.ge [sflag:s28], $0x6000  }
0x60: {  	s21 =	sshrl.u32 s19, $0x3;
	[sflag:s28] =	ssyncset.done $0x0  }
0x61: {  	s23 =	sadd.s32 s4, s21;
	[sflag:s28] =	ssyncadd.s32 $0xFFFFA000  }
0x62: {  	[tilespmem:s2], [sflag:$0x3] =	stream.linear.gather [hbm4b:s23+s2], $0xC0, $0x38;
	[tilespmem:$0x1FD80] =	vst v63  }
0x63: {  	_ =	swait.ge [sflag:s28], $0xC0  }
0x64: {  	[sflag:s28] =	ssyncset.done $0x0  }
0x65: {  	s18 =	sadd.s32 s5, s21;
	[sflag:s28] =	ssyncadd.s32 $0xFFFFFF40  }
0x66: {  	[tilespmem:s29], [sflag:$0x3] =	stream.linear.gather [hbm4b:s18+s2], $0xC0, $0x38;
	[tilespmem:$0x1FD80] =	vst v63  }
0x67: {  	_ =	swait.ge [sflag:s28], $0xC0  }
0x68: {  	[sflag:s28] =	ssyncset.done $0x0  }
0x69: {  	[sflag:s28] =	ssyncadd.s32 $0xFFFFFF40  }
0x6a: {  	_ =	swait.ge [sflag:s13], $0x6000  }
0x6b: {  	[sflag:s13] =	ssyncset.done $0x0  }
0x6c: {  	[sflag:s13] =	ssyncadd.s32 $0xFFFFA000  }
0x6d: {  	[tilespmem:s26], [sflag:$0x1] =	stream.indirect.gather [hbm4b:s3+s30], $0x80, s2, s30, $0xb8;
	[tilespmem:$0x1FD80] =	vst v63  }
0x6e: {  	_ = 	snop  }
0x6f: {  	[spmem:s1] =	stream.indirect.scatter.add.f32 [tilespmem:s12], [sflag:$0x3], $0x80, s0, s30, $0xb8;
	[tilespmem:$0x1FD80] =	vst v63  }
0x70: {  	_ =	swait.ge [sflag:s28], $0x6000  }
0x71: {  	s23 =	smov.u32 s19;
	s18 =	simm.s32 $0x30;
	[sflag:s28] =	ssyncset.done $0x0  }
.LBB2_4:
0x72: {  	p1 =	sne.s32 s18, $0x480;
	[sflag:s28] =	ssyncadd.s32 $0xFFFFA000;
	s23 =	sadd.s32 $0x180, s23  }
0x73: {  	s20 =	sadd.s32 s18, s25;
	s21 =	smov.u32 s18;
	s18 =	sadd.s32 $0x30, s18  }
0x74: {  	[tilespmem:s31], [sflag:$0x3] =	stream.linear.gather [hbm4b:s20+s2], $0xC0, $0x38;
	[tilespmem:$0x1FD80] =	vst v63  }
0x75: {  	_ =	swait.ge [sflag:s28], $0xC0  }
0x76: {  	[sflag:s28] =	ssyncset.done $0x0  }
0x77: {  	s20 =	sadd.s32 s21, s24;
	[sflag:s28] =	ssyncadd.s32 $0xFFFFFF40  }
0x78: {  	[tilespmem:s0], [sflag:$0x3] =	stream.linear.gather [hbm4b:s20+s2], $0xC0, $0x38;
	[tilespmem:$0x1FD80] =	vst v63  }
0x79: {  	_ =	swait.ge [sflag:s28], $0xC0  }
0x7a: {  	[sflag:s28] =	ssyncset.done $0x0  }
0x7b: {  	[sflag:s28] =	ssyncadd.s32 $0xFFFFFF40  }
0x7c: {  	_ =	swait.ge [sflag:s11], $0x6000  }
0x7d: {  	[sflag:s11] =	ssyncset.done $0x0  }
0x7e: {  	[sflag:s11] =	ssyncadd.s32 $0xFFFFA000  }
0x7f: {  	[tilespmem:s12], [sflag:$0x2] =	stream.indirect.gather [hbm4b:s3+s30], $0x80, s31, s30, $0xb8;
	[tilespmem:$0x1FD80] =	vst v63  }
0x80: {  	_ = 	snop  }
0x81: {  	[spmem:s1] =	stream.indirect.scatter.add.f32 [tilespmem:s26], [sflag:$0x3], $0x80, s29, s30, $0xb8;
	[tilespmem:$0x1FD80] =	vst v63  }
0x82: {  	_ =	swait.ge [sflag:s28], $0x6000  }
0x83: {  	s20 =	sshrl.u32 s23, $0x3;
	[sflag:s28] =	ssyncset.done $0x0  }
0x84: {  	s21 =	sadd.s32 s4, s20;
	[sflag:s28] =	ssyncadd.s32 $0xFFFFA000  }
0x85: {  	[tilespmem:s2], [sflag:$0x3] =	stream.linear.gather [hbm4b:s21+s2], $0xC0, $0x38;
	[tilespmem:$0x1FD80] =	vst v63  }
0x86: {  	_ =	swait.ge [sflag:s28], $0xC0  }
0x87: {  	[sflag:s28] =	ssyncset.done $0x0  }
0x88: {  	s20 =	sadd.s32 s5, s20;
	[sflag:s28] =	ssyncadd.s32 $0xFFFFFF40  }
0x89: {  	[tilespmem:s29], [sflag:$0x3] =	stream.linear.gather [hbm4b:s20+s2], $0xC0, $0x38;
	[tilespmem:$0x1FD80] =	vst v63  }
0x8a: {  	_ =	swait.ge [sflag:s28], $0xC0  }
0x8b: {  	[sflag:s28] =	ssyncset.done $0x0  }
0x8c: {  	[sflag:s28] =	ssyncadd.s32 $0xFFFFFF40  }
0x8d: {  	_ =	swait.ge [sflag:s13], $0x6000  }
0x8e: {  	[sflag:s13] =	ssyncset.done $0x0  }
0x8f: {  	[sflag:s13] =	ssyncadd.s32 $0xFFFFA000  }
0x90: {  	[tilespmem:s26], [sflag:$0x1] =	stream.indirect.gather [hbm4b:s3+s30], $0x80, s2, s30, $0xb8;
	[tilespmem:$0x1FD80] =	vst v63  }
.Ltmp1:
0x91: {  	_ = 	snop;
	(pc) =	sbr.rel @p1 .LBB2_4-.Ltmp1, $4  }
0x92: {  	_ = 	snop  }
0x93: {  	[spmem:s1] =	stream.indirect.scatter.add.f32 [tilespmem:s12], [sflag:$0x3], $0x80, s0, s30, $0xb8;
	[tilespmem:$0x1FD80] =	vst v63  }
0x94: {  	_ =	swait.ge [sflag:s28], $0x6000  }
0x95: {  	[sflag:s28] =	ssyncset.done $0x0  }
0x96: {  	[sflag:s28] =	ssyncadd.s32 $0xFFFFA000;
	s18 =	rddreg [dreg:$0xd]  }
0x97: {  	[tilespmem:s31], [sflag:$0x3] =	stream.linear.gather [hbm4b:s18+s2], $0xC0, $0x38;
	[tilespmem:$0x1FD80] =	vst v63  }
0x98: {  	_ =	swait.ge [sflag:s28], $0xC0  }
0x99: {  	[sflag:s28] =	ssyncset.done $0x0  }
0x9a: {  	[sflag:s28] =	ssyncadd.s32 $0xFFFFFF40  }
0x9b: {  	[tilespmem:s0], [sflag:$0x3] =	stream.linear.gather [hbm4b:s22+s2], $0xC0, $0x38;
	[tilespmem:$0x1FD80] =	vst v63  }
0x9c: {  	_ =	swait.ge [sflag:s28], $0xC0  }
0x9d: {  	[sflag:s28] =	ssyncset.done $0x0  }
0x9e: {  	[sflag:s28] =	ssyncadd.s32 $0xFFFFFF40  }
0x9f: {  	_ =	swait.ge [sflag:s11], $0x6000  }
0xa0: {  	[sflag:s11] =	ssyncset.done $0x0  }
0xa1: {  	[sflag:s11] =	ssyncadd.s32 $0xFFFFA000  }
0xa2: {  	[tilespmem:s12], [sflag:$0x2] =	stream.indirect.gather [hbm4b:s3+s30], $0x80, s31, s30, $0xb8;
	[tilespmem:$0x1FD80] =	vst v63  }
0xa3: {  	_ = 	snop  }
0xa4: {  	[spmem:s1] =	stream.indirect.scatter.add.f32 [tilespmem:s26], [sflag:$0x3], $0x80, s29, s30, $0xb8;
	[tilespmem:$0x1FD80] =	vst v63  }
0xa5: {  	_ =	swait.ge [sflag:s28], $0x6000  }
0xa6: {  	[sflag:s28] =	ssyncset.done $0x0  }
0xa7: {  	[sflag:s28] =	ssyncadd.s32 $0xFFFFA000  }
0xa8: {  	_ =	swait.ge [sflag:s13], $0x6000  }
0xa9: {  	[sflag:s13] =	ssyncset.done $0x0  }
0xaa: {  	[sflag:s13] =	ssyncadd.s32 $0xFFFFA000  }
0xab: {  	[spmem:s1] =	stream.indirect.scatter.add.f32 [tilespmem:s12], [sflag:$0x3], $0x80, s0, s30, $0xb8;
	[tilespmem:$0x1FD80] =	vst v63  }
0xac: {  	_ =	swait.ge [sflag:s28], $0x6000  }
0xad: {  	[sflag:s28] =	ssyncset.done $0x0  }
0xae: {  	s23 =	rddreg [dreg:$0x5];
	[sflag:s28] =	ssyncadd.s32 $0xFFFFA000  }
0xaf: {  	[tilespmem:s14], [sflag:$0x3] =	stream.linear.gather [hbm4b:s23+s2], $0x10, $0x38;
	[tilespmem:$0x1FD80] =	vst v63  }
0xb0: {  	_ =	swait.ge [sflag:s28], $0x10  }
0xb1: {  	[sflag:s28] =	ssyncset.done $0x0  }
0xb2: {  	s20 =	rddreg [dreg:$0x6];
	[sflag:s28] =	ssyncadd.s32 $0xFFFFFFF0  }
0xb3: {  	[tilespmem:s15], [sflag:$0x3] =	stream.linear.gather [hbm4b:s20+s2], $0x10, $0x38;
	[tilespmem:$0x1FD80] =	vst v63  }
0xb4: {  	_ =	swait.ge [sflag:s28], $0x10  }
0xb5: {  	[sflag:s28] =	ssyncset.done $0x0  }
0xb6: {  	[sflag:s28] =	ssyncadd.s32 $0xFFFFFFF0  }
0xb7: {  	[tilespmem:s26], [sflag:$0x1] =	stream.indirect.gather [hbm4b:s3+s16], $0x80, s14, s16, $0xb8;
	[tilespmem:$0x1FD80] =	vst v63  }
0xb8: {  	_ =	swait.ge [sflag:s11], $0x800  }
0xb9: {  	[sflag:s11] =	ssyncset.done $0x0  }
0xba: {  	[sflag:s11] =	ssyncadd.s32 $0xFFFFF800  }
0xbb: {  	[spmem:s1] =	stream.indirect.scatter.add.f32 [tilespmem:s26], [sflag:$0x3], $0x80, s15, s16, $0xb8;
	[tilespmem:$0x1FD80] =	vst v63  }
0xbc: {  	_ =	swait.ge [sflag:s28], $0x800  }
0xbd: {  	[sflag:s28] =	ssyncset.done $0x0  }
0xbe: {  	[sflag:s28] =	ssyncadd.s32 $0xFFFFF800  }
0xbf: {  	[bflag:$0x0] =	sbarrier.arrive $0xFFFF  }
0xc0: {  	[tilespmem:s26], [sflag:$0x3] =	stream.linear.gather [spmem:s6], $0x6000, $0x38;
	[tilespmem:$0x1FD80] =	vst v63  }
0xc1: {  	_ =	swait.ge [sflag:s28], $0x6000  }
0xc2: {  	[sflag:s28] =	ssyncset.done $0x0  }
0xc3: {  	s21 =	rddreg [dreg:$0x7];
	[sflag:s28] =	ssyncadd.s32 $0xFFFFA000  }
0xc4: {  	[hbm4b:s21+s2] =	stream.linear.scatter [tilespmem:s26], [sflag:$0x3], $0x6000, $0x38;
	[tilespmem:$0x1FD80] =	vst v63  }
0xc5: {  	_ =	swait.ge [sflag:s28], $0x6000  }
0xc6: {  	[sflag:s28] =	ssyncset.done $0x0  }
0xc7: {  	[sflag:s28] =	ssyncadd.s32 $0xFFFFA000  }
0xc8: {  	[tilespmem:s26], [sflag:$0x3] =	stream.linear.gather [spmem:s7], $0x6000, $0x38;
	[tilespmem:$0x1FD80] =	vst v63  }
0xc9: {  	_ =	swait.ge [sflag:s28], $0x6000  }
0xca: {  	[sflag:s28] =	ssyncset.done $0x0  }
0xcb: {  	s23 =	rddreg [dreg:$0x8];
	[sflag:s28] =	ssyncadd.s32 $0xFFFFA000  }
0xcc: {  	[hbm4b:s23+s2] =	stream.linear.scatter [tilespmem:s26], [sflag:$0x3], $0x6000, $0x38;
	[tilespmem:$0x1FD80] =	vst v63  }
0xcd: {  	_ =	swait.ge [sflag:s28], $0x6000  }
0xce: {  	[sflag:s28] =	ssyncset.done $0x0  }
0xcf: {  	[sflag:s28] =	ssyncadd.s32 $0xFFFFA000  }
0xd0: {  	[tilespmem:s26], [sflag:$0x3] =	stream.linear.gather [spmem:s8], $0x6000, $0x38;
	[tilespmem:$0x1FD80] =	vst v63  }
0xd1: {  	_ =	swait.ge [sflag:s28], $0x6000  }
0xd2: {  	[sflag:s28] =	ssyncset.done $0x0  }
0xd3: {  	s20 =	rddreg [dreg:$0x9];
	[sflag:s28] =	ssyncadd.s32 $0xFFFFA000  }
0xd4: {  	[hbm4b:s20+s2] =	stream.linear.scatter [tilespmem:s26], [sflag:$0x3], $0x6000, $0x38;
	[tilespmem:$0x1FD80] =	vst v63  }
0xd5: {  	_ =	swait.ge [sflag:s28], $0x6000  }
0xd6: {  	[sflag:s28] =	ssyncset.done $0x0  }
0xd7: {  	[sflag:s28] =	ssyncadd.s32 $0xFFFFA000  }
0xd8: {  	[tilespmem:s26], [sflag:$0x3] =	stream.linear.gather [spmem:s9], $0x1800, $0x38;
	[tilespmem:$0x1FD80] =	vst v63  }
0xd9: {  	_ =	swait.ge [sflag:s28], $0x1800  }
0xda: {  	[sflag:s28] =	ssyncset.done $0x0  }
0xdb: {  	s21 =	rddreg [dreg:$0xa];
	[sflag:s28] =	ssyncadd.s32 $0xFFFFE800  }
0xdc: {  	[hbm4b:s21+s2] =	stream.linear.scatter [tilespmem:s26], [sflag:$0x3], $0x1800, $0x38;
	[tilespmem:$0x1FD80] =	vst v63  }
0xdd: {  	_ =	swait.ge [sflag:s28], $0x1800  }
0xde: {  	[sflag:s28] =	ssyncset.done $0x0  }
0xdf: {  	s18 =	simm.s32 @!p0 $0x500;
	s20 =	simm.s32 @!p0 $0x3;
	[sflag:s28] =	ssyncadd.s32 $0xFFFFE800  }
0xe0: {  	[tilespmem:s18], [sflag:$0x3] =	stream.linear.gather @!p0 [spmem:s10], $0x800, $0x38;
	[tilespmem:$0x1FD80] =	vst v63  }
0xe1: {  	_ =	swait.ge @!p0 [sflag:s20], $0x800  }
0xe2: {  	[sflag:s20] =	ssyncset.done @!p0 $0x0  }
0xe3: {  	s21 =	simm.s32 @!p0 $0x0;
	s23 =	rddreg [dreg:$0xb];
	[sflag:s20] =	ssyncadd.s32 @!p0 $0xFFFFF800  }
0xe4: {  	[hbm4b:s23+s21] =	stream.linear.scatter @!p0 [tilespmem:s18], [sflag:$0x3], $0x800, $0x38;
	[tilespmem:$0x1FD80] =	vst v63  }
0xe5: {  	_ =	swait.ge @!p0 [sflag:s20], $0x800  }
0xe6: {  	s17 =	sadd.s32 $0x1, s17;
	s23 =	rddreg [dreg:$0xc]  }
0xe7: {  	p1 =	sne.s32 s17, s23  }
.Ltmp2:
0xe8: {  	_ = 	snop;
	(pc) =	sbr.rel @p1 .LBB2_1-.Ltmp2, $3  }
0xe9: {  	_ =	sdelay $0x1  }
0xea: {  	[sflag:s20] =	ssyncset.done @!p0 $0x0  }
0xeb: {  	[sflag:s20] =	ssyncadd.s32 @!p0 $0xFFFFF800  }
0xec: {  	_ =	sfence.sel $0x180000  }
0xed: {  	[bflag:$0x0] =	sbarrier.arrive $0xFFFF  }
0xee: {  	_ =	strace $0x9000004A  }
0xef: {  	[bflag:$0x2] =	sbarrier.arrive $0xFFFF  }
0xf0: {  	s0 =	rddreg [dreg:$0x2]  }
0xf1: {  	s0 =	sadd.s32 @!p0 $0x100000, s0  }
0xf2: {  	[sflag:s0] =	ssyncadd.tile.s32 @!p0 $0x1;
	_ =	shalt  }
.Lfunc_end2:
_tile_overlayer_lowered:
.L_overlay_start_2:
0xf3: {  	(tag) =	ssettag $0x2  }
0xf4: {  	s0 =	rddreg [dreg:$0x0];
	s2 =	stileid.u32  }
0xf5: {  	s1 =	rddreg [dreg:$0x1];
	p0 =	sne.s32 s2, $0x0  }
0xf6: {  	s3 =	rddreg [dreg:$0x2];
	[bflag:$0x3] =	sbarrier.arrive $0xFFFF;
	s2 =	simm.s32 @!p0 $0x1C03  }
0xf7: {  	[timem:s3], [sflag:s2] =	dma.local @!p0 [hbm:s0], s1  }
0xf8: {  	s0 =	simm.s32 @!p0 $0x3  }
0xf9: {  	_ =	swait.ge @!p0 [sflag:s0], s1  }
0xfa: {  	s1 =	ssub.s32 @!p0 $0x0, s1;
	[sflag:s0] =	ssyncset.done @!p0 $0x0  }
0xfb: {  	[sflag:s0] =	ssyncadd.s32 @!p0 s1  }
0xfc: {  	[bflag:$0x3] =	sbarrier.arrive $0xFFFF  }
0xfd: {  	_ =	shalt  }

// kernel: kernel.18.cloned.1.call-start
scs
__scs_entry_jumppad:
0x0: {  	(pc) =	sbr.rel $0x88, $3  }
0x1: {  	(tag) =	ssettag $0x0;
	lr =	simm.s32 $0x1  }
0x2: {  	[smem:$0x3F98] =	sst lr;
	_ =	strace $0xD0000000  }
0x3: {  	_ = 	snop  }
0x4: {  	_ = 	snop  }
0x5: {  	_ = 	snop  }
0x6: {  	_ = 	snop  }
0x7: {  	_ = 	snop  }
__scs_overlays_trampoline_lowered:
0x8: {  	[smem:$0x3FA7] =	sst s0  }
0x9: {  	[smem:$0x3FA8] =	sst s1  }
0xa: {  	[smem:$0x3FA9] =	sst s2  }
0xb: {  	[smem:$0x3FAA] =	sst s3  }
0xc: {  	[smem:$0x3FAB] =	sst s4  }
0xd: {  	[smem:$0x3FAC] =	sst s5  }
0xe: {  	[smem:$0x3FAD] =	sst s6  }
0xf: {  	[smem:$0x3FAE] =	sst s7  }
0x10: {  	[smem:$0x3FAF] =	sst s8  }
0x11: {  	[smem:$0x3FB0] =	sst s9;
	s0 =	simm.s32 @!p0 $0x0  }
0x12: {  	s1 =	sld [smem:$0x3F96];
	s0 =	simm.s32 @p0 $0x1  }
0x13: {  	[smem:$0x3FB1] =	sst s0;
	s0 =	simm.s32 @!p1 $0x0  }
0x14: {  	s2 =	sld [smem:$0x3F95];
	s0 =	simm.s32 @p1 $0x1  }
0x15: {  	[smem:$0x3FB2] =	sst s0;
	s0 =	simm.s32 @!p2 $0x0  }
0x16: {  	s3 =	sld [smem:$0x3FDB];
	s0 =	simm.s32 @p2 $0x1  }
0x17: {  	s4 =	simm.s32 $0x1BF5;
	[smem:$0x3FB4] =	sst s0  }
0x18: {  	s0 =	sld [smem:$0x3F97];
	_ =	swait.ge [sflag:s4], $0x0  }
0x19: {  	s7 =	sld [smem:$0x3F98]  }
0x1a: {  	s8 =	sadd.s32 $0xFFFFE003, lr  }
0x1b: {  	s9 =	sadd.s32 $0xFFFFFEF7, lr;
	s5 =	simm.s32 $0xFFFFFFFF;
	p2 =	slt.u32 s8, $0xFFFFF086  }
0x1c: {  	p1 =	slt.u32 s9, $0xF7A;
	s5 =	simm.s32 @!p2 $0x0  }
0x1d: {  	s5 =	simm.s32 @p1 $0x1;
	p0 =	seq.s32 s7, s2  }
0x1e: {  	s7 =	smul.u32 @!p0 $0xF7A, s2;
	p2 =	seq.s32 @!p0 s5, $0x0  }
0x1f: {  	s9 =	smul.u32 $0xF7A, s1;
	s8 =	simm.s32 @!p0 $0x1BF5;
	p2 =	por !p2, p0  }
0x20: {  	[sflag:s8] =	ssyncset.s32 @!p0 $0xFFFFF086;
	s6 =	sadd.s32 @!p0 s3, s7;
	s7 =	simm.s32 @!p0 $0x108  }
0x21: {  	s3 =	sadd.s32 s3, s9;
	s6 =	sadd.s32 @!p0 $0x88, s6;
	s7 =	simm.s32 @p2 $0x1082  }
0x22: {  	[simem:s7], [sflag:s8] =	dma.local @!p0 [hbm:s6], $0xF7A  }
0x23: {  	s9 =	sor.u32 $0xD0000000, s2;
	s6 =	simm.s32 $0x108;
	_ =	swait.ge @!p0 [sflag:s8], $0x0  }
0x24: {  	s3 =	sadd.s32 $0x88, s3;
	s6 =	simm.s32 @!p1 $0x1082;
	[sflag:s4] =	ssyncset.s32 $0xFFFFF086  }
0x25: {  	[simem:s6], [sflag:s4] =	dma.local [hbm:s3], $0xF7A  }
0x26: {  	[smem:$0x3F98] =	sst s1;
	(tag) =	ssettag s2;
	_ =	strace s9  }
0x27: {  	s1 =	sld [smem:$0x3FA8]  }
0x28: {  	s2 =	sld [smem:$0x3FA9]  }
0x29: {  	s4 =	sld [smem:$0x3FAB]  }
0x2a: {  	p0 =	seq.s32 s5, $0x0;
	s5 =	sld [smem:$0x3FAC]  }
0x2b: {  	s6 =	sld [smem:$0x3FAD]  }
0x2c: {  	s7 =	sld [smem:$0x3FAE]  }
0x2d: {  	s3 =	simm.s32 $0x108;
	s8 =	sld [smem:$0x3FAF]  }
0x2e: {  	s3 =	simm.s32 @!p0 $0x1082;
	s9 =	sld [smem:$0x3FB0]  }
0x2f: {  	lr =	sadd.s32 s0, s3;
	s0 =	sld [smem:$0x3FA7]  }
0x30: {  	s3 =	sld [smem:$0x3FAA]  }
0x31: {  	[smem:$0x3FB3] =	sst s10  }
0x32: {  	s10 =	sld [smem:$0x3FB1];
	_ =	sdelay $0x3  }
0x33: {  	p0 =	seq.s32 s10, $0x1;
	s10 =	sld [smem:$0x3FB3];
	_ =	sdelay $0x3  }
0x34: {  	[smem:$0x3FB3] =	sst s10  }
0x35: {  	s10 =	sld [smem:$0x3FB2];
	_ =	sdelay $0x3  }
0x36: {  	p1 =	seq.s32 s10, $0x1;
	s10 =	sld [smem:$0x3FB3];
	_ =	sdelay $0x3  }
0x37: {  	[smem:$0x3FB3] =	sst s10  }
0x38: {  	s10 =	sld [smem:$0x3FB4]  }
0x39: {  	_ = 	snop;
	(pc) =	sbr.ind lr, $3  }
0x3a: {  	_ = 	snop  }
0x3b: {  	_ = 	snop  }
0x3c: {  	p2 =	seq.s32 s10, $0x1;
	s10 =	sld [smem:$0x3FB3]  }
0x3d: {  	_ =	shalt  }
0x3e: {  	_ =	shalt  }
0x3f: {  	_ =	shalt  }
0x40: {  	_ =	shalt  }
0x41: {  	_ =	shalt  }
0x42: {  	_ =	shalt  }
0x43: {  	_ =	shalt  }
0x44: {  	_ =	shalt  }
0x45: {  	_ =	shalt  }
0x46: {  	_ =	shalt  }
0x47: {  	_ =	shalt  }
0x48: {  	_ =	shalt  }
0x49: {  	_ =	shalt  }
0x4a: {  	_ =	shalt  }
0x4b: {  	_ =	shalt  }
0x4c: {  	_ =	shalt  }
0x4d: {  	_ =	shalt  }
0x4e: {  	_ =	shalt  }
0x4f: {  	_ =	shalt  }
0x50: {  	_ =	shalt  }
0x51: {  	_ =	shalt  }
0x52: {  	_ =	shalt  }
0x53: {  	_ =	shalt  }
0x54: {  	_ =	shalt  }
0x55: {  	_ =	shalt  }
0x56: {  	_ =	shalt  }
0x57: {  	_ =	shalt  }
0x58: {  	_ =	shalt  }
0x59: {  	_ =	shalt  }
0x5a: {  	_ =	shalt  }
0x5b: {  	_ =	shalt  }
0x5c: {  	_ =	shalt  }
0x5d: {  	_ =	shalt  }
0x5e: {  	_ =	shalt  }
0x5f: {  	_ =	shalt  }
0x60: {  	_ =	shalt  }
0x61: {  	_ =	shalt  }
0x62: {  	_ =	shalt  }
0x63: {  	_ =	shalt  }
0x64: {  	_ =	shalt  }
0x65: {  	_ =	shalt  }
0x66: {  	_ =	shalt  }
0x67: {  	_ =	shalt  }
0x68: {  	_ =	shalt  }
0x69: {  	_ =	shalt  }
0x6a: {  	_ =	shalt  }
0x6b: {  	_ =	shalt  }
0x6c: {  	_ =	shalt  }
0x6d: {  	_ =	shalt  }
0x6e: {  	_ =	shalt  }
0x6f: {  	_ =	shalt  }
0x70: {  	_ =	shalt  }
0x71: {  	_ =	shalt  }
0x72: {  	_ =	shalt  }
0x73: {  	_ =	shalt  }
0x74: {  	_ =	shalt  }
0x75: {  	_ =	shalt  }
0x76: {  	_ =	shalt  }
0x77: {  	_ =	shalt  }
0x78: {  	_ =	shalt  }
0x79: {  	_ =	shalt  }
0x7a: {  	_ =	shalt  }
0x7b: {  	_ =	shalt  }
0x7c: {  	_ =	shalt  }
0x7d: {  	_ =	shalt  }
0x7e: {  	_ =	shalt  }
0x7f: {  	_ =	shalt  }
0x80: {  	_ =	shalt  }
0x81: {  	_ =	shalt  }
0x82: {  	_ =	shalt  }
0x83: {  	_ =	shalt  }
0x84: {  	_ =	shalt  }
0x85: {  	_ =	shalt  }
0x86: {  	_ =	shalt  }
0x87: {  	_ =	shalt  }
.Lfunc_end0:
.L_simem_size_0:
called_computation.2_lowered:
.L_overlay_start_0:
0x88: {  	s2 =	sld [smem:$0x3FD9]  }
0x89: {  	s3 =	sld [smem:$0x3FFE];
	_ =	sdelay $0x1  }
0x8a: {  	s1 =	srdreg.scid  }
0x8b: {  	s0 =	sand.u32 $0x1, s1  }
0x8c: {  	s16 =	sshll.u32 s0, $0xA;
	s2 =	sadd.s32 s3, s2  }
0x8d: {  	s2 =	sadd.s32 s2, s16  }
0x8e: {  	[smem:$0x3FBF] =	sst s2  }
0x8f: {  	_ = 	snop  }
0x90: {  	(tm) =	ssettm $0x1  }
0x91: {  	s17 =	sld [smem:$0x3FFB];
	_ =	sdelay $0x3  }
0x92: {  	_ =	strace s17  }
0x93: {  	s2 =	sld [smem:$0x3FFC];
	_ =	sdelay $0x3  }
0x94: {  	_ =	strace s2  }
0x95: {  	s2 =	sld [smem:$0x3FFD];
	_ =	sdelay $0x3  }
0x96: {  	_ =	strace s2  }
0x97: {  	_ =	strace $0x8FFFFFFF  }
0x98: {  	s18 =	sld [smem:$0x3FDB];
	_ =	sdelay $0x1  }
0x99: {  	s19 =	simm.s32 $_scs_section_size  }
0x9a: {  	s4 =	simm.s32 $_size__tile_overlayer_lowered;
	s5 =	simm.s32 $_tile_overlayer_lowered  }
0x9b: {  	s22 =	simm.s32 $0x1BFF;
	s21 =	sshll.u32 s5, $0x1;
	s2 =	sadd.s32 s19, s18  }
0x9c: {  	s6 =	simm.s32 $0x0;
	s20 =	sshll.u32 s4, $0x1;
	s4 =	sadd.s32 s21, s2  }
0x9d: {  	[timem:s6], [sflag:s22] =	dma.local [hbm:s4], s20  }
0x9e: {  	_ =	swait.ge [sflag:s22], s20  }
0x9f: {  	s3 =	ssub.s32 $0x0, s20;
	[sflag:s22] =	ssyncset.done $0x0  }
0xa0: {  	[sflag:s22] =	ssyncadd.s32 s3;
	_ =	sdelay $0x1  }
0xa1: {  	s23 =	simm.s32 $0x1B8B  }
0xa2: {  	_ =	swait.ge [sflag:s23], $0x1  }
0xa3: {  	[sflag:s23] =	ssyncset.done $0x0  }
0xa4: {  	s25 =	simm.s32 $0x1B8E;
	s24 =	sld [smem:$0x3FFE];
	[sflag:s23] =	ssyncadd.s32 $0xFFFFFFFF  }
0xa5: {  	s26 =	simm.s32 $execute0_lowered;
	[smem:$0x3FD2] =	sst s25  }
0xa6: {  	s4 =	sshll.u32 s26, $0x1;
	_ =	strace $0x8000004C;
	[dreg:$0x1] =	wrdreg $0xFFFFFFFF  }
0xa7: {  	s28 =	simm.s32 $_size_execute0_lowered;
	s2 =	sadd.s32 s2, s4;
	[dreg:$0x0] =	wrdreg $0x0  }
0xa8: {  	s4 =	sshll.u32 s28, $0x1;
	[dreg:$0x2] =	wrdreg s2  }
0xa9: {  	[dreg:$0x3] =	wrdreg s4  }
0xaa: {  	[dreg:$0x4] =	wrdreg $0xC0  }
0xab: {  	_ =	task [dreg:s6], $0x5FFFF  }
0xac: {  	[dreg:$0x1] =	wrdreg $0xFFFFFFFF  }
0xad: {  	[dreg:$0x0] =	wrdreg $0x60  }
0xae: {  	[dreg:$0x2] =	wrdreg s24  }
0xaf: {  	[dreg:$0x3] =	wrdreg $0xC5000  }
0xb0: {  	[dreg:$0x4] =	wrdreg $0x9  }
0xb1: {  	_ =	task.clear_ibuf [dreg:s6], $0x5FFFF;
	_ =	strace $0x9000004C  }
0xb2: {  	s29 =	simm.s32 $0x9;
	_ =	strace $0x8000004E  }
0xb3: {  	_ =	swait.ge [sflag:s29], $0x1  }
0xb4: {  	[sflag:s29] =	ssyncadd.s32 $0xFFFFFFFF  }
0xb5: {  	_ =	strace $0x9000004E  }
0xb6: {  	_ =	sfence  }
0xb7: {  	s30 =	sld [smem:$0x0];
	_ =	sdelay $0x2  }
0xb8: {  	s31 =	sshll.u32 s1, $0xD;
	s1 =	sshrl.u32 s1, $0x2  }
0xb9: {  	s3 =	sand.u32 $0x4000, s31;
	s1 =	sadd.s32 s1, s30  }
0xba: {  	s0 =	sor.u32 s3, s0;
	s1 =	sshll.u32 s1, $0x11  }
0xbb: {  	s0 =	sor.u32 s1, s0  }
0xbc: {  	s0 =	sadd.s32 $0x8F2B, s0  }
0xbd: {  	[sflag:s0] =	ssyncadd.remote.s32 $0x1  }
0xbe: {  	_ =	sfence.sel $0xFFFF  }
0xbf: {  	[dreg:$0x0] =	wrdreg $0xFFFFFFFF;
	(pc) =	sbr.abs _section_cstart, $3  }
0xc0: {  	[dreg:$0x1] =	wrdreg $0xFFFFFFFF  }
0xc1: {  	_ =	task.clear_ibuf [dreg:s6], $0x2FFFF;
	_ =	strace $0x9FFFFFFF  }
0xc2: {  	(tm) =	ssettm $0x7FFFFFFF  }
0xc3: {  	_ =	shalt  }
tec
execute0_lowered:
.L_overlay_start_1:
0x0: {  	(tag) =	ssettag $0x1  }
0x1: {  	s0 =	rddreg [dreg:$0x0]  }
0x2: {  	s1 =	rddreg [dreg:$0x1];
	s2 =	simm.s32 $0x0;
	s6 =	srdreg.scid  }
0x3: {  	s11 =	stileid.u32;
	s28 =	simm.s32 $0x3;
	s29 =	simm.s32 $0x100  }
0x4: {  	s30 =	simm.s32 $0xC0;
	s31 =	simm.s32 $0x200;
	[smem:$0x7FF] =	sst s2  }
0x5: {  	s3 =	sadd.s32 $0x65600, s0;
	s4 =	sadd.s32 $0x3800, s0;
	s5 =	sadd.s32 $0xD600, s0  }
0x6: {  	s12 =	sand.u32 $0x1, s6;
	s0 =	sadd.s32 $0x8C800, s0;
	s7 =	smul.u32 $0x4E000, s11  }
0x7: {  	s13 =	smul.u32 $0x13800, s11;
	p0 =	sne.s32 s11, $0x0;
	_ =	strace $0x8000004D  }
0x8: {  	s6 =	ssub.s32 $0x2, s12;
	s9 =	sshll.u32 s12, $0x4;
	s20 =	smul.u32 $0x138800, s12  }
0x9: {  	s12 =	smul.u32 $0x27100, s12;
	s8 =	sshrl.u32 s6, $0x1;
	s21 =	sshrl.u32 s7, $0x2  }
0xa: {  	s22 =	sor.u32 s11, s9;
	s15 =	sadd.s32 $0x6000, s13;
	s16 =	sadd.s32 $0xC000, s13  }
0xb: {  	s17 =	sadd.s32 $0x12000, s13;
	s14 =	ssub.s32 s6, s8;
	s6 =	sadd.s32 s21, s1  }
0xc: {  	s10 =	smul.u32 $0x2710, s22;
	s7 =	sadd.s32 s15, s1;
	s8 =	sadd.s32 s16, s1  }
0xd: {  	s9 =	sadd.s32 s17, s1;
	s13 =	sadd.s32 s13, s20;
	s15 =	sadd.s32 s20, s15  }
0xe: {  	s16 =	sadd.s32 s20, s16;
	s13 =	sshrl.u32 s13, $0x3;
	s15 =	sshrl.u32 s15, $0x3  }
0xf: {  	s26 =	sshrl.u32 s16, $0x3;
	s18 =	sshrl.u32 s10, $0x3;
	s13 =	sadd.s32 s0, s13  }
0x10: {  	s10 =	sadd.s32 $0x138000, s1;
	s25 =	sadd.s32 s0, s15;
	[dreg:$0x7] =	wrdreg s13  }
0x11: {  	s19 =	sadd.s32 $0x4E0, s18;
	s21 =	sadd.s32 s4, s18;
	[dreg:$0x8] =	wrdreg s25  }
0x12: {  	s23 =	sadd.s32 s5, s18;
	s13 =	sadd.s32 s0, s26;
	[dreg:$0x3] =	wrdreg s21  }
0x13: {  	[dreg:$0x4] =	wrdreg s23;
	s24 =	sadd.s32 s4, s19;
	s19 =	sadd.s32 s5, s19  }
0x14: {  	s21 =	smul.u32 $0x2710, s11;
	[dreg:$0x9] =	wrdreg s13;
	s23 =	smax.u32 s14, $0x1  }
0x15: {  	s11 =	simm.s32 $0x1;
	s13 =	simm.s32 $0x2;
	[dreg:$0x5] =	wrdreg s24  }
0x16: {  	s14 =	simm.s32 $0x400;
	[dreg:$0x6] =	wrdreg s19;
	s19 =	sadd.s32 s20, s17  }
0x17: {  	s20 =	sshrl.u32 s20, $0x3;
	[dreg:$0xc] =	wrdreg s23;
	s24 =	sadd.s32 $0x4C8, s18  }
0x18: {  	s17 =	simm.s32 $0x0;
	s15 =	sshrl.u32 s19, $0x3;
	s16 =	sadd.s32 s0, s20  }
0x19: {  	s12 =	sadd.s32 s21, s12;
	s25 =	sadd.s32 s4, s24;
	s0 =	sadd.s32 s0, s15  }
0x1a: {  	s22 =	sadd.s32 $0x27000, s16;
	[dreg:$0xd] =	wrdreg s25;
	s26 =	sadd.s32 $0xC0, s12  }
0x1b: {  	s19 =	sadd.s32 $0x180, s12;
	s12 =	simm.s32 $0x6500;
	[dreg:$0xa] =	wrdreg s0  }
0x1c: {  	s15 =	simm.s32 $0x480;
	s16 =	simm.s32 $0x10;
	[dreg:$0xb] =	wrdreg s22  }
0x1d: {  	s22 =	sadd.s32 s5, s24;
	s0 =	sshrl.u32 s26, $0x3;
	s26 =	simm.s32 $0x500  }
0x1e: {  	v0 =	vimm.f32 $0.0e+00;
	s24 =	sadd.s32 s0, s5;
	s25 =	sadd.s32 s0, s4;
	s0 =	simm.s32 $0x300  }
.LBB2_1:
0x1f: {  	s18 =	simm.s32 $0x0;
	s23 =	simm.s32 $0x200  }
.LBB2_2:
0x20: {  	p1 =	sne.s32 s23, $0x17E00;
	[tilespmem:s18+$0x570] =	vst v0  }
0x21: {  	[tilespmem:s18+$0x500] =	vst v0  }
0x22: {  	[tilespmem:s18+$0x510] =	vst v0  }
.Ltmp0:
0x23: {  	[tilespmem:s18+$0x520] =	vst v0;
	(pc) =	sbr.rel @p1 .LBB2_2-.Ltmp0, $4  }
0x24: {  	[tilespmem:s18+$0x530] =	vst v0  }
0x25: {  	[tilespmem:s18+$0x540] =	vst v0  }
0x26: {  	[tilespmem:s18+$0x550] =	vst v0  }
0x27: {  	[tilespmem:s18+$0x560] =	vst v0;
	s18 =	sshra.s32 s23, $0x2;
	s23 =	sadd.s32 $0x200, s23  }
0x28: {  	[tilespmem:s18+$0x570] =	vst v0  }
0x29: {  	[tilespmem:s18+$0x500] =	vst v0  }
0x2a: {  	[tilespmem:s18+$0x510] =	vst v0  }
0x2b: {  	[tilespmem:s18+$0x520] =	vst v0  }
0x2c: {  	[tilespmem:s18+$0x530] =	vst v0  }
0x2d: {  	[tilespmem:s18+$0x540] =	vst v0  }
0x2e: {  	[tilespmem:s18+$0x550] =	vst v0  }
0x2f: {  	[tilespmem:s18+$0x560] =	vst v0  }
0x30: {  	[spmem:s6] =	stream.linear.scatter [tilespmem:s26], [sflag:$0x3], $0x6000, $0x38;
	[tilespmem:$0x1FD80] =	vst v63  }
0x31: {  	_ =	swait.ge [sflag:s28], $0x6000  }
0x32: {  	[sflag:s28] =	ssyncset.done $0x0  }
0x33: {  	[sflag:s28] =	ssyncadd.s32 $0xFFFFA000  }
0x34: {  	[spmem:s7] =	stream.linear.scatter [tilespmem:s26], [sflag:$0x3], $0x6000, $0x38;
	[tilespmem:$0x1FD80] =	vst v63  }
0x35: {  	_ =	swait.ge [sflag:s28], $0x6000  }
0x36: {  	[sflag:s28] =	ssyncset.done $0x0  }
0x37: {  	[sflag:s28] =	ssyncadd.s32 $0xFFFFA000  }
0x38: {  	[spmem:s8] =	stream.linear.scatter [tilespmem:s26], [sflag:$0x3], $0x6000, $0x38;
	[tilespmem:$0x1FD80] =	vst v63  }
0x39: {  	_ =	swait.ge [sflag:s28], $0x6000  }
0x3a: {  	[sflag:s28] =	ssyncset.done $0x0  }
0x3b: {  	[sflag:s28] =	ssyncadd.s32 $0xFFFFA000  }
0x3c: {  	[spmem:s9] =	stream.linear.scatter [tilespmem:s26], [sflag:$0x3], $0x1800, $0x38;
	[tilespmem:$0x1FD80] =	vst v63  }
0x3d: {  	_ =	swait.ge [sflag:s28], $0x1800  }
0x3e: {  	[sflag:s28] =	ssyncset.done $0x0  }
0x3f: {  	s18 =	simm.s32 @!p0 $0x500;
	[sflag:s28] =	ssyncadd.s32 $0xFFFFE800  }
0x40: {  	[spmem:s10] =	stream.linear.scatter @!p0 [tilespmem:s18], [sflag:$0x3], $0x800, $0x38;
	[tilespmem:$0x1FD80] =	vst v63  }
0x41: {  	s18 =	simm.s32 @!p0 $0x3  }
0x42: {  	_ =	swait.ge @!p0 [sflag:s18], $0x800  }
0x43: {  	[sflag:s18] =	ssyncset.done @!p0 $0x0  }
0x44: {  	[sflag:s18] =	ssyncadd.s32 @!p0 $0xFFFFF800  }
0x45: {  	[bflag:$0x0] =	sbarrier.arrive $0xFFFF  }
0x46: {  	s23 =	simm.s32 $0x0;
	s20 =	rddreg [dreg:$0x3]  }
0x47: {  	[tilespmem:s23], [sflag:$0x3] =	stream.linear.gather [hbm4b:s20+s23], $0xC0, $0x38;
	[tilespmem:$0x1FD80] =	vst v63  }
0x48: {  	_ =	swait.ge [sflag:s28], $0xC0  }
0x49: {  	[sflag:s28] =	ssyncset.done $0x0  }
0x4a: {  	s21 =	rddreg [dreg:$0x4];
	[sflag:s28] =	ssyncadd.s32 $0xFFFFFF40  }
0x4b: {  	[tilespmem:s29], [sflag:$0x3] =	stream.linear.gather [hbm4b:s21+s23], $0xC0, $0x38;
	[tilespmem:$0x1FD80] =	vst v63  }
0x4c: {  	_ =	swait.ge [sflag:s28], $0xC0  }
0x4d: {  	[sflag:s28] =	ssyncset.done $0x0  }
0x4e: {  	[sflag:s28] =	ssyncadd.s32 $0xFFFFFF40  }
0x4f: {  	[tilespmem:s26], [sflag:$0x1] =	stream.indirect.gather [hbm4b:s3+s30], $0x80, s23, s30, $0xb8;
	[tilespmem:$0x1FD80] =	vst v63  }
0x50: {  	s23 =	sadd.s32 $0x0, s25  }
0x51: {  	[tilespmem:s31], [sflag:$0x3] =	stream.linear.gather [hbm4b:s23+s2], $0xC0, $0x38;
	[tilespmem:$0x1FD80] =	vst v63  }
0x52: {  	_ =	swait.ge [sflag:s28], $0xC0  }
0x53: {  	[sflag:s28] =	ssyncset.done $0x0  }
0x54: {  	s20 =	sadd.s32 $0x0, s24;
	[sflag:s28] =	ssyncadd.s32 $0xFFFFFF40  }
0x55: {  	[tilespmem:s0], [sflag:$0x3] =	stream.linear.gather [hbm4b:s20+s2], $0xC0, $0x38;
	[tilespmem:$0x1FD80] =	vst v63  }
0x56: {  	_ =	swait.ge [sflag:s28], $0xC0  }
0x57: {  	[sflag:s28] =	ssyncset.done $0x0  }
0x58: {  	[sflag:s28] =	ssyncadd.s32 $0xFFFFFF40  }
0x59: {  	_ =	swait.ge [sflag:s11], $0x6000  }
0x5a: {  	[sflag:s11] =	ssyncset.done $0x0  }
0x5b: {  	[sflag:s11] =	ssyncadd.s32 $0xFFFFA000  }
0x5c: {  	[tilespmem:s12], [sflag:$0x2] =	stream.indirect.gather [hbm4b:s3+s30], $0x80, s31, s30, $0xb8;
	[tilespmem:$0x1FD80] =	vst v63  }
0x5d: {  	_ = 	snop  }
0x5e: {  	[spmem:s1] =	stream.indirect.scatter.add.f32 [tilespmem:s26], [sflag:$0x3], $0x80, s29, s30, $0xb8;
	[tilespmem:$0x1FD80] =	vst v63  }
0x5f: {  	_ =	swait.ge [sflag:s28], $0x6000  }
0x60: {  	s21 =	sshrl.u32 s19, $0x3;
	[sflag:s28] =	ssyncset.done $0x0  }
0x61: {  	s23 =	sadd.s32 s4, s21;
	[sflag:s28] =	ssyncadd.s32 $0xFFFFA000  }
0x62: {  	[tilespmem:s2], [sflag:$0x3] =	stream.linear.gather [hbm4b:s23+s2], $0xC0, $0x38;
	[tilespmem:$0x1FD80] =	vst v63  }
0x63: {  	_ =	swait.ge [sflag:s28], $0xC0  }
0x64: {  	[sflag:s28] =	ssyncset.done $0x0  }
0x65: {  	s18 =	sadd.s32 s5, s21;
	[sflag:s28] =	ssyncadd.s32 $0xFFFFFF40  }
0x66: {  	[tilespmem:s29], [sflag:$0x3] =	stream.linear.gather [hbm4b:s18+s2], $0xC0, $0x38;
	[tilespmem:$0x1FD80] =	vst v63  }
0x67: {  	_ =	swait.ge [sflag:s28], $0xC0  }
0x68: {  	[sflag:s28] =	ssyncset.done $0x0  }
0x69: {  	[sflag:s28] =	ssyncadd.s32 $0xFFFFFF40  }
0x6a: {  	_ =	swait.ge [sflag:s13], $0x6000  }
0x6b: {  	[sflag:s13] =	ssyncset.done $0x0  }
0x6c: {  	[sflag:s13] =	ssyncadd.s32 $0xFFFFA000  }
0x6d: {  	[tilespmem:s26], [sflag:$0x1] =	stream.indirect.gather [hbm4b:s3+s30], $0x80, s2, s30, $0xb8;
	[tilespmem:$0x1FD80] =	vst v63  }
0x6e: {  	_ = 	snop  }
0x6f: {  	[spmem:s1] =	stream.indirect.scatter.add.f32 [tilespmem:s12], [sflag:$0x3], $0x80, s0, s30, $0xb8;
	[tilespmem:$0x1FD80] =	vst v63  }
0x70: {  	_ =	swait.ge [sflag:s28], $0x6000  }
0x71: {  	s23 =	smov.u32 s19;
	s18 =	simm.s32 $0x30;
	[sflag:s28] =	ssyncset.done $0x0  }
.LBB2_4:
0x72: {  	p1 =	sne.s32 s18, $0x480;
	[sflag:s28] =	ssyncadd.s32 $0xFFFFA000;
	s23 =	sadd.s32 $0x180, s23  }
0x73: {  	s20 =	sadd.s32 s18, s25;
	s21 =	smov.u32 s18;
	s18 =	sadd.s32 $0x30, s18  }
0x74: {  	[tilespmem:s31], [sflag:$0x3] =	stream.linear.gather [hbm4b:s20+s2], $0xC0, $0x38;
	[tilespmem:$0x1FD80] =	vst v63  }
0x75: {  	_ =	swait.ge [sflag:s28], $0xC0  }
0x76: {  	[sflag:s28] =	ssyncset.done $0x0  }
0x77: {  	s20 =	sadd.s32 s21, s24;
	[sflag:s28] =	ssyncadd.s32 $0xFFFFFF40  }
0x78: {  	[tilespmem:s0], [sflag:$0x3] =	stream.linear.gather [hbm4b:s20+s2], $0xC0, $0x38;
	[tilespmem:$0x1FD80] =	vst v63  }
0x79: {  	_ =	swait.ge [sflag:s28], $0xC0  }
0x7a: {  	[sflag:s28] =	ssyncset.done $0x0  }
0x7b: {  	[sflag:s28] =	ssyncadd.s32 $0xFFFFFF40  }
0x7c: {  	_ =	swait.ge [sflag:s11], $0x6000  }
0x7d: {  	[sflag:s11] =	ssyncset.done $0x0  }
0x7e: {  	[sflag:s11] =	ssyncadd.s32 $0xFFFFA000  }
0x7f: {  	[tilespmem:s12], [sflag:$0x2] =	stream.indirect.gather [hbm4b:s3+s30], $0x80, s31, s30, $0xb8;
	[tilespmem:$0x1FD80] =	vst v63  }
0x80: {  	_ = 	snop  }
0x81: {  	[spmem:s1] =	stream.indirect.scatter.add.f32 [tilespmem:s26], [sflag:$0x3], $0x80, s29, s30, $0xb8;
	[tilespmem:$0x1FD80] =	vst v63  }
0x82: {  	_ =	swait.ge [sflag:s28], $0x6000  }
0x83: {  	s20 =	sshrl.u32 s23, $0x3;
	[sflag:s28] =	ssyncset.done $0x0  }
0x84: {  	s21 =	sadd.s32 s4, s20;
	[sflag:s28] =	ssyncadd.s32 $0xFFFFA000  }
0x85: {  	[tilespmem:s2], [sflag:$0x3] =	stream.linear.gather [hbm4b:s21+s2], $0xC0, $0x38;
	[tilespmem:$0x1FD80] =	vst v63  }
0x86: {  	_ =	swait.ge [sflag:s28], $0xC0  }
0x87: {  	[sflag:s28] =	ssyncset.done $0x0  }
0x88: {  	s20 =	sadd.s32 s5, s20;
	[sflag:s28] =	ssyncadd.s32 $0xFFFFFF40  }
0x89: {  	[tilespmem:s29], [sflag:$0x3] =	stream.linear.gather [hbm4b:s20+s2], $0xC0, $0x38;
	[tilespmem:$0x1FD80] =	vst v63  }
0x8a: {  	_ =	swait.ge [sflag:s28], $0xC0  }
0x8b: {  	[sflag:s28] =	ssyncset.done $0x0  }
0x8c: {  	[sflag:s28] =	ssyncadd.s32 $0xFFFFFF40  }
0x8d: {  	_ =	swait.ge [sflag:s13], $0x6000  }
0x8e: {  	[sflag:s13] =	ssyncset.done $0x0  }
0x8f: {  	[sflag:s13] =	ssyncadd.s32 $0xFFFFA000  }
0x90: {  	[tilespmem:s26], [sflag:$0x1] =	stream.indirect.gather [hbm4b:s3+s30], $0x80, s2, s30, $0xb8;
	[tilespmem:$0x1FD80] =	vst v63  }
.Ltmp1:
0x91: {  	_ = 	snop;
	(pc) =	sbr.rel @p1 .LBB2_4-.Ltmp1, $4  }
0x92: {  	_ = 	snop  }
0x93: {  	[spmem:s1] =	stream.indirect.scatter.add.f32 [tilespmem:s12], [sflag:$0x3], $0x80, s0, s30, $0xb8;
	[tilespmem:$0x1FD80] =	vst v63  }
0x94: {  	_ =	swait.ge [sflag:s28], $0x6000  }
0x95: {  	[sflag:s28] =	ssyncset.done $0x0  }
0x96: {  	[sflag:s28] =	ssyncadd.s32 $0xFFFFA000;
	s18 =	rddreg [dreg:$0xd]  }
0x97: {  	[tilespmem:s31], [sflag:$0x3] =	stream.linear.gather [hbm4b:s18+s2], $0xC0, $0x38;
	[tilespmem:$0x1FD80] =	vst v63  }
0x98: {  	_ =	swait.ge [sflag:s28], $0xC0  }
0x99: {  	[sflag:s28] =	ssyncset.done $0x0  }
0x9a: {  	[sflag:s28] =	ssyncadd.s32 $0xFFFFFF40  }
0x9b: {  	[tilespmem:s0], [sflag:$0x3] =	stream.linear.gather [hbm4b:s22+s2], $0xC0, $0x38;
	[tilespmem:$0x1FD80] =	vst v63  }
0x9c: {  	_ =	swait.ge [sflag:s28], $0xC0  }
0x9d: {  	[sflag:s28] =	ssyncset.done $0x0  }
0x9e: {  	[sflag:s28] =	ssyncadd.s32 $0xFFFFFF40  }
0x9f: {  	_ =	swait.ge [sflag:s11], $0x6000  }
0xa0: {  	[sflag:s11] =	ssyncset.done $0x0  }
0xa1: {  	[sflag:s11] =	ssyncadd.s32 $0xFFFFA000  }
0xa2: {  	[tilespmem:s12], [sflag:$0x2] =	stream.indirect.gather [hbm4b:s3+s30], $0x80, s31, s30, $0xb8;
	[tilespmem:$0x1FD80] =	vst v63  }
0xa3: {  	_ = 	snop  }
0xa4: {  	[spmem:s1] =	stream.indirect.scatter.add.f32 [tilespmem:s26], [sflag:$0x3], $0x80, s29, s30, $0xb8;
	[tilespmem:$0x1FD80] =	vst v63  }
0xa5: {  	_ =	swait.ge [sflag:s28], $0x6000  }
0xa6: {  	[sflag:s28] =	ssyncset.done $0x0  }
0xa7: {  	[sflag:s28] =	ssyncadd.s32 $0xFFFFA000  }
0xa8: {  	_ =	swait.ge [sflag:s13], $0x6000  }
0xa9: {  	[sflag:s13] =	ssyncset.done $0x0  }
0xaa: {  	[sflag:s13] =	ssyncadd.s32 $0xFFFFA000  }
0xab: {  	[spmem:s1] =	stream.indirect.scatter.add.f32 [tilespmem:s12], [sflag:$0x3], $0x80, s0, s30, $0xb8;
	[tilespmem:$0x1FD80] =	vst v63  }
0xac: {  	_ =	swait.ge [sflag:s28], $0x6000  }
0xad: {  	[sflag:s28] =	ssyncset.done $0x0  }
0xae: {  	s23 =	rddreg [dreg:$0x5];
	[sflag:s28] =	ssyncadd.s32 $0xFFFFA000  }
0xaf: {  	[tilespmem:s14], [sflag:$0x3] =	stream.linear.gather [hbm4b:s23+s2], $0x10, $0x38;
	[tilespmem:$0x1FD80] =	vst v63  }
0xb0: {  	_ =	swait.ge [sflag:s28], $0x10  }
0xb1: {  	[sflag:s28] =	ssyncset.done $0x0  }
0xb2: {  	s20 =	rddreg [dreg:$0x6];
	[sflag:s28] =	ssyncadd.s32 $0xFFFFFFF0  }
0xb3: {  	[tilespmem:s15], [sflag:$0x3] =	stream.linear.gather [hbm4b:s20+s2], $0x10, $0x38;
	[tilespmem:$0x1FD80] =	vst v63  }
0xb4: {  	_ =	swait.ge [sflag:s28], $0x10  }
0xb5: {  	[sflag:s28] =	ssyncset.done $0x0  }
0xb6: {  	[sflag:s28] =	ssyncadd.s32 $0xFFFFFFF0  }
0xb7: {  	[tilespmem:s26], [sflag:$0x1] =	stream.indirect.gather [hbm4b:s3+s16], $0x80, s14, s16, $0xb8;
	[tilespmem:$0x1FD80] =	vst v63  }
0xb8: {  	_ =	swait.ge [sflag:s11], $0x800  }
0xb9: {  	[sflag:s11] =	ssyncset.done $0x0  }
0xba: {  	[sflag:s11] =	ssyncadd.s32 $0xFFFFF800  }
0xbb: {  	[spmem:s1] =	stream.indirect.scatter.add.f32 [tilespmem:s26], [sflag:$0x3], $0x80, s15, s16, $0xb8;
	[tilespmem:$0x1FD80] =	vst v63  }
0xbc: {  	_ =	swait.ge [sflag:s28], $0x800  }
0xbd: {  	[sflag:s28] =	ssyncset.done $0x0  }
0xbe: {  	[sflag:s28] =	ssyncadd.s32 $0xFFFFF800  }
0xbf: {  	[bflag:$0x0] =	sbarrier.arrive $0xFFFF  }
0xc0: {  	[tilespmem:s26], [sflag:$0x3] =	stream.linear.gather [spmem:s6], $0x6000, $0x38;
	[tilespmem:$0x1FD80] =	vst v63  }
0xc1: {  	_ =	swait.ge [sflag:s28], $0x6000  }
0xc2: {  	[sflag:s28] =	ssyncset.done $0x0  }
0xc3: {  	s21 =	rddreg [dreg:$0x7];
	[sflag:s28] =	ssyncadd.s32 $0xFFFFA000  }
0xc4: {  	[hbm4b:s21+s2] =	stream.linear.scatter [tilespmem:s26], [sflag:$0x3], $0x6000, $0x38;
	[tilespmem:$0x1FD80] =	vst v63  }
0xc5: {  	_ =	swait.ge [sflag:s28], $0x6000  }
0xc6: {  	[sflag:s28] =	ssyncset.done $0x0  }
0xc7: {  	[sflag:s28] =	ssyncadd.s32 $0xFFFFA000  }
0xc8: {  	[tilespmem:s26], [sflag:$0x3] =	stream.linear.gather [spmem:s7], $0x6000, $0x38;
	[tilespmem:$0x1FD80] =	vst v63  }
0xc9: {  	_ =	swait.ge [sflag:s28], $0x6000  }
0xca: {  	[sflag:s28] =	ssyncset.done $0x0  }
0xcb: {  	s23 =	rddreg [dreg:$0x8];
	[sflag:s28] =	ssyncadd.s32 $0xFFFFA000  }
0xcc: {  	[hbm4b:s23+s2] =	stream.linear.scatter [tilespmem:s26], [sflag:$0x3], $0x6000, $0x38;
	[tilespmem:$0x1FD80] =	vst v63  }
0xcd: {  	_ =	swait.ge [sflag:s28], $0x6000  }
0xce: {  	[sflag:s28] =	ssyncset.done $0x0  }
0xcf: {  	[sflag:s28] =	ssyncadd.s32 $0xFFFFA000  }
0xd0: {  	[tilespmem:s26], [sflag:$0x3] =	stream.linear.gather [spmem:s8], $0x6000, $0x38;
	[tilespmem:$0x1FD80] =	vst v63  }
0xd1: {  	_ =	swait.ge [sflag:s28], $0x6000  }
0xd2: {  	[sflag:s28] =	ssyncset.done $0x0  }
0xd3: {  	s20 =	rddreg [dreg:$0x9];
	[sflag:s28] =	ssyncadd.s32 $0xFFFFA000  }
0xd4: {  	[hbm4b:s20+s2] =	stream.linear.scatter [tilespmem:s26], [sflag:$0x3], $0x6000, $0x38;
	[tilespmem:$0x1FD80] =	vst v63  }
0xd5: {  	_ =	swait.ge [sflag:s28], $0x6000  }
0xd6: {  	[sflag:s28] =	ssyncset.done $0x0  }
0xd7: {  	[sflag:s28] =	ssyncadd.s32 $0xFFFFA000  }
0xd8: {  	[tilespmem:s26], [sflag:$0x3] =	stream.linear.gather [spmem:s9], $0x1800, $0x38;
	[tilespmem:$0x1FD80] =	vst v63  }
0xd9: {  	_ =	swait.ge [sflag:s28], $0x1800  }
0xda: {  	[sflag:s28] =	ssyncset.done $0x0  }
0xdb: {  	s21 =	rddreg [dreg:$0xa];
	[sflag:s28] =	ssyncadd.s32 $0xFFFFE800  }
0xdc: {  	[hbm4b:s21+s2] =	stream.linear.scatter [tilespmem:s26], [sflag:$0x3], $0x1800, $0x38;
	[tilespmem:$0x1FD80] =	vst v63  }
0xdd: {  	_ =	swait.ge [sflag:s28], $0x1800  }
0xde: {  	[sflag:s28] =	ssyncset.done $0x0  }
0xdf: {  	s18 =	simm.s32 @!p0 $0x500;
	s20 =	simm.s32 @!p0 $0x3;
	[sflag:s28] =	ssyncadd.s32 $0xFFFFE800  }
0xe0: {  	[tilespmem:s18], [sflag:$0x3] =	stream.linear.gather @!p0 [spmem:s10], $0x800, $0x38;
	[tilespmem:$0x1FD80] =	vst v63  }
0xe1: {  	_ =	swait.ge @!p0 [sflag:s20], $0x800  }
0xe2: {  	[sflag:s20] =	ssyncset.done @!p0 $0x0  }
0xe3: {  	s21 =	simm.s32 @!p0 $0x0;
	s23 =	rddreg [dreg:$0xb];
	[sflag:s20] =	ssyncadd.s32 @!p0 $0xFFFFF800  }
0xe4: {  	[hbm4b:s23+s21] =	stream.linear.scatter @!p0 [tilespmem:s18], [sflag:$0x3], $0x800, $0x38;
	[tilespmem:$0x1FD80] =	vst v63  }
0xe5: {  	_ =	swait.ge @!p0 [sflag:s20], $0x800  }
0xe6: {  	s17 =	sadd.s32 $0x1, s17;
	s23 =	rddreg [dreg:$0xc]  }
0xe7: {  	p1 =	sne.s32 s17, s23  }
.Ltmp2:
0xe8: {  	_ = 	snop;
	(pc) =	sbr.rel @p1 .LBB2_1-.Ltmp2, $3  }
0xe9: {  	_ =	sdelay $0x1  }
0xea: {  	[sflag:s20] =	ssyncset.done @!p0 $0x0  }
0xeb: {  	[sflag:s20] =	ssyncadd.s32 @!p0 $0xFFFFF800  }
0xec: {  	_ =	sfence.sel $0x180000  }
0xed: {  	[bflag:$0x0] =	sbarrier.arrive $0xFFFF  }
0xee: {  	_ =	strace $0x9000004D  }
0xef: {  	[bflag:$0x2] =	sbarrier.arrive $0xFFFF  }
0xf0: {  	s0 =	rddreg [dreg:$0x2]  }
0xf1: {  	s0 =	sadd.s32 @!p0 $0x100000, s0  }
0xf2: {  	[sflag:s0] =	ssyncadd.tile.s32 @!p0 $0x1;
	_ =	shalt  }
.Lfunc_end2:
_tile_overlayer_lowered:
.L_overlay_start_2:
0xf3: {  	(tag) =	ssettag $0x2  }
0xf4: {  	s0 =	rddreg [dreg:$0x0];
	s2 =	stileid.u32  }
0xf5: {  	s1 =	rddreg [dreg:$0x1];
	p0 =	sne.s32 s2, $0x0  }
0xf6: {  	s3 =	rddreg [dreg:$0x2];
	[bflag:$0x3] =	sbarrier.arrive $0xFFFF;
	s2 =	simm.s32 @!p0 $0x1C03  }
0xf7: {  	[timem:s3], [sflag:s2] =	dma.local @!p0 [hbm:s0], s1  }
0xf8: {  	s0 =	simm.s32 @!p0 $0x3  }
0xf9: {  	_ =	swait.ge @!p0 [sflag:s0], s1  }
0xfa: {  	s1 =	ssub.s32 @!p0 $0x0, s1;
	[sflag:s0] =	ssyncset.done @!p0 $0x0  }
0xfb: {  	[sflag:s0] =	ssyncadd.s32 @!p0 s1  }
0xfc: {  	[bflag:$0x3] =	sbarrier.arrive $0xFFFF  }
0xfd: {  	_ =	shalt  }

// kernel: kernel.21.cloned.1.call-start
scs
__scs_entry_jumppad:
0x0: {  	(pc) =	sbr.rel $0x88, $3  }
0x1: {  	(tag) =	ssettag $0x0;
	lr =	simm.s32 $0x1  }
0x2: {  	[smem:$0x3F98] =	sst lr;
	_ =	strace $0xD0000000  }
0x3: {  	_ = 	snop  }
0x4: {  	_ = 	snop  }
0x5: {  	_ = 	snop  }
0x6: {  	_ = 	snop  }
0x7: {  	_ = 	snop  }
__scs_overlays_trampoline_lowered:
0x8: {  	[smem:$0x3FA7] =	sst s0  }
0x9: {  	[smem:$0x3FA8] =	sst s1  }
0xa: {  	[smem:$0x3FA9] =	sst s2  }
0xb: {  	[smem:$0x3FAA] =	sst s3  }
0xc: {  	[smem:$0x3FAB] =	sst s4  }
0xd: {  	[smem:$0x3FAC] =	sst s5  }
0xe: {  	[smem:$0x3FAD] =	sst s6  }
0xf: {  	[smem:$0x3FAE] =	sst s7  }
0x10: {  	[smem:$0x3FAF] =	sst s8  }
0x11: {  	[smem:$0x3FB0] =	sst s9;
	s0 =	simm.s32 @!p0 $0x0  }
0x12: {  	s1 =	sld [smem:$0x3F96];
	s0 =	simm.s32 @p0 $0x1  }
0x13: {  	[smem:$0x3FB1] =	sst s0;
	s0 =	simm.s32 @!p1 $0x0  }
0x14: {  	s2 =	sld [smem:$0x3F95];
	s0 =	simm.s32 @p1 $0x1  }
0x15: {  	[smem:$0x3FB2] =	sst s0;
	s0 =	simm.s32 @!p2 $0x0  }
0x16: {  	s3 =	sld [smem:$0x3FDB];
	s0 =	simm.s32 @p2 $0x1  }
0x17: {  	s4 =	simm.s32 $0x1BF5;
	[smem:$0x3FB4] =	sst s0  }
0x18: {  	s0 =	sld [smem:$0x3F97];
	_ =	swait.ge [sflag:s4], $0x0  }
0x19: {  	s7 =	sld [smem:$0x3F98]  }
0x1a: {  	s8 =	sadd.s32 $0xFFFFE003, lr  }
0x1b: {  	s9 =	sadd.s32 $0xFFFFFEF7, lr;
	s5 =	simm.s32 $0xFFFFFFFF;
	p2 =	slt.u32 s8, $0xFFFFF086  }
0x1c: {  	p1 =	slt.u32 s9, $0xF7A;
	s5 =	simm.s32 @!p2 $0x0  }
0x1d: {  	s5 =	simm.s32 @p1 $0x1;
	p0 =	seq.s32 s7, s2  }
0x1e: {  	s7 =	smul.u32 @!p0 $0xF7A, s2;
	p2 =	seq.s32 @!p0 s5, $0x0  }
0x1f: {  	s9 =	smul.u32 $0xF7A, s1;
	s8 =	simm.s32 @!p0 $0x1BF5;
	p2 =	por !p2, p0  }
0x20: {  	[sflag:s8] =	ssyncset.s32 @!p0 $0xFFFFF086;
	s6 =	sadd.s32 @!p0 s3, s7;
	s7 =	simm.s32 @!p0 $0x108  }
0x21: {  	s3 =	sadd.s32 s3, s9;
	s6 =	sadd.s32 @!p0 $0x88, s6;
	s7 =	simm.s32 @p2 $0x1082  }
0x22: {  	[simem:s7], [sflag:s8] =	dma.local @!p0 [hbm:s6], $0xF7A  }
0x23: {  	s9 =	sor.u32 $0xD0000000, s2;
	s6 =	simm.s32 $0x108;
	_ =	swait.ge @!p0 [sflag:s8], $0x0  }
0x24: {  	s3 =	sadd.s32 $0x88, s3;
	s6 =	simm.s32 @!p1 $0x1082;
	[sflag:s4] =	ssyncset.s32 $0xFFFFF086  }
0x25: {  	[simem:s6], [sflag:s4] =	dma.local [hbm:s3], $0xF7A  }
0x26: {  	[smem:$0x3F98] =	sst s1;
	(tag) =	ssettag s2;
	_ =	strace s9  }
0x27: {  	s1 =	sld [smem:$0x3FA8]  }
0x28: {  	s2 =	sld [smem:$0x3FA9]  }
0x29: {  	s4 =	sld [smem:$0x3FAB]  }
0x2a: {  	p0 =	seq.s32 s5, $0x0;
	s5 =	sld [smem:$0x3FAC]  }
0x2b: {  	s6 =	sld [smem:$0x3FAD]  }
0x2c: {  	s7 =	sld [smem:$0x3FAE]  }
0x2d: {  	s3 =	simm.s32 $0x108;
	s8 =	sld [smem:$0x3FAF]  }
0x2e: {  	s3 =	simm.s32 @!p0 $0x1082;
	s9 =	sld [smem:$0x3FB0]  }
0x2f: {  	lr =	sadd.s32 s0, s3;
	s0 =	sld [smem:$0x3FA7]  }
0x30: {  	s3 =	sld [smem:$0x3FAA]  }
0x31: {  	[smem:$0x3FB3] =	sst s10  }
0x32: {  	s10 =	sld [smem:$0x3FB1];
	_ =	sdelay $0x3  }
0x33: {  	p0 =	seq.s32 s10, $0x1;
	s10 =	sld [smem:$0x3FB3];
	_ =	sdelay $0x3  }
0x34: {  	[smem:$0x3FB3] =	sst s10  }
0x35: {  	s10 =	sld [smem:$0x3FB2];
	_ =	sdelay $0x3  }
0x36: {  	p1 =	seq.s32 s10, $0x1;
	s10 =	sld [smem:$0x3FB3];
	_ =	sdelay $0x3  }
0x37: {  	[smem:$0x3FB3] =	sst s10  }
0x38: {  	s10 =	sld [smem:$0x3FB4]  }
0x39: {  	_ = 	snop;
	(pc) =	sbr.ind lr, $3  }
0x3a: {  	_ = 	snop  }
0x3b: {  	_ = 	snop  }
0x3c: {  	p2 =	seq.s32 s10, $0x1;
	s10 =	sld [smem:$0x3FB3]  }
0x3d: {  	_ =	shalt  }
0x3e: {  	_ =	shalt  }
0x3f: {  	_ =	shalt  }
0x40: {  	_ =	shalt  }
0x41: {  	_ =	shalt  }
0x42: {  	_ =	shalt  }
0x43: {  	_ =	shalt  }
0x44: {  	_ =	shalt  }
0x45: {  	_ =	shalt  }
0x46: {  	_ =	shalt  }
0x47: {  	_ =	shalt  }
0x48: {  	_ =	shalt  }
0x49: {  	_ =	shalt  }
0x4a: {  	_ =	shalt  }
0x4b: {  	_ =	shalt  }
0x4c: {  	_ =	shalt  }
0x4d: {  	_ =	shalt  }
0x4e: {  	_ =	shalt  }
0x4f: {  	_ =	shalt  }
0x50: {  	_ =	shalt  }
0x51: {  	_ =	shalt  }
0x52: {  	_ =	shalt  }
0x53: {  	_ =	shalt  }
0x54: {  	_ =	shalt  }
0x55: {  	_ =	shalt  }
0x56: {  	_ =	shalt  }
0x57: {  	_ =	shalt  }
0x58: {  	_ =	shalt  }
0x59: {  	_ =	shalt  }
0x5a: {  	_ =	shalt  }
0x5b: {  	_ =	shalt  }
0x5c: {  	_ =	shalt  }
0x5d: {  	_ =	shalt  }
0x5e: {  	_ =	shalt  }
0x5f: {  	_ =	shalt  }
0x60: {  	_ =	shalt  }
0x61: {  	_ =	shalt  }
0x62: {  	_ =	shalt  }
0x63: {  	_ =	shalt  }
0x64: {  	_ =	shalt  }
0x65: {  	_ =	shalt  }
0x66: {  	_ =	shalt  }
0x67: {  	_ =	shalt  }
0x68: {  	_ =	shalt  }
0x69: {  	_ =	shalt  }
0x6a: {  	_ =	shalt  }
0x6b: {  	_ =	shalt  }
0x6c: {  	_ =	shalt  }
0x6d: {  	_ =	shalt  }
0x6e: {  	_ =	shalt  }
0x6f: {  	_ =	shalt  }
0x70: {  	_ =	shalt  }
0x71: {  	_ =	shalt  }
0x72: {  	_ =	shalt  }
0x73: {  	_ =	shalt  }
0x74: {  	_ =	shalt  }
0x75: {  	_ =	shalt  }
0x76: {  	_ =	shalt  }
0x77: {  	_ =	shalt  }
0x78: {  	_ =	shalt  }
0x79: {  	_ =	shalt  }
0x7a: {  	_ =	shalt  }
0x7b: {  	_ =	shalt  }
0x7c: {  	_ =	shalt  }
0x7d: {  	_ =	shalt  }
0x7e: {  	_ =	shalt  }
0x7f: {  	_ =	shalt  }
0x80: {  	_ =	shalt  }
0x81: {  	_ =	shalt  }
0x82: {  	_ =	shalt  }
0x83: {  	_ =	shalt  }
0x84: {  	_ =	shalt  }
0x85: {  	_ =	shalt  }
0x86: {  	_ =	shalt  }
0x87: {  	_ =	shalt  }
.Lfunc_end0:
.L_simem_size_0:
called_computation.3_lowered:
.L_overlay_start_0:
0x88: {  	s2 =	sld [smem:$0x3FD9]  }
0x89: {  	s3 =	sld [smem:$0x3FFE];
	_ =	sdelay $0x1  }
0x8a: {  	s1 =	srdreg.scid  }
0x8b: {  	s0 =	sand.u32 $0x1, s1  }
0x8c: {  	s16 =	sshll.u32 s0, $0xA;
	s2 =	sadd.s32 s3, s2  }
0x8d: {  	s2 =	sadd.s32 s2, s16  }
0x8e: {  	[smem:$0x3FBF] =	sst s2  }
0x8f: {  	_ = 	snop  }
0x90: {  	(tm) =	ssettm $0x1  }
0x91: {  	s17 =	sld [smem:$0x3FFB];
	_ =	sdelay $0x3  }
0x92: {  	_ =	strace s17  }
0x93: {  	s2 =	sld [smem:$0x3FFC];
	_ =	sdelay $0x3  }
0x94: {  	_ =	strace s2  }
0x95: {  	s2 =	sld [smem:$0x3FFD];
	_ =	sdelay $0x3  }
0x96: {  	_ =	strace s2  }
0x97: {  	_ =	strace $0x8FFFFFFF  }
0x98: {  	s18 =	sld [smem:$0x3FDB];
	_ =	sdelay $0x1  }
0x99: {  	s19 =	simm.s32 $_scs_section_size  }
0x9a: {  	s4 =	simm.s32 $_size__tile_overlayer_lowered;
	s5 =	simm.s32 $_tile_overlayer_lowered  }
0x9b: {  	s22 =	simm.s32 $0x1BFF;
	s21 =	sshll.u32 s5, $0x1;
	s2 =	sadd.s32 s19, s18  }
0x9c: {  	s6 =	simm.s32 $0x0;
	s20 =	sshll.u32 s4, $0x1;
	s4 =	sadd.s32 s21, s2  }
0x9d: {  	[timem:s6], [sflag:s22] =	dma.local [hbm:s4], s20  }
0x9e: {  	_ =	swait.ge [sflag:s22], s20  }
0x9f: {  	s3 =	ssub.s32 $0x0, s20;
	[sflag:s22] =	ssyncset.done $0x0  }
0xa0: {  	[sflag:s22] =	ssyncadd.s32 s3;
	_ =	sdelay $0x1  }
0xa1: {  	s23 =	simm.s32 $0x1B8B  }
0xa2: {  	_ =	swait.ge [sflag:s23], $0x1  }
0xa3: {  	[sflag:s23] =	ssyncset.done $0x0  }
0xa4: {  	s25 =	simm.s32 $0x1B8E;
	s24 =	sld [smem:$0x3FFE];
	[sflag:s23] =	ssyncadd.s32 $0xFFFFFFFF  }
0xa5: {  	s26 =	simm.s32 $execute0_lowered;
	[smem:$0x3FD2] =	sst s25  }
0xa6: {  	s4 =	sshll.u32 s26, $0x1;
	_ =	strace $0x8000004F;
	[dreg:$0x1] =	wrdreg $0xFFFFFFFF  }
0xa7: {  	s28 =	simm.s32 $_size_execute0_lowered;
	s2 =	sadd.s32 s2, s4;
	[dreg:$0x0] =	wrdreg $0x0  }
0xa8: {  	s4 =	sshll.u32 s28, $0x1;
	[dreg:$0x2] =	wrdreg s2  }
0xa9: {  	[dreg:$0x3] =	wrdreg s4  }
0xaa: {  	[dreg:$0x4] =	wrdreg $0xC0  }
0xab: {  	_ =	task [dreg:s6], $0x5FFFF  }
0xac: {  	[dreg:$0x1] =	wrdreg $0xFFFFFFFF  }
0xad: {  	[dreg:$0x0] =	wrdreg $0x60  }
0xae: {  	[dreg:$0x2] =	wrdreg s24  }
0xaf: {  	[dreg:$0x3] =	wrdreg $0xC5000  }
0xb0: {  	[dreg:$0x4] =	wrdreg $0x9  }
0xb1: {  	_ =	task.clear_ibuf [dreg:s6], $0x5FFFF;
	_ =	strace $0x9000004F  }
0xb2: {  	s29 =	simm.s32 $0x9;
	_ =	strace $0x80000051  }
0xb3: {  	_ =	swait.ge [sflag:s29], $0x1  }
0xb4: {  	[sflag:s29] =	ssyncadd.s32 $0xFFFFFFFF  }
0xb5: {  	_ =	strace $0x90000051  }
0xb6: {  	_ =	sfence  }
0xb7: {  	s30 =	sld [smem:$0x0];
	_ =	sdelay $0x2  }
0xb8: {  	s31 =	sshll.u32 s1, $0xD;
	s1 =	sshrl.u32 s1, $0x2  }
0xb9: {  	s3 =	sand.u32 $0x4000, s31;
	s1 =	sadd.s32 s1, s30  }
0xba: {  	s0 =	sor.u32 s3, s0;
	s1 =	sshll.u32 s1, $0x11  }
0xbb: {  	s0 =	sor.u32 s1, s0  }
0xbc: {  	s0 =	sadd.s32 $0x8F2B, s0  }
0xbd: {  	[sflag:s0] =	ssyncadd.remote.s32 $0x1  }
0xbe: {  	_ =	sfence.sel $0xFFFF  }
0xbf: {  	[dreg:$0x0] =	wrdreg $0xFFFFFFFF;
	(pc) =	sbr.abs _section_cstart, $3  }
0xc0: {  	[dreg:$0x1] =	wrdreg $0xFFFFFFFF  }
0xc1: {  	_ =	task.clear_ibuf [dreg:s6], $0x2FFFF;
	_ =	strace $0x9FFFFFFF  }
0xc2: {  	(tm) =	ssettm $0x7FFFFFFF  }
0xc3: {  	_ =	shalt  }
tec
execute0_lowered:
.L_overlay_start_1:
0x0: {  	(tag) =	ssettag $0x1  }
0x1: {  	s0 =	rddreg [dreg:$0x0]  }
0x2: {  	s1 =	rddreg [dreg:$0x1];
	s2 =	simm.s32 $0x0;
	s6 =	srdreg.scid  }
0x3: {  	s11 =	stileid.u32;
	s28 =	simm.s32 $0x3;
	s29 =	simm.s32 $0x100  }
0x4: {  	s30 =	simm.s32 $0xC0;
	s31 =	simm.s32 $0x200;
	[smem:$0x7FF] =	sst s2  }
0x5: {  	s3 =	sadd.s32 $0x65600, s0;
	s4 =	sadd.s32 $0x3800, s0;
	s5 =	sadd.s32 $0xD600, s0  }
0x6: {  	s12 =	sand.u32 $0x1, s6;
	s0 =	sadd.s32 $0x8C800, s0;
	s7 =	smul.u32 $0x4E000, s11  }
0x7: {  	s13 =	smul.u32 $0x13800, s11;
	p0 =	sne.s32 s11, $0x0;
	_ =	strace $0x80000050  }
0x8: {  	s6 =	ssub.s32 $0x2, s12;
	s9 =	sshll.u32 s12, $0x4;
	s20 =	smul.u32 $0x138800, s12  }
0x9: {  	s12 =	smul.u32 $0x27100, s12;
	s8 =	sshrl.u32 s6, $0x1;
	s21 =	sshrl.u32 s7, $0x2  }
0xa: {  	s22 =	sor.u32 s11, s9;
	s15 =	sadd.s32 $0x6000, s13;
	s16 =	sadd.s32 $0xC000, s13  }
0xb: {  	s17 =	sadd.s32 $0x12000, s13;
	s14 =	ssub.s32 s6, s8;
	s6 =	sadd.s32 s21, s1  }
0xc: {  	s10 =	smul.u32 $0x2710, s22;
	s7 =	sadd.s32 s15, s1;
	s8 =	sadd.s32 s16, s1  }
0xd: {  	s9 =	sadd.s32 s17, s1;
	s13 =	sadd.s32 s13, s20;
	s15 =	sadd.s32 s20, s15  }
0xe: {  	s16 =	sadd.s32 s20, s16;
	s13 =	sshrl.u32 s13, $0x3;
	s15 =	sshrl.u32 s15, $0x3  }
0xf: {  	s26 =	sshrl.u32 s16, $0x3;
	s18 =	sshrl.u32 s10, $0x3;
	s13 =	sadd.s32 s0, s13  }
0x10: {  	s10 =	sadd.s32 $0x138000, s1;
	s25 =	sadd.s32 s0, s15;
	[dreg:$0x7] =	wrdreg s13  }
0x11: {  	s19 =	sadd.s32 $0x4E0, s18;
	s21 =	sadd.s32 s4, s18;
	[dreg:$0x8] =	wrdreg s25  }
0x12: {  	s23 =	sadd.s32 s5, s18;
	s13 =	sadd.s32 s0, s26;
	[dreg:$0x3] =	wrdreg s21  }
0x13: {  	[dreg:$0x4] =	wrdreg s23;
	s24 =	sadd.s32 s4, s19;
	s19 =	sadd.s32 s5, s19  }
0x14: {  	s21 =	smul.u32 $0x2710, s11;
	[dreg:$0x9] =	wrdreg s13;
	s23 =	smax.u32 s14, $0x1  }
0x15: {  	s11 =	simm.s32 $0x1;
	s13 =	simm.s32 $0x2;
	[dreg:$0x5] =	wrdreg s24  }
0x16: {  	s14 =	simm.s32 $0x400;
	[dreg:$0x6] =	wrdreg s19;
	s19 =	sadd.s32 s20, s17  }
0x17: {  	s20 =	sshrl.u32 s20, $0x3;
	[dreg:$0xc] =	wrdreg s23;
	s24 =	sadd.s32 $0x4C8, s18  }
0x18: {  	s17 =	simm.s32 $0x0;
	s15 =	sshrl.u32 s19, $0x3;
	s16 =	sadd.s32 s0, s20  }
0x19: {  	s12 =	sadd.s32 s21, s12;
	s25 =	sadd.s32 s4, s24;
	s0 =	sadd.s32 s0, s15  }
0x1a: {  	s22 =	sadd.s32 $0x27000, s16;
	[dreg:$0xd] =	wrdreg s25;
	s26 =	sadd.s32 $0xC0, s12  }
0x1b: {  	s19 =	sadd.s32 $0x180, s12;
	s12 =	simm.s32 $0x6500;
	[dreg:$0xa] =	wrdreg s0  }
0x1c: {  	s15 =	simm.s32 $0x480;
	s16 =	simm.s32 $0x10;
	[dreg:$0xb] =	wrdreg s22  }
0x1d: {  	s22 =	sadd.s32 s5, s24;
	s0 =	sshrl.u32 s26, $0x3;
	s26 =	simm.s32 $0x500  }
0x1e: {  	v0 =	vimm.f32 $0.0e+00;
	s24 =	sadd.s32 s0, s5;
	s25 =	sadd.s32 s0, s4;
	s0 =	simm.s32 $0x300  }
.LBB2_1:
0x1f: {  	s18 =	simm.s32 $0x0;
	s23 =	simm.s32 $0x200  }
.LBB2_2:
0x20: {  	p1 =	sne.s32 s23, $0x17E00;
	[tilespmem:s18+$0x570] =	vst v0  }
0x21: {  	[tilespmem:s18+$0x500] =	vst v0  }
0x22: {  	[tilespmem:s18+$0x510] =	vst v0  }
.Ltmp0:
0x23: {  	[tilespmem:s18+$0x520] =	vst v0;
	(pc) =	sbr.rel @p1 .LBB2_2-.Ltmp0, $4  }
0x24: {  	[tilespmem:s18+$0x530] =	vst v0  }
0x25: {  	[tilespmem:s18+$0x540] =	vst v0  }
0x26: {  	[tilespmem:s18+$0x550] =	vst v0  }
0x27: {  	[tilespmem:s18+$0x560] =	vst v0;
	s18 =	sshra.s32 s23, $0x2;
	s23 =	sadd.s32 $0x200, s23  }
0x28: {  	[tilespmem:s18+$0x570] =	vst v0  }
0x29: {  	[tilespmem:s18+$0x500] =	vst v0  }
0x2a: {  	[tilespmem:s18+$0x510] =	vst v0  }
0x2b: {  	[tilespmem:s18+$0x520] =	vst v0  }
0x2c: {  	[tilespmem:s18+$0x530] =	vst v0  }
0x2d: {  	[tilespmem:s18+$0x540] =	vst v0  }
0x2e: {  	[tilespmem:s18+$0x550] =	vst v0  }
0x2f: {  	[tilespmem:s18+$0x560] =	vst v0  }
0x30: {  	[spmem:s6] =	stream.linear.scatter [tilespmem:s26], [sflag:$0x3], $0x6000, $0x38;
	[tilespmem:$0x1FD80] =	vst v63  }
0x31: {  	_ =	swait.ge [sflag:s28], $0x6000  }
0x32: {  	[sflag:s28] =	ssyncset.done $0x0  }
0x33: {  	[sflag:s28] =	ssyncadd.s32 $0xFFFFA000  }
0x34: {  	[spmem:s7] =	stream.linear.scatter [tilespmem:s26], [sflag:$0x3], $0x6000, $0x38;
	[tilespmem:$0x1FD80] =	vst v63  }
0x35: {  	_ =	swait.ge [sflag:s28], $0x6000  }
0x36: {  	[sflag:s28] =	ssyncset.done $0x0  }
0x37: {  	[sflag:s28] =	ssyncadd.s32 $0xFFFFA000  }
0x38: {  	[spmem:s8] =	stream.linear.scatter [tilespmem:s26], [sflag:$0x3], $0x6000, $0x38;
	[tilespmem:$0x1FD80] =	vst v63  }
0x39: {  	_ =	swait.ge [sflag:s28], $0x6000  }
0x3a: {  	[sflag:s28] =	ssyncset.done $0x0  }
0x3b: {  	[sflag:s28] =	ssyncadd.s32 $0xFFFFA000  }
0x3c: {  	[spmem:s9] =	stream.linear.scatter [tilespmem:s26], [sflag:$0x3], $0x1800, $0x38;
	[tilespmem:$0x1FD80] =	vst v63  }
0x3d: {  	_ =	swait.ge [sflag:s28], $0x1800  }
0x3e: {  	[sflag:s28] =	ssyncset.done $0x0  }
0x3f: {  	s18 =	simm.s32 @!p0 $0x500;
	[sflag:s28] =	ssyncadd.s32 $0xFFFFE800  }
0x40: {  	[spmem:s10] =	stream.linear.scatter @!p0 [tilespmem:s18], [sflag:$0x3], $0x800, $0x38;
	[tilespmem:$0x1FD80] =	vst v63  }
0x41: {  	s18 =	simm.s32 @!p0 $0x3  }
0x42: {  	_ =	swait.ge @!p0 [sflag:s18], $0x800  }
0x43: {  	[sflag:s18] =	ssyncset.done @!p0 $0x0  }
0x44: {  	[sflag:s18] =	ssyncadd.s32 @!p0 $0xFFFFF800  }
0x45: {  	[bflag:$0x0] =	sbarrier.arrive $0xFFFF  }
0x46: {  	s23 =	simm.s32 $0x0;
	s20 =	rddreg [dreg:$0x3]  }
0x47: {  	[tilespmem:s23], [sflag:$0x3] =	stream.linear.gather [hbm4b:s20+s23], $0xC0, $0x38;
	[tilespmem:$0x1FD80] =	vst v63  }
0x48: {  	_ =	swait.ge [sflag:s28], $0xC0  }
0x49: {  	[sflag:s28] =	ssyncset.done $0x0  }
0x4a: {  	s21 =	rddreg [dreg:$0x4];
	[sflag:s28] =	ssyncadd.s32 $0xFFFFFF40  }
0x4b: {  	[tilespmem:s29], [sflag:$0x3] =	stream.linear.gather [hbm4b:s21+s23], $0xC0, $0x38;
	[tilespmem:$0x1FD80] =	vst v63  }
0x4c: {  	_ =	swait.ge [sflag:s28], $0xC0  }
0x4d: {  	[sflag:s28] =	ssyncset.done $0x0  }
0x4e: {  	[sflag:s28] =	ssyncadd.s32 $0xFFFFFF40  }
0x4f: {  	[tilespmem:s26], [sflag:$0x1] =	stream.indirect.gather [hbm4b:s3+s30], $0x80, s23, s30, $0xb8;
	[tilespmem:$0x1FD80] =	vst v63  }
0x50: {  	s23 =	sadd.s32 $0x0, s25  }
0x51: {  	[tilespmem:s31], [sflag:$0x3] =	stream.linear.gather [hbm4b:s23+s2], $0xC0, $0x38;
	[tilespmem:$0x1FD80] =	vst v63  }
0x52: {  	_ =	swait.ge [sflag:s28], $0xC0  }
0x53: {  	[sflag:s28] =	ssyncset.done $0x0  }
0x54: {  	s20 =	sadd.s32 $0x0, s24;
	[sflag:s28] =	ssyncadd.s32 $0xFFFFFF40  }
0x55: {  	[tilespmem:s0], [sflag:$0x3] =	stream.linear.gather [hbm4b:s20+s2], $0xC0, $0x38;
	[tilespmem:$0x1FD80] =	vst v63  }
0x56: {  	_ =	swait.ge [sflag:s28], $0xC0  }
0x57: {  	[sflag:s28] =	ssyncset.done $0x0  }
0x58: {  	[sflag:s28] =	ssyncadd.s32 $0xFFFFFF40  }
0x59: {  	_ =	swait.ge [sflag:s11], $0x6000  }
0x5a: {  	[sflag:s11] =	ssyncset.done $0x0  }
0x5b: {  	[sflag:s11] =	ssyncadd.s32 $0xFFFFA000  }
0x5c: {  	[tilespmem:s12], [sflag:$0x2] =	stream.indirect.gather [hbm4b:s3+s30], $0x80, s31, s30, $0xb8;
	[tilespmem:$0x1FD80] =	vst v63  }
0x5d: {  	_ = 	snop  }
0x5e: {  	[spmem:s1] =	stream.indirect.scatter.add.f32 [tilespmem:s26], [sflag:$0x3], $0x80, s29, s30, $0xb8;
	[tilespmem:$0x1FD80] =	vst v63  }
0x5f: {  	_ =	swait.ge [sflag:s28], $0x6000  }
0x60: {  	s21 =	sshrl.u32 s19, $0x3;
	[sflag:s28] =	ssyncset.done $0x0  }
0x61: {  	s23 =	sadd.s32 s4, s21;
	[sflag:s28] =	ssyncadd.s32 $0xFFFFA000  }
0x62: {  	[tilespmem:s2], [sflag:$0x3] =	stream.linear.gather [hbm4b:s23+s2], $0xC0, $0x38;
	[tilespmem:$0x1FD80] =	vst v63  }
0x63: {  	_ =	swait.ge [sflag:s28], $0xC0  }
0x64: {  	[sflag:s28] =	ssyncset.done $0x0  }
0x65: {  	s18 =	sadd.s32 s5, s21;
	[sflag:s28] =	ssyncadd.s32 $0xFFFFFF40  }
0x66: {  	[tilespmem:s29], [sflag:$0x3] =	stream.linear.gather [hbm4b:s18+s2], $0xC0, $0x38;
	[tilespmem:$0x1FD80] =	vst v63  }
0x67: {  	_ =	swait.ge [sflag:s28], $0xC0  }
0x68: {  	[sflag:s28] =	ssyncset.done $0x0  }
0x69: {  	[sflag:s28] =	ssyncadd.s32 $0xFFFFFF40  }
0x6a: {  	_ =	swait.ge [sflag:s13], $0x6000  }
0x6b: {  	[sflag:s13] =	ssyncset.done $0x0  }
0x6c: {  	[sflag:s13] =	ssyncadd.s32 $0xFFFFA000  }
0x6d: {  	[tilespmem:s26], [sflag:$0x1] =	stream.indirect.gather [hbm4b:s3+s30], $0x80, s2, s30, $0xb8;
	[tilespmem:$0x1FD80] =	vst v63  }
0x6e: {  	_ = 	snop  }
0x6f: {  	[spmem:s1] =	stream.indirect.scatter.add.f32 [tilespmem:s12], [sflag:$0x3], $0x80, s0, s30, $0xb8;
	[tilespmem:$0x1FD80] =	vst v63  }
0x70: {  	_ =	swait.ge [sflag:s28], $0x6000  }
0x71: {  	s23 =	smov.u32 s19;
	s18 =	simm.s32 $0x30;
	[sflag:s28] =	ssyncset.done $0x0  }
.LBB2_4:
0x72: {  	p1 =	sne.s32 s18, $0x480;
	[sflag:s28] =	ssyncadd.s32 $0xFFFFA000;
	s23 =	sadd.s32 $0x180, s23  }
0x73: {  	s20 =	sadd.s32 s18, s25;
	s21 =	smov.u32 s18;
	s18 =	sadd.s32 $0x30, s18  }
0x74: {  	[tilespmem:s31], [sflag:$0x3] =	stream.linear.gather [hbm4b:s20+s2], $0xC0, $0x38;
	[tilespmem:$0x1FD80] =	vst v63  }
0x75: {  	_ =	swait.ge [sflag:s28], $0xC0  }
0x76: {  	[sflag:s28] =	ssyncset.done $0x0  }
0x77: {  	s20 =	sadd.s32 s21, s24;
	[sflag:s28] =	ssyncadd.s32 $0xFFFFFF40  }
0x78: {  	[tilespmem:s0], [sflag:$0x3] =	stream.linear.gather [hbm4b:s20+s2], $0xC0, $0x38;
	[tilespmem:$0x1FD80] =	vst v63  }
0x79: {  	_ =	swait.ge [sflag:s28], $0xC0  }
0x7a: {  	[sflag:s28] =	ssyncset.done $0x0  }
0x7b: {  	[sflag:s28] =	ssyncadd.s32 $0xFFFFFF40  }
0x7c: {  	_ =	swait.ge [sflag:s11], $0x6000  }
0x7d: {  	[sflag:s11] =	ssyncset.done $0x0  }
0x7e: {  	[sflag:s11] =	ssyncadd.s32 $0xFFFFA000  }
0x7f: {  	[tilespmem:s12], [sflag:$0x2] =	stream.indirect.gather [hbm4b:s3+s30], $0x80, s31, s30, $0xb8;
	[tilespmem:$0x1FD80] =	vst v63  }
0x80: {  	_ = 	snop  }
0x81: {  	[spmem:s1] =	stream.indirect.scatter.add.f32 [tilespmem:s26], [sflag:$0x3], $0x80, s29, s30, $0xb8;
	[tilespmem:$0x1FD80] =	vst v63  }
0x82: {  	_ =	swait.ge [sflag:s28], $0x6000  }
0x83: {  	s20 =	sshrl.u32 s23, $0x3;
	[sflag:s28] =	ssyncset.done $0x0  }
0x84: {  	s21 =	sadd.s32 s4, s20;
	[sflag:s28] =	ssyncadd.s32 $0xFFFFA000  }
0x85: {  	[tilespmem:s2], [sflag:$0x3] =	stream.linear.gather [hbm4b:s21+s2], $0xC0, $0x38;
	[tilespmem:$0x1FD80] =	vst v63  }
0x86: {  	_ =	swait.ge [sflag:s28], $0xC0  }
0x87: {  	[sflag:s28] =	ssyncset.done $0x0  }
0x88: {  	s20 =	sadd.s32 s5, s20;
	[sflag:s28] =	ssyncadd.s32 $0xFFFFFF40  }
0x89: {  	[tilespmem:s29], [sflag:$0x3] =	stream.linear.gather [hbm4b:s20+s2], $0xC0, $0x38;
	[tilespmem:$0x1FD80] =	vst v63  }
0x8a: {  	_ =	swait.ge [sflag:s28], $0xC0  }
0x8b: {  	[sflag:s28] =	ssyncset.done $0x0  }
0x8c: {  	[sflag:s28] =	ssyncadd.s32 $0xFFFFFF40  }
0x8d: {  	_ =	swait.ge [sflag:s13], $0x6000  }
0x8e: {  	[sflag:s13] =	ssyncset.done $0x0  }
0x8f: {  	[sflag:s13] =	ssyncadd.s32 $0xFFFFA000  }
0x90: {  	[tilespmem:s26], [sflag:$0x1] =	stream.indirect.gather [hbm4b:s3+s30], $0x80, s2, s30, $0xb8;
	[tilespmem:$0x1FD80] =	vst v63  }
.Ltmp1:
0x91: {  	_ = 	snop;
	(pc) =	sbr.rel @p1 .LBB2_4-.Ltmp1, $4  }
0x92: {  	_ = 	snop  }
0x93: {  	[spmem:s1] =	stream.indirect.scatter.add.f32 [tilespmem:s12], [sflag:$0x3], $0x80, s0, s30, $0xb8;
	[tilespmem:$0x1FD80] =	vst v63  }
0x94: {  	_ =	swait.ge [sflag:s28], $0x6000  }
0x95: {  	[sflag:s28] =	ssyncset.done $0x0  }
0x96: {  	[sflag:s28] =	ssyncadd.s32 $0xFFFFA000;
	s18 =	rddreg [dreg:$0xd]  }
0x97: {  	[tilespmem:s31], [sflag:$0x3] =	stream.linear.gather [hbm4b:s18+s2], $0xC0, $0x38;
	[tilespmem:$0x1FD80] =	vst v63  }
0x98: {  	_ =	swait.ge [sflag:s28], $0xC0  }
0x99: {  	[sflag:s28] =	ssyncset.done $0x0  }
0x9a: {  	[sflag:s28] =	ssyncadd.s32 $0xFFFFFF40  }
0x9b: {  	[tilespmem:s0], [sflag:$0x3] =	stream.linear.gather [hbm4b:s22+s2], $0xC0, $0x38;
	[tilespmem:$0x1FD80] =	vst v63  }
0x9c: {  	_ =	swait.ge [sflag:s28], $0xC0  }
0x9d: {  	[sflag:s28] =	ssyncset.done $0x0  }
0x9e: {  	[sflag:s28] =	ssyncadd.s32 $0xFFFFFF40  }
0x9f: {  	_ =	swait.ge [sflag:s11], $0x6000  }
0xa0: {  	[sflag:s11] =	ssyncset.done $0x0  }
0xa1: {  	[sflag:s11] =	ssyncadd.s32 $0xFFFFA000  }
0xa2: {  	[tilespmem:s12], [sflag:$0x2] =	stream.indirect.gather [hbm4b:s3+s30], $0x80, s31, s30, $0xb8;
	[tilespmem:$0x1FD80] =	vst v63  }
0xa3: {  	_ = 	snop  }
0xa4: {  	[spmem:s1] =	stream.indirect.scatter.add.f32 [tilespmem:s26], [sflag:$0x3], $0x80, s29, s30, $0xb8;
	[tilespmem:$0x1FD80] =	vst v63  }
0xa5: {  	_ =	swait.ge [sflag:s28], $0x6000  }
0xa6: {  	[sflag:s28] =	ssyncset.done $0x0  }
0xa7: {  	[sflag:s28] =	ssyncadd.s32 $0xFFFFA000  }
0xa8: {  	_ =	swait.ge [sflag:s13], $0x6000  }
0xa9: {  	[sflag:s13] =	ssyncset.done $0x0  }
0xaa: {  	[sflag:s13] =	ssyncadd.s32 $0xFFFFA000  }
0xab: {  	[spmem:s1] =	stream.indirect.scatter.add.f32 [tilespmem:s12], [sflag:$0x3], $0x80, s0, s30, $0xb8;
	[tilespmem:$0x1FD80] =	vst v63  }
0xac: {  	_ =	swait.ge [sflag:s28], $0x6000  }
0xad: {  	[sflag:s28] =	ssyncset.done $0x0  }
0xae: {  	s23 =	rddreg [dreg:$0x5];
	[sflag:s28] =	ssyncadd.s32 $0xFFFFA000  }
0xaf: {  	[tilespmem:s14], [sflag:$0x3] =	stream.linear.gather [hbm4b:s23+s2], $0x10, $0x38;
	[tilespmem:$0x1FD80] =	vst v63  }
0xb0: {  	_ =	swait.ge [sflag:s28], $0x10  }
0xb1: {  	[sflag:s28] =	ssyncset.done $0x0  }
0xb2: {  	s20 =	rddreg [dreg:$0x6];
	[sflag:s28] =	ssyncadd.s32 $0xFFFFFFF0  }
0xb3: {  	[tilespmem:s15], [sflag:$0x3] =	stream.linear.gather [hbm4b:s20+s2], $0x10, $0x38;
	[tilespmem:$0x1FD80] =	vst v63  }
0xb4: {  	_ =	swait.ge [sflag:s28], $0x10  }
0xb5: {  	[sflag:s28] =	ssyncset.done $0x0  }
0xb6: {  	[sflag:s28] =	ssyncadd.s32 $0xFFFFFFF0  }
0xb7: {  	[tilespmem:s26], [sflag:$0x1] =	stream.indirect.gather [hbm4b:s3+s16], $0x80, s14, s16, $0xb8;
	[tilespmem:$0x1FD80] =	vst v63  }
0xb8: {  	_ =	swait.ge [sflag:s11], $0x800  }
0xb9: {  	[sflag:s11] =	ssyncset.done $0x0  }
0xba: {  	[sflag:s11] =	ssyncadd.s32 $0xFFFFF800  }
0xbb: {  	[spmem:s1] =	stream.indirect.scatter.add.f32 [tilespmem:s26], [sflag:$0x3], $0x80, s15, s16, $0xb8;
	[tilespmem:$0x1FD80] =	vst v63  }
0xbc: {  	_ =	swait.ge [sflag:s28], $0x800  }
0xbd: {  	[sflag:s28] =	ssyncset.done $0x0  }
0xbe: {  	[sflag:s28] =	ssyncadd.s32 $0xFFFFF800  }
0xbf: {  	[bflag:$0x0] =	sbarrier.arrive $0xFFFF  }
0xc0: {  	[tilespmem:s26], [sflag:$0x3] =	stream.linear.gather [spmem:s6], $0x6000, $0x38;
	[tilespmem:$0x1FD80] =	vst v63  }
0xc1: {  	_ =	swait.ge [sflag:s28], $0x6000  }
0xc2: {  	[sflag:s28] =	ssyncset.done $0x0  }
0xc3: {  	s21 =	rddreg [dreg:$0x7];
	[sflag:s28] =	ssyncadd.s32 $0xFFFFA000  }
0xc4: {  	[hbm4b:s21+s2] =	stream.linear.scatter [tilespmem:s26], [sflag:$0x3], $0x6000, $0x38;
	[tilespmem:$0x1FD80] =	vst v63  }
0xc5: {  	_ =	swait.ge [sflag:s28], $0x6000  }
0xc6: {  	[sflag:s28] =	ssyncset.done $0x0  }
0xc7: {  	[sflag:s28] =	ssyncadd.s32 $0xFFFFA000  }
0xc8: {  	[tilespmem:s26], [sflag:$0x3] =	stream.linear.gather [spmem:s7], $0x6000, $0x38;
	[tilespmem:$0x1FD80] =	vst v63  }
0xc9: {  	_ =	swait.ge [sflag:s28], $0x6000  }
0xca: {  	[sflag:s28] =	ssyncset.done $0x0  }
0xcb: {  	s23 =	rddreg [dreg:$0x8];
	[sflag:s28] =	ssyncadd.s32 $0xFFFFA000  }
0xcc: {  	[hbm4b:s23+s2] =	stream.linear.scatter [tilespmem:s26], [sflag:$0x3], $0x6000, $0x38;
	[tilespmem:$0x1FD80] =	vst v63  }
0xcd: {  	_ =	swait.ge [sflag:s28], $0x6000  }
0xce: {  	[sflag:s28] =	ssyncset.done $0x0  }
0xcf: {  	[sflag:s28] =	ssyncadd.s32 $0xFFFFA000  }
0xd0: {  	[tilespmem:s26], [sflag:$0x3] =	stream.linear.gather [spmem:s8], $0x6000, $0x38;
	[tilespmem:$0x1FD80] =	vst v63  }
0xd1: {  	_ =	swait.ge [sflag:s28], $0x6000  }
0xd2: {  	[sflag:s28] =	ssyncset.done $0x0  }
0xd3: {  	s20 =	rddreg [dreg:$0x9];
	[sflag:s28] =	ssyncadd.s32 $0xFFFFA000  }
0xd4: {  	[hbm4b:s20+s2] =	stream.linear.scatter [tilespmem:s26], [sflag:$0x3], $0x6000, $0x38;
	[tilespmem:$0x1FD80] =	vst v63  }
0xd5: {  	_ =	swait.ge [sflag:s28], $0x6000  }
0xd6: {  	[sflag:s28] =	ssyncset.done $0x0  }
0xd7: {  	[sflag:s28] =	ssyncadd.s32 $0xFFFFA000  }
0xd8: {  	[tilespmem:s26], [sflag:$0x3] =	stream.linear.gather [spmem:s9], $0x1800, $0x38;
	[tilespmem:$0x1FD80] =	vst v63  }
0xd9: {  	_ =	swait.ge [sflag:s28], $0x1800  }
0xda: {  	[sflag:s28] =	ssyncset.done $0x0  }
0xdb: {  	s21 =	rddreg [dreg:$0xa];
	[sflag:s28] =	ssyncadd.s32 $0xFFFFE800  }
0xdc: {  	[hbm4b:s21+s2] =	stream.linear.scatter [tilespmem:s26], [sflag:$0x3], $0x1800, $0x38;
	[tilespmem:$0x1FD80] =	vst v63  }
0xdd: {  	_ =	swait.ge [sflag:s28], $0x1800  }
0xde: {  	[sflag:s28] =	ssyncset.done $0x0  }
0xdf: {  	s18 =	simm.s32 @!p0 $0x500;
	s20 =	simm.s32 @!p0 $0x3;
	[sflag:s28] =	ssyncadd.s32 $0xFFFFE800  }
0xe0: {  	[tilespmem:s18], [sflag:$0x3] =	stream.linear.gather @!p0 [spmem:s10], $0x800, $0x38;
	[tilespmem:$0x1FD80] =	vst v63  }
0xe1: {  	_ =	swait.ge @!p0 [sflag:s20], $0x800  }
0xe2: {  	[sflag:s20] =	ssyncset.done @!p0 $0x0  }
0xe3: {  	s21 =	simm.s32 @!p0 $0x0;
	s23 =	rddreg [dreg:$0xb];
	[sflag:s20] =	ssyncadd.s32 @!p0 $0xFFFFF800  }
0xe4: {  	[hbm4b:s23+s21] =	stream.linear.scatter @!p0 [tilespmem:s18], [sflag:$0x3], $0x800, $0x38;
	[tilespmem:$0x1FD80] =	vst v63  }
0xe5: {  	_ =	swait.ge @!p0 [sflag:s20], $0x800  }
0xe6: {  	s17 =	sadd.s32 $0x1, s17;
	s23 =	rddreg [dreg:$0xc]  }
0xe7: {  	p1 =	sne.s32 s17, s23  }
.Ltmp2:
0xe8: {  	_ = 	snop;
	(pc) =	sbr.rel @p1 .LBB2_1-.Ltmp2, $3  }
0xe9: {  	_ =	sdelay $0x1  }
0xea: {  	[sflag:s20] =	ssyncset.done @!p0 $0x0  }
0xeb: {  	[sflag:s20] =	ssyncadd.s32 @!p0 $0xFFFFF800  }
0xec: {  	_ =	sfence.sel $0x180000  }
0xed: {  	[bflag:$0x0] =	sbarrier.arrive $0xFFFF  }
0xee: {  	_ =	strace $0x90000050  }
0xef: {  	[bflag:$0x2] =	sbarrier.arrive $0xFFFF  }
0xf0: {  	s0 =	rddreg [dreg:$0x2]  }
0xf1: {  	s0 =	sadd.s32 @!p0 $0x100000, s0  }
0xf2: {  	[sflag:s0] =	ssyncadd.tile.s32 @!p0 $0x1;
	_ =	shalt  }
.Lfunc_end2:
_tile_overlayer_lowered:
.L_overlay_start_2:
0xf3: {  	(tag) =	ssettag $0x2  }
0xf4: {  	s0 =	rddreg [dreg:$0x0];
	s2 =	stileid.u32  }
0xf5: {  	s1 =	rddreg [dreg:$0x1];
	p0 =	sne.s32 s2, $0x0  }
0xf6: {  	s3 =	rddreg [dreg:$0x2];
	[bflag:$0x3] =	sbarrier.arrive $0xFFFF;
	s2 =	simm.s32 @!p0 $0x1C03  }
0xf7: {  	[timem:s3], [sflag:s2] =	dma.local @!p0 [hbm:s0], s1  }
0xf8: {  	s0 =	simm.s32 @!p0 $0x3  }
0xf9: {  	_ =	swait.ge @!p0 [sflag:s0], s1  }
0xfa: {  	s1 =	ssub.s32 @!p0 $0x0, s1;
	[sflag:s0] =	ssyncset.done @!p0 $0x0  }
0xfb: {  	[sflag:s0] =	ssyncadd.s32 @!p0 s1  }
0xfc: {  	[bflag:$0x3] =	sbarrier.arrive $0xFFFF  }
0xfd: {  	_ =	shalt  }

// kernel: kernel.24.cloned.1.call-start
scs
__scs_entry_jumppad:
0x0: {  	(pc) =	sbr.rel $0x88, $3  }
0x1: {  	(tag) =	ssettag $0x0;
	lr =	simm.s32 $0x1  }
0x2: {  	[smem:$0x3F98] =	sst lr;
	_ =	strace $0xD0000000  }
0x3: {  	_ = 	snop  }
0x4: {  	_ = 	snop  }
0x5: {  	_ = 	snop  }
0x6: {  	_ = 	snop  }
0x7: {  	_ = 	snop  }
__scs_overlays_trampoline_lowered:
0x8: {  	[smem:$0x3FA7] =	sst s0  }
0x9: {  	[smem:$0x3FA8] =	sst s1  }
0xa: {  	[smem:$0x3FA9] =	sst s2  }
0xb: {  	[smem:$0x3FAA] =	sst s3  }
0xc: {  	[smem:$0x3FAB] =	sst s4  }
0xd: {  	[smem:$0x3FAC] =	sst s5  }
0xe: {  	[smem:$0x3FAD] =	sst s6  }
0xf: {  	[smem:$0x3FAE] =	sst s7  }
0x10: {  	[smem:$0x3FAF] =	sst s8  }
0x11: {  	[smem:$0x3FB0] =	sst s9;
	s0 =	simm.s32 @!p0 $0x0  }
0x12: {  	s1 =	sld [smem:$0x3F96];
	s0 =	simm.s32 @p0 $0x1  }
0x13: {  	[smem:$0x3FB1] =	sst s0;
	s0 =	simm.s32 @!p1 $0x0  }
0x14: {  	s2 =	sld [smem:$0x3F95];
	s0 =	simm.s32 @p1 $0x1  }
0x15: {  	[smem:$0x3FB2] =	sst s0;
	s0 =	simm.s32 @!p2 $0x0  }
0x16: {  	s3 =	sld [smem:$0x3FDB];
	s0 =	simm.s32 @p2 $0x1  }
0x17: {  	s4 =	simm.s32 $0x1BF5;
	[smem:$0x3FB4] =	sst s0  }
0x18: {  	s0 =	sld [smem:$0x3F97];
	_ =	swait.ge [sflag:s4], $0x0  }
0x19: {  	s7 =	sld [smem:$0x3F98]  }
0x1a: {  	s8 =	sadd.s32 $0xFFFFE003, lr  }
0x1b: {  	s9 =	sadd.s32 $0xFFFFFEF7, lr;
	s5 =	simm.s32 $0xFFFFFFFF;
	p2 =	slt.u32 s8, $0xFFFFF086  }
0x1c: {  	p1 =	slt.u32 s9, $0xF7A;
	s5 =	simm.s32 @!p2 $0x0  }
0x1d: {  	s5 =	simm.s32 @p1 $0x1;
	p0 =	seq.s32 s7, s2  }
0x1e: {  	s7 =	smul.u32 @!p0 $0xF7A, s2;
	p2 =	seq.s32 @!p0 s5, $0x0  }
0x1f: {  	s9 =	smul.u32 $0xF7A, s1;
	s8 =	simm.s32 @!p0 $0x1BF5;
	p2 =	por !p2, p0  }
0x20: {  	[sflag:s8] =	ssyncset.s32 @!p0 $0xFFFFF086;
	s6 =	sadd.s32 @!p0 s3, s7;
	s7 =	simm.s32 @!p0 $0x108  }
0x21: {  	s3 =	sadd.s32 s3, s9;
	s6 =	sadd.s32 @!p0 $0x88, s6;
	s7 =	simm.s32 @p2 $0x1082  }
0x22: {  	[simem:s7], [sflag:s8] =	dma.local @!p0 [hbm:s6], $0xF7A  }
0x23: {  	s9 =	sor.u32 $0xD0000000, s2;
	s6 =	simm.s32 $0x108;
	_ =	swait.ge @!p0 [sflag:s8], $0x0  }
0x24: {  	s3 =	sadd.s32 $0x88, s3;
	s6 =	simm.s32 @!p1 $0x1082;
	[sflag:s4] =	ssyncset.s32 $0xFFFFF086  }
0x25: {  	[simem:s6], [sflag:s4] =	dma.local [hbm:s3], $0xF7A  }
0x26: {  	[smem:$0x3F98] =	sst s1;
	(tag) =	ssettag s2;
	_ =	strace s9  }
0x27: {  	s1 =	sld [smem:$0x3FA8]  }
0x28: {  	s2 =	sld [smem:$0x3FA9]  }
0x29: {  	s4 =	sld [smem:$0x3FAB]  }
0x2a: {  	p0 =	seq.s32 s5, $0x0;
	s5 =	sld [smem:$0x3FAC]  }
0x2b: {  	s6 =	sld [smem:$0x3FAD]  }
0x2c: {  	s7 =	sld [smem:$0x3FAE]  }
0x2d: {  	s3 =	simm.s32 $0x108;
	s8 =	sld [smem:$0x3FAF]  }
0x2e: {  	s3 =	simm.s32 @!p0 $0x1082;
	s9 =	sld [smem:$0x3FB0]  }
0x2f: {  	lr =	sadd.s32 s0, s3;
	s0 =	sld [smem:$0x3FA7]  }
0x30: {  	s3 =	sld [smem:$0x3FAA]  }
0x31: {  	[smem:$0x3FB3] =	sst s10  }
0x32: {  	s10 =	sld [smem:$0x3FB1];
	_ =	sdelay $0x3  }
0x33: {  	p0 =	seq.s32 s10, $0x1;
	s10 =	sld [smem:$0x3FB3];
	_ =	sdelay $0x3  }
0x34: {  	[smem:$0x3FB3] =	sst s10  }
0x35: {  	s10 =	sld [smem:$0x3FB2];
	_ =	sdelay $0x3  }
0x36: {  	p1 =	seq.s32 s10, $0x1;
	s10 =	sld [smem:$0x3FB3];
	_ =	sdelay $0x3  }
0x37: {  	[smem:$0x3FB3] =	sst s10  }
0x38: {  	s10 =	sld [smem:$0x3FB4]  }
0x39: {  	_ = 	snop;
	(pc) =	sbr.ind lr, $3  }
0x3a: {  	_ = 	snop  }
0x3b: {  	_ = 	snop  }
0x3c: {  	p2 =	seq.s32 s10, $0x1;
	s10 =	sld [smem:$0x3FB3]  }
0x3d: {  	_ =	shalt  }
0x3e: {  	_ =	shalt  }
0x3f: {  	_ =	shalt  }
0x40: {  	_ =	shalt  }
0x41: {  	_ =	shalt  }
0x42: {  	_ =	shalt  }
0x43: {  	_ =	shalt  }
0x44: {  	_ =	shalt  }
0x45: {  	_ =	shalt  }
0x46: {  	_ =	shalt  }
0x47: {  	_ =	shalt  }
0x48: {  	_ =	shalt  }
0x49: {  	_ =	shalt  }
0x4a: {  	_ =	shalt  }
0x4b: {  	_ =	shalt  }
0x4c: {  	_ =	shalt  }
0x4d: {  	_ =	shalt  }
0x4e: {  	_ =	shalt  }
0x4f: {  	_ =	shalt  }
0x50: {  	_ =	shalt  }
0x51: {  	_ =	shalt  }
0x52: {  	_ =	shalt  }
0x53: {  	_ =	shalt  }
0x54: {  	_ =	shalt  }
0x55: {  	_ =	shalt  }
0x56: {  	_ =	shalt  }
0x57: {  	_ =	shalt  }
0x58: {  	_ =	shalt  }
0x59: {  	_ =	shalt  }
0x5a: {  	_ =	shalt  }
0x5b: {  	_ =	shalt  }
0x5c: {  	_ =	shalt  }
0x5d: {  	_ =	shalt  }
0x5e: {  	_ =	shalt  }
0x5f: {  	_ =	shalt  }
0x60: {  	_ =	shalt  }
0x61: {  	_ =	shalt  }
0x62: {  	_ =	shalt  }
0x63: {  	_ =	shalt  }
0x64: {  	_ =	shalt  }
0x65: {  	_ =	shalt  }
0x66: {  	_ =	shalt  }
0x67: {  	_ =	shalt  }
0x68: {  	_ =	shalt  }
0x69: {  	_ =	shalt  }
0x6a: {  	_ =	shalt  }
0x6b: {  	_ =	shalt  }
0x6c: {  	_ =	shalt  }
0x6d: {  	_ =	shalt  }
0x6e: {  	_ =	shalt  }
0x6f: {  	_ =	shalt  }
0x70: {  	_ =	shalt  }
0x71: {  	_ =	shalt  }
0x72: {  	_ =	shalt  }
0x73: {  	_ =	shalt  }
0x74: {  	_ =	shalt  }
0x75: {  	_ =	shalt  }
0x76: {  	_ =	shalt  }
0x77: {  	_ =	shalt  }
0x78: {  	_ =	shalt  }
0x79: {  	_ =	shalt  }
0x7a: {  	_ =	shalt  }
0x7b: {  	_ =	shalt  }
0x7c: {  	_ =	shalt  }
0x7d: {  	_ =	shalt  }
0x7e: {  	_ =	shalt  }
0x7f: {  	_ =	shalt  }
0x80: {  	_ =	shalt  }
0x81: {  	_ =	shalt  }
0x82: {  	_ =	shalt  }
0x83: {  	_ =	shalt  }
0x84: {  	_ =	shalt  }
0x85: {  	_ =	shalt  }
0x86: {  	_ =	shalt  }
0x87: {  	_ =	shalt  }
.Lfunc_end0:
.L_simem_size_0:
called_computation.4_lowered:
.L_overlay_start_0:
0x88: {  	s2 =	sld [smem:$0x3FD9]  }
0x89: {  	s3 =	sld [smem:$0x3FFE];
	_ =	sdelay $0x1  }
0x8a: {  	s1 =	srdreg.scid  }
0x8b: {  	s0 =	sand.u32 $0x1, s1  }
0x8c: {  	s17 =	sshll.u32 s0, $0xA;
	s2 =	sadd.s32 s3, s2  }
0x8d: {  	s2 =	sadd.s32 s2, s17  }
0x8e: {  	[smem:$0x3FBF] =	sst s2  }
0x8f: {  	_ = 	snop  }
0x90: {  	s2 =	sld [smem:$0x3FC7];
	(tm) =	ssettm $0x1  }
0x91: {  	s18 =	sld [smem:$0x3FFB];
	_ =	sdelay $0x3  }
0x92: {  	_ =	strace s18  }
0x93: {  	s3 =	sld [smem:$0x3FFC];
	_ =	sdelay $0x3  }
0x94: {  	_ =	strace s3  }
0x95: {  	s3 =	sld [smem:$0x3FFD];
	_ =	sdelay $0x3  }
0x96: {  	_ =	strace s3  }
0x97: {  	_ =	strace $0x8FFFFFFF  }
0x98: {  	s19 =	sld [smem:$0x3FDB];
	_ =	sdelay $0x1  }
0x99: {  	s4 =	simm.s32 $_scs_section_size  }
0x9a: {  	s5 =	simm.s32 $_size__tile_overlayer_lowered;
	s6 =	simm.s32 $_tile_overlayer_lowered  }
0x9b: {  	s22 =	simm.s32 $0x1BFF;
	s21 =	sshll.u32 s6, $0x1;
	s3 =	sadd.s32 s4, s19  }
0x9c: {  	s7 =	simm.s32 $0x0;
	s20 =	sshll.u32 s5, $0x1;
	s5 =	sadd.s32 s21, s3  }
0x9d: {  	[timem:s7], [sflag:s22] =	dma.local [hbm:s5], s20  }
0x9e: {  	_ =	swait.ge [sflag:s22], s20  }
0x9f: {  	s4 =	ssub.s32 $0x0, s20;
	[sflag:s22] =	ssyncset.done $0x0  }
0xa0: {  	[sflag:s22] =	ssyncadd.s32 s4;
	_ =	sdelay $0x1  }
0xa1: {  	s23 =	simm.s32 $0x1B8B  }
0xa2: {  	_ =	swait.ge [sflag:s23], $0x1  }
0xa3: {  	[sflag:s23] =	ssyncset.done $0x0  }
0xa4: {  	s25 =	simm.s32 $0x1B8E;
	s24 =	sld [smem:$0x3FFE];
	[sflag:s23] =	ssyncadd.s32 $0xFFFFFFFF  }
0xa5: {  	s26 =	simm.s32 $execute0_lowered;
	[smem:$0x3FD2] =	sst s25  }
0xa6: {  	s5 =	sshll.u32 s26, $0x1;
	_ =	strace $0x80000052;
	[dreg:$0x1] =	wrdreg $0xFFFFFFFF  }
0xa7: {  	s28 =	simm.s32 $_size_execute0_lowered;
	s3 =	sadd.s32 s3, s5;
	[dreg:$0x0] =	wrdreg $0x0  }
0xa8: {  	s5 =	sshll.u32 s28, $0x1;
	[dreg:$0x2] =	wrdreg s3  }
0xa9: {  	[dreg:$0x3] =	wrdreg s5  }
0xaa: {  	[dreg:$0x4] =	wrdreg $0xC0  }
0xab: {  	_ =	task [dreg:s7], $0x5FFFF  }
0xac: {  	[dreg:$0x1] =	wrdreg $0xFFFFFFFF  }
0xad: {  	[dreg:$0x0] =	wrdreg $0x60  }
0xae: {  	[dreg:$0x2] =	wrdreg s24  }
0xaf: {  	[dreg:$0x3] =	wrdreg s2  }
0xb0: {  	[dreg:$0x4] =	wrdreg $0x9E000  }
0xb1: {  	[dreg:$0x5] =	wrdreg $0x9  }
0xb2: {  	_ =	task.clear_ibuf [dreg:s7], $0x6FFFF;
	_ =	strace $0x90000052  }
0xb3: {  	s29 =	simm.s32 $0x9;
	_ =	strace $0x80000054  }
0xb4: {  	_ =	swait.ge [sflag:s29], $0x1  }
0xb5: {  	[sflag:s29] =	ssyncadd.s32 $0xFFFFFFFF  }
0xb6: {  	_ =	strace $0x90000054  }
0xb7: {  	_ =	sfence  }
0xb8: {  	s30 =	sld [smem:$0x0];
	_ =	sdelay $0x2  }
0xb9: {  	s31 =	sshll.u32 s1, $0xD;
	s1 =	sshrl.u32 s1, $0x2  }
0xba: {  	s3 =	sand.u32 $0x4000, s31;
	s1 =	sadd.s32 s1, s30  }
0xbb: {  	s0 =	sor.u32 s3, s0;
	s1 =	sshll.u32 s1, $0x11  }
0xbc: {  	s0 =	sor.u32 s1, s0  }
0xbd: {  	s0 =	sadd.s32 $0x8F2B, s0  }
0xbe: {  	[sflag:s0] =	ssyncadd.remote.s32 $0x1  }
0xbf: {  	_ =	sfence.sel $0xFFFF  }
0xc0: {  	[dreg:$0x0] =	wrdreg $0xFFFFFFFF;
	(pc) =	sbr.abs _section_cstart, $3  }
0xc1: {  	[dreg:$0x1] =	wrdreg $0xFFFFFFFF  }
0xc2: {  	_ =	task.clear_ibuf [dreg:s7], $0x2FFFF;
	_ =	strace $0x9FFFFFFF  }
0xc3: {  	(tm) =	ssettm $0x7FFFFFFF  }
tec
execute0_lowered:
.L_overlay_start_1:
0x0: {  	(tag) =	ssettag $0x1  }
0x1: {  	s6 =	rddreg [dreg:$0x0]  }
0x2: {  	s0 =	srdreg.scid;
	s5 =	rddreg [dreg:$0x1]  }
0x3: {  	s1 =	rddreg [dreg:$0x2];
	s9 =	stileid.u32;
	s2 =	simm.s32 $0x0  }
0x4: {  	s12 =	simm.s32 $0x0;
	s7 =	sand.u32 $0x1, s0;
	s0 =	rddreg [dreg:$0x3]  }
0x5: {  	[smem:$0x7FF] =	sst s2;
	p0 =	sne.s32 s9, $0x0;
	s3 =	sshll.u32 s7, $0x4  }
0x6: {  	_ =	strace $0x80000053;
	s8 =	ssub.s32 $0x2, s7;
	s10 =	sshll.u32 s7, $0xA  }
0x7: {  	s31 =	sor.u32 s9, s7;
	s3 =	sor.u32 s9, s3;
	s11 =	sshrl.u32 s8, $0x1  }
0x8: {  	s10 =	sadd.s32 s10, s6;
	p1 =	sne.s32 s31, $0x0;
	s4 =	smul.u32 $0x1380, s3  }
0x9: {  	s9 =	simm.s32 $0x1;
	s3 =	smul.u32 $0x27, s3;
	s8 =	ssub.s32 s8, s11  }
0xa: {  	s7 =	sadd.s32 $0x2AA00, s10;
	s10 =	simm.s32 $0x200;
	s11 =	simm.s32 $0x138  }
0xb: {  	s8 =	smax.u32 s8, $0x1;
	s4 =	sadd.s32 s4, s6;
	s3 =	sadd.s32 s5, s3  }
0xc: {  	v0 =	vimm.f32 $0.0e+00;
	s5 =	sadd.s32 $0x4E0, s5;
	s6 =	sadd.s32 $0x2A800, s6;
	s4 =	sadd.s32 $0x3800, s4  }
.LBB2_1:
0xd: {  	s13 =	simm.s32 $0x0;
	s14 =	simm.s32 $0x200  }
.LBB2_2:
0xe: {  	p2 =	sne.s32 s14, $0x7E00;
	[tilespmem:s13+$0x270] =	vst v0  }
0xf: {  	[tilespmem:s13+$0x200] =	vst v0  }
0x10: {  	[tilespmem:s13+$0x210] =	vst v0  }
.Ltmp0:
0x11: {  	[tilespmem:s13+$0x220] =	vst v0;
	(pc) =	sbr.rel @p2 .LBB2_2-.Ltmp0, $4  }
0x12: {  	[tilespmem:s13+$0x230] =	vst v0  }
0x13: {  	[tilespmem:s13+$0x240] =	vst v0  }
0x14: {  	[tilespmem:s13+$0x250] =	vst v0  }
0x15: {  	[tilespmem:s13+$0x260] =	vst v0;
	s13 =	sshra.s32 s14, $0x2;
	s14 =	sadd.s32 $0x200, s14  }
0x16: {  	[tilespmem:s13+$0x270] =	vst v0  }
0x17: {  	[tilespmem:s13+$0x200] =	vst v0  }
0x18: {  	[tilespmem:s13+$0x210] =	vst v0  }
0x19: {  	[tilespmem:s13+$0x220] =	vst v0  }
0x1a: {  	[tilespmem:s13+$0x230] =	vst v0  }
0x1b: {  	[tilespmem:s13+$0x240] =	vst v0  }
0x1c: {  	[tilespmem:s13+$0x250] =	vst v0  }
0x1d: {  	[tilespmem:s13+$0x260] =	vst v0;
	s13 =	simm.s32 @!p0 $0x200;
	s14 =	simm.s32 @!p0 $0x1  }
0x1e: {  	[spmem:s1] =	stream.linear.scatter @!p0 [tilespmem:s13], [sflag:$0x1], $0x2000, $0x38;
	[tilespmem:$0xA000] =	vst v63  }
0x1f: {  	_ =	swait.ge @!p0 [sflag:s14], $0x2000  }
0x20: {  	[sflag:s14] =	ssyncset.done @!p0 $0x0  }
0x21: {  	[sflag:s14] =	ssyncadd.s32 @!p0 $0xFFFFE000  }
0x22: {  	[bflag:$0x0] =	sbarrier.arrive $0xFFFF  }
0x23: {  	[tilespmem:s2], [sflag:$0x1] =	stream.linear.gather [hbm4b:s3+s2], $0x138, $0x38;
	[tilespmem:$0xA000] =	vst v63  }
0x24: {  	_ =	swait.ge [sflag:s9], $0x138  }
0x25: {  	[sflag:s9] =	ssyncset.done $0x0  }
0x26: {  	[sflag:s9] =	ssyncadd.s32 $0xFFFFFEC8  }
0x27: {  	[tilespmem:s10], [sflag:$0x1] =	stream.linear.gather [hbm4b:s4+s2], $0x9C00, $0x38;
	[tilespmem:$0xA000] =	vst v63  }
0x28: {  	_ =	swait.ge [sflag:s9], $0x9C00  }
0x29: {  	[sflag:s9] =	ssyncset.done $0x0  }
0x2a: {  	[sflag:s9] =	ssyncadd.s32 $0xFFFF6400  }
0x2b: {  	[spmem:s1] =	stream.indirect.scatter.add.f32 [tilespmem:s10], [sflag:$0x1], $0x80, s2, s11, $0xb8;
	[tilespmem:$0xA000] =	vst v63  }
0x2c: {  	_ =	swait.ge [sflag:s9], $0x9C00  }
0x2d: {  	s15 =	simm.s32 @!p1 $0x0;
	[sflag:s9] =	ssyncset.done $0x0  }
0x2e: {  	s16 =	simm.s32 @!p1 $0x180;
	s17 =	simm.s32 @!p1 $0x1;
	[sflag:s9] =	ssyncadd.s32 $0xFFFF6400  }
0x2f: {  	[tilespmem:s16], [sflag:$0x1] =	stream.linear.gather @!p1 [hbm4b:s5+s15], $0x10, $0x38;
	[tilespmem:$0xA000] =	vst v63  }
0x30: {  	_ =	swait.ge @!p1 [sflag:s17], $0x10  }
0x31: {  	[sflag:s17] =	ssyncset.done @!p1 $0x0  }
0x32: {  	s18 =	simm.s32 @!p1 $0x200;
	[sflag:s17] =	ssyncadd.s32 @!p1 $0xFFFFFFF0  }
0x33: {  	[tilespmem:s18], [sflag:$0x1] =	stream.linear.gather @!p1 [hbm4b:s6+s15], $0x800, $0x38;
	[tilespmem:$0xA000] =	vst v63  }
0x34: {  	_ =	swait.ge @!p1 [sflag:s17], $0x800  }
0x35: {  	[sflag:s17] =	ssyncset.done @!p1 $0x0  }
0x36: {  	s15 =	simm.s32 @!p1 $0x10;
	[sflag:s17] =	ssyncadd.s32 @!p1 $0xFFFFF800  }
0x37: {  	[spmem:s1] =	stream.indirect.scatter.add.f32 @!p1 [tilespmem:s18], [sflag:$0x1], $0x80, s16, s15, $0xb8;
	[tilespmem:$0xA000] =	vst v63  }
0x38: {  	_ =	swait.ge @!p1 [sflag:s17], $0x800  }
0x39: {  	[sflag:s17] =	ssyncset.done @!p1 $0x0  }
0x3a: {  	[sflag:s17] =	ssyncadd.s32 @!p1 $0xFFFFF800  }
0x3b: {  	[bflag:$0x0] =	sbarrier.arrive $0xFFFF  }
0x3c: {  	[tilespmem:s13], [sflag:$0x1] =	stream.linear.gather @!p0 [spmem:s1], $0x2000, $0x38;
	[tilespmem:$0xA000] =	vst v63  }
0x3d: {  	s12 =	sadd.s32 $0x1, s12;
	_ =	swait.ge @!p0 [sflag:s14], $0x2000  }
0x3e: {  	p2 =	sne.s32 s12, s8;
	[sflag:s14] =	ssyncset.done @!p0 $0x0  }
.Ltmp1:
0x3f: {  	s15 =	simm.s32 @!p0 $0x0;
	[sflag:s14] =	ssyncadd.s32 @!p0 $0xFFFFE000;
	(pc) =	sbr.rel @p2 .LBB2_1-.Ltmp1, $4  }
0x40: {  	[hbm4b:s7+s15] =	stream.linear.scatter @!p0 [tilespmem:s13], [sflag:$0x1], $0x2000, $0x38;
	[tilespmem:$0xA000] =	vst v63  }
0x41: {  	_ =	swait.ge @!p0 [sflag:s14], $0x2000  }
0x42: {  	[sflag:s14] =	ssyncset.done @!p0 $0x0  }
0x43: {  	[sflag:s14] =	ssyncadd.s32 @!p0 $0xFFFFE000  }
0x44: {  	_ =	sfence.sel $0x180000  }
0x45: {  	[bflag:$0x0] =	sbarrier.arrive $0xFFFF  }
0x46: {  	_ =	strace $0x90000053  }
0x47: {  	s0 =	sadd.s32 @!p0 $0x100000, s0;
	[bflag:$0x2] =	sbarrier.arrive $0xFFFF  }
0x48: {  	[sflag:s0] =	ssyncadd.tile.s32 @!p0 $0x1;
	_ =	shalt  }
.Lfunc_end2:
_tile_overlayer_lowered:
.L_overlay_start_2:
0x49: {  	(tag) =	ssettag $0x2  }
0x4a: {  	s0 =	rddreg [dreg:$0x0];
	s2 =	stileid.u32  }
0x4b: {  	s1 =	rddreg [dreg:$0x1];
	p0 =	sne.s32 s2, $0x0  }
0x4c: {  	s3 =	rddreg [dreg:$0x2];
	[bflag:$0x3] =	sbarrier.arrive $0xFFFF;
	s2 =	simm.s32 @!p0 $0x1C01  }
0x4d: {  	[timem:s3], [sflag:s2] =	dma.local @!p0 [hbm:s0], s1  }
0x4e: {  	s0 =	simm.s32 @!p0 $0x1  }
0x4f: {  	_ =	swait.ge @!p0 [sflag:s0], s1  }
0x50: {  	s1 =	ssub.s32 @!p0 $0x0, s1;
	[sflag:s0] =	ssyncset.done @!p0 $0x0  }
0x51: {  	[sflag:s0] =	ssyncadd.s32 @!p0 s1  }
0x52: {  	[bflag:$0x3] =	sbarrier.arrive $0xFFFF  }
0x53: {  	_ =	shalt  }

</sc_bundles>
